<compile_context>
chip_gen: v7x
topology: tpu7x:2x2x1
jax: 0.10.2.dev20260603
libtpu: 0.0.44.dev20260713+nightly
codegen_flags: <defaults>
</compile_context>

<pallas_src>
import jax
import jax.numpy as jnp
from jax import lax
from jax.experimental import pallas as pl
from jax.experimental.pallas import tpu as pltpu
from jax.experimental.pallas import tpu_sc as plsc

N = 10000
NPAD = 10016
E = 160000
EP = 163840
D = 256
HF = 128
S = 5
TAU = 0.5
LAM = 0.1
EPS = 1e-5
NACC = 10112
NA = 10240
P = NA * 2 * S
BLK = 512
GRID = 20

_MESH = plsc.VectorSubcoreMesh(core_axis_name="c", subcore_axis_name="s")


def _deg_body(srcd, dstd, zflat, out_s, out_d, idxv, histv):
    c = lax.axis_index("c")
    s = lax.axis_index("s")
    w = s * 2 + c
    ones = jnp.full((16,), 1.0, jnp.float32)

    def one_pass(edges_hbm, out_hbm):
        pltpu.sync_copy(zflat, histv)
        pltpu.sync_copy(edges_hbm.at[pl.ds(w * 5120, 5120)], idxv)

        def chunk(j, _):
            base = pl.multiple_of(j * 128, 128)
            for g in range(8):
                idx16 = idxv[pl.ds(base + g * 16, 16)]
                plsc.addupdate_scatter(histv, [idx16], ones)
            return ()

        lax.fori_loop(0, 40, chunk, ())
        pltpu.sync_copy(histv, out_hbm.at[pl.ds(w * 16384, 16384)])

    one_pass(srcd, out_s)
    one_pass(dstd, out_d)


_deg_call = pl.kernel(
    _deg_body,
    out_type=[
        jax.ShapeDtypeStruct((32 * 16384,), jnp.float32),
        jax.ShapeDtypeStruct((32 * 16384,), jnp.float32),
    ],
    mesh=_MESH,
    scratch_types=[
        pltpu.VMEM((5120,), jnp.int32),
        pltpu.VMEM((16384,), jnp.float32),
    ],
    compiler_params=pltpu.CompilerParams(needs_layout_passes=False),
)


def _norm_body(sref, dref, oref):
    sh = jnp.sum(sref[...].reshape(32, 128, 128), axis=0)
    dh = jnp.sum(dref[...].reshape(32, 128, 128), axis=0)
    oref[0] = lax.rsqrt(jnp.clip(sh, 1.0, None))
    oref[1] = lax.rsqrt(jnp.clip(dh, 1.0, None))


def _norms(hs, hd):
    return pl.pallas_call(
        _norm_body,
        out_shape=jax.ShapeDtypeStruct((2, 128, 128), jnp.float32),
    )(hs.reshape(4096, 128), hd.reshape(4096, 128))


def _rowscale(v, nref, which, i):
    r = BLK // 128
    t = nref[which, pl.ds(i * r, r), :]
    return (v.reshape(r, 128, D) * t[..., None]).reshape(BLK, D)


def _mm1_body(xref, nref, wref, wt1ref, oref, stref):
    i = pl.program_id(0)
    xb = xref[...]
    res = jnp.dot(_rowscale(xb, nref, 0, i), wref[...],
                  preferred_element_type=jnp.float32)
    oref[0] = res[:, :HF]
    oref[1] = res[:, HF:]
    u = jnp.dot(xb, wt1ref[...], preferred_element_type=jnp.float32)
    rowmask = (i * BLK + lax.broadcasted_iota(jnp.int32, (BLK, 1), 0)) < N
    u = jnp.where(rowmask, u, 0.0)

    @pl.when(i == 0)
    def _():
        stref[...] = jnp.zeros_like(stref)

    stref[0:1, :] = stref[0:1, :] + jnp.sum(u, axis=0)[None, :]
    stref[1:2, :] = stref[1:2, :] + jnp.sum(u * u, axis=0)[None, :]


def _mm1(x, norms, W0, Wt1):
    return pl.pallas_call(
        _mm1_body,
        grid=(GRID,),
        in_specs=[
            pl.BlockSpec((BLK, D), lambda i: (i, 0)),
            pl.BlockSpec((2, 128, 128), lambda i: (0, 0, 0)),
            pl.BlockSpec((D, D), lambda i: (0, 0)),
            pl.BlockSpec((D, D), lambda i: (0, 0)),
        ],
        out_specs=[
            pl.BlockSpec((2, BLK, HF), lambda i: (0, i, 0)),
            pl.BlockSpec((8, D), lambda i: (0, 0)),
        ],
        out_shape=[
            jax.ShapeDtypeStruct((2, NPAD, HF), jnp.float32),
            jax.ShapeDtypeStruct((8, D), jnp.float32),
        ],
    )(x, norms, W0, Wt1)


def _mm2_body(aref, nref, bref, wref, oref):
    i = pl.program_id(0)
    h = jnp.concatenate([aref[0], aref[1]], axis=-1)
    h = _rowscale(h, nref, 1, i) + bref[...]
    h = _rowscale(h, nref, 0, i)
    res = jnp.dot(h, wref[...], preferred_element_type=jnp.float32)
    oref[0] = res[:, :HF]
    oref[1] = res[:, HF:]


def _mm2(aggf, norms, b0, W1):
    return pl.pallas_call(
        _mm2_body,
        grid=(GRID,),
        in_specs=[
            pl.BlockSpec((2, BLK, HF), lambda i: (0, i, 0)),
            pl.BlockSpec((2, 128, 128), lambda i: (0, 0, 0)),
            pl.BlockSpec((1, D), lambda i: (0, 0)),
            pl.BlockSpec((D, D), lambda i: (0, 0)),
        ],
        out_specs=pl.BlockSpec((2, BLK, HF), lambda i: (0, i, 0)),
        out_shape=jax.ShapeDtypeStruct((2, NPAD, HF), jnp.float32),
    )(aggf.reshape(2, NACC, HF), norms, b0.reshape(1, D), W1)


def _l2n(v):
    ss = jnp.sum(v * v, axis=-1, keepdims=True)
    return v * lax.rsqrt(jnp.maximum(ss, 1e-24))


def _gnn_body(aref, nref, b1ref, gout):
    i = pl.program_id(0)
    g = jnp.concatenate([aref[0], aref[1]], axis=-1)
    g = _rowscale(g, nref, 1, i) + b1ref[...]
    gout[...] = _l2n(g)


def _gnn(aggf, norms, b1):
    return pl.pallas_call(
        _gnn_body,
        grid=(GRID,),
        in_specs=[
            pl.BlockSpec((2, BLK, HF), lambda i: (0, i, 0)),
            pl.BlockSpec((2, 128, 128), lambda i: (0, 0, 0)),
            pl.BlockSpec((1, D), lambda i: (0, 0)),
        ],
        out_specs=pl.BlockSpec((BLK, D), lambda i: (i, 0)),
        out_shape=jax.ShapeDtypeStruct((N, D), jnp.float32),
    )(aggf.reshape(2, NACC, HF), norms, b1.reshape(1, D))


def _mlp_body(stref, xref, wt1, bt1r, gr, br, wt2, bt2r,
              pw0, pb0, pw1, pb1, pw2, pb2, mout, pout):
    u = jnp.dot(xref[...], wt1[...], preferred_element_type=jnp.float32)
    s1 = stref[0:1, :]
    s2 = stref[1:2, :]
    m = s1 * (1.0 / N)
    var = s2 * (1.0 / N) - m * m
    t = (u - m) * lax.rsqrt(var + EPS) * gr[...] + br[...]
    t = jnp.maximum(t, 0.0)
    t = jnp.dot(t, wt2[...], preferred_element_type=jnp.float32) + bt2r[...]
    mlp = _l2n(t)
    mout[...] = mlp

    p = jnp.maximum(jnp.dot(mlp, pw0[...], preferred_element_type=jnp.float32) + pb0[...], 0.0)
    p = jnp.maximum(jnp.dot(p, pw1[...], preferred_element_type=jnp.float32) + pb1[...], 0.0)
    p = jnp.dot(p, pw2[...], preferred_element_type=jnp.float32) + pb2[...]
    pout[...] = _l2n(p)


def _mlp(stats, x, Wt1, bt1, gamma, beta, Wt2, bt2,
         PW0, Pb0, PW1, Pb1, PW2, Pb2):
    row = lambda i: (i, 0)
    full = lambda i: (0, 0)
    vec = pl.BlockSpec((1, D), full)
    mat = pl.BlockSpec((D, D), full)
    return pl.pallas_call(
        _mlp_body,
        grid=(GRID,),
        in_specs=[
            pl.BlockSpec((8, D), full),
            pl.BlockSpec((BLK, D), row),
            mat, vec, vec, vec, mat, vec,
            mat, vec, mat, vec, mat, vec,
        ],
        out_specs=[
            pl.BlockSpec((BLK, D), row),
            pl.BlockSpec((BLK, D), row),
        ],
        out_shape=[
            jax.ShapeDtypeStruct((N, D), jnp.float32),
            jax.ShapeDtypeStruct((N, D), jnp.float32),
        ],
    )(stats, x,
      Wt1, bt1.reshape(1, D), gamma.reshape(1, D), beta.reshape(1, D),
      Wt2, bt2.reshape(1, D), PW0, Pb0.reshape(1, D), PW1, Pb1.reshape(1, D),
      PW2, Pb2.reshape(1, D))


def _scat_body(y_hbm, sab_hbm, dst_hbm, z_hbm, out_hbm, sidx, didx,
               gbuf0, gbuf1, acc, gsem0, gsem1):
    c = lax.axis_index("c")
    s = lax.axis_index("s")
    pltpu.sync_copy(z_hbm.at[pl.ds(s * 632, 632)], acc.at[pl.ds(s * 632, 632)])
    plsc.subcore_barrier()

    def gat(j, buf, sem):
        return pltpu.make_async_copy(y_hbm.at[sidx.at[j]], buf, sem)

    def phase(ph, _):
        pltpu.sync_copy(sab_hbm.at[pl.ds(c * 1280 + s * 80 + ph * 40, 40)], sidx)
        pltpu.sync_copy(dst_hbm.at[pl.ds(s * 80 + ph * 40, 40)], didx)
        gat(0, gbuf0, gsem0).start()

        def chunk2(jj, _):
            j = jj * 2
            gat(j + 1, gbuf1, gsem1).start()
            gat(j, gbuf0, gsem0).wait()
            pltpu.sync_copy(gbuf0, acc.at[didx.at[j]], add=True)

            @pl.when(jj < 19)
            def _():
                gat(j + 2, gbuf0, gsem0).start()

            gat(j + 1, gbuf1, gsem1).wait()
            pltpu.sync_copy(gbuf1, acc.at[didx.at[j + 1]], add=True)
            return ()

        lax.fori_loop(0, 20, chunk2, ())
        return ()

    lax.fori_loop(0, 2, phase, ())
    plsc.subcore_barrier()
    pltpu.sync_copy(acc.at[pl.ds(s * 632, 632)],
                    out_hbm.at[pl.ds(c * NACC + s * 632, 632)])


_scat_call = pl.kernel(
    _scat_body,
    out_type=jax.ShapeDtypeStruct((2 * NACC, HF), jnp.float32),
    mesh=_MESH,
    scratch_types=[
        pltpu.VMEM((40, 128), jnp.int32),
        pltpu.VMEM((40, 128), jnp.int32),
        pltpu.VMEM((128, HF), jnp.float32),
        pltpu.VMEM((128, HF), jnp.float32),
        pltpu.VMEM_SHARED((NACC, HF), jnp.float32),
        pltpu.SemaphoreType.DMA,
        pltpu.SemaphoreType.DMA,
    ],
)


_LGC0 = 25
_LGC1 = 50 - _LGC0


def _lg_body(g_hbm, gi_hbm, out_hbm, giv, gbuf0, gbuf1, gbuf2,
             gs0, gs1, gs2, ws0, ws1, ws2):
    c = lax.axis_index("c")
    s = lax.axis_index("s")

    bufs = (gbuf0, gbuf1, gbuf2)
    gsems = (gs0, gs1, gs2)
    wsems = (ws0, ws1, ws2)

    def run(base, nchunk):
        pltpu.sync_copy(gi_hbm.at[pl.ds(base, nchunk * 128)],
                        giv.at[pl.ds(0, nchunk * 128)])

        def gat(k, b):
            return pltpu.make_async_copy(g_hbm.at[giv.at[pl.ds(k * 128, 128)]],
                                         bufs[b], gsems[b])

        def wr(k, b):
            return pltpu.make_async_copy(
                bufs[b], out_hbm.at[pl.ds(base + k * 128, 128)], wsems[b])

        for b in range(3):
            gat(b, b).start()

        nfull = nchunk // 3

        def chunk3(kk, _):
            k = kk * 3
            for b in range(3):
                gat(k + b, b).wait()
                wr(k + b, b).start()

                @pl.when(kk < nfull - 1)
                def _():
                    wr(k + b, b).wait()
                    gat(k + b + 3, b).start()
            return ()

        lax.fori_loop(0, nfull, chunk3, ())
        for r in range(nchunk - nfull * 3):
            k = nfull * 3 + r
            wr(k - 3, r).wait()
            gat(k, r).start()
            gat(k, r).wait()
            wr(k, r).start()
            wr(k, r).wait()
        for b in range(nchunk - nfull * 3, 3):
            wr(nfull * 3 - 3 + b, b).wait()

    @pl.when(c == 0)
    def _():
        run(s * (_LGC0 * 128), _LGC0)

    @pl.when(c == 1)
    def _():
        run(16 * (_LGC0 * 128) + s * (_LGC1 * 128), _LGC1)


_lg_call = pl.kernel(
    _lg_body,
    out_type=jax.ShapeDtypeStruct((P, D), jnp.float32),
    mesh=_MESH,
    scratch_types=[
        pltpu.VMEM((max(_LGC0, _LGC1) * 128,), jnp.int32),
        pltpu.VMEM((128, D), jnp.float32),
        pltpu.VMEM((128, D), jnp.float32),
        pltpu.VMEM((128, D), jnp.float32),
        pltpu.SemaphoreType.DMA,
        pltpu.SemaphoreType.DMA,
        pltpu.SemaphoreType.DMA,
        pltpu.SemaphoreType.DMA,
        pltpu.SemaphoreType.DMA,
        pltpu.SemaphoreType.DMA,
    ],
)


_LPB = 2560
_LNB = P // _LPB


def _loss_body(gref, pref, oref):
    i = pl.program_id(0)
    nb = _LPB // (2 * S)
    g3 = gref[...].reshape(nb, 2 * S, D)
    d = jnp.sum(g3 * pref[...][:, None, :], axis=-1) * (1.0 / TAU)
    e = jnp.exp(d)
    ps = jnp.sum(e[:, :S], axis=-1)
    ns_ = jnp.sum(e[:, S:], axis=-1)
    term = -jnp.log(ps / (ps + LAM * ns_))
    mask = (i * nb + lax.broadcasted_iota(jnp.int32, (nb,), 0)) < N
    blocksum = jnp.sum(jnp.where(mask, term, 0.0)) * (1.0 / N)

    @pl.when(i == 0)
    def _():
        oref[...] = jnp.zeros_like(oref)

    oref[...] = oref[...] + blocksum.reshape(1, 1)


def _loss(grows, proj):
    return pl.pallas_call(
        _loss_body,
        grid=(_LNB,),
        in_specs=[
            pl.BlockSpec((_LPB, D), lambda i: (i, 0)),
            pl.BlockSpec((_LPB // (2 * S), D), lambda i: (i, 0)),
        ],
        out_specs=pl.BlockSpec((1, 1), lambda i: (0, 0)),
        out_shape=jax.ShapeDtypeStruct((1, 1), jnp.float32),
    )(grows, proj)


def kernel(x, edge_index, pos_idx, neg_idx, W0, b0, W1, b1, Wt1, bt1, gamma,
           beta, Wt2, bt2, PW0, Pb0, PW1, Pb1, PW2, Pb2):
    src = edge_index[0]
    dst = edge_index[1]
    padn = EP - E
    i32 = jnp.int32

    src_p = jnp.concatenate([src, jnp.full((padn,), N, i32)])
    dst_p = jnp.concatenate([dst, jnp.full((padn,), N, i32)])
    src2d = src_p.reshape(1280, 128)
    srcAB = jnp.concatenate([src2d, src2d + NPAD], axis=0)
    dst2d = dst_p.reshape(1280, 128)
    srcdeg = jnp.concatenate([src, jnp.full((padn,), 16383, i32)])
    dstdeg = jnp.concatenate([dst, jnp.full((padn,), 16383, i32)])

    gi = jnp.concatenate([pos_idx, neg_idx], axis=1)
    gi = jnp.concatenate([gi, jnp.zeros((NA - N, 2 * S), i32)], axis=0)
    giflat = gi.reshape(-1)

    zflat = jnp.zeros((16384,), jnp.float32)
    zrows = jnp.zeros((NACC, HF), jnp.float32)

    hs, hd = _deg_call(srcdeg, dstdeg, zflat)
    norms = _norms(hs, hd)

    y1, stats = _mm1(x, norms, W0, Wt1)
    agg1 = _scat_call(y1.reshape(2 * NPAD, HF), srcAB, dst2d, zrows)
    y2 = _mm2(agg1, norms, b0, W1)
    agg2 = _scat_call(y2.reshape(2 * NPAD, HF), srcAB, dst2d, zrows)

    MLP_emb, proj = _mlp(stats, x, Wt1, bt1, gamma, beta, Wt2, bt2,
                         PW0, Pb0, PW1, Pb1, PW2, Pb2)
    GNN_emb = _gnn(agg2, norms, b1)

    grows = _lg_call(GNN_emb, giflat)
    lossm = _loss(grows, proj)
    return (lossm[0, 0], MLP_emb)

# --- scband reference (transcript-rebuilt; emitter-appended) ---
"""Pipeline reference for scband-gnnstruct-encoder-59090160058425 (READ-ONLY COPY).

The authoritative reference and input builder live on the scoring server;
editing this copy changes nothing except your own understanding.
"""

import jax, jax.numpy as jnp
import numpy as np

N = 10000
E = 160000
IN_DIM = 256
HID = 256
S = 5
TAU = 0.5
LAM = 0.1
LAMBDA_LOSS = 1.0
EPS = 1e-5


def l2norm(v):
    return v / jnp.clip(jnp.linalg.norm(v, axis=-1, keepdims=True), 1e-12, None)


def graph_conv(x, src, dst, W, b):
    # DGL GraphConv with norm='both': h' = D_in^{-1/2} A (D_out^{-1/2} x W) + b
    n = x.shape[0]
    out_deg = jnp.zeros((n,), jnp.float32).at[src].add(1.0)
    in_deg = jnp.zeros((n,), jnp.float32).at[dst].add(1.0)
    norm_src = jnp.clip(out_deg, 1.0, None) ** -0.5
    norm_dst = jnp.clip(in_deg, 1.0, None) ** -0.5
    h = (x * norm_src[:, None]) @ W
    agg = jnp.zeros((n, h.shape[1]), h.dtype).at[dst].add(h[src])
    return agg * norm_dst[:, None] + b


def setup_inputs(seed: int = 0) -> dict:
    key = jax.random.key(seed)
    ks = jax.random.split(key, 16)

    def lin(k, i, o):
        return jax.random.normal(k, (i, o), jnp.float32) * 0.05

    inp = {}
    inp["x"] = jax.random.normal(ks[0], (N, IN_DIM), jnp.float32)
    inp["edge_index"] = jax.random.randint(ks[1], (2, E), 0, N, jnp.int32)
    inp["pos_idx"] = jax.random.randint(ks[2], (N, S), 0, N, jnp.int32)
    inp["neg_idx"] = jax.random.randint(ks[3], (N, S), 0, N, jnp.int32)
    # GraphConv layers (layer_num=2)
    inp["W0"] = lin(ks[4], IN_DIM, HID); inp["b0"] = jnp.zeros((HID,), jnp.float32)
    inp["W1"] = lin(ks[5], HID, HID); inp["b1"] = jnp.zeros((HID,), jnp.float32)
    # encoder_target MLP (Linear -> BN -> ReLU -> Linear)
    inp["Wt1"] = lin(ks[6], IN_DIM, HID); inp["bt1"] = jnp.zeros((HID,), jnp.float32)
    inp["gamma"] = jnp.ones((HID,), jnp.float32); inp["beta"] = jnp.zeros((HID,), jnp.float32)
    inp["Wt2"] = lin(ks[7], HID, HID); inp["bt2"] = jnp.zeros((HID,), jnp.float32)
    # projector MLP_generator (num_MLP=3: two ReLU layers + final linear)
    inp["PW0"] = lin(ks[8], HID, HID); inp["Pb0"] = jnp.zeros((HID,), jnp.float32)
    inp["PW1"] = lin(ks[9], HID, HID); inp["Pb1"] = jnp.zeros((HID,), jnp.float32)
    inp["PW2"] = lin(ks[10], HID, HID); inp["Pb2"] = jnp.zeros((HID,), jnp.float32)
    return inp


def reference(x, edge_index, pos_idx, neg_idx, W0, b0, W1, b1, Wt1, bt1, gamma, beta, Wt2, bt2, PW0, Pb0, PW1, Pb1, PW2, Pb2):
    src, dst = edge_index[0], edge_index[1]
    # forward_encoder: stacked GraphConvs
    h = graph_conv(x, src, dst, W0, b0)
    h = graph_conv(h, src, dst, W1, b1)
    GNN_emb = l2norm(h)
    # encoder_target MLP with BatchNorm (training-mode batch stats)
    t = x @ Wt1 + bt1
    mu = jnp.mean(t, axis=0)
    var = jnp.var(t, axis=0)
    t = (t - mu) / jnp.sqrt(var + EPS) * gamma + beta
    t = jax.nn.relu(t)
    t = t @ Wt2 + bt2
    MLP_emb = l2norm(t)
    # projector
    p = jax.nn.relu(MLP_emb @ PW0 + Pb0)
    p = jax.nn.relu(p @ PW1 + Pb1)
    p = p @ PW2 + Pb2
    projected_rep = l2norm(p)
    # neighbor reconstruction contrastive loss (presampled pos/neg indices)
    pos = GNN_emb[pos_idx]  # [N, S, d]
    neg = GNN_emb[neg_idx]  # [N, S, d]
    pr = projected_rep[:, None, :]  # [N, 1, d]
    pos_sim = jnp.exp(jnp.sum(pr * pos, axis=-1) / TAU)  # [N, S]
    neg_sim = jnp.exp(jnp.sum(pr * neg, axis=-1) / TAU)  # [N, S]
    pos_sum = jnp.sum(pos_sim, axis=-1)
    neg_sum = jnp.sum(neg_sim, axis=-1)
    loss = -jnp.log(pos_sum / (pos_sum + LAM * neg_sum))
    loss = LAMBDA_LOSS * jnp.mean(loss)
    return (loss, MLP_emb)

if __name__ == "__main__":
    import jax
    _d = setup_inputs()
    print(jax.jit(kernel)(*tuple(_d.values())))

</pallas_src>

<mosaic_0001>
#map = affine_map<(d0, d1) -> (0, 0)>
module attributes {stable_mosaic.version = 14 : i64} {
  func.func @_scat_body(%arg0: i32, %arg1: i32, %arg2: memref<20032x128xf32, #tpu.memory_space<hbm>>, %arg3: memref<2560x128xi32, #tpu.memory_space<hbm>>, %arg4: memref<1280x128xi32, #tpu.memory_space<hbm>>, %arg5: memref<10112x128xf32, #tpu.memory_space<hbm>>, %arg6: memref<20224x128xf32, #tpu.memory_space<hbm>>, %arg7: memref<40x128xi32, #tpu.memory_space<vmem>>, %arg8: memref<40x128xi32, #tpu.memory_space<vmem>>, %arg9: memref<128x128xf32, #tpu.memory_space<vmem>>, %arg10: memref<128x128xf32, #tpu.memory_space<vmem>>, %arg11: memref<10112x128xf32, #tpu.memory_space<vmem_shared>>, %arg12: memref<!tpu.dma_semaphore, #tpu.memory_space<semaphore_mem>>, %arg13: memref<!tpu.dma_semaphore, #tpu.memory_space<semaphore_mem>>) attributes {dimension_semantics = [#tpu.dimension_semantics<core_parallel>, #tpu.dimension_semantics<subcore_parallel>], iteration_bounds = array<i64: 2, 16>, scalar_prefetch = 0 : i64, scratch_operands = 7 : i64, tpu.core_type = #tpu.core_type<sc_vector_subcore>, window_params = [{transform_indices = #map}, {transform_indices = #map}, {transform_indices = #map}, {transform_indices = #map}, {transform_indices = #map}]} {
    %mul3A = arith.constant 632 : i32
    %mul3A_0 = arith.muli %arg1, %mul3A : i32
    %mul3A_1 = arith.constant 632 : i32
    %mul3A_2 = arith.muli %arg1, %mul3A_1 : i32
    "tpu.region"() ({
      %run_scoped3A = tpu.sem_alloc : memref<!tpu.dma_semaphore, #tpu.memory_space<semaphore_mem>>
      %dma_start3A = arith.constant 0 : i32
      %dma_start3A_14 = tpu.memref_slice %arg11[%mul3A_2, %dma_start3A] : memref<10112x128xf32, #tpu.memory_space<vmem_shared>> -> memref<632x128xf32, #tpu.memory_space<vmem_shared>>
      %dma_start3A_15 = arith.constant 0 : i32
      %dma_start3A_16 = tpu.memref_slice %arg5[%mul3A_0, %dma_start3A_15] : memref<10112x128xf32, #tpu.memory_space<hbm>> -> memref<632x128xf32, #tpu.memory_space<hbm>>
      tpu.enqueue_dma source(%dma_start3A_16 : memref<632x128xf32, #tpu.memory_space<hbm>>) target(%dma_start3A_14 : memref<632x128xf32, #tpu.memory_space<vmem_shared>>) target_semaphore(%run_scoped3A : memref<!tpu.dma_semaphore, #tpu.memory_space<semaphore_mem>>)
      %dma_wait3A = arith.constant 0 : i32
      %dma_wait3A_17 = tpu.memref_slice %arg11[%mul3A_2, %dma_wait3A] : memref<10112x128xf32, #tpu.memory_space<vmem_shared>> -> memref<632x128xf32, #tpu.memory_space<vmem_shared>>
      %dma_wait3A_18 = arith.constant 0 : i32
      %dma_wait3A_19 = tpu.memref_slice %arg5[%mul3A_0, %dma_wait3A_18] : memref<10112x128xf32, #tpu.memory_space<hbm>> -> memref<632x128xf32, #tpu.memory_space<hbm>>
      tpu.wait_dma2 semaphore(%run_scoped3A : memref<!tpu.dma_semaphore, #tpu.memory_space<semaphore_mem>>) src(%dma_wait3A_19 : memref<632x128xf32, #tpu.memory_space<hbm>>) dst(%dma_wait3A_17 : memref<632x128xf32, #tpu.memory_space<vmem_shared>>)
      tpu.yield
    }) : () -> ()
    %barrier3A = arith.constant 0 : index
    tpu.barrier barrier_id(%barrier3A)
    %scan3A = arith.constant 0 : i32
    %scan3A_3 = arith.constant 2 : i32
    %scan3A_4 = arith.addi %scan3A, %scan3A_3 : i32
    %scan3A_5 = arith.constant 1 : i32
    scf.for %scan3A_14 = %scan3A to %scan3A_4 step %scan3A_5  : i32 {
      %mul3A_15 = arith.constant 1280 : i32
      %mul3A_16 = arith.muli %arg0, %mul3A_15 : i32
      %mul3A_17 = arith.constant 80 : i32
      %mul3A_18 = arith.muli %arg1, %mul3A_17 : i32
      %add3A_19 = arith.addi %mul3A_16, %mul3A_18 : i32
      %mul3A_20 = arith.constant 40 : i32
      %mul3A_21 = arith.muli %scan3A_14, %mul3A_20 : i32
      %add3A_22 = arith.addi %add3A_19, %mul3A_21 : i32
      "tpu.region"() ({
        %run_scoped3A = tpu.sem_alloc : memref<!tpu.dma_semaphore, #tpu.memory_space<semaphore_mem>>
        %dma_start3A_39 = arith.constant 0 : i32
        %dma_start3A_40 = tpu.memref_slice %arg3[%add3A_22, %dma_start3A_39] : memref<2560x128xi32, #tpu.memory_space<hbm>> -> memref<40x128xi32, #tpu.memory_space<hbm>>
        %dma_start3A_41 = arith.constant 0 : i32
        %dma_start3A_42 = tpu.memref_slice %arg3[%add3A_22, %dma_start3A_41] : memref<2560x128xi32, #tpu.memory_space<hbm>> -> memref<40x128xi32, #tpu.memory_space<hbm>>
        tpu.enqueue_dma source(%dma_start3A_42 : memref<40x128xi32, #tpu.memory_space<hbm>>) target(%arg7 : memref<40x128xi32, #tpu.memory_space<vmem>>) target_semaphore(%run_scoped3A : memref<!tpu.dma_semaphore, #tpu.memory_space<semaphore_mem>>)
        %dma_wait3A = arith.constant 0 : i32
        %dma_wait3A_43 = tpu.memref_slice %arg3[%add3A_22, %dma_wait3A] : memref<2560x128xi32, #tpu.memory_space<hbm>> -> memref<40x128xi32, #tpu.memory_space<hbm>>
        %dma_wait3A_44 = arith.constant 0 : i32
        %dma_wait3A_45 = tpu.memref_slice %arg3[%add3A_22, %dma_wait3A_44] : memref<2560x128xi32, #tpu.memory_space<hbm>> -> memref<40x128xi32, #tpu.memory_space<hbm>>
        tpu.wait_dma2 semaphore(%run_scoped3A : memref<!tpu.dma_semaphore, #tpu.memory_space<semaphore_mem>>) src(%dma_wait3A_45 : memref<40x128xi32, #tpu.memory_space<hbm>>) dst(%arg7 : memref<40x128xi32, #tpu.memory_space<vmem>>)
        tpu.yield
      }) : () -> ()
      %mul3A_23 = arith.constant 80 : i32
      %mul3A_24 = arith.muli %arg1, %mul3A_23 : i32
      %mul3A_25 = arith.constant 40 : i32
      %mul3A_26 = arith.muli %scan3A_14, %mul3A_25 : i32
      %add3A_27 = arith.addi %mul3A_24, %mul3A_26 : i32
      "tpu.region"() ({
        %run_scoped3A = tpu.sem_alloc : memref<!tpu.dma_semaphore, #tpu.memory_space<semaphore_mem>>
        %dma_start3A_39 = arith.constant 0 : i32
        %dma_start3A_40 = tpu.memref_slice %arg4[%add3A_27, %dma_start3A_39] : memref<1280x128xi32, #tpu.memory_space<hbm>> -> memref<40x128xi32, #tpu.memory_space<hbm>>
        %dma_start3A_41 = arith.constant 0 : i32
        %dma_start3A_42 = tpu.memref_slice %arg4[%add3A_27, %dma_start3A_41] : memref<1280x128xi32, #tpu.memory_space<hbm>> -> memref<40x128xi32, #tpu.memory_space<hbm>>
        tpu.enqueue_dma source(%dma_start3A_42 : memref<40x128xi32, #tpu.memory_space<hbm>>) target(%arg8 : memref<40x128xi32, #tpu.memory_space<vmem>>) target_semaphore(%run_scoped3A : memref<!tpu.dma_semaphore, #tpu.memory_space<semaphore_mem>>)
        %dma_wait3A = arith.constant 0 : i32
        %dma_wait3A_43 = tpu.memref_slice %arg4[%add3A_27, %dma_wait3A] : memref<1280x128xi32, #tpu.memory_space<hbm>> -> memref<40x128xi32, #tpu.memory_space<hbm>>
        %dma_wait3A_44 = arith.constant 0 : i32
        %dma_wait3A_45 = tpu.memref_slice %arg4[%add3A_27, %dma_wait3A_44] : memref<1280x128xi32, #tpu.memory_space<hbm>> -> memref<40x128xi32, #tpu.memory_space<hbm>>
        tpu.wait_dma2 semaphore(%run_scoped3A : memref<!tpu.dma_semaphore, #tpu.memory_space<semaphore_mem>>) src(%dma_wait3A_45 : memref<40x128xi32, #tpu.memory_space<hbm>>) dst(%arg8 : memref<40x128xi32, #tpu.memory_space<vmem>>)
        tpu.yield
      }) : () -> ()
      %dma_start3A = arith.constant 0 : i32
      %dma_start3A_28 = arith.constant 0 : i32
      %dma_start3A_29 = tpu.memref_slice %arg7[%dma_start3A, %dma_start3A_28] : memref<40x128xi32, #tpu.memory_space<vmem>> -> memref<1x128xi32, #tpu.memory_space<vmem>>
      %dma_start3A_30 = tpu.memref_squeeze %dma_start3A_29 : memref<1x128xi32, #tpu.memory_space<vmem>> -> memref<128xi32, #tpu.memory_space<vmem>>
      %dma_start3A_31 = arith.constant 0 : i32
      %dma_start3A_32 = arith.constant 0 : i32
      %dma_start3A_33 = tpu.memref_slice %arg2[%dma_start3A_31, %dma_start3A_32] : memref<20032x128xf32, #tpu.memory_space<hbm>> -> memref<20032x128xf32, #tpu.memory_space<hbm>>
      tpu.enqueue_indirect_dma source(%dma_start3A_33 : memref<20032x128xf32, #tpu.memory_space<hbm>>) target(%arg9 : memref<128x128xf32, #tpu.memory_space<vmem>>) offsets(%dma_start3A_30 : memref<128xi32, #tpu.memory_space<vmem>>) semaphore(%arg12 : memref<!tpu.dma_semaphore, #tpu.memory_space<semaphore_mem>>)
      %scan3A_34 = arith.constant 0 : i32
      %scan3A_35 = arith.constant 20 : i32
      %scan3A_36 = arith.addi %scan3A_34, %scan3A_35 : i32
      %scan3A_37 = arith.constant 1 : i32
      scf.for %scan3A_39 = %scan3A_34 to %scan3A_36 step %scan3A_37  : i32 {
        %mul3A_40 = arith.constant 2 : i32
        %mul3A_41 = arith.muli %scan3A_39, %mul3A_40 : i32
        %add3A_42 = arith.constant 1 : i32
        %add3A_43 = arith.addi %mul3A_41, %add3A_42 : i32
        %dma_start3A_44 = arith.constant 0 : i32
        %dma_start3A_45 = tpu.memref_slice %arg7[%add3A_43, %dma_start3A_44] : memref<40x128xi32, #tpu.memory_space<vmem>> -> memref<1x128xi32, #tpu.memory_space<vmem>>
        %dma_start3A_46 = tpu.memref_squeeze %dma_start3A_45 : memref<1x128xi32, #tpu.memory_space<vmem>> -> memref<128xi32, #tpu.memory_space<vmem>>
        %dma_start3A_47 = arith.constant 0 : i32
        %dma_start3A_48 = arith.constant 0 : i32
        %dma_start3A_49 = tpu.memref_slice %arg2[%dma_start3A_47, %dma_start3A_48] : memref<20032x128xf32, #tpu.memory_space<hbm>> -> memref<20032x128xf32, #tpu.memory_space<hbm>>
        tpu.enqueue_indirect_dma source(%dma_start3A_49 : memref<20032x128xf32, #tpu.memory_space<hbm>>) target(%arg10 : memref<128x128xf32, #tpu.memory_space<vmem>>) offsets(%dma_start3A_46 : memref<128xi32, #tpu.memory_space<vmem>>) semaphore(%arg13 : memref<!tpu.dma_semaphore, #tpu.memory_space<semaphore_mem>>)
        %dma_wait3A = arith.constant 0 : i32
        %dma_wait3A_50 = tpu.memref_slice %arg7[%mul3A_41, %dma_wait3A] : memref<40x128xi32, #tpu.memory_space<vmem>> -> memref<1x128xi32, #tpu.memory_space<vmem>>
        %dma_wait3A_51 = tpu.memref_squeeze %dma_wait3A_50 : memref<1x128xi32, #tpu.memory_space<vmem>> -> memref<128xi32, #tpu.memory_space<vmem>>
        %dma_wait3A_52 = arith.constant 0 : i32
        %dma_wait3A_53 = arith.constant 0 : i32
        %dma_wait3A_54 = tpu.memref_slice %arg2[%dma_wait3A_52, %dma_wait3A_53] : memref<20032x128xf32, #tpu.memory_space<hbm>> -> memref<20032x128xf32, #tpu.memory_space<hbm>>
        tpu.wait_indirect_dma semaphore(%arg12 : memref<!tpu.dma_semaphore, #tpu.memory_space<semaphore_mem>>) src(%dma_wait3A_54 : memref<20032x128xf32, #tpu.memory_space<hbm>>) dst(%arg9 : memref<128x128xf32, #tpu.memory_space<vmem>>)
        "tpu.region"() ({
          %run_scoped3A = tpu.sem_alloc : memref<!tpu.dma_semaphore, #tpu.memory_space<semaphore_mem>>
          %dma_start3A_67 = arith.constant 0 : i32
          %dma_start3A_68 = tpu.memref_slice %arg8[%mul3A_41, %dma_start3A_67] : memref<40x128xi32, #tpu.memory_space<vmem>> -> memref<1x128xi32, #tpu.memory_space<vmem>>
          %dma_start3A_69 = tpu.memref_squeeze %dma_start3A_68 : memref<1x128xi32, #tpu.memory_space<vmem>> -> memref<128xi32, #tpu.memory_space<vmem>>
          %dma_start3A_70 = arith.constant 0 : i32
          %dma_start3A_71 = arith.constant 0 : i32
          %dma_start3A_72 = tpu.memref_slice %arg11[%dma_start3A_70, %dma_start3A_71] : memref<10112x128xf32, #tpu.memory_space<vmem_shared>> -> memref<10112x128xf32, #tpu.memory_space<vmem_shared>>
          tpu.enqueue_indirect_dma source(%arg9 : memref<128x128xf32, #tpu.memory_space<vmem>>) target(%dma_start3A_72 : memref<10112x128xf32, #tpu.memory_space<vmem_shared>>) offsets(%dma_start3A_69 : memref<128xi32, #tpu.memory_space<vmem>>) semaphore(%run_scoped3A : memref<!tpu.dma_semaphore, #tpu.memory_space<semaphore_mem>>) {add = true}
          %dma_wait3A_73 = arith.constant 0 : i32
          %dma_wait3A_74 = tpu.memref_slice %arg8[%mul3A_41, %dma_wait3A_73] : memref<40x128xi32, #tpu.memory_space<vmem>> -> memref<1x128xi32, #tpu.memory_space<vmem>>
          %dma_wait3A_75 = tpu.memref_squeeze %dma_wait3A_74 : memref<1x128xi32, #tpu.memory_space<vmem>> -> memref<128xi32, #tpu.memory_space<vmem>>
          %dma_wait3A_76 = arith.constant 0 : i32
          %dma_wait3A_77 = arith.constant 0 : i32
          %dma_wait3A_78 = tpu.memref_slice %arg11[%dma_wait3A_76, %dma_wait3A_77] : memref<10112x128xf32, #tpu.memory_space<vmem_shared>> -> memref<10112x128xf32, #tpu.memory_space<vmem_shared>>
          tpu.wait_indirect_dma semaphore(%run_scoped3A : memref<!tpu.dma_semaphore, #tpu.memory_space<semaphore_mem>>) src(%arg9 : memref<128x128xf32, #tpu.memory_space<vmem>>) dst(%dma_wait3A_78 : memref<10112x128xf32, #tpu.memory_space<vmem_shared>>)
          tpu.yield
        }) : () -> ()
        %lt3A = arith.constant 19 : i32
        %lt3A_55 = arith.cmpi slt, %scan3A_39, %lt3A : i32
        %convert_element_type3A = arith.extui %lt3A_55 : i1 to i32
        %cond3A = arith.constant 0 : i32
        %cond3A_56 = arith.cmpi ne, %convert_element_type3A, %cond3A : i32
        scf.if %cond3A_56 {
          %add3A_67 = arith.constant 2 : i32
          %add3A_68 = arith.addi %mul3A_41, %add3A_67 : i32
          %dma_start3A_69 = arith.constant 0 : i32
          %dma_start3A_70 = tpu.memref_slice %arg7[%add3A_68, %dma_start3A_69] : memref<40x128xi32, #tpu.memory_space<vmem>> -> memref<1x128xi32, #tpu.memory_space<vmem>>
          %dma_start3A_71 = tpu.memref_squeeze %dma_start3A_70 : memref<1x128xi32, #tpu.memory_space<vmem>> -> memref<128xi32, #tpu.memory_space<vmem>>
          %dma_start3A_72 = arith.constant 0 : i32
          %dma_start3A_73 = arith.constant 0 : i32
          %dma_start3A_74 = tpu.memref_slice %arg2[%dma_start3A_72, %dma_start3A_73] : memref<20032x128xf32, #tpu.memory_space<hbm>> -> memref<20032x128xf32, #tpu.memory_space<hbm>>
          tpu.enqueue_indirect_dma source(%dma_start3A_74 : memref<20032x128xf32, #tpu.memory_space<hbm>>) target(%arg9 : memref<128x128xf32, #tpu.memory_space<vmem>>) offsets(%dma_start3A_71 : memref<128xi32, #tpu.memory_space<vmem>>) semaphore(%arg12 : memref<!tpu.dma_semaphore, #tpu.memory_space<semaphore_mem>>)
        } else {
        }
        %add3A_57 = arith.constant 1 : i32
        %add3A_58 = arith.addi %mul3A_41, %add3A_57 : i32
        %dma_wait3A_59 = arith.constant 0 : i32
        %dma_wait3A_60 = tpu.memref_slice %arg7[%add3A_58, %dma_wait3A_59] : memref<40x128xi32, #tpu.memory_space<vmem>> -> memref<1x128xi32, #tpu.memory_space<vmem>>
        %dma_wait3A_61 = tpu.memref_squeeze %dma_wait3A_60 : memref<1x128xi32, #tpu.memory_space<vmem>> -> memref<128xi32, #tpu.memory_space<vmem>>
        %dma_wait3A_62 = arith.constant 0 : i32
        %dma_wait3A_63 = arith.constant 0 : i32
        %dma_wait3A_64 = tpu.memref_slice %arg2[%dma_wait3A_62, %dma_wait3A_63] : memref<20032x128xf32, #tpu.memory_space<hbm>> -> memref<20032x128xf32, #tpu.memory_space<hbm>>
        tpu.wait_indirect_dma semaphore(%arg13 : memref<!tpu.dma_semaphore, #tpu.memory_space<semaphore_mem>>) src(%dma_wait3A_64 : memref<20032x128xf32, #tpu.memory_space<hbm>>) dst(%arg10 : memref<128x128xf32, #tpu.memory_space<vmem>>)
        %add3A_65 = arith.constant 1 : i32
        %add3A_66 = arith.addi %mul3A_41, %add3A_65 : i32
        "tpu.region"() ({
          %run_scoped3A = tpu.sem_alloc : memref<!tpu.dma_semaphore, #tpu.memory_space<semaphore_mem>>
          %dma_start3A_67 = arith.constant 0 : i32
          %dma_start3A_68 = tpu.memref_slice %arg8[%add3A_66, %dma_start3A_67] : memref<40x128xi32, #tpu.memory_space<vmem>> -> memref<1x128xi32, #tpu.memory_space<vmem>>
          %dma_start3A_69 = tpu.memref_squeeze %dma_start3A_68 : memref<1x128xi32, #tpu.memory_space<vmem>> -> memref<128xi32, #tpu.memory_space<vmem>>
          %dma_start3A_70 = arith.constant 0 : i32
          %dma_start3A_71 = arith.constant 0 : i32
          %dma_start3A_72 = tpu.memref_slice %arg11[%dma_start3A_70, %dma_start3A_71] : memref<10112x128xf32, #tpu.memory_space<vmem_shared>> -> memref<10112x128xf32, #tpu.memory_space<vmem_shared>>
          tpu.enqueue_indirect_dma source(%arg10 : memref<128x128xf32, #tpu.memory_space<vmem>>) target(%dma_start3A_72 : memref<10112x128xf32, #tpu.memory_space<vmem_shared>>) offsets(%dma_start3A_69 : memref<128xi32, #tpu.memory_space<vmem>>) semaphore(%run_scoped3A : memref<!tpu.dma_semaphore, #tpu.memory_space<semaphore_mem>>) {add = true}
          %dma_wait3A_73 = arith.constant 0 : i32
          %dma_wait3A_74 = tpu.memref_slice %arg8[%add3A_66, %dma_wait3A_73] : memref<40x128xi32, #tpu.memory_space<vmem>> -> memref<1x128xi32, #tpu.memory_space<vmem>>
          %dma_wait3A_75 = tpu.memref_squeeze %dma_wait3A_74 : memref<1x128xi32, #tpu.memory_space<vmem>> -> memref<128xi32, #tpu.memory_space<vmem>>
          %dma_wait3A_76 = arith.constant 0 : i32
          %dma_wait3A_77 = arith.constant 0 : i32
          %dma_wait3A_78 = tpu.memref_slice %arg11[%dma_wait3A_76, %dma_wait3A_77] : memref<10112x128xf32, #tpu.memory_space<vmem_shared>> -> memref<10112x128xf32, #tpu.memory_space<vmem_shared>>
          tpu.wait_indirect_dma semaphore(%run_scoped3A : memref<!tpu.dma_semaphore, #tpu.memory_space<semaphore_mem>>) src(%arg10 : memref<128x128xf32, #tpu.memory_space<vmem>>) dst(%dma_wait3A_78 : memref<10112x128xf32, #tpu.memory_space<vmem_shared>>)
          tpu.yield
        }) : () -> ()
      }
      %scan3A_38 = arith.constant 20 : i32
    }
    %scan3A_6 = arith.constant 2 : i32
    %barrier3A_7 = arith.constant 0 : index
    tpu.barrier barrier_id(%barrier3A_7)
    %mul3A_8 = arith.constant 632 : i32
    %mul3A_9 = arith.muli %arg1, %mul3A_8 : i32
    %mul3A_10 = arith.constant 10112 : i32
    %mul3A_11 = arith.muli %arg0, %mul3A_10 : i32
    %mul3A_12 = arith.constant 632 : i32
    %mul3A_13 = arith.muli %arg1, %mul3A_12 : i32
    %add3A = arith.addi %mul3A_11, %mul3A_13 : i32
    "tpu.region"() ({
      %run_scoped3A = tpu.sem_alloc : memref<!tpu.dma_semaphore, #tpu.memory_space<semaphore_mem>>
      %dma_start3A = arith.constant 0 : i32
      %dma_start3A_14 = tpu.memref_slice %arg6[%add3A, %dma_start3A] : memref<20224x128xf32, #tpu.memory_space<hbm>> -> memref<632x128xf32, #tpu.memory_space<hbm>>
      %dma_start3A_15 = arith.constant 0 : i32
      %dma_start3A_16 = tpu.memref_slice %arg11[%mul3A_9, %dma_start3A_15] : memref<10112x128xf32, #tpu.memory_space<vmem_shared>> -> memref<632x128xf32, #tpu.memory_space<vmem_shared>>
      tpu.enqueue_dma source(%dma_start3A_16 : memref<632x128xf32, #tpu.memory_space<vmem_shared>>) target(%dma_start3A_14 : memref<632x128xf32, #tpu.memory_space<hbm>>) target_semaphore(%run_scoped3A : memref<!tpu.dma_semaphore, #tpu.memory_space<semaphore_mem>>)
      %dma_wait3A = arith.constant 0 : i32
      %dma_wait3A_17 = tpu.memref_slice %arg6[%add3A, %dma_wait3A] : memref<20224x128xf32, #tpu.memory_space<hbm>> -> memref<632x128xf32, #tpu.memory_space<hbm>>
      %dma_wait3A_18 = arith.constant 0 : i32
      %dma_wait3A_19 = tpu.memref_slice %arg11[%mul3A_9, %dma_wait3A_18] : memref<10112x128xf32, #tpu.memory_space<vmem_shared>> -> memref<632x128xf32, #tpu.memory_space<vmem_shared>>
      tpu.wait_dma2 semaphore(%run_scoped3A : memref<!tpu.dma_semaphore, #tpu.memory_space<semaphore_mem>>) src(%dma_wait3A_19 : memref<632x128xf32, #tpu.memory_space<vmem_shared>>) dst(%dma_wait3A_17 : memref<632x128xf32, #tpu.memory_space<hbm>>)
      tpu.yield
    }) : () -> ()
    return
  }
}

#map = affine_map<(d0, d1) -> (0)>
module attributes {stable_mosaic.version = 14 : i64} {
  func.func @_deg_body(%arg0: i32, %arg1: i32, %arg2: memref<163840xi32, #tpu.memory_space<hbm>>, %arg3: memref<163840xi32, #tpu.memory_space<hbm>>, %arg4: memref<16384xf32, #tpu.memory_space<hbm>>, %arg5: memref<524288xf32, #tpu.memory_space<hbm>>, %arg6: memref<524288xf32, #tpu.memory_space<hbm>>, %arg7: memref<5120xi32, #tpu.memory_space<vmem>>, %arg8: memref<16384xf32, #tpu.memory_space<vmem>>) attributes {dimension_semantics = [#tpu.dimension_semantics<core_parallel>, #tpu.dimension_semantics<subcore_parallel>], iteration_bounds = array<i64: 2, 16>, scalar_prefetch = 0 : i64, scratch_operands = 2 : i64, tpu.core_type = #tpu.core_type<sc_vector_subcore>, window_params = [{transform_indices = #map}, {transform_indices = #map}, {transform_indices = #map}, {transform_indices = #map}, {transform_indices = #map}]} {
    %mul3A = arith.constant 2 : i32
    %mul3A_0 = arith.muli %arg1, %mul3A : i32
    %add3A = arith.addi %mul3A_0, %arg0 : i32
    %broadcast_in_dim3A = arith.constant 1.000000e+00 : f32
    %broadcast_in_dim3A_1 = vector.broadcast %broadcast_in_dim3A : f32 to vector<16xf32>
    "tpu.region"() ({
      %run_scoped3A = tpu.sem_alloc : memref<!tpu.dma_semaphore, #tpu.memory_space<semaphore_mem>>
      tpu.enqueue_dma source(%arg4 : memref<16384xf32, #tpu.memory_space<hbm>>) target(%arg8 : memref<16384xf32, #tpu.memory_space<vmem>>) target_semaphore(%run_scoped3A : memref<!tpu.dma_semaphore, #tpu.memory_space<semaphore_mem>>)
      tpu.wait_dma2 semaphore(%run_scoped3A : memref<!tpu.dma_semaphore, #tpu.memory_space<semaphore_mem>>) src(%arg4 : memref<16384xf32, #tpu.memory_space<hbm>>) dst(%arg8 : memref<16384xf32, #tpu.memory_space<vmem>>)
      tpu.yield
    }) : () -> ()
    %mul3A_2 = arith.constant 5120 : i32
    %mul3A_3 = arith.muli %add3A, %mul3A_2 : i32
    "tpu.region"() ({
      %run_scoped3A = tpu.sem_alloc : memref<!tpu.dma_semaphore, #tpu.memory_space<semaphore_mem>>
      %dma_start3A = tpu.memref_slice %arg2[%mul3A_3] : memref<163840xi32, #tpu.memory_space<hbm>> -> memref<5120xi32, #tpu.memory_space<hbm>>
      %dma_start3A_19 = tpu.memref_slice %arg2[%mul3A_3] : memref<163840xi32, #tpu.memory_space<hbm>> -> memref<5120xi32, #tpu.memory_space<hbm>>
      tpu.enqueue_dma source(%dma_start3A_19 : memref<5120xi32, #tpu.memory_space<hbm>>) target(%arg7 : memref<5120xi32, #tpu.memory_space<vmem>>) target_semaphore(%run_scoped3A : memref<!tpu.dma_semaphore, #tpu.memory_space<semaphore_mem>>)
      %dma_wait3A = tpu.memref_slice %arg2[%mul3A_3] : memref<163840xi32, #tpu.memory_space<hbm>> -> memref<5120xi32, #tpu.memory_space<hbm>>
      %dma_wait3A_20 = tpu.memref_slice %arg2[%mul3A_3] : memref<163840xi32, #tpu.memory_space<hbm>> -> memref<5120xi32, #tpu.memory_space<hbm>>
      tpu.wait_dma2 semaphore(%run_scoped3A : memref<!tpu.dma_semaphore, #tpu.memory_space<semaphore_mem>>) src(%dma_wait3A_20 : memref<5120xi32, #tpu.memory_space<hbm>>) dst(%arg7 : memref<5120xi32, #tpu.memory_space<vmem>>)
      tpu.yield
    }) : () -> ()
    %scan3A = arith.constant 0 : i32
    %scan3A_4 = arith.constant 40 : i32
    %scan3A_5 = arith.addi %scan3A, %scan3A_4 : i32
    %scan3A_6 = arith.constant 1 : i32
    scf.for %scan3A_19 = %scan3A to %scan3A_5 step %scan3A_6  : i32 {
      %mul3A_20 = arith.constant 128 : i32
      %mul3A_21 = arith.muli %scan3A_19, %mul3A_20 : i32
      %multiple_of3A = tpu.assume_multiple %mul3A_21, 128 : i32
      %add3A_22 = arith.constant 0 : i32
      %add3A_23 = arith.addi %multiple_of3A, %add3A_22 : i32
      %get3A = arith.index_cast %add3A_23 : i32 to index
      %get3A_24 = tpu.vector_load %arg7[%get3A] {strides = array<i32>} : memref<5120xi32, #tpu.memory_space<vmem>>, vector<16xi32>,
      tpu.vector_store_idx %arg8[%get3A_24], %broadcast_in_dim3A_1 {add = true} : memref<16384xf32, #tpu.memory_space<vmem>>[vector<16xi32>], vector<16xf32>,
      %add3A_25 = arith.constant 16 : i32
      %add3A_26 = arith.addi %multiple_of3A, %add3A_25 : i32
      %get3A_27 = arith.index_cast %add3A_26 : i32 to index
      %get3A_28 = tpu.vector_load %arg7[%get3A_27] {strides = array<i32>} : memref<5120xi32, #tpu.memory_space<vmem>>, vector<16xi32>,
      tpu.vector_store_idx %arg8[%get3A_28], %broadcast_in_dim3A_1 {add = true} : memref<16384xf32, #tpu.memory_space<vmem>>[vector<16xi32>], vector<16xf32>,
      %add3A_29 = arith.constant 32 : i32
      %add3A_30 = arith.addi %multiple_of3A, %add3A_29 : i32
      %get3A_31 = arith.index_cast %add3A_30 : i32 to index
      %get3A_32 = tpu.vector_load %arg7[%get3A_31] {strides = array<i32>} : memref<5120xi32, #tpu.memory_space<vmem>>, vector<16xi32>,
      tpu.vector_store_idx %arg8[%get3A_32], %broadcast_in_dim3A_1 {add = true} : memref<16384xf32, #tpu.memory_space<vmem>>[vector<16xi32>], vector<16xf32>,
      %add3A_33 = arith.constant 48 : i32
      %add3A_34 = arith.addi %multiple_of3A, %add3A_33 : i32
      %get3A_35 = arith.index_cast %add3A_34 : i32 to index
      %get3A_36 = tpu.vector_load %arg7[%get3A_35] {strides = array<i32>} : memref<5120xi32, #tpu.memory_space<vmem>>, vector<16xi32>,
      tpu.vector_store_idx %arg8[%get3A_36], %broadcast_in_dim3A_1 {add = true} : memref<16384xf32, #tpu.memory_space<vmem>>[vector<16xi32>], vector<16xf32>,
      %add3A_37 = arith.constant 64 : i32
      %add3A_38 = arith.addi %multiple_of3A, %add3A_37 : i32
      %get3A_39 = arith.index_cast %add3A_38 : i32 to index
      %get3A_40 = tpu.vector_load %arg7[%get3A_39] {strides = array<i32>} : memref<5120xi32, #tpu.memory_space<vmem>>, vector<16xi32>,
      tpu.vector_store_idx %arg8[%get3A_40], %broadcast_in_dim3A_1 {add = true} : memref<16384xf32, #tpu.memory_space<vmem>>[vector<16xi32>], vector<16xf32>,
      %add3A_41 = arith.constant 80 : i32
      %add3A_42 = arith.addi %multiple_of3A, %add3A_41 : i32
      %get3A_43 = arith.index_cast %add3A_42 : i32 to index
      %get3A_44 = tpu.vector_load %arg7[%get3A_43] {strides = array<i32>} : memref<5120xi32, #tpu.memory_space<vmem>>, vector<16xi32>,
      tpu.vector_store_idx %arg8[%get3A_44], %broadcast_in_dim3A_1 {add = true} : memref<16384xf32, #tpu.memory_space<vmem>>[vector<16xi32>], vector<16xf32>,
      %add3A_45 = arith.constant 96 : i32
      %add3A_46 = arith.addi %multiple_of3A, %add3A_45 : i32
      %get3A_47 = arith.index_cast %add3A_46 : i32 to index
      %get3A_48 = tpu.vector_load %arg7[%get3A_47] {strides = array<i32>} : memref<5120xi32, #tpu.memory_space<vmem>>, vector<16xi32>,
      tpu.vector_store_idx %arg8[%get3A_48], %broadcast_in_dim3A_1 {add = true} : memref<16384xf32, #tpu.memory_space<vmem>>[vector<16xi32>], vector<16xf32>,
      %add3A_49 = arith.constant 112 : i32
      %add3A_50 = arith.addi %multiple_of3A, %add3A_49 : i32
      %get3A_51 = arith.index_cast %add3A_50 : i32 to index
      %get3A_52 = tpu.vector_load %arg7[%get3A_51] {strides = array<i32>} : memref<5120xi32, #tpu.memory_space<vmem>>, vector<16xi32>,
      tpu.vector_store_idx %arg8[%get3A_52], %broadcast_in_dim3A_1 {add = true} : memref<16384xf32, #tpu.memory_space<vmem>>[vector<16xi32>], vector<16xf32>,
    }
    %scan3A_7 = arith.constant 40 : i32
    %mul3A_8 = arith.constant 16384 : i32
    %mul3A_9 = arith.muli %add3A, %mul3A_8 : i32
    "tpu.region"() ({
      %run_scoped3A = tpu.sem_alloc : memref<!tpu.dma_semaphore, #tpu.memory_space<semaphore_mem>>
      %dma_start3A = tpu.memref_slice %arg5[%mul3A_9] : memref<524288xf32, #tpu.memory_space<hbm>> -> memref<16384xf32, #tpu.memory_space<hbm>>
      %dma_start3A_19 = tpu.memref_slice %arg5[%mul3A_9] : memref<524288xf32, #tpu.memory_space<hbm>> -> memref<16384xf32, #tpu.memory_space<hbm>>
      tpu.enqueue_dma source(%arg8 : memref<16384xf32, #tpu.memory_space<vmem>>) target(%dma_start3A_19 : memref<16384xf32, #tpu.memory_space<hbm>>) target_semaphore(%run_scoped3A : memref<!tpu.dma_semaphore, #tpu.memory_space<semaphore_mem>>)
      %dma_wait3A = tpu.memref_slice %arg5[%mul3A_9] : memref<524288xf32, #tpu.memory_space<hbm>> -> memref<16384xf32, #tpu.memory_space<hbm>>
      %dma_wait3A_20 = tpu.memref_slice %arg5[%mul3A_9] : memref<524288xf32, #tpu.memory_space<hbm>> -> memref<16384xf32, #tpu.memory_space<hbm>>
      tpu.wait_dma2 semaphore(%run_scoped3A : memref<!tpu.dma_semaphore, #tpu.memory_space<semaphore_mem>>) src(%arg8 : memref<16384xf32, #tpu.memory_space<vmem>>) dst(%dma_wait3A_20 : memref<16384xf32, #tpu.memory_space<hbm>>)
      tpu.yield
    }) : () -> ()
    "tpu.region"() ({
      %run_scoped3A = tpu.sem_alloc : memref<!tpu.dma_semaphore, #tpu.memory_space<semaphore_mem>>
      tpu.enqueue_dma source(%arg4 : memref<16384xf32, #tpu.memory_space<hbm>>) target(%arg8 : memref<16384xf32, #tpu.memory_space<vmem>>) target_semaphore(%run_scoped3A : memref<!tpu.dma_semaphore, #tpu.memory_space<semaphore_mem>>)
      tpu.wait_dma2 semaphore(%run_scoped3A : memref<!tpu.dma_semaphore, #tpu.memory_space<semaphore_mem>>) src(%arg4 : memref<16384xf32, #tpu.memory_space<hbm>>) dst(%arg8 : memref<16384xf32, #tpu.memory_space<vmem>>)
      tpu.yield
    }) : () -> ()
    %mul3A_10 = arith.constant 5120 : i32
    %mul3A_11 = arith.muli %add3A, %mul3A_10 : i32
    "tpu.region"() ({
      %run_scoped3A = tpu.sem_alloc : memref<!tpu.dma_semaphore, #tpu.memory_space<semaphore_mem>>
      %dma_start3A = tpu.memref_slice %arg3[%mul3A_11] : memref<163840xi32, #tpu.memory_space<hbm>> -> memref<5120xi32, #tpu.memory_space<hbm>>
      %dma_start3A_19 = tpu.memref_slice %arg3[%mul3A_11] : memref<163840xi32, #tpu.memory_space<hbm>> -> memref<5120xi32, #tpu.memory_space<hbm>>
      tpu.enqueue_dma source(%dma_start3A_19 : memref<5120xi32, #tpu.memory_space<hbm>>) target(%arg7 : memref<5120xi32, #tpu.memory_space<vmem>>) target_semaphore(%run_scoped3A : memref<!tpu.dma_semaphore, #tpu.memory_space<semaphore_mem>>)
      %dma_wait3A = tpu.memref_slice %arg3[%mul3A_11] : memref<163840xi32, #tpu.memory_space<hbm>> -> memref<5120xi32, #tpu.memory_space<hbm>>
      %dma_wait3A_20 = tpu.memref_slice %arg3[%mul3A_11] : memref<163840xi32, #tpu.memory_space<hbm>> -> memref<5120xi32, #tpu.memory_space<hbm>>
      tpu.wait_dma2 semaphore(%run_scoped3A : memref<!tpu.dma_semaphore, #tpu.memory_space<semaphore_mem>>) src(%dma_wait3A_20 : memref<5120xi32, #tpu.memory_space<hbm>>) dst(%arg7 : memref<5120xi32, #tpu.memory_space<vmem>>)
      tpu.yield
    }) : () -> ()
    %scan3A_12 = arith.constant 0 : i32
    %scan3A_13 = arith.constant 40 : i32
    %scan3A_14 = arith.addi %scan3A_12, %scan3A_13 : i32
    %scan3A_15 = arith.constant 1 : i32
    scf.for %scan3A_19 = %scan3A_12 to %scan3A_14 step %scan3A_15  : i32 {
      %mul3A_20 = arith.constant 128 : i32
      %mul3A_21 = arith.muli %scan3A_19, %mul3A_20 : i32
      %multiple_of3A = tpu.assume_multiple %mul3A_21, 128 : i32
      %add3A_22 = arith.constant 0 : i32
      %add3A_23 = arith.addi %multiple_of3A, %add3A_22 : i32
      %get3A = arith.index_cast %add3A_23 : i32 to index
      %get3A_24 = tpu.vector_load %arg7[%get3A] {strides = array<i32>} : memref<5120xi32, #tpu.memory_space<vmem>>, vector<16xi32>,
      tpu.vector_store_idx %arg8[%get3A_24], %broadcast_in_dim3A_1 {add = true} : memref<16384xf32, #tpu.memory_space<vmem>>[vector<16xi32>], vector<16xf32>,
      %add3A_25 = arith.constant 16 : i32
      %add3A_26 = arith.addi %multiple_of3A, %add3A_25 : i32
      %get3A_27 = arith.index_cast %add3A_26 : i32 to index
      %get3A_28 = tpu.vector_load %arg7[%get3A_27] {strides = array<i32>} : memref<5120xi32, #tpu.memory_space<vmem>>, vector<16xi32>,
      tpu.vector_store_idx %arg8[%get3A_28], %broadcast_in_dim3A_1 {add = true} : memref<16384xf32, #tpu.memory_space<vmem>>[vector<16xi32>], vector<16xf32>,
      %add3A_29 = arith.constant 32 : i32
      %add3A_30 = arith.addi %multiple_of3A, %add3A_29 : i32
      %get3A_31 = arith.index_cast %add3A_30 : i32 to index
      %get3A_32 = tpu.vector_load %arg7[%get3A_31] {strides = array<i32>} : memref<5120xi32, #tpu.memory_space<vmem>>, vector<16xi32>,
      tpu.vector_store_idx %arg8[%get3A_32], %broadcast_in_dim3A_1 {add = true} : memref<16384xf32, #tpu.memory_space<vmem>>[vector<16xi32>], vector<16xf32>,
      %add3A_33 = arith.constant 48 : i32
      %add3A_34 = arith.addi %multiple_of3A, %add3A_33 : i32
      %get3A_35 = arith.index_cast %add3A_34 : i32 to index
      %get3A_36 = tpu.vector_load %arg7[%get3A_35] {strides = array<i32>} : memref<5120xi32, #tpu.memory_space<vmem>>, vector<16xi32>,
      tpu.vector_store_idx %arg8[%get3A_36], %broadcast_in_dim3A_1 {add = true} : memref<16384xf32, #tpu.memory_space<vmem>>[vector<16xi32>], vector<16xf32>,
      %add3A_37 = arith.constant 64 : i32
      %add3A_38 = arith.addi %multiple_of3A, %add3A_37 : i32
      %get3A_39 = arith.index_cast %add3A_38 : i32 to index
      %get3A_40 = tpu.vector_load %arg7[%get3A_39] {strides = array<i32>} : memref<5120xi32, #tpu.memory_space<vmem>>, vector<16xi32>,
      tpu.vector_store_idx %arg8[%get3A_40], %broadcast_in_dim3A_1 {add = true} : memref<16384xf32, #tpu.memory_space<vmem>>[vector<16xi32>], vector<16xf32>,
      %add3A_41 = arith.constant 80 : i32
      %add3A_42 = arith.addi %multiple_of3A, %add3A_41 : i32
      %get3A_43 = arith.index_cast %add3A_42 : i32 to index
      %get3A_44 = tpu.vector_load %arg7[%get3A_43] {strides = array<i32>} : memref<5120xi32, #tpu.memory_space<vmem>>, vector<16xi32>,
      tpu.vector_store_idx %arg8[%get3A_44], %broadcast_in_dim3A_1 {add = true} : memref<16384xf32, #tpu.memory_space<vmem>>[vector<16xi32>], vector<16xf32>,
      %add3A_45 = arith.constant 96 : i32
      %add3A_46 = arith.addi %multiple_of3A, %add3A_45 : i32
      %get3A_47 = arith.index_cast %add3A_46 : i32 to index
      %get3A_48 = tpu.vector_load %arg7[%get3A_47] {strides = array<i32>} : memref<5120xi32, #tpu.memory_space<vmem>>, vector<16xi32>,
      tpu.vector_store_idx %arg8[%get3A_48], %broadcast_in_dim3A_1 {add = true} : memref<16384xf32, #tpu.memory_space<vmem>>[vector<16xi32>], vector<16xf32>,
      %add3A_49 = arith.constant 112 : i32
      %add3A_50 = arith.addi %multiple_of3A, %add3A_49 : i32
      %get3A_51 = arith.index_cast %add3A_50 : i32 to index
      %get3A_52 = tpu.vector_load %arg7[%get3A_51] {strides = array<i32>} : memref<5120xi32, #tpu.memory_space<vmem>>, vector<16xi32>,
      tpu.vector_store_idx %arg8[%get3A_52], %broadcast_in_dim3A_1 {add = true} : memref<16384xf32, #tpu.memory_space<vmem>>[vector<16xi32>], vector<16xf32>,
    }
    %scan3A_16 = arith.constant 40 : i32
    %mul3A_17 = arith.constant 16384 : i32
    %mul3A_18 = arith.muli %add3A, %mul3A_17 : i32
    "tpu.region"() ({
      %run_scoped3A = tpu.sem_alloc : memref<!tpu.dma_semaphore, #tpu.memory_space<semaphore_mem>>
      %dma_start3A = tpu.memref_slice %arg6[%mul3A_18] : memref<524288xf32, #tpu.memory_space<hbm>> -> memref<16384xf32, #tpu.memory_space<hbm>>
      %dma_start3A_19 = tpu.memref_slice %arg6[%mul3A_18] : memref<524288xf32, #tpu.memory_space<hbm>> -> memref<16384xf32, #tpu.memory_space<hbm>>
      tpu.enqueue_dma source(%arg8 : memref<16384xf32, #tpu.memory_space<vmem>>) target(%dma_start3A_19 : memref<16384xf32, #tpu.memory_space<hbm>>) target_semaphore(%run_scoped3A : memref<!tpu.dma_semaphore, #tpu.memory_space<semaphore_mem>>)
      %dma_wait3A = tpu.memref_slice %arg6[%mul3A_18] : memref<524288xf32, #tpu.memory_space<hbm>> -> memref<16384xf32, #tpu.memory_space<hbm>>
      %dma_wait3A_20 = tpu.memref_slice %arg6[%mul3A_18] : memref<524288xf32, #tpu.memory_space<hbm>> -> memref<16384xf32, #tpu.memory_space<hbm>>
      tpu.wait_dma2 semaphore(%run_scoped3A : memref<!tpu.dma_semaphore, #tpu.memory_space<semaphore_mem>>) src(%arg8 : memref<16384xf32, #tpu.memory_space<vmem>>) dst(%dma_wait3A_20 : memref<16384xf32, #tpu.memory_space<hbm>>)
      tpu.yield
    }) : () -> ()
    return
  }
}

#map = affine_map<(d0, d1) -> (0, 0)>
module attributes {stable_mosaic.version = 14 : i64} {
  func.func @_scat_body(%arg0: i32, %arg1: i32, %arg2: memref<20032x128xf32, #tpu.memory_space<hbm>>, %arg3: memref<2560x128xi32, #tpu.memory_space<hbm>>, %arg4: memref<1280x128xi32, #tpu.memory_space<hbm>>, %arg5: memref<10112x128xf32, #tpu.memory_space<hbm>>, %arg6: memref<20224x128xf32, #tpu.memory_space<hbm>>, %arg7: memref<40x128xi32, #tpu.memory_space<vmem>>, %arg8: memref<40x128xi32, #tpu.memory_space<vmem>>, %arg9: memref<128x128xf32, #tpu.memory_space<vmem>>, %arg10: memref<128x128xf32, #tpu.memory_space<vmem>>, %arg11: memref<10112x128xf32, #tpu.memory_space<vmem_shared>>, %arg12: memref<!tpu.dma_semaphore, #tpu.memory_space<semaphore_mem>>, %arg13: memref<!tpu.dma_semaphore, #tpu.memory_space<semaphore_mem>>) attributes {dimension_semantics = [#tpu.dimension_semantics<core_parallel>, #tpu.dimension_semantics<subcore_parallel>], iteration_bounds = array<i64: 2, 16>, scalar_prefetch = 0 : i64, scratch_operands = 7 : i64, tpu.core_type = #tpu.core_type<sc_vector_subcore>, window_params = [{transform_indices = #map}, {transform_indices = #map}, {transform_indices = #map}, {transform_indices = #map}, {transform_indices = #map}]} {
    %mul3A = arith.constant 632 : i32
    %mul3A_0 = arith.muli %arg1, %mul3A : i32
    %mul3A_1 = arith.constant 632 : i32
    %mul3A_2 = arith.muli %arg1, %mul3A_1 : i32
    "tpu.region"() ({
      %run_scoped3A = tpu.sem_alloc : memref<!tpu.dma_semaphore, #tpu.memory_space<semaphore_mem>>
      %dma_start3A = arith.constant 0 : i32
      %dma_start3A_14 = tpu.memref_slice %arg11[%mul3A_2, %dma_start3A] : memref<10112x128xf32, #tpu.memory_space<vmem_shared>> -> memref<632x128xf32, #tpu.memory_space<vmem_shared>>
      %dma_start3A_15 = arith.constant 0 : i32
      %dma_start3A_16 = tpu.memref_slice %arg5[%mul3A_0, %dma_start3A_15] : memref<10112x128xf32, #tpu.memory_space<hbm>> -> memref<632x128xf32, #tpu.memory_space<hbm>>
      tpu.enqueue_dma source(%dma_start3A_16 : memref<632x128xf32, #tpu.memory_space<hbm>>) target(%dma_start3A_14 : memref<632x128xf32, #tpu.memory_space<vmem_shared>>) target_semaphore(%run_scoped3A : memref<!tpu.dma_semaphore, #tpu.memory_space<semaphore_mem>>)
      %dma_wait3A = arith.constant 0 : i32
      %dma_wait3A_17 = tpu.memref_slice %arg11[%mul3A_2, %dma_wait3A] : memref<10112x128xf32, #tpu.memory_space<vmem_shared>> -> memref<632x128xf32, #tpu.memory_space<vmem_shared>>
      %dma_wait3A_18 = arith.constant 0 : i32
      %dma_wait3A_19 = tpu.memref_slice %arg5[%mul3A_0, %dma_wait3A_18] : memref<10112x128xf32, #tpu.memory_space<hbm>> -> memref<632x128xf32, #tpu.memory_space<hbm>>
      tpu.wait_dma2 semaphore(%run_scoped3A : memref<!tpu.dma_semaphore, #tpu.memory_space<semaphore_mem>>) src(%dma_wait3A_19 : memref<632x128xf32, #tpu.memory_space<hbm>>) dst(%dma_wait3A_17 : memref<632x128xf32, #tpu.memory_space<vmem_shared>>)
      tpu.yield
    }) : () -> ()
    %barrier3A = arith.constant 0 : index
    tpu.barrier barrier_id(%barrier3A)
    %scan3A = arith.constant 0 : i32
    %scan3A_3 = arith.constant 2 : i32
    %scan3A_4 = arith.addi %scan3A, %scan3A_3 : i32
    %scan3A_5 = arith.constant 1 : i32
    scf.for %scan3A_14 = %scan3A to %scan3A_4 step %scan3A_5  : i32 {
      %mul3A_15 = arith.constant 1280 : i32
      %mul3A_16 = arith.muli %arg0, %mul3A_15 : i32
      %mul3A_17 = arith.constant 80 : i32
      %mul3A_18 = arith.muli %arg1, %mul3A_17 : i32
      %add3A_19 = arith.addi %mul3A_16, %mul3A_18 : i32
      %mul3A_20 = arith.constant 40 : i32
      %mul3A_21 = arith.muli %scan3A_14, %mul3A_20 : i32
      %add3A_22 = arith.addi %add3A_19, %mul3A_21 : i32
      "tpu.region"() ({
        %run_scoped3A = tpu.sem_alloc : memref<!tpu.dma_semaphore, #tpu.memory_space<semaphore_mem>>
        %dma_start3A_39 = arith.constant 0 : i32
        %dma_start3A_40 = tpu.memref_slice %arg3[%add3A_22, %dma_start3A_39] : memref<2560x128xi32, #tpu.memory_space<hbm>> -> memref<40x128xi32, #tpu.memory_space<hbm>>
        %dma_start3A_41 = arith.constant 0 : i32
        %dma_start3A_42 = tpu.memref_slice %arg3[%add3A_22, %dma_start3A_41] : memref<2560x128xi32, #tpu.memory_space<hbm>> -> memref<40x128xi32, #tpu.memory_space<hbm>>
        tpu.enqueue_dma source(%dma_start3A_42 : memref<40x128xi32, #tpu.memory_space<hbm>>) target(%arg7 : memref<40x128xi32, #tpu.memory_space<vmem>>) target_semaphore(%run_scoped3A : memref<!tpu.dma_semaphore, #tpu.memory_space<semaphore_mem>>)
        %dma_wait3A = arith.constant 0 : i32
        %dma_wait3A_43 = tpu.memref_slice %arg3[%add3A_22, %dma_wait3A] : memref<2560x128xi32, #tpu.memory_space<hbm>> -> memref<40x128xi32, #tpu.memory_space<hbm>>
        %dma_wait3A_44 = arith.constant 0 : i32
        %dma_wait3A_45 = tpu.memref_slice %arg3[%add3A_22, %dma_wait3A_44] : memref<2560x128xi32, #tpu.memory_space<hbm>> -> memref<40x128xi32, #tpu.memory_space<hbm>>
        tpu.wait_dma2 semaphore(%run_scoped3A : memref<!tpu.dma_semaphore, #tpu.memory_space<semaphore_mem>>) src(%dma_wait3A_45 : memref<40x128xi32, #tpu.memory_space<hbm>>) dst(%arg7 : memref<40x128xi32, #tpu.memory_space<vmem>>)
        tpu.yield
      }) : () -> ()
      %mul3A_23 = arith.constant 80 : i32
      %mul3A_24 = arith.muli %arg1, %mul3A_23 : i32
      %mul3A_25 = arith.constant 40 : i32
      %mul3A_26 = arith.muli %scan3A_14, %mul3A_25 : i32
      %add3A_27 = arith.addi %mul3A_24, %mul3A_26 : i32
      "tpu.region"() ({
        %run_scoped3A = tpu.sem_alloc : memref<!tpu.dma_semaphore, #tpu.memory_space<semaphore_mem>>
        %dma_start3A_39 = arith.constant 0 : i32
        %dma_start3A_40 = tpu.memref_slice %arg4[%add3A_27, %dma_start3A_39] : memref<1280x128xi32, #tpu.memory_space<hbm>> -> memref<40x128xi32, #tpu.memory_space<hbm>>
        %dma_start3A_41 = arith.constant 0 : i32
        %dma_start3A_42 = tpu.memref_slice %arg4[%add3A_27, %dma_start3A_41] : memref<1280x128xi32, #tpu.memory_space<hbm>> -> memref<40x128xi32, #tpu.memory_space<hbm>>
        tpu.enqueue_dma source(%dma_start3A_42 : memref<40x128xi32, #tpu.memory_space<hbm>>) target(%arg8 : memref<40x128xi32, #tpu.memory_space<vmem>>) target_semaphore(%run_scoped3A : memref<!tpu.dma_semaphore, #tpu.memory_space<semaphore_mem>>)
        %dma_wait3A = arith.constant 0 : i32
        %dma_wait3A_43 = tpu.memref_slice %arg4[%add3A_27, %dma_wait3A] : memref<1280x128xi32, #tpu.memory_space<hbm>> -> memref<40x128xi32, #tpu.memory_space<hbm>>
        %dma_wait3A_44 = arith.constant 0 : i32
        %dma_wait3A_45 = tpu.memref_slice %arg4[%add3A_27, %dma_wait3A_44] : memref<1280x128xi32, #tpu.memory_space<hbm>> -> memref<40x128xi32, #tpu.memory_space<hbm>>
        tpu.wait_dma2 semaphore(%run_scoped3A : memref<!tpu.dma_semaphore, #tpu.memory_space<semaphore_mem>>) src(%dma_wait3A_45 : memref<40x128xi32, #tpu.memory_space<hbm>>) dst(%arg8 : memref<40x128xi32, #tpu.memory_space<vmem>>)
        tpu.yield
      }) : () -> ()
      %dma_start3A = arith.constant 0 : i32
      %dma_start3A_28 = arith.constant 0 : i32
      %dma_start3A_29 = tpu.memref_slice %arg7[%dma_start3A, %dma_start3A_28] : memref<40x128xi32, #tpu.memory_space<vmem>> -> memref<1x128xi32, #tpu.memory_space<vmem>>
      %dma_start3A_30 = tpu.memref_squeeze %dma_start3A_29 : memref<1x128xi32, #tpu.memory_space<vmem>> -> memref<128xi32, #tpu.memory_space<vmem>>
      %dma_start3A_31 = arith.constant 0 : i32
      %dma_start3A_32 = arith.constant 0 : i32
      %dma_start3A_33 = tpu.memref_slice %arg2[%dma_start3A_31, %dma_start3A_32] : memref<20032x128xf32, #tpu.memory_space<hbm>> -> memref<20032x128xf32, #tpu.memory_space<hbm>>
      tpu.enqueue_indirect_dma source(%dma_start3A_33 : memref<20032x128xf32, #tpu.memory_space<hbm>>) target(%arg9 : memref<128x128xf32, #tpu.memory_space<vmem>>) offsets(%dma_start3A_30 : memref<128xi32, #tpu.memory_space<vmem>>) semaphore(%arg12 : memref<!tpu.dma_semaphore, #tpu.memory_space<semaphore_mem>>)
      %scan3A_34 = arith.constant 0 : i32
      %scan3A_35 = arith.constant 20 : i32
      %scan3A_36 = arith.addi %scan3A_34, %scan3A_35 : i32
      %scan3A_37 = arith.constant 1 : i32
      scf.for %scan3A_39 = %scan3A_34 to %scan3A_36 step %scan3A_37  : i32 {
        %mul3A_40 = arith.constant 2 : i32
        %mul3A_41 = arith.muli %scan3A_39, %mul3A_40 : i32
        %add3A_42 = arith.constant 1 : i32
        %add3A_43 = arith.addi %mul3A_41, %add3A_42 : i32
        %dma_start3A_44 = arith.constant 0 : i32
        %dma_start3A_45 = tpu.memref_slice %arg7[%add3A_43, %dma_start3A_44] : memref<40x128xi32, #tpu.memory_space<vmem>> -> memref<1x128xi32, #tpu.memory_space<vmem>>
        %dma_start3A_46 = tpu.memref_squeeze %dma_start3A_45 : memref<1x128xi32, #tpu.memory_space<vmem>> -> memref<128xi32, #tpu.memory_space<vmem>>
        %dma_start3A_47 = arith.constant 0 : i32
        %dma_start3A_48 = arith.constant 0 : i32
        %dma_start3A_49 = tpu.memref_slice %arg2[%dma_start3A_47, %dma_start3A_48] : memref<20032x128xf32, #tpu.memory_space<hbm>> -> memref<20032x128xf32, #tpu.memory_space<hbm>>
        tpu.enqueue_indirect_dma source(%dma_start3A_49 : memref<20032x128xf32, #tpu.memory_space<hbm>>) target(%arg10 : memref<128x128xf32, #tpu.memory_space<vmem>>) offsets(%dma_start3A_46 : memref<128xi32, #tpu.memory_space<vmem>>) semaphore(%arg13 : memref<!tpu.dma_semaphore, #tpu.memory_space<semaphore_mem>>)
        %dma_wait3A = arith.constant 0 : i32
        %dma_wait3A_50 = tpu.memref_slice %arg7[%mul3A_41, %dma_wait3A] : memref<40x128xi32, #tpu.memory_space<vmem>> -> memref<1x128xi32, #tpu.memory_space<vmem>>
        %dma_wait3A_51 = tpu.memref_squeeze %dma_wait3A_50 : memref<1x128xi32, #tpu.memory_space<vmem>> -> memref<128xi32, #tpu.memory_space<vmem>>
        %dma_wait3A_52 = arith.constant 0 : i32
        %dma_wait3A_53 = arith.constant 0 : i32
        %dma_wait3A_54 = tpu.memref_slice %arg2[%dma_wait3A_52, %dma_wait3A_53] : memref<20032x128xf32, #tpu.memory_space<hbm>> -> memref<20032x128xf32, #tpu.memory_space<hbm>>
        tpu.wait_indirect_dma semaphore(%arg12 : memref<!tpu.dma_semaphore, #tpu.memory_space<semaphore_mem>>) src(%dma_wait3A_54 : memref<20032x128xf32, #tpu.memory_space<hbm>>) dst(%arg9 : memref<128x128xf32, #tpu.memory_space<vmem>>)
        "tpu.region"() ({
          %run_scoped3A = tpu.sem_alloc : memref<!tpu.dma_semaphore, #tpu.memory_space<semaphore_mem>>
          %dma_start3A_67 = arith.constant 0 : i32
          %dma_start3A_68 = tpu.memref_slice %arg8[%mul3A_41, %dma_start3A_67] : memref<40x128xi32, #tpu.memory_space<vmem>> -> memref<1x128xi32, #tpu.memory_space<vmem>>
          %dma_start3A_69 = tpu.memref_squeeze %dma_start3A_68 : memref<1x128xi32, #tpu.memory_space<vmem>> -> memref<128xi32, #tpu.memory_space<vmem>>
          %dma_start3A_70 = arith.constant 0 : i32
          %dma_start3A_71 = arith.constant 0 : i32
          %dma_start3A_72 = tpu.memref_slice %arg11[%dma_start3A_70, %dma_start3A_71] : memref<10112x128xf32, #tpu.memory_space<vmem_shared>> -> memref<10112x128xf32, #tpu.memory_space<vmem_shared>>
          tpu.enqueue_indirect_dma source(%arg9 : memref<128x128xf32, #tpu.memory_space<vmem>>) target(%dma_start3A_72 : memref<10112x128xf32, #tpu.memory_space<vmem_shared>>) offsets(%dma_start3A_69 : memref<128xi32, #tpu.memory_space<vmem>>) semaphore(%run_scoped3A : memref<!tpu.dma_semaphore, #tpu.memory_space<semaphore_mem>>) {add = true}
          %dma_wait3A_73 = arith.constant 0 : i32
          %dma_wait3A_74 = tpu.memref_slice %arg8[%mul3A_41, %dma_wait3A_73] : memref<40x128xi32, #tpu.memory_space<vmem>> -> memref<1x128xi32, #tpu.memory_space<vmem>>
          %dma_wait3A_75 = tpu.memref_squeeze %dma_wait3A_74 : memref<1x128xi32, #tpu.memory_space<vmem>> -> memref<128xi32, #tpu.memory_space<vmem>>
          %dma_wait3A_76 = arith.constant 0 : i32
          %dma_wait3A_77 = arith.constant 0 : i32
          %dma_wait3A_78 = tpu.memref_slice %arg11[%dma_wait3A_76, %dma_wait3A_77] : memref<10112x128xf32, #tpu.memory_space<vmem_shared>> -> memref<10112x128xf32, #tpu.memory_space<vmem_shared>>
          tpu.wait_indirect_dma semaphore(%run_scoped3A : memref<!tpu.dma_semaphore, #tpu.memory_space<semaphore_mem>>) src(%arg9 : memref<128x128xf32, #tpu.memory_space<vmem>>) dst(%dma_wait3A_78 : memref<10112x128xf32, #tpu.memory_space<vmem_shared>>)
          tpu.yield
        }) : () -> ()
        %lt3A = arith.constant 19 : i32
        %lt3A_55 = arith.cmpi slt, %scan3A_39, %lt3A : i32
        %convert_element_type3A = arith.extui %lt3A_55 : i1 to i32
        %cond3A = arith.constant 0 : i32
        %cond3A_56 = arith.cmpi ne, %convert_element_type3A, %cond3A : i32
        scf.if %cond3A_56 {
          %add3A_67 = arith.constant 2 : i32
          %add3A_68 = arith.addi %mul3A_41, %add3A_67 : i32
          %dma_start3A_69 = arith.constant 0 : i32
          %dma_start3A_70 = tpu.memref_slice %arg7[%add3A_68, %dma_start3A_69] : memref<40x128xi32, #tpu.memory_space<vmem>> -> memref<1x128xi32, #tpu.memory_space<vmem>>
          %dma_start3A_71 = tpu.memref_squeeze %dma_start3A_70 : memref<1x128xi32, #tpu.memory_space<vmem>> -> memref<128xi32, #tpu.memory_space<vmem>>
          %dma_start3A_72 = arith.constant 0 : i32
          %dma_start3A_73 = arith.constant 0 : i32
          %dma_start3A_74 = tpu.memref_slice %arg2[%dma_start3A_72, %dma_start3A_73] : memref<20032x128xf32, #tpu.memory_space<hbm>> -> memref<20032x128xf32, #tpu.memory_space<hbm>>
          tpu.enqueue_indirect_dma source(%dma_start3A_74 : memref<20032x128xf32, #tpu.memory_space<hbm>>) target(%arg9 : memref<128x128xf32, #tpu.memory_space<vmem>>) offsets(%dma_start3A_71 : memref<128xi32, #tpu.memory_space<vmem>>) semaphore(%arg12 : memref<!tpu.dma_semaphore, #tpu.memory_space<semaphore_mem>>)
        } else {
        }
        %add3A_57 = arith.constant 1 : i32
        %add3A_58 = arith.addi %mul3A_41, %add3A_57 : i32
        %dma_wait3A_59 = arith.constant 0 : i32
        %dma_wait3A_60 = tpu.memref_slice %arg7[%add3A_58, %dma_wait3A_59] : memref<40x128xi32, #tpu.memory_space<vmem>> -> memref<1x128xi32, #tpu.memory_space<vmem>>
        %dma_wait3A_61 = tpu.memref_squeeze %dma_wait3A_60 : memref<1x128xi32, #tpu.memory_space<vmem>> -> memref<128xi32, #tpu.memory_space<vmem>>
        %dma_wait3A_62 = arith.constant 0 : i32
        %dma_wait3A_63 = arith.constant 0 : i32
        %dma_wait3A_64 = tpu.memref_slice %arg2[%dma_wait3A_62, %dma_wait3A_63] : memref<20032x128xf32, #tpu.memory_space<hbm>> -> memref<20032x128xf32, #tpu.memory_space<hbm>>
        tpu.wait_indirect_dma semaphore(%arg13 : memref<!tpu.dma_semaphore, #tpu.memory_space<semaphore_mem>>) src(%dma_wait3A_64 : memref<20032x128xf32, #tpu.memory_space<hbm>>) dst(%arg10 : memref<128x128xf32, #tpu.memory_space<vmem>>)
        %add3A_65 = arith.constant 1 : i32
        %add3A_66 = arith.addi %mul3A_41, %add3A_65 : i32
        "tpu.region"() ({
          %run_scoped3A = tpu.sem_alloc : memref<!tpu.dma_semaphore, #tpu.memory_space<semaphore_mem>>
          %dma_start3A_67 = arith.constant 0 : i32
          %dma_start3A_68 = tpu.memref_slice %arg8[%add3A_66, %dma_start3A_67] : memref<40x128xi32, #tpu.memory_space<vmem>> -> memref<1x128xi32, #tpu.memory_space<vmem>>
          %dma_start3A_69 = tpu.memref_squeeze %dma_start3A_68 : memref<1x128xi32, #tpu.memory_space<vmem>> -> memref<128xi32, #tpu.memory_space<vmem>>
          %dma_start3A_70 = arith.constant 0 : i32
          %dma_start3A_71 = arith.constant 0 : i32
          %dma_start3A_72 = tpu.memref_slice %arg11[%dma_start3A_70, %dma_start3A_71] : memref<10112x128xf32, #tpu.memory_space<vmem_shared>> -> memref<10112x128xf32, #tpu.memory_space<vmem_shared>>
          tpu.enqueue_indirect_dma source(%arg10 : memref<128x128xf32, #tpu.memory_space<vmem>>) target(%dma_start3A_72 : memref<10112x128xf32, #tpu.memory_space<vmem_shared>>) offsets(%dma_start3A_69 : memref<128xi32, #tpu.memory_space<vmem>>) semaphore(%run_scoped3A : memref<!tpu.dma_semaphore, #tpu.memory_space<semaphore_mem>>) {add = true}
          %dma_wait3A_73 = arith.constant 0 : i32
          %dma_wait3A_74 = tpu.memref_slice %arg8[%add3A_66, %dma_wait3A_73] : memref<40x128xi32, #tpu.memory_space<vmem>> -> memref<1x128xi32, #tpu.memory_space<vmem>>
          %dma_wait3A_75 = tpu.memref_squeeze %dma_wait3A_74 : memref<1x128xi32, #tpu.memory_space<vmem>> -> memref<128xi32, #tpu.memory_space<vmem>>
          %dma_wait3A_76 = arith.constant 0 : i32
          %dma_wait3A_77 = arith.constant 0 : i32
          %dma_wait3A_78 = tpu.memref_slice %arg11[%dma_wait3A_76, %dma_wait3A_77] : memref<10112x128xf32, #tpu.memory_space<vmem_shared>> -> memref<10112x128xf32, #tpu.memory_space<vmem_shared>>
          tpu.wait_indirect_dma semaphore(%run_scoped3A : memref<!tpu.dma_semaphore, #tpu.memory_space<semaphore_mem>>) src(%arg10 : memref<128x128xf32, #tpu.memory_space<vmem>>) dst(%dma_wait3A_78 : memref<10112x128xf32, #tpu.memory_space<vmem_shared>>)
          tpu.yield
        }) : () -> ()
      }
      %scan3A_38 = arith.constant 20 : i32
    }
    %scan3A_6 = arith.constant 2 : i32
    %barrier3A_7 = arith.constant 0 : index
    tpu.barrier barrier_id(%barrier3A_7)
    %mul3A_8 = arith.constant 632 : i32
    %mul3A_9 = arith.muli %arg1, %mul3A_8 : i32
    %mul3A_10 = arith.constant 10112 : i32
    %mul3A_11 = arith.muli %arg0, %mul3A_10 : i32
    %mul3A_12 = arith.constant 632 : i32
    %mul3A_13 = arith.muli %arg1, %mul3A_12 : i32
    %add3A = arith.addi %mul3A_11, %mul3A_13 : i32
    "tpu.region"() ({
      %run_scoped3A = tpu.sem_alloc : memref<!tpu.dma_semaphore, #tpu.memory_space<semaphore_mem>>
      %dma_start3A = arith.constant 0 : i32
      %dma_start3A_14 = tpu.memref_slice %arg6[%add3A, %dma_start3A] : memref<20224x128xf32, #tpu.memory_space<hbm>> -> memref<632x128xf32, #tpu.memory_space<hbm>>
      %dma_start3A_15 = arith.constant 0 : i32
      %dma_start3A_16 = tpu.memref_slice %arg11[%mul3A_9, %dma_start3A_15] : memref<10112x128xf32, #tpu.memory_space<vmem_shared>> -> memref<632x128xf32, #tpu.memory_space<vmem_shared>>
      tpu.enqueue_dma source(%dma_start3A_16 : memref<632x128xf32, #tpu.memory_space<vmem_shared>>) target(%dma_start3A_14 : memref<632x128xf32, #tpu.memory_space<hbm>>) target_semaphore(%run_scoped3A : memref<!tpu.dma_semaphore, #tpu.memory_space<semaphore_mem>>)
      %dma_wait3A = arith.constant 0 : i32
      %dma_wait3A_17 = tpu.memref_slice %arg6[%add3A, %dma_wait3A] : memref<20224x128xf32, #tpu.memory_space<hbm>> -> memref<632x128xf32, #tpu.memory_space<hbm>>
      %dma_wait3A_18 = arith.constant 0 : i32
      %dma_wait3A_19 = tpu.memref_slice %arg11[%mul3A_9, %dma_wait3A_18] : memref<10112x128xf32, #tpu.memory_space<vmem_shared>> -> memref<632x128xf32, #tpu.memory_space<vmem_shared>>
      tpu.wait_dma2 semaphore(%run_scoped3A : memref<!tpu.dma_semaphore, #tpu.memory_space<semaphore_mem>>) src(%dma_wait3A_19 : memref<632x128xf32, #tpu.memory_space<vmem_shared>>) dst(%dma_wait3A_17 : memref<632x128xf32, #tpu.memory_space<hbm>>)
      tpu.yield
    }) : () -> ()
    return
  }
}

#map = affine_map<(d0, d1) -> (0, 0)>
#map1 = affine_map<(d0, d1) -> (0)>
module attributes {stable_mosaic.version = 14 : i64} {
  func.func @_lg_body(%arg0: i32, %arg1: i32, %arg2: memref<10000x256xf32, #tpu.memory_space<hbm>>, %arg3: memref<102400xi32, #tpu.memory_space<hbm>>, %arg4: memref<102400x256xf32, #tpu.memory_space<hbm>>, %arg5: memref<3200xi32, #tpu.memory_space<vmem>>, %arg6: memref<128x256xf32, #tpu.memory_space<vmem>>, %arg7: memref<128x256xf32, #tpu.memory_space<vmem>>, %arg8: memref<128x256xf32, #tpu.memory_space<vmem>>, %arg9: memref<!tpu.dma_semaphore, #tpu.memory_space<semaphore_mem>>, %arg10: memref<!tpu.dma_semaphore, #tpu.memory_space<semaphore_mem>>, %arg11: memref<!tpu.dma_semaphore, #tpu.memory_space<semaphore_mem>>, %arg12: memref<!tpu.dma_semaphore, #tpu.memory_space<semaphore_mem>>, %arg13: memref<!tpu.dma_semaphore, #tpu.memory_space<semaphore_mem>>, %arg14: memref<!tpu.dma_semaphore, #tpu.memory_space<semaphore_mem>>) attributes {dimension_semantics = [#tpu.dimension_semantics<core_parallel>, #tpu.dimension_semantics<subcore_parallel>], iteration_bounds = array<i64: 2, 16>, scalar_prefetch = 0 : i64, scratch_operands = 10 : i64, tpu.core_type = #tpu.core_type<sc_vector_subcore>, window_params = [{transform_indices = #map}, {transform_indices = #map1}, {transform_indices = #map}]} {
    %eq3A = arith.constant 0 : i32
    %eq3A_0 = arith.cmpi eq, %arg0, %eq3A : i32
    %convert_element_type3A = arith.extui %eq3A_0 : i1 to i32
    %cond3A = arith.constant 0 : i32
    %cond3A_1 = arith.cmpi ne, %convert_element_type3A, %cond3A : i32
    scf.if %cond3A_1 {
      %mul3A = arith.constant 3200 : i32
      %mul3A_7 = arith.muli %arg1, %mul3A : i32
      "tpu.region"() ({
        %run_scoped3A = tpu.sem_alloc : memref<!tpu.dma_semaphore, #tpu.memory_space<semaphore_mem>>
        %dma_start3A_64 = arith.constant 0 : i32
        %dma_start3A_65 = tpu.memref_slice %arg5[%dma_start3A_64] : memref<3200xi32, #tpu.memory_space<vmem>> -> memref<3200xi32, #tpu.memory_space<vmem>>
        %dma_start3A_66 = tpu.memref_slice %arg3[%mul3A_7] : memref<102400xi32, #tpu.memory_space<hbm>> -> memref<3200xi32, #tpu.memory_space<hbm>>
        %dma_start3A_67 = arith.constant 0 : i32
        %dma_start3A_68 = tpu.memref_slice %arg5[%dma_start3A_67] : memref<3200xi32, #tpu.memory_space<vmem>> -> memref<3200xi32, #tpu.memory_space<vmem>>
        %dma_start3A_69 = tpu.memref_slice %arg3[%mul3A_7] : memref<102400xi32, #tpu.memory_space<hbm>> -> memref<3200xi32, #tpu.memory_space<hbm>>
        tpu.enqueue_dma source(%dma_start3A_69 : memref<3200xi32, #tpu.memory_space<hbm>>) target(%dma_start3A_68 : memref<3200xi32, #tpu.memory_space<vmem>>) target_semaphore(%run_scoped3A : memref<!tpu.dma_semaphore, #tpu.memory_space<semaphore_mem>>)
        %dma_wait3A_70 = arith.constant 0 : i32
        %dma_wait3A_71 = tpu.memref_slice %arg5[%dma_wait3A_70] : memref<3200xi32, #tpu.memory_space<vmem>> -> memref<3200xi32, #tpu.memory_space<vmem>>
        %dma_wait3A_72 = tpu.memref_slice %arg3[%mul3A_7] : memref<102400xi32, #tpu.memory_space<hbm>> -> memref<3200xi32, #tpu.memory_space<hbm>>
        %dma_wait3A_73 = arith.constant 0 : i32
        %dma_wait3A_74 = tpu.memref_slice %arg5[%dma_wait3A_73] : memref<3200xi32, #tpu.memory_space<vmem>> -> memref<3200xi32, #tpu.memory_space<vmem>>
        %dma_wait3A_75 = tpu.memref_slice %arg3[%mul3A_7] : memref<102400xi32, #tpu.memory_space<hbm>> -> memref<3200xi32, #tpu.memory_space<hbm>>
        tpu.wait_dma2 semaphore(%run_scoped3A : memref<!tpu.dma_semaphore, #tpu.memory_space<semaphore_mem>>) src(%dma_wait3A_75 : memref<3200xi32, #tpu.memory_space<hbm>>) dst(%dma_wait3A_74 : memref<3200xi32, #tpu.memory_space<vmem>>)
        tpu.yield
      }) : () -> ()
      %dma_start3A = arith.constant 0 : i32
      %dma_start3A_8 = tpu.memref_slice %arg5[%dma_start3A] : memref<3200xi32, #tpu.memory_space<vmem>> -> memref<128xi32, #tpu.memory_space<vmem>>
      %dma_start3A_9 = arith.constant 0 : i32
      %dma_start3A_10 = arith.constant 0 : i32
      %dma_start3A_11 = tpu.memref_slice %arg2[%dma_start3A_9, %dma_start3A_10] : memref<10000x256xf32, #tpu.memory_space<hbm>> -> memref<10000x256xf32, #tpu.memory_space<hbm>>
      tpu.enqueue_indirect_dma source(%dma_start3A_11 : memref<10000x256xf32, #tpu.memory_space<hbm>>) target(%arg6 : memref<128x256xf32, #tpu.memory_space<vmem>>) offsets(%dma_start3A_8 : memref<128xi32, #tpu.memory_space<vmem>>) semaphore(%arg9 : memref<!tpu.dma_semaphore, #tpu.memory_space<semaphore_mem>>)
      %dma_start3A_12 = arith.constant 128 : i32
      %dma_start3A_13 = tpu.memref_slice %arg5[%dma_start3A_12] : memref<3200xi32, #tpu.memory_space<vmem>> -> memref<128xi32, #tpu.memory_space<vmem>>
      %dma_start3A_14 = arith.constant 0 : i32
      %dma_start3A_15 = arith.constant 0 : i32
      %dma_start3A_16 = tpu.memref_slice %arg2[%dma_start3A_14, %dma_start3A_15] : memref<10000x256xf32, #tpu.memory_space<hbm>> -> memref<10000x256xf32, #tpu.memory_space<hbm>>
      tpu.enqueue_indirect_dma source(%dma_start3A_16 : memref<10000x256xf32, #tpu.memory_space<hbm>>) target(%arg7 : memref<128x256xf32, #tpu.memory_space<vmem>>) offsets(%dma_start3A_13 : memref<128xi32, #tpu.memory_space<vmem>>) semaphore(%arg10 : memref<!tpu.dma_semaphore, #tpu.memory_space<semaphore_mem>>)
      %dma_start3A_17 = arith.constant 256 : i32
      %dma_start3A_18 = tpu.memref_slice %arg5[%dma_start3A_17] : memref<3200xi32, #tpu.memory_space<vmem>> -> memref<128xi32, #tpu.memory_space<vmem>>
      %dma_start3A_19 = arith.constant 0 : i32
      %dma_start3A_20 = arith.constant 0 : i32
      %dma_start3A_21 = tpu.memref_slice %arg2[%dma_start3A_19, %dma_start3A_20] : memref<10000x256xf32, #tpu.memory_space<hbm>> -> memref<10000x256xf32, #tpu.memory_space<hbm>>
      tpu.enqueue_indirect_dma source(%dma_start3A_21 : memref<10000x256xf32, #tpu.memory_space<hbm>>) target(%arg8 : memref<128x256xf32, #tpu.memory_space<vmem>>) offsets(%dma_start3A_18 : memref<128xi32, #tpu.memory_space<vmem>>) semaphore(%arg11 : memref<!tpu.dma_semaphore, #tpu.memory_space<semaphore_mem>>)
      %scan3A = arith.constant 0 : i32
      %scan3A_22 = arith.constant 8 : i32
      %scan3A_23 = arith.addi %scan3A, %scan3A_22 : i32
      %scan3A_24 = arith.constant 1 : i32
      scf.for %scan3A_64 = %scan3A to %scan3A_23 step %scan3A_24  : i32 {
        %mul3A_65 = arith.constant 3 : i32
        %mul3A_66 = arith.muli %scan3A_64, %mul3A_65 : i32
        %add3A_67 = arith.constant 0 : i32
        %add3A_68 = arith.addi %mul3A_66, %add3A_67 : i32
        %mul3A_69 = arith.constant 128 : i32
        %mul3A_70 = arith.muli %add3A_68, %mul3A_69 : i32
        %dma_wait3A_71 = tpu.memref_slice %arg5[%mul3A_70] : memref<3200xi32, #tpu.memory_space<vmem>> -> memref<128xi32, #tpu.memory_space<vmem>>
        %dma_wait3A_72 = arith.constant 0 : i32
        %dma_wait3A_73 = arith.constant 0 : i32
        %dma_wait3A_74 = tpu.memref_slice %arg2[%dma_wait3A_72, %dma_wait3A_73] : memref<10000x256xf32, #tpu.memory_space<hbm>> -> memref<10000x256xf32, #tpu.memory_space<hbm>>
        tpu.wait_indirect_dma semaphore(%arg9 : memref<!tpu.dma_semaphore, #tpu.memory_space<semaphore_mem>>) src(%dma_wait3A_74 : memref<10000x256xf32, #tpu.memory_space<hbm>>) dst(%arg6 : memref<128x256xf32, #tpu.memory_space<vmem>>)
        %add3A_75 = arith.constant 0 : i32
        %add3A_76 = arith.addi %mul3A_66, %add3A_75 : i32
        %mul3A_77 = arith.constant 128 : i32
        %mul3A_78 = arith.muli %add3A_76, %mul3A_77 : i32
        %add3A_79 = arith.addi %mul3A_7, %mul3A_78 : i32
        %dma_start3A_80 = arith.constant 0 : i32
        %dma_start3A_81 = tpu.memref_slice %arg4[%add3A_79, %dma_start3A_80] : memref<102400x256xf32, #tpu.memory_space<hbm>> -> memref<128x256xf32, #tpu.memory_space<hbm>>
        %dma_start3A_82 = arith.constant 0 : i32
        %dma_start3A_83 = tpu.memref_slice %arg4[%add3A_79, %dma_start3A_82] : memref<102400x256xf32, #tpu.memory_space<hbm>> -> memref<128x256xf32, #tpu.memory_space<hbm>>
        tpu.enqueue_dma source(%arg6 : memref<128x256xf32, #tpu.memory_space<vmem>>) target(%dma_start3A_83 : memref<128x256xf32, #tpu.memory_space<hbm>>) target_semaphore(%arg12 : memref<!tpu.dma_semaphore, #tpu.memory_space<semaphore_mem>>)
        %lt3A = arith.constant 7 : i32
        %lt3A_84 = arith.cmpi slt, %scan3A_64, %lt3A : i32
        %convert_element_type3A_85 = arith.extui %lt3A_84 : i1 to i32
        %cond3A_86 = arith.constant 0 : i32
        %cond3A_87 = arith.cmpi ne, %convert_element_type3A_85, %cond3A_86 : i32
        scf.if %cond3A_87 {
          %add3A_132 = arith.constant 0 : i32
          %add3A_133 = arith.addi %mul3A_66, %add3A_132 : i32
          %mul3A_134 = arith.constant 128 : i32
          %mul3A_135 = arith.muli %add3A_133, %mul3A_134 : i32
          %add3A_136 = arith.addi %mul3A_7, %mul3A_135 : i32
          %dma_wait3A_137 = arith.constant 0 : i32
          %dma_wait3A_138 = tpu.memref_slice %arg4[%add3A_136, %dma_wait3A_137] : memref<102400x256xf32, #tpu.memory_space<hbm>> -> memref<128x256xf32, #tpu.memory_space<hbm>>
          %dma_wait3A_139 = arith.constant 0 : i32
          %dma_wait3A_140 = tpu.memref_slice %arg4[%add3A_136, %dma_wait3A_139] : memref<102400x256xf32, #tpu.memory_space<hbm>> -> memref<128x256xf32, #tpu.memory_space<hbm>>
          tpu.wait_dma2 semaphore(%arg12 : memref<!tpu.dma_semaphore, #tpu.memory_space<semaphore_mem>>) src(%arg6 : memref<128x256xf32, #tpu.memory_space<vmem>>) dst(%dma_wait3A_140 : memref<128x256xf32, #tpu.memory_space<hbm>>)
          %add3A_141 = arith.constant 0 : i32
          %add3A_142 = arith.addi %mul3A_66, %add3A_141 : i32
          %add3A_143 = arith.constant 3 : i32
          %add3A_144 = arith.addi %add3A_142, %add3A_143 : i32
          %mul3A_145 = arith.constant 128 : i32
          %mul3A_146 = arith.muli %add3A_144, %mul3A_145 : i32
          %dma_start3A_147 = tpu.memref_slice %arg5[%mul3A_146] : memref<3200xi32, #tpu.memory_space<vmem>> -> memref<128xi32, #tpu.memory_space<vmem>>
          %dma_start3A_148 = arith.constant 0 : i32
          %dma_start3A_149 = arith.constant 0 : i32
          %dma_start3A_150 = tpu.memref_slice %arg2[%dma_start3A_148, %dma_start3A_149] : memref<10000x256xf32, #tpu.memory_space<hbm>> -> memref<10000x256xf32, #tpu.memory_space<hbm>>
          tpu.enqueue_indirect_dma source(%dma_start3A_150 : memref<10000x256xf32, #tpu.memory_space<hbm>>) target(%arg6 : memref<128x256xf32, #tpu.memory_space<vmem>>) offsets(%dma_start3A_147 : memref<128xi32, #tpu.memory_space<vmem>>) semaphore(%arg9 : memref<!tpu.dma_semaphore, #tpu.memory_space<semaphore_mem>>)
        } else {
        }
        %add3A_88 = arith.constant 1 : i32
        %add3A_89 = arith.addi %mul3A_66, %add3A_88 : i32
        %mul3A_90 = arith.constant 128 : i32
        %mul3A_91 = arith.muli %add3A_89, %mul3A_90 : i32
        %dma_wait3A_92 = tpu.memref_slice %arg5[%mul3A_91] : memref<3200xi32, #tpu.memory_space<vmem>> -> memref<128xi32, #tpu.memory_space<vmem>>
        %dma_wait3A_93 = arith.constant 0 : i32
        %dma_wait3A_94 = arith.constant 0 : i32
        %dma_wait3A_95 = tpu.memref_slice %arg2[%dma_wait3A_93, %dma_wait3A_94] : memref<10000x256xf32, #tpu.memory_space<hbm>> -> memref<10000x256xf32, #tpu.memory_space<hbm>>
        tpu.wait_indirect_dma semaphore(%arg10 : memref<!tpu.dma_semaphore, #tpu.memory_space<semaphore_mem>>) src(%dma_wait3A_95 : memref<10000x256xf32, #tpu.memory_space<hbm>>) dst(%arg7 : memref<128x256xf32, #tpu.memory_space<vmem>>)
        %add3A_96 = arith.constant 1 : i32
        %add3A_97 = arith.addi %mul3A_66, %add3A_96 : i32
        %mul3A_98 = arith.constant 128 : i32
        %mul3A_99 = arith.muli %add3A_97, %mul3A_98 : i32
        %add3A_100 = arith.addi %mul3A_7, %mul3A_99 : i32
        %dma_start3A_101 = arith.constant 0 : i32
        %dma_start3A_102 = tpu.memref_slice %arg4[%add3A_100, %dma_start3A_101] : memref<102400x256xf32, #tpu.memory_space<hbm>> -> memref<128x256xf32, #tpu.memory_space<hbm>>
        %dma_start3A_103 = arith.constant 0 : i32
        %dma_start3A_104 = tpu.memref_slice %arg4[%add3A_100, %dma_start3A_103] : memref<102400x256xf32, #tpu.memory_space<hbm>> -> memref<128x256xf32, #tpu.memory_space<hbm>>
        tpu.enqueue_dma source(%arg7 : memref<128x256xf32, #tpu.memory_space<vmem>>) target(%dma_start3A_104 : memref<128x256xf32, #tpu.memory_space<hbm>>) target_semaphore(%arg13 : memref<!tpu.dma_semaphore, #tpu.memory_space<semaphore_mem>>)
        %lt3A_105 = arith.constant 7 : i32
        %lt3A_106 = arith.cmpi slt, %scan3A_64, %lt3A_105 : i32
        %convert_element_type3A_107 = arith.extui %lt3A_106 : i1 to i32
        %cond3A_108 = arith.constant 0 : i32
        %cond3A_109 = arith.cmpi ne, %convert_element_type3A_107, %cond3A_108 : i32
        scf.if %cond3A_109 {
          %add3A_132 = arith.constant 1 : i32
          %add3A_133 = arith.addi %mul3A_66, %add3A_132 : i32
          %mul3A_134 = arith.constant 128 : i32
          %mul3A_135 = arith.muli %add3A_133, %mul3A_134 : i32
          %add3A_136 = arith.addi %mul3A_7, %mul3A_135 : i32
          %dma_wait3A_137 = arith.constant 0 : i32
          %dma_wait3A_138 = tpu.memref_slice %arg4[%add3A_136, %dma_wait3A_137] : memref<102400x256xf32, #tpu.memory_space<hbm>> -> memref<128x256xf32, #tpu.memory_space<hbm>>
          %dma_wait3A_139 = arith.constant 0 : i32
          %dma_wait3A_140 = tpu.memref_slice %arg4[%add3A_136, %dma_wait3A_139] : memref<102400x256xf32, #tpu.memory_space<hbm>> -> memref<128x256xf32, #tpu.memory_space<hbm>>
          tpu.wait_dma2 semaphore(%arg13 : memref<!tpu.dma_semaphore, #tpu.memory_space<semaphore_mem>>) src(%arg7 : memref<128x256xf32, #tpu.memory_space<vmem>>) dst(%dma_wait3A_140 : memref<128x256xf32, #tpu.memory_space<hbm>>)
          %add3A_141 = arith.constant 1 : i32
          %add3A_142 = arith.addi %mul3A_66, %add3A_141 : i32
          %add3A_143 = arith.constant 3 : i32
          %add3A_144 = arith.addi %add3A_142, %add3A_143 : i32
          %mul3A_145 = arith.constant 128 : i32
          %mul3A_146 = arith.muli %add3A_144, %mul3A_145 : i32
          %dma_start3A_147 = tpu.memref_slice %arg5[%mul3A_146] : memref<3200xi32, #tpu.memory_space<vmem>> -> memref<128xi32, #tpu.memory_space<vmem>>
          %dma_start3A_148 = arith.constant 0 : i32
          %dma_start3A_149 = arith.constant 0 : i32
          %dma_start3A_150 = tpu.memref_slice %arg2[%dma_start3A_148, %dma_start3A_149] : memref<10000x256xf32, #tpu.memory_space<hbm>> -> memref<10000x256xf32, #tpu.memory_space<hbm>>
          tpu.enqueue_indirect_dma source(%dma_start3A_150 : memref<10000x256xf32, #tpu.memory_space<hbm>>) target(%arg7 : memref<128x256xf32, #tpu.memory_space<vmem>>) offsets(%dma_start3A_147 : memref<128xi32, #tpu.memory_space<vmem>>) semaphore(%arg10 : memref<!tpu.dma_semaphore, #tpu.memory_space<semaphore_mem>>)
        } else {
        }
        %add3A_110 = arith.constant 2 : i32
        %add3A_111 = arith.addi %mul3A_66, %add3A_110 : i32
        %mul3A_112 = arith.constant 128 : i32
        %mul3A_113 = arith.muli %add3A_111, %mul3A_112 : i32
        %dma_wait3A_114 = tpu.memref_slice %arg5[%mul3A_113] : memref<3200xi32, #tpu.memory_space<vmem>> -> memref<128xi32, #tpu.memory_space<vmem>>
        %dma_wait3A_115 = arith.constant 0 : i32
        %dma_wait3A_116 = arith.constant 0 : i32
        %dma_wait3A_117 = tpu.memref_slice %arg2[%dma_wait3A_115, %dma_wait3A_116] : memref<10000x256xf32, #tpu.memory_space<hbm>> -> memref<10000x256xf32, #tpu.memory_space<hbm>>
        tpu.wait_indirect_dma semaphore(%arg11 : memref<!tpu.dma_semaphore, #tpu.memory_space<semaphore_mem>>) src(%dma_wait3A_117 : memref<10000x256xf32, #tpu.memory_space<hbm>>) dst(%arg8 : memref<128x256xf32, #tpu.memory_space<vmem>>)
        %add3A_118 = arith.constant 2 : i32
        %add3A_119 = arith.addi %mul3A_66, %add3A_118 : i32
        %mul3A_120 = arith.constant 128 : i32
        %mul3A_121 = arith.muli %add3A_119, %mul3A_120 : i32
        %add3A_122 = arith.addi %mul3A_7, %mul3A_121 : i32
        %dma_start3A_123 = arith.constant 0 : i32
        %dma_start3A_124 = tpu.memref_slice %arg4[%add3A_122, %dma_start3A_123] : memref<102400x256xf32, #tpu.memory_space<hbm>> -> memref<128x256xf32, #tpu.memory_space<hbm>>
        %dma_start3A_125 = arith.constant 0 : i32
        %dma_start3A_126 = tpu.memref_slice %arg4[%add3A_122, %dma_start3A_125] : memref<102400x256xf32, #tpu.memory_space<hbm>> -> memref<128x256xf32, #tpu.memory_space<hbm>>
        tpu.enqueue_dma source(%arg8 : memref<128x256xf32, #tpu.memory_space<vmem>>) target(%dma_start3A_126 : memref<128x256xf32, #tpu.memory_space<hbm>>) target_semaphore(%arg14 : memref<!tpu.dma_semaphore, #tpu.memory_space<semaphore_mem>>)
        %lt3A_127 = arith.constant 7 : i32
        %lt3A_128 = arith.cmpi slt, %scan3A_64, %lt3A_127 : i32
        %convert_element_type3A_129 = arith.extui %lt3A_128 : i1 to i32
        %cond3A_130 = arith.constant 0 : i32
        %cond3A_131 = arith.cmpi ne, %convert_element_type3A_129, %cond3A_130 : i32
        scf.if %cond3A_131 {
          %add3A_132 = arith.constant 2 : i32
          %add3A_133 = arith.addi %mul3A_66, %add3A_132 : i32
          %mul3A_134 = arith.constant 128 : i32
          %mul3A_135 = arith.muli %add3A_133, %mul3A_134 : i32
          %add3A_136 = arith.addi %mul3A_7, %mul3A_135 : i32
          %dma_wait3A_137 = arith.constant 0 : i32
          %dma_wait3A_138 = tpu.memref_slice %arg4[%add3A_136, %dma_wait3A_137] : memref<102400x256xf32, #tpu.memory_space<hbm>> -> memref<128x256xf32, #tpu.memory_space<hbm>>
          %dma_wait3A_139 = arith.constant 0 : i32
          %dma_wait3A_140 = tpu.memref_slice %arg4[%add3A_136, %dma_wait3A_139] : memref<102400x256xf32, #tpu.memory_space<hbm>> -> memref<128x256xf32, #tpu.memory_space<hbm>>
          tpu.wait_dma2 semaphore(%arg14 : memref<!tpu.dma_semaphore, #tpu.memory_space<semaphore_mem>>) src(%arg8 : memref<128x256xf32, #tpu.memory_space<vmem>>) dst(%dma_wait3A_140 : memref<128x256xf32, #tpu.memory_space<hbm>>)
          %add3A_141 = arith.constant 2 : i32
          %add3A_142 = arith.addi %mul3A_66, %add3A_141 : i32
          %add3A_143 = arith.constant 3 : i32
          %add3A_144 = arith.addi %add3A_142, %add3A_143 : i32
          %mul3A_145 = arith.constant 128 : i32
          %mul3A_146 = arith.muli %add3A_144, %mul3A_145 : i32
          %dma_start3A_147 = tpu.memref_slice %arg5[%mul3A_146] : memref<3200xi32, #tpu.memory_space<vmem>> -> memref<128xi32, #tpu.memory_space<vmem>>
          %dma_start3A_148 = arith.constant 0 : i32
          %dma_start3A_149 = arith.constant 0 : i32
          %dma_start3A_150 = tpu.memref_slice %arg2[%dma_start3A_148, %dma_start3A_149] : memref<10000x256xf32, #tpu.memory_space<hbm>> -> memref<10000x256xf32, #tpu.memory_space<hbm>>
          tpu.enqueue_indirect_dma source(%dma_start3A_150 : memref<10000x256xf32, #tpu.memory_space<hbm>>) target(%arg8 : memref<128x256xf32, #tpu.memory_space<vmem>>) offsets(%dma_start3A_147 : memref<128xi32, #tpu.memory_space<vmem>>) semaphore(%arg11 : memref<!tpu.dma_semaphore, #tpu.memory_space<semaphore_mem>>)
        } else {
        }
      }
      %scan3A_25 = arith.constant 8 : i32
      %add3A = arith.constant 2688 : i32
      %add3A_26 = arith.addi %mul3A_7, %add3A : i32
      %dma_wait3A = arith.constant 0 : i32
      %dma_wait3A_27 = tpu.memref_slice %arg4[%add3A_26, %dma_wait3A] : memref<102400x256xf32, #tpu.memory_space<hbm>> -> memref<128x256xf32, #tpu.memory_space<hbm>>
      %dma_wait3A_28 = arith.constant 0 : i32
      %dma_wait3A_29 = tpu.memref_slice %arg4[%add3A_26, %dma_wait3A_28] : memref<102400x256xf32, #tpu.memory_space<hbm>> -> memref<128x256xf32, #tpu.memory_space<hbm>>
      tpu.wait_dma2 semaphore(%arg12 : memref<!tpu.dma_semaphore, #tpu.memory_space<semaphore_mem>>) src(%arg6 : memref<128x256xf32, #tpu.memory_space<vmem>>) dst(%dma_wait3A_29 : memref<128x256xf32, #tpu.memory_space<hbm>>)
      %dma_start3A_30 = arith.constant 3072 : i32
      %dma_start3A_31 = tpu.memref_slice %arg5[%dma_start3A_30] : memref<3200xi32, #tpu.memory_space<vmem>> -> memref<128xi32, #tpu.memory_space<vmem>>
      %dma_start3A_32 = arith.constant 0 : i32
      %dma_start3A_33 = arith.constant 0 : i32
      %dma_start3A_34 = tpu.memref_slice %arg2[%dma_start3A_32, %dma_start3A_33] : memref<10000x256xf32, #tpu.memory_space<hbm>> -> memref<10000x256xf32, #tpu.memory_space<hbm>>
      tpu.enqueue_indirect_dma source(%dma_start3A_34 : memref<10000x256xf32, #tpu.memory_space<hbm>>) target(%arg6 : memref<128x256xf32, #tpu.memory_space<vmem>>) offsets(%dma_start3A_31 : memref<128xi32, #tpu.memory_space<vmem>>) semaphore(%arg9 : memref<!tpu.dma_semaphore, #tpu.memory_space<semaphore_mem>>)
      %dma_wait3A_35 = arith.constant 3072 : i32
      %dma_wait3A_36 = tpu.memref_slice %arg5[%dma_wait3A_35] : memref<3200xi32, #tpu.memory_space<vmem>> -> memref<128xi32, #tpu.memory_space<vmem>>
      %dma_wait3A_37 = arith.constant 0 : i32
      %dma_wait3A_38 = arith.constant 0 : i32
      %dma_wait3A_39 = tpu.memref_slice %arg2[%dma_wait3A_37, %dma_wait3A_38] : memref<10000x256xf32, #tpu.memory_space<hbm>> -> memref<10000x256xf32, #tpu.memory_space<hbm>>
      tpu.wait_indirect_dma semaphore(%arg9 : memref<!tpu.dma_semaphore, #tpu.memory_space<semaphore_mem>>) src(%dma_wait3A_39 : memref<10000x256xf32, #tpu.memory_space<hbm>>) dst(%arg6 : memref<128x256xf32, #tpu.memory_space<vmem>>)
      %add3A_40 = arith.constant 3072 : i32
      %add3A_41 = arith.addi %mul3A_7, %add3A_40 : i32
      %dma_start3A_42 = arith.constant 0 : i32
      %dma_start3A_43 = tpu.memref_slice %arg4[%add3A_41, %dma_start3A_42] : memref<102400x256xf32, #tpu.memory_space<hbm>> -> memref<128x256xf32, #tpu.memory_space<hbm>>
      %dma_start3A_44 = arith.constant 0 : i32
      %dma_start3A_45 = tpu.memref_slice %arg4[%add3A_41, %dma_start3A_44] : memref<102400x256xf32, #tpu.memory_space<hbm>> -> memref<128x256xf32, #tpu.memory_space<hbm>>
      tpu.enqueue_dma source(%arg6 : memref<128x256xf32, #tpu.memory_space<vmem>>) target(%dma_start3A_45 : memref<128x256xf32, #tpu.memory_space<hbm>>) target_semaphore(%arg12 : memref<!tpu.dma_semaphore, #tpu.memory_space<semaphore_mem>>)
      %add3A_46 = arith.constant 3072 : i32
      %add3A_47 = arith.addi %mul3A_7, %add3A_46 : i32
      %dma_wait3A_48 = arith.constant 0 : i32
      %dma_wait3A_49 = tpu.memref_slice %arg4[%add3A_47, %dma_wait3A_48] : memref<102400x256xf32, #tpu.memory_space<hbm>> -> memref<128x256xf32, #tpu.memory_space<hbm>>
      %dma_wait3A_50 = arith.constant 0 : i32
      %dma_wait3A_51 = tpu.memref_slice %arg4[%add3A_47, %dma_wait3A_50] : memref<102400x256xf32, #tpu.memory_space<hbm>> -> memref<128x256xf32, #tpu.memory_space<hbm>>
      tpu.wait_dma2 semaphore(%arg12 : memref<!tpu.dma_semaphore, #tpu.memory_space<semaphore_mem>>) src(%arg6 : memref<128x256xf32, #tpu.memory_space<vmem>>) dst(%dma_wait3A_51 : memref<128x256xf32, #tpu.memory_space<hbm>>)
      %add3A_52 = arith.constant 2816 : i32
      %add3A_53 = arith.addi %mul3A_7, %add3A_52 : i32
      %dma_wait3A_54 = arith.constant 0 : i32
      %dma_wait3A_55 = tpu.memref_slice %arg4[%add3A_53, %dma_wait3A_54] : memref<102400x256xf32, #tpu.memory_space<hbm>> -> memref<128x256xf32, #tpu.memory_space<hbm>>
      %dma_wait3A_56 = arith.constant 0 : i32
      %dma_wait3A_57 = tpu.memref_slice %arg4[%add3A_53, %dma_wait3A_56] : memref<102400x256xf32, #tpu.memory_space<hbm>> -> memref<128x256xf32, #tpu.memory_space<hbm>>
      tpu.wait_dma2 semaphore(%arg13 : memref<!tpu.dma_semaphore, #tpu.memory_space<semaphore_mem>>) src(%arg7 : memref<128x256xf32, #tpu.memory_space<vmem>>) dst(%dma_wait3A_57 : memref<128x256xf32, #tpu.memory_space<hbm>>)
      %add3A_58 = arith.constant 2944 : i32
      %add3A_59 = arith.addi %mul3A_7, %add3A_58 : i32
      %dma_wait3A_60 = arith.constant 0 : i32
      %dma_wait3A_61 = tpu.memref_slice %arg4[%add3A_59, %dma_wait3A_60] : memref<102400x256xf32, #tpu.memory_space<hbm>> -> memref<128x256xf32, #tpu.memory_space<hbm>>
      %dma_wait3A_62 = arith.constant 0 : i32
      %dma_wait3A_63 = tpu.memref_slice %arg4[%add3A_59, %dma_wait3A_62] : memref<102400x256xf32, #tpu.memory_space<hbm>> -> memref<128x256xf32, #tpu.memory_space<hbm>>
      tpu.wait_dma2 semaphore(%arg14 : memref<!tpu.dma_semaphore, #tpu.memory_space<semaphore_mem>>) src(%arg8 : memref<128x256xf32, #tpu.memory_space<vmem>>) dst(%dma_wait3A_63 : memref<128x256xf32, #tpu.memory_space<hbm>>)
    } else {
    }
    %eq3A_2 = arith.constant 1 : i32
    %eq3A_3 = arith.cmpi eq, %arg0, %eq3A_2 : i32
    %convert_element_type3A_4 = arith.extui %eq3A_3 : i1 to i32
    %cond3A_5 = arith.constant 0 : i32
    %cond3A_6 = arith.cmpi ne, %convert_element_type3A_4, %cond3A_5 : i32
    scf.if %cond3A_6 {
      %mul3A = arith.constant 3200 : i32
      %mul3A_7 = arith.muli %arg1, %mul3A : i32
      %add3A = arith.constant 51200 : i32
      %add3A_8 = arith.addi %add3A, %mul3A_7 : i32
      "tpu.region"() ({
        %run_scoped3A = tpu.sem_alloc : memref<!tpu.dma_semaphore, #tpu.memory_space<semaphore_mem>>
        %dma_start3A_66 = arith.constant 0 : i32
        %dma_start3A_67 = tpu.memref_slice %arg5[%dma_start3A_66] : memref<3200xi32, #tpu.memory_space<vmem>> -> memref<3200xi32, #tpu.memory_space<vmem>>
        %dma_start3A_68 = tpu.memref_slice %arg3[%add3A_8] : memref<102400xi32, #tpu.memory_space<hbm>> -> memref<3200xi32, #tpu.memory_space<hbm>>
        %dma_start3A_69 = arith.constant 0 : i32
        %dma_start3A_70 = tpu.memref_slice %arg5[%dma_start3A_69] : memref<3200xi32, #tpu.memory_space<vmem>> -> memref<3200xi32, #tpu.memory_space<vmem>>
        %dma_start3A_71 = tpu.memref_slice %arg3[%add3A_8] : memref<102400xi32, #tpu.memory_space<hbm>> -> memref<3200xi32, #tpu.memory_space<hbm>>
        tpu.enqueue_dma source(%dma_start3A_71 : memref<3200xi32, #tpu.memory_space<hbm>>) target(%dma_start3A_70 : memref<3200xi32, #tpu.memory_space<vmem>>) target_semaphore(%run_scoped3A : memref<!tpu.dma_semaphore, #tpu.memory_space<semaphore_mem>>)
        %dma_wait3A_72 = arith.constant 0 : i32
        %dma_wait3A_73 = tpu.memref_slice %arg5[%dma_wait3A_72] : memref<3200xi32, #tpu.memory_space<vmem>> -> memref<3200xi32, #tpu.memory_space<vmem>>
        %dma_wait3A_74 = tpu.memref_slice %arg3[%add3A_8] : memref<102400xi32, #tpu.memory_space<hbm>> -> memref<3200xi32, #tpu.memory_space<hbm>>
        %dma_wait3A_75 = arith.constant 0 : i32
        %dma_wait3A_76 = tpu.memref_slice %arg5[%dma_wait3A_75] : memref<3200xi32, #tpu.memory_space<vmem>> -> memref<3200xi32, #tpu.memory_space<vmem>>
        %dma_wait3A_77 = tpu.memref_slice %arg3[%add3A_8] : memref<102400xi32, #tpu.memory_space<hbm>> -> memref<3200xi32, #tpu.memory_space<hbm>>
        tpu.wait_dma2 semaphore(%run_scoped3A : memref<!tpu.dma_semaphore, #tpu.memory_space<semaphore_mem>>) src(%dma_wait3A_77 : memref<3200xi32, #tpu.memory_space<hbm>>) dst(%dma_wait3A_76 : memref<3200xi32, #tpu.memory_space<vmem>>)
        tpu.yield
      }) : () -> ()
      %dma_start3A = arith.constant 0 : i32
      %dma_start3A_9 = tpu.memref_slice %arg5[%dma_start3A] : memref<3200xi32, #tpu.memory_space<vmem>> -> memref<128xi32, #tpu.memory_space<vmem>>
      %dma_start3A_10 = arith.constant 0 : i32
      %dma_start3A_11 = arith.constant 0 : i32
      %dma_start3A_12 = tpu.memref_slice %arg2[%dma_start3A_10, %dma_start3A_11] : memref<10000x256xf32, #tpu.memory_space<hbm>> -> memref<10000x256xf32, #tpu.memory_space<hbm>>
      tpu.enqueue_indirect_dma source(%dma_start3A_12 : memref<10000x256xf32, #tpu.memory_space<hbm>>) target(%arg6 : memref<128x256xf32, #tpu.memory_space<vmem>>) offsets(%dma_start3A_9 : memref<128xi32, #tpu.memory_space<vmem>>) semaphore(%arg9 : memref<!tpu.dma_semaphore, #tpu.memory_space<semaphore_mem>>)
      %dma_start3A_13 = arith.constant 128 : i32
      %dma_start3A_14 = tpu.memref_slice %arg5[%dma_start3A_13] : memref<3200xi32, #tpu.memory_space<vmem>> -> memref<128xi32, #tpu.memory_space<vmem>>
      %dma_start3A_15 = arith.constant 0 : i32
      %dma_start3A_16 = arith.constant 0 : i32
      %dma_start3A_17 = tpu.memref_slice %arg2[%dma_start3A_15, %dma_start3A_16] : memref<10000x256xf32, #tpu.memory_space<hbm>> -> memref<10000x256xf32, #tpu.memory_space<hbm>>
      tpu.enqueue_indirect_dma source(%dma_start3A_17 : memref<10000x256xf32, #tpu.memory_space<hbm>>) target(%arg7 : memref<128x256xf32, #tpu.memory_space<vmem>>) offsets(%dma_start3A_14 : memref<128xi32, #tpu.memory_space<vmem>>) semaphore(%arg10 : memref<!tpu.dma_semaphore, #tpu.memory_space<semaphore_mem>>)
      %dma_start3A_18 = arith.constant 256 : i32
      %dma_start3A_19 = tpu.memref_slice %arg5[%dma_start3A_18] : memref<3200xi32, #tpu.memory_space<vmem>> -> memref<128xi32, #tpu.memory_space<vmem>>
      %dma_start3A_20 = arith.constant 0 : i32
      %dma_start3A_21 = arith.constant 0 : i32
      %dma_start3A_22 = tpu.memref_slice %arg2[%dma_start3A_20, %dma_start3A_21] : memref<10000x256xf32, #tpu.memory_space<hbm>> -> memref<10000x256xf32, #tpu.memory_space<hbm>>
      tpu.enqueue_indirect_dma source(%dma_start3A_22 : memref<10000x256xf32, #tpu.memory_space<hbm>>) target(%arg8 : memref<128x256xf32, #tpu.memory_space<vmem>>) offsets(%dma_start3A_19 : memref<128xi32, #tpu.memory_space<vmem>>) semaphore(%arg11 : memref<!tpu.dma_semaphore, #tpu.memory_space<semaphore_mem>>)
      %scan3A = arith.constant 0 : i32
      %scan3A_23 = arith.constant 8 : i32
      %scan3A_24 = arith.addi %scan3A, %scan3A_23 : i32
      %scan3A_25 = arith.constant 1 : i32
      scf.for %scan3A_66 = %scan3A to %scan3A_24 step %scan3A_25  : i32 {
        %mul3A_67 = arith.constant 3 : i32
        %mul3A_68 = arith.muli %scan3A_66, %mul3A_67 : i32
        %add3A_69 = arith.constant 0 : i32
        %add3A_70 = arith.addi %mul3A_68, %add3A_69 : i32
        %mul3A_71 = arith.constant 128 : i32
        %mul3A_72 = arith.muli %add3A_70, %mul3A_71 : i32
        %dma_wait3A_73 = tpu.memref_slice %arg5[%mul3A_72] : memref<3200xi32, #tpu.memory_space<vmem>> -> memref<128xi32, #tpu.memory_space<vmem>>
        %dma_wait3A_74 = arith.constant 0 : i32
        %dma_wait3A_75 = arith.constant 0 : i32
        %dma_wait3A_76 = tpu.memref_slice %arg2[%dma_wait3A_74, %dma_wait3A_75] : memref<10000x256xf32, #tpu.memory_space<hbm>> -> memref<10000x256xf32, #tpu.memory_space<hbm>>
        tpu.wait_indirect_dma semaphore(%arg9 : memref<!tpu.dma_semaphore, #tpu.memory_space<semaphore_mem>>) src(%dma_wait3A_76 : memref<10000x256xf32, #tpu.memory_space<hbm>>) dst(%arg6 : memref<128x256xf32, #tpu.memory_space<vmem>>)
        %add3A_77 = arith.constant 0 : i32
        %add3A_78 = arith.addi %mul3A_68, %add3A_77 : i32
        %mul3A_79 = arith.constant 128 : i32
        %mul3A_80 = arith.muli %add3A_78, %mul3A_79 : i32
        %add3A_81 = arith.addi %add3A_8, %mul3A_80 : i32
        %dma_start3A_82 = arith.constant 0 : i32
        %dma_start3A_83 = tpu.memref_slice %arg4[%add3A_81, %dma_start3A_82] : memref<102400x256xf32, #tpu.memory_space<hbm>> -> memref<128x256xf32, #tpu.memory_space<hbm>>
        %dma_start3A_84 = arith.constant 0 : i32
        %dma_start3A_85 = tpu.memref_slice %arg4[%add3A_81, %dma_start3A_84] : memref<102400x256xf32, #tpu.memory_space<hbm>> -> memref<128x256xf32, #tpu.memory_space<hbm>>
        tpu.enqueue_dma source(%arg6 : memref<128x256xf32, #tpu.memory_space<vmem>>) target(%dma_start3A_85 : memref<128x256xf32, #tpu.memory_space<hbm>>) target_semaphore(%arg12 : memref<!tpu.dma_semaphore, #tpu.memory_space<semaphore_mem>>)
        %lt3A = arith.constant 7 : i32
        %lt3A_86 = arith.cmpi slt, %scan3A_66, %lt3A : i32
        %convert_element_type3A_87 = arith.extui %lt3A_86 : i1 to i32
        %cond3A_88 = arith.constant 0 : i32
        %cond3A_89 = arith.cmpi ne, %convert_element_type3A_87, %cond3A_88 : i32
        scf.if %cond3A_89 {
          %add3A_134 = arith.constant 0 : i32
          %add3A_135 = arith.addi %mul3A_68, %add3A_134 : i32
          %mul3A_136 = arith.constant 128 : i32
          %mul3A_137 = arith.muli %add3A_135, %mul3A_136 : i32
          %add3A_138 = arith.addi %add3A_8, %mul3A_137 : i32
          %dma_wait3A_139 = arith.constant 0 : i32
          %dma_wait3A_140 = tpu.memref_slice %arg4[%add3A_138, %dma_wait3A_139] : memref<102400x256xf32, #tpu.memory_space<hbm>> -> memref<128x256xf32, #tpu.memory_space<hbm>>
          %dma_wait3A_141 = arith.constant 0 : i32
          %dma_wait3A_142 = tpu.memref_slice %arg4[%add3A_138, %dma_wait3A_141] : memref<102400x256xf32, #tpu.memory_space<hbm>> -> memref<128x256xf32, #tpu.memory_space<hbm>>
          tpu.wait_dma2 semaphore(%arg12 : memref<!tpu.dma_semaphore, #tpu.memory_space<semaphore_mem>>) src(%arg6 : memref<128x256xf32, #tpu.memory_space<vmem>>) dst(%dma_wait3A_142 : memref<128x256xf32, #tpu.memory_space<hbm>>)
          %add3A_143 = arith.constant 0 : i32
          %add3A_144 = arith.addi %mul3A_68, %add3A_143 : i32
          %add3A_145 = arith.constant 3 : i32
          %add3A_146 = arith.addi %add3A_144, %add3A_145 : i32
          %mul3A_147 = arith.constant 128 : i32
          %mul3A_148 = arith.muli %add3A_146, %mul3A_147 : i32
          %dma_start3A_149 = tpu.memref_slice %arg5[%mul3A_148] : memref<3200xi32, #tpu.memory_space<vmem>> -> memref<128xi32, #tpu.memory_space<vmem>>
          %dma_start3A_150 = arith.constant 0 : i32
          %dma_start3A_151 = arith.constant 0 : i32
          %dma_start3A_152 = tpu.memref_slice %arg2[%dma_start3A_150, %dma_start3A_151] : memref<10000x256xf32, #tpu.memory_space<hbm>> -> memref<10000x256xf32, #tpu.memory_space<hbm>>
          tpu.enqueue_indirect_dma source(%dma_start3A_152 : memref<10000x256xf32, #tpu.memory_space<hbm>>) target(%arg6 : memref<128x256xf32, #tpu.memory_space<vmem>>) offsets(%dma_start3A_149 : memref<128xi32, #tpu.memory_space<vmem>>) semaphore(%arg9 : memref<!tpu.dma_semaphore, #tpu.memory_space<semaphore_mem>>)
        } else {
        }
        %add3A_90 = arith.constant 1 : i32
        %add3A_91 = arith.addi %mul3A_68, %add3A_90 : i32
        %mul3A_92 = arith.constant 128 : i32
        %mul3A_93 = arith.muli %add3A_91, %mul3A_92 : i32
        %dma_wait3A_94 = tpu.memref_slice %arg5[%mul3A_93] : memref<3200xi32, #tpu.memory_space<vmem>> -> memref<128xi32, #tpu.memory_space<vmem>>
        %dma_wait3A_95 = arith.constant 0 : i32
        %dma_wait3A_96 = arith.constant 0 : i32
        %dma_wait3A_97 = tpu.memref_slice %arg2[%dma_wait3A_95, %dma_wait3A_96] : memref<10000x256xf32, #tpu.memory_space<hbm>> -> memref<10000x256xf32, #tpu.memory_space<hbm>>
        tpu.wait_indirect_dma semaphore(%arg10 : memref<!tpu.dma_semaphore, #tpu.memory_space<semaphore_mem>>) src(%dma_wait3A_97 : memref<10000x256xf32, #tpu.memory_space<hbm>>) dst(%arg7 : memref<128x256xf32, #tpu.memory_space<vmem>>)
        %add3A_98 = arith.constant 1 : i32
        %add3A_99 = arith.addi %mul3A_68, %add3A_98 : i32
        %mul3A_100 = arith.constant 128 : i32
        %mul3A_101 = arith.muli %add3A_99, %mul3A_100 : i32
        %add3A_102 = arith.addi %add3A_8, %mul3A_101 : i32
        %dma_start3A_103 = arith.constant 0 : i32
        %dma_start3A_104 = tpu.memref_slice %arg4[%add3A_102, %dma_start3A_103] : memref<102400x256xf32, #tpu.memory_space<hbm>> -> memref<128x256xf32, #tpu.memory_space<hbm>>
        %dma_start3A_105 = arith.constant 0 : i32
        %dma_start3A_106 = tpu.memref_slice %arg4[%add3A_102, %dma_start3A_105] : memref<102400x256xf32, #tpu.memory_space<hbm>> -> memref<128x256xf32, #tpu.memory_space<hbm>>
        tpu.enqueue_dma source(%arg7 : memref<128x256xf32, #tpu.memory_space<vmem>>) target(%dma_start3A_106 : memref<128x256xf32, #tpu.memory_space<hbm>>) target_semaphore(%arg13 : memref<!tpu.dma_semaphore, #tpu.memory_space<semaphore_mem>>)
        %lt3A_107 = arith.constant 7 : i32
        %lt3A_108 = arith.cmpi slt, %scan3A_66, %lt3A_107 : i32
        %convert_element_type3A_109 = arith.extui %lt3A_108 : i1 to i32
        %cond3A_110 = arith.constant 0 : i32
        %cond3A_111 = arith.cmpi ne, %convert_element_type3A_109, %cond3A_110 : i32
        scf.if %cond3A_111 {
          %add3A_134 = arith.constant 1 : i32
          %add3A_135 = arith.addi %mul3A_68, %add3A_134 : i32
          %mul3A_136 = arith.constant 128 : i32
          %mul3A_137 = arith.muli %add3A_135, %mul3A_136 : i32
          %add3A_138 = arith.addi %add3A_8, %mul3A_137 : i32
          %dma_wait3A_139 = arith.constant 0 : i32
          %dma_wait3A_140 = tpu.memref_slice %arg4[%add3A_138, %dma_wait3A_139] : memref<102400x256xf32, #tpu.memory_space<hbm>> -> memref<128x256xf32, #tpu.memory_space<hbm>>
          %dma_wait3A_141 = arith.constant 0 : i32
          %dma_wait3A_142 = tpu.memref_slice %arg4[%add3A_138, %dma_wait3A_141] : memref<102400x256xf32, #tpu.memory_space<hbm>> -> memref<128x256xf32, #tpu.memory_space<hbm>>
          tpu.wait_dma2 semaphore(%arg13 : memref<!tpu.dma_semaphore, #tpu.memory_space<semaphore_mem>>) src(%arg7 : memref<128x256xf32, #tpu.memory_space<vmem>>) dst(%dma_wait3A_142 : memref<128x256xf32, #tpu.memory_space<hbm>>)
          %add3A_143 = arith.constant 1 : i32
          %add3A_144 = arith.addi %mul3A_68, %add3A_143 : i32
          %add3A_145 = arith.constant 3 : i32
          %add3A_146 = arith.addi %add3A_144, %add3A_145 : i32
          %mul3A_147 = arith.constant 128 : i32
          %mul3A_148 = arith.muli %add3A_146, %mul3A_147 : i32
          %dma_start3A_149 = tpu.memref_slice %arg5[%mul3A_148] : memref<3200xi32, #tpu.memory_space<vmem>> -> memref<128xi32, #tpu.memory_space<vmem>>
          %dma_start3A_150 = arith.constant 0 : i32
          %dma_start3A_151 = arith.constant 0 : i32
          %dma_start3A_152 = tpu.memref_slice %arg2[%dma_start3A_150, %dma_start3A_151] : memref<10000x256xf32, #tpu.memory_space<hbm>> -> memref<10000x256xf32, #tpu.memory_space<hbm>>
          tpu.enqueue_indirect_dma source(%dma_start3A_152 : memref<10000x256xf32, #tpu.memory_space<hbm>>) target(%arg7 : memref<128x256xf32, #tpu.memory_space<vmem>>) offsets(%dma_start3A_149 : memref<128xi32, #tpu.memory_space<vmem>>) semaphore(%arg10 : memref<!tpu.dma_semaphore, #tpu.memory_space<semaphore_mem>>)
        } else {
        }
        %add3A_112 = arith.constant 2 : i32
        %add3A_113 = arith.addi %mul3A_68, %add3A_112 : i32
        %mul3A_114 = arith.constant 128 : i32
        %mul3A_115 = arith.muli %add3A_113, %mul3A_114 : i32
        %dma_wait3A_116 = tpu.memref_slice %arg5[%mul3A_115] : memref<3200xi32, #tpu.memory_space<vmem>> -> memref<128xi32, #tpu.memory_space<vmem>>
        %dma_wait3A_117 = arith.constant 0 : i32
        %dma_wait3A_118 = arith.constant 0 : i32
        %dma_wait3A_119 = tpu.memref_slice %arg2[%dma_wait3A_117, %dma_wait3A_118] : memref<10000x256xf32, #tpu.memory_space<hbm>> -> memref<10000x256xf32, #tpu.memory_space<hbm>>
        tpu.wait_indirect_dma semaphore(%arg11 : memref<!tpu.dma_semaphore, #tpu.memory_space<semaphore_mem>>) src(%dma_wait3A_119 : memref<10000x256xf32, #tpu.memory_space<hbm>>) dst(%arg8 : memref<128x256xf32, #tpu.memory_space<vmem>>)
        %add3A_120 = arith.constant 2 : i32
        %add3A_121 = arith.addi %mul3A_68, %add3A_120 : i32
        %mul3A_122 = arith.constant 128 : i32
        %mul3A_123 = arith.muli %add3A_121, %mul3A_122 : i32
        %add3A_124 = arith.addi %add3A_8, %mul3A_123 : i32
        %dma_start3A_125 = arith.constant 0 : i32
        %dma_start3A_126 = tpu.memref_slice %arg4[%add3A_124, %dma_start3A_125] : memref<102400x256xf32, #tpu.memory_space<hbm>> -> memref<128x256xf32, #tpu.memory_space<hbm>>
        %dma_start3A_127 = arith.constant 0 : i32
        %dma_start3A_128 = tpu.memref_slice %arg4[%add3A_124, %dma_start3A_127] : memref<102400x256xf32, #tpu.memory_space<hbm>> -> memref<128x256xf32, #tpu.memory_space<hbm>>
        tpu.enqueue_dma source(%arg8 : memref<128x256xf32, #tpu.memory_space<vmem>>) target(%dma_start3A_128 : memref<128x256xf32, #tpu.memory_space<hbm>>) target_semaphore(%arg14 : memref<!tpu.dma_semaphore, #tpu.memory_space<semaphore_mem>>)
        %lt3A_129 = arith.constant 7 : i32
        %lt3A_130 = arith.cmpi slt, %scan3A_66, %lt3A_129 : i32
        %convert_element_type3A_131 = arith.extui %lt3A_130 : i1 to i32
        %cond3A_132 = arith.constant 0 : i32
        %cond3A_133 = arith.cmpi ne, %convert_element_type3A_131, %cond3A_132 : i32
        scf.if %cond3A_133 {
          %add3A_134 = arith.constant 2 : i32
          %add3A_135 = arith.addi %mul3A_68, %add3A_134 : i32
          %mul3A_136 = arith.constant 128 : i32
          %mul3A_137 = arith.muli %add3A_135, %mul3A_136 : i32
          %add3A_138 = arith.addi %add3A_8, %mul3A_137 : i32
          %dma_wait3A_139 = arith.constant 0 : i32
          %dma_wait3A_140 = tpu.memref_slice %arg4[%add3A_138, %dma_wait3A_139] : memref<102400x256xf32, #tpu.memory_space<hbm>> -> memref<128x256xf32, #tpu.memory_space<hbm>>
          %dma_wait3A_141 = arith.constant 0 : i32
          %dma_wait3A_142 = tpu.memref_slice %arg4[%add3A_138, %dma_wait3A_141] : memref<102400x256xf32, #tpu.memory_space<hbm>> -> memref<128x256xf32, #tpu.memory_space<hbm>>
          tpu.wait_dma2 semaphore(%arg14 : memref<!tpu.dma_semaphore, #tpu.memory_space<semaphore_mem>>) src(%arg8 : memref<128x256xf32, #tpu.memory_space<vmem>>) dst(%dma_wait3A_142 : memref<128x256xf32, #tpu.memory_space<hbm>>)
          %add3A_143 = arith.constant 2 : i32
          %add3A_144 = arith.addi %mul3A_68, %add3A_143 : i32
          %add3A_145 = arith.constant 3 : i32
          %add3A_146 = arith.addi %add3A_144, %add3A_145 : i32
          %mul3A_147 = arith.constant 128 : i32
          %mul3A_148 = arith.muli %add3A_146, %mul3A_147 : i32
          %dma_start3A_149 = tpu.memref_slice %arg5[%mul3A_148] : memref<3200xi32, #tpu.memory_space<vmem>> -> memref<128xi32, #tpu.memory_space<vmem>>
          %dma_start3A_150 = arith.constant 0 : i32
          %dma_start3A_151 = arith.constant 0 : i32
          %dma_start3A_152 = tpu.memref_slice %arg2[%dma_start3A_150, %dma_start3A_151] : memref<10000x256xf32, #tpu.memory_space<hbm>> -> memref<10000x256xf32, #tpu.memory_space<hbm>>
          tpu.enqueue_indirect_dma source(%dma_start3A_152 : memref<10000x256xf32, #tpu.memory_space<hbm>>) target(%arg8 : memref<128x256xf32, #tpu.memory_space<vmem>>) offsets(%dma_start3A_149 : memref<128xi32, #tpu.memory_space<vmem>>) semaphore(%arg11 : memref<!tpu.dma_semaphore, #tpu.memory_space<semaphore_mem>>)
        } else {
        }
      }
      %scan3A_26 = arith.constant 8 : i32
      %add3A_27 = arith.constant 2688 : i32
      %add3A_28 = arith.addi %add3A_8, %add3A_27 : i32
      %dma_wait3A = arith.constant 0 : i32
      %dma_wait3A_29 = tpu.memref_slice %arg4[%add3A_28, %dma_wait3A] : memref<102400x256xf32, #tpu.memory_space<hbm>> -> memref<128x256xf32, #tpu.memory_space<hbm>>
      %dma_wait3A_30 = arith.constant 0 : i32
      %dma_wait3A_31 = tpu.memref_slice %arg4[%add3A_28, %dma_wait3A_30] : memref<102400x256xf32, #tpu.memory_space<hbm>> -> memref<128x256xf32, #tpu.memory_space<hbm>>
      tpu.wait_dma2 semaphore(%arg12 : memref<!tpu.dma_semaphore, #tpu.memory_space<semaphore_mem>>) src(%arg6 : memref<128x256xf32, #tpu.memory_space<vmem>>) dst(%dma_wait3A_31 : memref<128x256xf32, #tpu.memory_space<hbm>>)
      %dma_start3A_32 = arith.constant 3072 : i32
      %dma_start3A_33 = tpu.memref_slice %arg5[%dma_start3A_32] : memref<3200xi32, #tpu.memory_space<vmem>> -> memref<128xi32, #tpu.memory_space<vmem>>
      %dma_start3A_34 = arith.constant 0 : i32
      %dma_start3A_35 = arith.constant 0 : i32
      %dma_start3A_36 = tpu.memref_slice %arg2[%dma_start3A_34, %dma_start3A_35] : memref<10000x256xf32, #tpu.memory_space<hbm>> -> memref<10000x256xf32, #tpu.memory_space<hbm>>
      tpu.enqueue_indirect_dma source(%dma_start3A_36 : memref<10000x256xf32, #tpu.memory_space<hbm>>) target(%arg6 : memref<128x256xf32, #tpu.memory_space<vmem>>) offsets(%dma_start3A_33 : memref<128xi32, #tpu.memory_space<vmem>>) semaphore(%arg9 : memref<!tpu.dma_semaphore, #tpu.memory_space<semaphore_mem>>)
      %dma_wait3A_37 = arith.constant 3072 : i32
      %dma_wait3A_38 = tpu.memref_slice %arg5[%dma_wait3A_37] : memref<3200xi32, #tpu.memory_space<vmem>> -> memref<128xi32, #tpu.memory_space<vmem>>
      %dma_wait3A_39 = arith.constant 0 : i32
      %dma_wait3A_40 = arith.constant 0 : i32
      %dma_wait3A_41 = tpu.memref_slice %arg2[%dma_wait3A_39, %dma_wait3A_40] : memref<10000x256xf32, #tpu.memory_space<hbm>> -> memref<10000x256xf32, #tpu.memory_space<hbm>>
      tpu.wait_indirect_dma semaphore(%arg9 : memref<!tpu.dma_semaphore, #tpu.memory_space<semaphore_mem>>) src(%dma_wait3A_41 : memref<10000x256xf32, #tpu.memory_space<hbm>>) dst(%arg6 : memref<128x256xf32, #tpu.memory_space<vmem>>)
      %add3A_42 = arith.constant 3072 : i32
      %add3A_43 = arith.addi %add3A_8, %add3A_42 : i32
      %dma_start3A_44 = arith.constant 0 : i32
      %dma_start3A_45 = tpu.memref_slice %arg4[%add3A_43, %dma_start3A_44] : memref<102400x256xf32, #tpu.memory_space<hbm>> -> memref<128x256xf32, #tpu.memory_space<hbm>>
      %dma_start3A_46 = arith.constant 0 : i32
      %dma_start3A_47 = tpu.memref_slice %arg4[%add3A_43, %dma_start3A_46] : memref<102400x256xf32, #tpu.memory_space<hbm>> -> memref<128x256xf32, #tpu.memory_space<hbm>>
      tpu.enqueue_dma source(%arg6 : memref<128x256xf32, #tpu.memory_space<vmem>>) target(%dma_start3A_47 : memref<128x256xf32, #tpu.memory_space<hbm>>) target_semaphore(%arg12 : memref<!tpu.dma_semaphore, #tpu.memory_space<semaphore_mem>>)
      %add3A_48 = arith.constant 3072 : i32
      %add3A_49 = arith.addi %add3A_8, %add3A_48 : i32
      %dma_wait3A_50 = arith.constant 0 : i32
      %dma_wait3A_51 = tpu.memref_slice %arg4[%add3A_49, %dma_wait3A_50] : memref<102400x256xf32, #tpu.memory_space<hbm>> -> memref<128x256xf32, #tpu.memory_space<hbm>>
      %dma_wait3A_52 = arith.constant 0 : i32
      %dma_wait3A_53 = tpu.memref_slice %arg4[%add3A_49, %dma_wait3A_52] : memref<102400x256xf32, #tpu.memory_space<hbm>> -> memref<128x256xf32, #tpu.memory_space<hbm>>
      tpu.wait_dma2 semaphore(%arg12 : memref<!tpu.dma_semaphore, #tpu.memory_space<semaphore_mem>>) src(%arg6 : memref<128x256xf32, #tpu.memory_space<vmem>>) dst(%dma_wait3A_53 : memref<128x256xf32, #tpu.memory_space<hbm>>)
      %add3A_54 = arith.constant 2816 : i32
      %add3A_55 = arith.addi %add3A_8, %add3A_54 : i32
      %dma_wait3A_56 = arith.constant 0 : i32
      %dma_wait3A_57 = tpu.memref_slice %arg4[%add3A_55, %dma_wait3A_56] : memref<102400x256xf32, #tpu.memory_space<hbm>> -> memref<128x256xf32, #tpu.memory_space<hbm>>
      %dma_wait3A_58 = arith.constant 0 : i32
      %dma_wait3A_59 = tpu.memref_slice %arg4[%add3A_55, %dma_wait3A_58] : memref<102400x256xf32, #tpu.memory_space<hbm>> -> memref<128x256xf32, #tpu.memory_space<hbm>>
      tpu.wait_dma2 semaphore(%arg13 : memref<!tpu.dma_semaphore, #tpu.memory_space<semaphore_mem>>) src(%arg7 : memref<128x256xf32, #tpu.memory_space<vmem>>) dst(%dma_wait3A_59 : memref<128x256xf32, #tpu.memory_space<hbm>>)
      %add3A_60 = arith.constant 2944 : i32
      %add3A_61 = arith.addi %add3A_8, %add3A_60 : i32
      %dma_wait3A_62 = arith.constant 0 : i32
      %dma_wait3A_63 = tpu.memref_slice %arg4[%add3A_61, %dma_wait3A_62] : memref<102400x256xf32, #tpu.memory_space<hbm>> -> memref<128x256xf32, #tpu.memory_space<hbm>>
      %dma_wait3A_64 = arith.constant 0 : i32
      %dma_wait3A_65 = tpu.memref_slice %arg4[%add3A_61, %dma_wait3A_64] : memref<102400x256xf32, #tpu.memory_space<hbm>> -> memref<128x256xf32, #tpu.memory_space<hbm>>
      tpu.wait_dma2 semaphore(%arg14 : memref<!tpu.dma_semaphore, #tpu.memory_space<semaphore_mem>>) src(%arg8 : memref<128x256xf32, #tpu.memory_space<vmem>>) dst(%dma_wait3A_65 : memref<128x256xf32, #tpu.memory_space<hbm>>)
    } else {
    }
    return
  }
}

module attributes {stable_mosaic.version = 14 : i64} {
  func.func @_norm_body(%arg0: memref<4096x128xf32, #tpu.memory_space<vmem>>, %arg1: memref<4096x128xf32, #tpu.memory_space<vmem>>, %arg2: memref<2x128x128xf32, #tpu.memory_space<vmem>>) attributes {dimension_semantics = [], scalar_prefetch = 0 : i64, scratch_operands = 0 : i64, tpu.core_type = #tpu.core_type<tc>} {
    %get3A = arith.constant 0 : index
    %get3A_0 = arith.constant 0 : index
    %get3A_1 = vector.load %arg0[%get3A, %get3A_0] : memref<4096x128xf32, #tpu.memory_space<vmem>>, vector<4096x128xf32>
    %reshape3A = vector.shape_cast %get3A_1 : vector<4096x128xf32> to vector<32x128x128xf32>
    %reduce_sum3A = arith.constant dense<0.000000e+00> : vector<128x128xf32>
    %reduce_sum3A_2 = vector.multi_reduction <add>, %reshape3A, %reduce_sum3A [0] : vector<32x128x128xf32> to vector<128x128xf32>
    %get3A_3 = arith.constant 0 : index
    %get3A_4 = arith.constant 0 : index
    %get3A_5 = vector.load %arg1[%get3A_3, %get3A_4] : memref<4096x128xf32, #tpu.memory_space<vmem>>, vector<4096x128xf32>
    %reshape3A_6 = vector.shape_cast %get3A_5 : vector<4096x128xf32> to vector<32x128x128xf32>
    %reduce_sum3A_7 = arith.constant dense<0.000000e+00> : vector<128x128xf32>
    %reduce_sum3A_8 = vector.multi_reduction <add>, %reshape3A_6, %reduce_sum3A_7 [0] : vector<32x128x128xf32> to vector<128x128xf32>
    %jit3A = arith.constant 1.000000e+00 : f32
    %max3A = vector.broadcast %jit3A : f32 to vector<128x128xf32>
    %max3A_9 = arith.maximumf %max3A, %reduce_sum3A_2 : vector<128x128xf32>
    %rsqrt3A = math.rsqrt %max3A_9 : vector<128x128xf32>
    %swap3A = arith.constant 0 : index
    %swap3A_10 = arith.constant 0 : index
    %swap3A_11 = arith.constant 0 : index
    %swap3A_12 = vector.load %arg2[%swap3A, %swap3A_10, %swap3A_11] : memref<2x128x128xf32, #tpu.memory_space<vmem>>, vector<1x128x128xf32>
    %swap3A_13 = vector.shape_cast %swap3A_12 : vector<1x128x128xf32> to vector<128x128xf32>
    %swap3A_14 = vector.shape_cast %rsqrt3A : vector<128x128xf32> to vector<1x128x128xf32>
    tpu.vector_store %arg2[%swap3A, %swap3A_10, %swap3A_11], %swap3A_14 {strides = array<i32>} : memref<2x128x128xf32, #tpu.memory_space<vmem>>, vector<1x128x128xf32>,
    %jit3A_15 = arith.constant 1.000000e+00 : f32
    %max3A_16 = vector.broadcast %jit3A_15 : f32 to vector<128x128xf32>
    %max3A_17 = arith.maximumf %max3A_16, %reduce_sum3A_8 : vector<128x128xf32>
    %rsqrt3A_18 = math.rsqrt %max3A_17 : vector<128x128xf32>
    %swap3A_19 = arith.constant 1 : index
    %swap3A_20 = arith.constant 0 : index
    %swap3A_21 = arith.constant 0 : index
    %swap3A_22 = vector.load %arg2[%swap3A_19, %swap3A_20, %swap3A_21] : memref<2x128x128xf32, #tpu.memory_space<vmem>>, vector<1x128x128xf32>
    %swap3A_23 = vector.shape_cast %swap3A_22 : vector<1x128x128xf32> to vector<128x128xf32>
    %swap3A_24 = vector.shape_cast %rsqrt3A_18 : vector<128x128xf32> to vector<1x128x128xf32>
    tpu.vector_store %arg2[%swap3A_19, %swap3A_20, %swap3A_21], %swap3A_24 {strides = array<i32>} : memref<2x128x128xf32, #tpu.memory_space<vmem>>, vector<1x128x128xf32>,
    return
  }
}

module attributes {stable_mosaic.version = 14 : i64} {
  func.func @_mm1_body(%arg0: i32, %arg1: memref<512x256xf32, #tpu.memory_space<vmem>>, %arg2: memref<2x128x128xf32, #tpu.memory_space<vmem>>, %arg3: memref<256x256xf32, #tpu.memory_space<vmem>>, %arg4: memref<256x256xf32, #tpu.memory_space<vmem>>, %arg5: memref<2x512x128xf32, #tpu.memory_space<vmem>>, %arg6: memref<8x256xf32, #tpu.memory_space<vmem>>) attributes {dimension_semantics = [#tpu.dimension_semantics<arbitrary>], iteration_bounds = array<i64: 20>, scalar_prefetch = 0 : i64, scratch_operands = 0 : i64, tpu.core_type = #tpu.core_type<tc>, window_params = [{transform_indices = @transform_0, window_bounds = array<i64: 512, 256>}, {pipeline_mode = #tpu.pipeline_mode<synchronous>, transform_indices = @transform_1, window_bounds = array<i64: 2, 128, 128>}, {pipeline_mode = #tpu.pipeline_mode<synchronous>, transform_indices = @transform_2, window_bounds = array<i64: 256, 256>}, {pipeline_mode = #tpu.pipeline_mode<synchronous>, transform_indices = @transform_3, window_bounds = array<i64: 256, 256>}, {transform_indices = @transform_4, window_bounds = array<i64: 2, 512, 128>}, {pipeline_mode = #tpu.pipeline_mode<synchronous>, transform_indices = @transform_5, window_bounds = array<i64: 8, 256>}]} {
    %get3A = arith.constant 0 : index
    %get3A_0 = arith.constant 0 : index
    %get3A_1 = vector.load %arg1[%get3A, %get3A_0] : memref<512x256xf32, #tpu.memory_space<vmem>>, vector<512x256xf32>
    %mul3A = arith.constant 4 : i32
    %mul3A_2 = arith.muli %arg0, %mul3A : i32
    %get3A_3 = arith.constant 0 : index
    %get3A_4 = arith.index_cast %mul3A_2 : i32 to index
    %get3A_5 = arith.constant 0 : index
    %get3A_6 = vector.load %arg2[%get3A_3, %get3A_4, %get3A_5] : memref<2x128x128xf32, #tpu.memory_space<vmem>>, vector<1x4x128xf32>
    %get3A_7 = vector.shape_cast %get3A_6 : vector<1x4x128xf32> to vector<4x128xf32>
    %reshape3A = vector.shape_cast %get3A_1 : vector<512x256xf32> to vector<4x128x256xf32>
    %broadcast_in_dim3A = vector.shape_cast %get3A_7 : vector<4x128xf32> to vector<4x128x1xf32>
    %mul3A_8 = vector.broadcast %broadcast_in_dim3A : vector<4x128x1xf32> to vector<4x128x256xf32>
    %mul3A_9 = arith.mulf %reshape3A, %mul3A_8 : vector<4x128x256xf32>
    %reshape3A_10 = vector.shape_cast %mul3A_9 : vector<4x128x256xf32> to vector<512x256xf32>
    %get3A_11 = arith.constant 0 : index
    %get3A_12 = arith.constant 0 : index
    %get3A_13 = vector.load %arg3[%get3A_11, %get3A_12] : memref<256x256xf32, #tpu.memory_space<vmem>>, vector<256x256xf32>
    %dot_general3A = arith.constant dense<0.000000e+00> : vector<512x256xf32>
    %dot_general3A_14 = tpu.matmul %reshape3A_10, %get3A_13, %dot_general3A {dimension_numbers = #tpu.dot_dimension_numbers<[1], [0], [0], [1], [0, 0, 1, 1], [], []>, transpose_lhs_hint = false} : vector<512x256xf32>, vector<256x256xf32>, vector<512x256xf32> -> vector<512x256xf32>
    %slice3A = vector.extract_strided_slice %dot_general3A_14 {offsets = [0, 0], sizes = [512, 128], strides = [1, 1]} : vector<512x256xf32> to vector<512x128xf32>
    %swap3A = arith.constant 0 : index
    %swap3A_15 = arith.constant 0 : index
    %swap3A_16 = arith.constant 0 : index
    %swap3A_17 = vector.load %arg5[%swap3A, %swap3A_15, %swap3A_16] : memref<2x512x128xf32, #tpu.memory_space<vmem>>, vector<1x512x128xf32>
    %swap3A_18 = vector.shape_cast %swap3A_17 : vector<1x512x128xf32> to vector<512x128xf32>
    %swap3A_19 = vector.shape_cast %slice3A : vector<512x128xf32> to vector<1x512x128xf32>
    tpu.vector_store %arg5[%swap3A, %swap3A_15, %swap3A_16], %swap3A_19 {strides = array<i32>} : memref<2x512x128xf32, #tpu.memory_space<vmem>>, vector<1x512x128xf32>,
    %slice3A_20 = vector.extract_strided_slice %dot_general3A_14 {offsets = [0, 128], sizes = [512, 128], strides = [1, 1]} : vector<512x256xf32> to vector<512x128xf32>
    %swap3A_21 = arith.constant 1 : index
    %swap3A_22 = arith.constant 0 : index
    %swap3A_23 = arith.constant 0 : index
    %swap3A_24 = vector.load %arg5[%swap3A_21, %swap3A_22, %swap3A_23] : memref<2x512x128xf32, #tpu.memory_space<vmem>>, vector<1x512x128xf32>
    %swap3A_25 = vector.shape_cast %swap3A_24 : vector<1x512x128xf32> to vector<512x128xf32>
    %swap3A_26 = vector.shape_cast %slice3A_20 : vector<512x128xf32> to vector<1x512x128xf32>
    tpu.vector_store %arg5[%swap3A_21, %swap3A_22, %swap3A_23], %swap3A_26 {strides = array<i32>} : memref<2x512x128xf32, #tpu.memory_space<vmem>>, vector<1x512x128xf32>,
    %get3A_27 = arith.constant 0 : index
    %get3A_28 = arith.constant 0 : index
    %get3A_29 = vector.load %arg4[%get3A_27, %get3A_28] : memref<256x256xf32, #tpu.memory_space<vmem>>, vector<256x256xf32>
    %dot_general3A_30 = arith.constant dense<0.000000e+00> : vector<512x256xf32>
    %dot_general3A_31 = tpu.matmul %get3A_1, %get3A_29, %dot_general3A_30 {dimension_numbers = #tpu.dot_dimension_numbers<[1], [0], [0], [1], [0, 0, 1, 1], [], []>, transpose_lhs_hint = false} : vector<512x256xf32>, vector<256x256xf32>, vector<512x256xf32> -> vector<512x256xf32>
    %mul3A_32 = arith.constant 512 : i32
    %mul3A_33 = arith.muli %arg0, %mul3A_32 : i32
    %iota3A = tpu.iota {dimensions = array<i32: 0>} : vector<512x1xi32>
    %add3A = vector.broadcast %mul3A_33 : i32 to vector<512x1xi32>
    %add3A_34 = arith.addi %add3A, %iota3A : vector<512x1xi32>
    %lt3A = arith.constant 10000 : i32
    %lt3A_35 = vector.broadcast %lt3A : i32 to vector<512x1xi32>
    %lt3A_36 = arith.cmpi slt, %add3A_34, %lt3A_35 : vector<512x1xi32>
    %jit3A = arith.constant 0.000000e+00 : f32
    %broadcast_in_dim3A_37 = vector.shape_cast %lt3A_36 : vector<512x1xi1> to vector<512x1xi1>
    %broadcast_in_dim3A_38 = vector.broadcast %broadcast_in_dim3A_37 : vector<512x1xi1> to vector<512x256xi1>
    %broadcast_in_dim3A_39 = vector.broadcast %jit3A : f32 to vector<512x256xf32>
    %select_n3A = arith.select %broadcast_in_dim3A_38, %dot_general3A_31, %broadcast_in_dim3A_39 : vector<512x256xi1>, vector<512x256xf32>
    %eq3A = arith.constant 0 : i32
    %eq3A_40 = arith.cmpi eq, %arg0, %eq3A : i32
    %convert_element_type3A = arith.extui %eq3A_40 : i1 to i32
    %cond3A = arith.constant 0 : i32
    %cond3A_41 = arith.cmpi ne, %convert_element_type3A, %cond3A : i32
    scf.if %cond3A_41 {
      %broadcast_in_dim3A_62 = arith.constant 0.000000e+00 : f32
      %broadcast_in_dim3A_63 = vector.broadcast %broadcast_in_dim3A_62 : f32 to vector<8x256xf32>
      %swap3A_64 = arith.constant 0 : index
      %swap3A_65 = arith.constant 0 : index
      %swap3A_66 = vector.load %arg6[%swap3A_64, %swap3A_65] : memref<8x256xf32, #tpu.memory_space<vmem>>, vector<8x256xf32>
      tpu.vector_store %arg6[%swap3A_64, %swap3A_65], %broadcast_in_dim3A_63 {strides = array<i32>} : memref<8x256xf32, #tpu.memory_space<vmem>>, vector<8x256xf32>,
    } else {
    }
    %get3A_42 = arith.constant 0 : index
    %get3A_43 = arith.constant 0 : index
    %get3A_44 = vector.load %arg6[%get3A_42, %get3A_43] : memref<8x256xf32, #tpu.memory_space<vmem>>, vector<1x256xf32>
    %reduce_sum3A = arith.constant dense<0.000000e+00> : vector<256xf32>
    %reduce_sum3A_45 = vector.multi_reduction <add>, %select_n3A, %reduce_sum3A [0] : vector<512x256xf32> to vector<256xf32>
    %broadcast_in_dim3A_46 = vector.shape_cast %reduce_sum3A_45 : vector<256xf32> to vector<1x256xf32>
    %add3A_47 = arith.addf %get3A_44, %broadcast_in_dim3A_46 : vector<1x256xf32>
    %swap3A_48 = arith.constant 0 : index
    %swap3A_49 = arith.constant 0 : index
    %swap3A_50 = vector.load %arg6[%swap3A_48, %swap3A_49] : memref<8x256xf32, #tpu.memory_space<vmem>>, vector<1x256xf32>
    tpu.vector_store %arg6[%swap3A_48, %swap3A_49], %add3A_47 {strides = array<i32>} : memref<8x256xf32, #tpu.memory_space<vmem>>, vector<1x256xf32>,
    %get3A_51 = arith.constant 1 : index
    %get3A_52 = arith.constant 0 : index
    %get3A_53 = vector.load %arg6[%get3A_51, %get3A_52] : memref<8x256xf32, #tpu.memory_space<vmem>>, vector<1x256xf32>
    %mul3A_54 = arith.mulf %select_n3A, %select_n3A : vector<512x256xf32>
    %reduce_sum3A_55 = arith.constant dense<0.000000e+00> : vector<256xf32>
    %reduce_sum3A_56 = vector.multi_reduction <add>, %mul3A_54, %reduce_sum3A_55 [0] : vector<512x256xf32> to vector<256xf32>
    %broadcast_in_dim3A_57 = vector.shape_cast %reduce_sum3A_56 : vector<256xf32> to vector<1x256xf32>
    %add3A_58 = arith.addf %get3A_53, %broadcast_in_dim3A_57 : vector<1x256xf32>
    %swap3A_59 = arith.constant 1 : index
    %swap3A_60 = arith.constant 0 : index
    %swap3A_61 = vector.load %arg6[%swap3A_59, %swap3A_60] : memref<8x256xf32, #tpu.memory_space<vmem>>, vector<1x256xf32>
    tpu.vector_store %arg6[%swap3A_59, %swap3A_60], %add3A_58 {strides = array<i32>} : memref<8x256xf32, #tpu.memory_space<vmem>>, vector<1x256xf32>,
    return
  }
  func.func @transform_0(%arg0: i32) -> (i32, i32) {
    %c0_i32 = arith.constant 0 : i32
    %c0_i32_0 = arith.constant 0 : i32
    return %arg0, %c0_i32 : i32, i32
  }
  func.func @transform_1(%arg0: i32) -> (i32, i32, i32) {
    %c0_i32 = arith.constant 0 : i32
    %c0_i32_0 = arith.constant 0 : i32
    %c0_i32_1 = arith.constant 0 : i32
    %c0_i32_2 = arith.constant 0 : i32
    return %c0_i32, %c0_i32_0, %c0_i32_1 : i32, i32, i32
  }
  func.func @transform_2(%arg0: i32) -> (i32, i32) {
    %c0_i32 = arith.constant 0 : i32
    %c0_i32_0 = arith.constant 0 : i32
    %c0_i32_1 = arith.constant 0 : i32
    return %c0_i32, %c0_i32_0 : i32, i32
  }
  func.func @transform_3(%arg0: i32) -> (i32, i32) {
    %c0_i32 = arith.constant 0 : i32
    %c0_i32_0 = arith.constant 0 : i32
    %c0_i32_1 = arith.constant 0 : i32
    return %c0_i32, %c0_i32_0 : i32, i32
  }
  func.func @transform_4(%arg0: i32) -> (i32, i32, i32) {
    %c0_i32 = arith.constant 0 : i32
    %c0_i32_0 = arith.constant 0 : i32
    %c0_i32_1 = arith.constant 0 : i32
    return %c0_i32, %arg0, %c0_i32_0 : i32, i32, i32
  }
  func.func @transform_5(%arg0: i32) -> (i32, i32) {
    %c0_i32 = arith.constant 0 : i32
    %c0_i32_0 = arith.constant 0 : i32
    %c0_i32_1 = arith.constant 0 : i32
    return %c0_i32, %c0_i32_0 : i32, i32
  }
}

module attributes {stable_mosaic.version = 14 : i64} {
  func.func @_mm2_body(%arg0: i32, %arg1: memref<2x512x128xf32, #tpu.memory_space<vmem>>, %arg2: memref<2x128x128xf32, #tpu.memory_space<vmem>>, %arg3: memref<1x256xf32, #tpu.memory_space<vmem>>, %arg4: memref<256x256xf32, #tpu.memory_space<vmem>>, %arg5: memref<2x512x128xf32, #tpu.memory_space<vmem>>) attributes {dimension_semantics = [#tpu.dimension_semantics<arbitrary>], iteration_bounds = array<i64: 20>, scalar_prefetch = 0 : i64, scratch_operands = 0 : i64, tpu.core_type = #tpu.core_type<tc>, window_params = [{transform_indices = @transform_0, window_bounds = array<i64: 2, 512, 128>}, {pipeline_mode = #tpu.pipeline_mode<synchronous>, transform_indices = @transform_1, window_bounds = array<i64: 2, 128, 128>}, {pipeline_mode = #tpu.pipeline_mode<synchronous>, transform_indices = @transform_2, window_bounds = array<i64: 1, 256>}, {pipeline_mode = #tpu.pipeline_mode<synchronous>, transform_indices = @transform_3, window_bounds = array<i64: 256, 256>}, {transform_indices = @transform_4, window_bounds = array<i64: 2, 512, 128>}]} {
    %get3A = arith.constant 0 : index
    %get3A_0 = arith.constant 0 : index
    %get3A_1 = arith.constant 0 : index
    %get3A_2 = vector.load %arg1[%get3A, %get3A_0, %get3A_1] : memref<2x512x128xf32, #tpu.memory_space<vmem>>, vector<1x512x128xf32>
    %get3A_3 = vector.shape_cast %get3A_2 : vector<1x512x128xf32> to vector<512x128xf32>
    %get3A_4 = arith.constant 1 : index
    %get3A_5 = arith.constant 0 : index
    %get3A_6 = arith.constant 0 : index
    %get3A_7 = vector.load %arg1[%get3A_4, %get3A_5, %get3A_6] : memref<2x512x128xf32, #tpu.memory_space<vmem>>, vector<1x512x128xf32>
    %get3A_8 = vector.shape_cast %get3A_7 : vector<1x512x128xf32> to vector<512x128xf32>
    %concatenate3A = tpu.concatenate %get3A_3, %get3A_8 in 1 : vector<512x128xf32>, vector<512x128xf32> -> vector<512x256xf32>
    %mul3A = arith.constant 4 : i32
    %mul3A_9 = arith.muli %arg0, %mul3A : i32
    %get3A_10 = arith.constant 1 : index
    %get3A_11 = arith.index_cast %mul3A_9 : i32 to index
    %get3A_12 = arith.constant 0 : index
    %get3A_13 = vector.load %arg2[%get3A_10, %get3A_11, %get3A_12] : memref<2x128x128xf32, #tpu.memory_space<vmem>>, vector<1x4x128xf32>
    %get3A_14 = vector.shape_cast %get3A_13 : vector<1x4x128xf32> to vector<4x128xf32>
    %reshape3A = vector.shape_cast %concatenate3A : vector<512x256xf32> to vector<4x128x256xf32>
    %broadcast_in_dim3A = vector.shape_cast %get3A_14 : vector<4x128xf32> to vector<4x128x1xf32>
    %mul3A_15 = vector.broadcast %broadcast_in_dim3A : vector<4x128x1xf32> to vector<4x128x256xf32>
    %mul3A_16 = arith.mulf %reshape3A, %mul3A_15 : vector<4x128x256xf32>
    %reshape3A_17 = vector.shape_cast %mul3A_16 : vector<4x128x256xf32> to vector<512x256xf32>
    %get3A_18 = arith.constant 0 : index
    %get3A_19 = arith.constant 0 : index
    %get3A_20 = vector.load %arg3[%get3A_18, %get3A_19] : memref<1x256xf32, #tpu.memory_space<vmem>>, vector<1x256xf32>
    %add3A = vector.broadcast %get3A_20 : vector<1x256xf32> to vector<512x256xf32>
    %add3A_21 = arith.addf %reshape3A_17, %add3A : vector<512x256xf32>
    %mul3A_22 = arith.constant 4 : i32
    %mul3A_23 = arith.muli %arg0, %mul3A_22 : i32
    %get3A_24 = arith.constant 0 : index
    %get3A_25 = arith.index_cast %mul3A_23 : i32 to index
    %get3A_26 = arith.constant 0 : index
    %get3A_27 = vector.load %arg2[%get3A_24, %get3A_25, %get3A_26] : memref<2x128x128xf32, #tpu.memory_space<vmem>>, vector<1x4x128xf32>
    %get3A_28 = vector.shape_cast %get3A_27 : vector<1x4x128xf32> to vector<4x128xf32>
    %reshape3A_29 = vector.shape_cast %add3A_21 : vector<512x256xf32> to vector<4x128x256xf32>
    %broadcast_in_dim3A_30 = vector.shape_cast %get3A_28 : vector<4x128xf32> to vector<4x128x1xf32>
    %mul3A_31 = vector.broadcast %broadcast_in_dim3A_30 : vector<4x128x1xf32> to vector<4x128x256xf32>
    %mul3A_32 = arith.mulf %reshape3A_29, %mul3A_31 : vector<4x128x256xf32>
    %reshape3A_33 = vector.shape_cast %mul3A_32 : vector<4x128x256xf32> to vector<512x256xf32>
    %get3A_34 = arith.constant 0 : index
    %get3A_35 = arith.constant 0 : index
    %get3A_36 = vector.load %arg4[%get3A_34, %get3A_35] : memref<256x256xf32, #tpu.memory_space<vmem>>, vector<256x256xf32>
    %dot_general3A = arith.constant dense<0.000000e+00> : vector<512x256xf32>
    %dot_general3A_37 = tpu.matmul %reshape3A_33, %get3A_36, %dot_general3A {dimension_numbers = #tpu.dot_dimension_numbers<[1], [0], [0], [1], [0, 0, 1, 1], [], []>, transpose_lhs_hint = false} : vector<512x256xf32>, vector<256x256xf32>, vector<512x256xf32> -> vector<512x256xf32>
    %slice3A = vector.extract_strided_slice %dot_general3A_37 {offsets = [0, 0], sizes = [512, 128], strides = [1, 1]} : vector<512x256xf32> to vector<512x128xf32>
    %swap3A = arith.constant 0 : index
    %swap3A_38 = arith.constant 0 : index
    %swap3A_39 = arith.constant 0 : index
    %swap3A_40 = vector.load %arg5[%swap3A, %swap3A_38, %swap3A_39] : memref<2x512x128xf32, #tpu.memory_space<vmem>>, vector<1x512x128xf32>
    %swap3A_41 = vector.shape_cast %swap3A_40 : vector<1x512x128xf32> to vector<512x128xf32>
    %swap3A_42 = vector.shape_cast %slice3A : vector<512x128xf32> to vector<1x512x128xf32>
    tpu.vector_store %arg5[%swap3A, %swap3A_38, %swap3A_39], %swap3A_42 {strides = array<i32>} : memref<2x512x128xf32, #tpu.memory_space<vmem>>, vector<1x512x128xf32>,
    %slice3A_43 = vector.extract_strided_slice %dot_general3A_37 {offsets = [0, 128], sizes = [512, 128], strides = [1, 1]} : vector<512x256xf32> to vector<512x128xf32>
    %swap3A_44 = arith.constant 1 : index
    %swap3A_45 = arith.constant 0 : index
    %swap3A_46 = arith.constant 0 : index
    %swap3A_47 = vector.load %arg5[%swap3A_44, %swap3A_45, %swap3A_46] : memref<2x512x128xf32, #tpu.memory_space<vmem>>, vector<1x512x128xf32>
    %swap3A_48 = vector.shape_cast %swap3A_47 : vector<1x512x128xf32> to vector<512x128xf32>
    %swap3A_49 = vector.shape_cast %slice3A_43 : vector<512x128xf32> to vector<1x512x128xf32>
    tpu.vector_store %arg5[%swap3A_44, %swap3A_45, %swap3A_46], %swap3A_49 {strides = array<i32>} : memref<2x512x128xf32, #tpu.memory_space<vmem>>, vector<1x512x128xf32>,
    return
  }
  func.func @transform_0(%arg0: i32) -> (i32, i32, i32) {
    %c0_i32 = arith.constant 0 : i32
    %c0_i32_0 = arith.constant 0 : i32
    %c0_i32_1 = arith.constant 0 : i32
    return %c0_i32, %arg0, %c0_i32_0 : i32, i32, i32
  }
  func.func @transform_1(%arg0: i32) -> (i32, i32, i32) {
    %c0_i32 = arith.constant 0 : i32
    %c0_i32_0 = arith.constant 0 : i32
    %c0_i32_1 = arith.constant 0 : i32
    %c0_i32_2 = arith.constant 0 : i32
    return %c0_i32, %c0_i32_0, %c0_i32_1 : i32, i32, i32
  }
  func.func @transform_2(%arg0: i32) -> (i32, i32) {
    %c0_i32 = arith.constant 0 : i32
    %c0_i32_0 = arith.constant 0 : i32
    %c0_i32_1 = arith.constant 0 : i32
    return %c0_i32, %c0_i32_0 : i32, i32
  }
  func.func @transform_3(%arg0: i32) -> (i32, i32) {
    %c0_i32 = arith.constant 0 : i32
    %c0_i32_0 = arith.constant 0 : i32
    %c0_i32_1 = arith.constant 0 : i32
    return %c0_i32, %c0_i32_0 : i32, i32
  }
  func.func @transform_4(%arg0: i32) -> (i32, i32, i32) {
    %c0_i32 = arith.constant 0 : i32
    %c0_i32_0 = arith.constant 0 : i32
    %c0_i32_1 = arith.constant 0 : i32
    return %c0_i32, %arg0, %c0_i32_0 : i32, i32, i32
  }
}

module attributes {stable_mosaic.version = 14 : i64} {
  func.func @_gnn_body(%arg0: i32, %arg1: memref<2x512x128xf32, #tpu.memory_space<vmem>>, %arg2: memref<2x128x128xf32, #tpu.memory_space<vmem>>, %arg3: memref<1x256xf32, #tpu.memory_space<vmem>>, %arg4: memref<512x256xf32, #tpu.memory_space<vmem>>) attributes {dimension_semantics = [#tpu.dimension_semantics<arbitrary>], iteration_bounds = array<i64: 20>, scalar_prefetch = 0 : i64, scratch_operands = 0 : i64, tpu.core_type = #tpu.core_type<tc>, window_params = [{transform_indices = @transform_0, window_bounds = array<i64: 2, 512, 128>}, {pipeline_mode = #tpu.pipeline_mode<synchronous>, transform_indices = @transform_1, window_bounds = array<i64: 2, 128, 128>}, {pipeline_mode = #tpu.pipeline_mode<synchronous>, transform_indices = @transform_2, window_bounds = array<i64: 1, 256>}, {transform_indices = @transform_3, window_bounds = array<i64: 512, 256>}]} {
    %get3A = arith.constant 0 : index
    %get3A_0 = arith.constant 0 : index
    %get3A_1 = arith.constant 0 : index
    %get3A_2 = vector.load %arg1[%get3A, %get3A_0, %get3A_1] : memref<2x512x128xf32, #tpu.memory_space<vmem>>, vector<1x512x128xf32>
    %get3A_3 = vector.shape_cast %get3A_2 : vector<1x512x128xf32> to vector<512x128xf32>
    %get3A_4 = arith.constant 1 : index
    %get3A_5 = arith.constant 0 : index
    %get3A_6 = arith.constant 0 : index
    %get3A_7 = vector.load %arg1[%get3A_4, %get3A_5, %get3A_6] : memref<2x512x128xf32, #tpu.memory_space<vmem>>, vector<1x512x128xf32>
    %get3A_8 = vector.shape_cast %get3A_7 : vector<1x512x128xf32> to vector<512x128xf32>
    %concatenate3A = tpu.concatenate %get3A_3, %get3A_8 in 1 : vector<512x128xf32>, vector<512x128xf32> -> vector<512x256xf32>
    %mul3A = arith.constant 4 : i32
    %mul3A_9 = arith.muli %arg0, %mul3A : i32
    %get3A_10 = arith.constant 1 : index
    %get3A_11 = arith.index_cast %mul3A_9 : i32 to index
    %get3A_12 = arith.constant 0 : index
    %get3A_13 = vector.load %arg2[%get3A_10, %get3A_11, %get3A_12] : memref<2x128x128xf32, #tpu.memory_space<vmem>>, vector<1x4x128xf32>
    %get3A_14 = vector.shape_cast %get3A_13 : vector<1x4x128xf32> to vector<4x128xf32>
    %reshape3A = vector.shape_cast %concatenate3A : vector<512x256xf32> to vector<4x128x256xf32>
    %broadcast_in_dim3A = vector.shape_cast %get3A_14 : vector<4x128xf32> to vector<4x128x1xf32>
    %mul3A_15 = vector.broadcast %broadcast_in_dim3A : vector<4x128x1xf32> to vector<4x128x256xf32>
    %mul3A_16 = arith.mulf %reshape3A, %mul3A_15 : vector<4x128x256xf32>
    %reshape3A_17 = vector.shape_cast %mul3A_16 : vector<4x128x256xf32> to vector<512x256xf32>
    %get3A_18 = arith.constant 0 : index
    %get3A_19 = arith.constant 0 : index
    %get3A_20 = vector.load %arg3[%get3A_18, %get3A_19] : memref<1x256xf32, #tpu.memory_space<vmem>>, vector<1x256xf32>
    %add3A = vector.broadcast %get3A_20 : vector<1x256xf32> to vector<512x256xf32>
    %add3A_21 = arith.addf %reshape3A_17, %add3A : vector<512x256xf32>
    %mul3A_22 = arith.mulf %add3A_21, %add3A_21 : vector<512x256xf32>
    %reduce_sum3A = arith.constant dense<0.000000e+00> : vector<512xf32>
    %reduce_sum3A_23 = vector.multi_reduction <add>, %mul3A_22, %reduce_sum3A [1] : vector<512x256xf32> to vector<512xf32>
    %broadcast_in_dim3A_24 = vector.shape_cast %reduce_sum3A_23 : vector<512xf32> to vector<512x1xf32>
    %max3A = arith.constant 1.000000e-24 : f32
    %max3A_25 = vector.broadcast %max3A : f32 to vector<512x1xf32>
    %max3A_26 = arith.maximumf %broadcast_in_dim3A_24, %max3A_25 : vector<512x1xf32>
    %rsqrt3A = math.rsqrt %max3A_26 : vector<512x1xf32>
    %mul3A_27 = vector.broadcast %rsqrt3A : vector<512x1xf32> to vector<512x256xf32>
    %mul3A_28 = arith.mulf %add3A_21, %mul3A_27 : vector<512x256xf32>
    %swap3A = arith.constant 0 : index
    %swap3A_29 = arith.constant 0 : index
    %swap3A_30 = vector.load %arg4[%swap3A, %swap3A_29] : memref<512x256xf32, #tpu.memory_space<vmem>>, vector<512x256xf32>
    tpu.vector_store %arg4[%swap3A, %swap3A_29], %mul3A_28 {strides = array<i32>} : memref<512x256xf32, #tpu.memory_space<vmem>>, vector<512x256xf32>,
    return
  }
  func.func @transform_0(%arg0: i32) -> (i32, i32, i32) {
    %c0_i32 = arith.constant 0 : i32
    %c0_i32_0 = arith.constant 0 : i32
    %c0_i32_1 = arith.constant 0 : i32
    return %c0_i32, %arg0, %c0_i32_0 : i32, i32, i32
  }
  func.func @transform_1(%arg0: i32) -> (i32, i32, i32) {
    %c0_i32 = arith.constant 0 : i32
    %c0_i32_0 = arith.constant 0 : i32
    %c0_i32_1 = arith.constant 0 : i32
    %c0_i32_2 = arith.constant 0 : i32
    return %c0_i32, %c0_i32_0, %c0_i32_1 : i32, i32, i32
  }
  func.func @transform_2(%arg0: i32) -> (i32, i32) {
    %c0_i32 = arith.constant 0 : i32
    %c0_i32_0 = arith.constant 0 : i32
    %c0_i32_1 = arith.constant 0 : i32
    return %c0_i32, %c0_i32_0 : i32, i32
  }
  func.func @transform_3(%arg0: i32) -> (i32, i32) {
    %c0_i32 = arith.constant 0 : i32
    %c0_i32_0 = arith.constant 0 : i32
    return %arg0, %c0_i32 : i32, i32
  }
}

module attributes {stable_mosaic.version = 14 : i64} {
  func.func @_mlp_body(%arg0: i32, %arg1: memref<8x256xf32, #tpu.memory_space<vmem>>, %arg2: memref<512x256xf32, #tpu.memory_space<vmem>>, %arg3: memref<256x256xf32, #tpu.memory_space<vmem>>, %arg4: memref<1x256xf32, #tpu.memory_space<vmem>>, %arg5: memref<1x256xf32, #tpu.memory_space<vmem>>, %arg6: memref<1x256xf32, #tpu.memory_space<vmem>>, %arg7: memref<256x256xf32, #tpu.memory_space<vmem>>, %arg8: memref<1x256xf32, #tpu.memory_space<vmem>>, %arg9: memref<256x256xf32, #tpu.memory_space<vmem>>, %arg10: memref<1x256xf32, #tpu.memory_space<vmem>>, %arg11: memref<256x256xf32, #tpu.memory_space<vmem>>, %arg12: memref<1x256xf32, #tpu.memory_space<vmem>>, %arg13: memref<256x256xf32, #tpu.memory_space<vmem>>, %arg14: memref<1x256xf32, #tpu.memory_space<vmem>>, %arg15: memref<512x256xf32, #tpu.memory_space<vmem>>, %arg16: memref<512x256xf32, #tpu.memory_space<vmem>>) attributes {dimension_semantics = [#tpu.dimension_semantics<arbitrary>], iteration_bounds = array<i64: 20>, scalar_prefetch = 0 : i64, scratch_operands = 0 : i64, tpu.core_type = #tpu.core_type<tc>, window_params = [{pipeline_mode = #tpu.pipeline_mode<synchronous>, transform_indices = @transform_0, window_bounds = array<i64: 8, 256>}, {transform_indices = @transform_1, window_bounds = array<i64: 512, 256>}, {pipeline_mode = #tpu.pipeline_mode<synchronous>, transform_indices = @transform_2, window_bounds = array<i64: 256, 256>}, {pipeline_mode = #tpu.pipeline_mode<synchronous>, transform_indices = @transform_3, window_bounds = array<i64: 1, 256>}, {pipeline_mode = #tpu.pipeline_mode<synchronous>, transform_indices = @transform_4, window_bounds = array<i64: 1, 256>}, {pipeline_mode = #tpu.pipeline_mode<synchronous>, transform_indices = @transform_5, window_bounds = array<i64: 1, 256>}, {pipeline_mode = #tpu.pipeline_mode<synchronous>, transform_indices = @transform_6, window_bounds = array<i64: 256, 256>}, {pipeline_mode = #tpu.pipeline_mode<synchronous>, transform_indices = @transform_7, window_bounds = array<i64: 1, 256>}, {pipeline_mode = #tpu.pipeline_mode<synchronous>, transform_indices = @transform_8, window_bounds = array<i64: 256, 256>}, {pipeline_mode = #tpu.pipeline_mode<synchronous>, transform_indices = @transform_9, window_bounds = array<i64: 1, 256>}, {pipeline_mode = #tpu.pipeline_mode<synchronous>, transform_indices = @transform_10, window_bounds = array<i64: 256, 256>}, {pipeline_mode = #tpu.pipeline_mode<synchronous>, transform_indices = @transform_11, window_bounds = array<i64: 1, 256>}, {pipeline_mode = #tpu.pipeline_mode<synchronous>, transform_indices = @transform_12, window_bounds = array<i64: 256, 256>}, {pipeline_mode = #tpu.pipeline_mode<synchronous>, transform_indices = @transform_13, window_bounds = array<i64: 1, 256>}, {transform_indices = @transform_14, window_bounds = array<i64: 512, 256>}, {transform_indices = @transform_15, window_bounds = array<i64: 512, 256>}]} {
    %get3A = arith.constant 0 : index
    %get3A_0 = arith.constant 0 : index
    %get3A_1 = vector.load %arg2[%get3A, %get3A_0] : memref<512x256xf32, #tpu.memory_space<vmem>>, vector<512x256xf32>
    %get3A_2 = arith.constant 0 : index
    %get3A_3 = arith.constant 0 : index
    %get3A_4 = vector.load %arg3[%get3A_2, %get3A_3] : memref<256x256xf32, #tpu.memory_space<vmem>>, vector<256x256xf32>
    %dot_general3A = arith.constant dense<0.000000e+00> : vector<512x256xf32>
    %dot_general3A_5 = tpu.matmul %get3A_1, %get3A_4, %dot_general3A {dimension_numbers = #tpu.dot_dimension_numbers<[1], [0], [0], [1], [0, 0, 1, 1], [], []>, transpose_lhs_hint = false} : vector<512x256xf32>, vector<256x256xf32>, vector<512x256xf32> -> vector<512x256xf32>
    %get3A_6 = arith.constant 0 : index
    %get3A_7 = arith.constant 0 : index
    %get3A_8 = vector.load %arg1[%get3A_6, %get3A_7] : memref<8x256xf32, #tpu.memory_space<vmem>>, vector<1x256xf32>
    %get3A_9 = arith.constant 1 : index
    %get3A_10 = arith.constant 0 : index
    %get3A_11 = vector.load %arg1[%get3A_9, %get3A_10] : memref<8x256xf32, #tpu.memory_space<vmem>>, vector<1x256xf32>
    %mul3A = arith.constant 9.99999974E-5 : f32
    %mul3A_12 = vector.broadcast %mul3A : f32 to vector<1x256xf32>
    %mul3A_13 = arith.mulf %get3A_8, %mul3A_12 : vector<1x256xf32>
    %mul3A_14 = arith.constant 9.99999974E-5 : f32
    %mul3A_15 = vector.broadcast %mul3A_14 : f32 to vector<1x256xf32>
    %mul3A_16 = arith.mulf %get3A_11, %mul3A_15 : vector<1x256xf32>
    %mul3A_17 = arith.mulf %mul3A_13, %mul3A_13 : vector<1x256xf32>
    %sub3A = arith.subf %mul3A_16, %mul3A_17 : vector<1x256xf32>
    %sub3A_18 = vector.broadcast %mul3A_13 : vector<1x256xf32> to vector<512x256xf32>
    %sub3A_19 = arith.subf %dot_general3A_5, %sub3A_18 : vector<512x256xf32>
    %add3A = arith.constant 9.99999974E-6 : f32
    %add3A_20 = vector.broadcast %add3A : f32 to vector<1x256xf32>
    %add3A_21 = arith.addf %sub3A, %add3A_20 : vector<1x256xf32>
    %rsqrt3A = math.rsqrt %add3A_21 : vector<1x256xf32>
    %mul3A_22 = vector.broadcast %rsqrt3A : vector<1x256xf32> to vector<512x256xf32>
    %mul3A_23 = arith.mulf %sub3A_19, %mul3A_22 : vector<512x256xf32>
    %get3A_24 = arith.constant 0 : index
    %get3A_25 = arith.constant 0 : index
    %get3A_26 = vector.load %arg5[%get3A_24, %get3A_25] : memref<1x256xf32, #tpu.memory_space<vmem>>, vector<1x256xf32>
    %mul3A_27 = vector.broadcast %get3A_26 : vector<1x256xf32> to vector<512x256xf32>
    %mul3A_28 = arith.mulf %mul3A_23, %mul3A_27 : vector<512x256xf32>
    %get3A_29 = arith.constant 0 : index
    %get3A_30 = arith.constant 0 : index
    %get3A_31 = vector.load %arg6[%get3A_29, %get3A_30] : memref<1x256xf32, #tpu.memory_space<vmem>>, vector<1x256xf32>
    %add3A_32 = vector.broadcast %get3A_31 : vector<1x256xf32> to vector<512x256xf32>
    %add3A_33 = arith.addf %mul3A_28, %add3A_32 : vector<512x256xf32>
    %max3A = arith.constant 0.000000e+00 : f32
    %max3A_34 = vector.broadcast %max3A : f32 to vector<512x256xf32>
    %max3A_35 = arith.maximumf %add3A_33, %max3A_34 : vector<512x256xf32>
    %get3A_36 = arith.constant 0 : index
    %get3A_37 = arith.constant 0 : index
    %get3A_38 = vector.load %arg7[%get3A_36, %get3A_37] : memref<256x256xf32, #tpu.memory_space<vmem>>, vector<256x256xf32>
    %dot_general3A_39 = arith.constant dense<0.000000e+00> : vector<512x256xf32>
    %dot_general3A_40 = tpu.matmul %max3A_35, %get3A_38, %dot_general3A_39 {dimension_numbers = #tpu.dot_dimension_numbers<[1], [0], [0], [1], [0, 0, 1, 1], [], []>, transpose_lhs_hint = false} : vector<512x256xf32>, vector<256x256xf32>, vector<512x256xf32> -> vector<512x256xf32>
    %get3A_41 = arith.constant 0 : index
    %get3A_42 = arith.constant 0 : index
    %get3A_43 = vector.load %arg8[%get3A_41, %get3A_42] : memref<1x256xf32, #tpu.memory_space<vmem>>, vector<1x256xf32>
    %add3A_44 = vector.broadcast %get3A_43 : vector<1x256xf32> to vector<512x256xf32>
    %add3A_45 = arith.addf %dot_general3A_40, %add3A_44 : vector<512x256xf32>
    %mul3A_46 = arith.mulf %add3A_45, %add3A_45 : vector<512x256xf32>
    %reduce_sum3A = arith.constant dense<0.000000e+00> : vector<512xf32>
    %reduce_sum3A_47 = vector.multi_reduction <add>, %mul3A_46, %reduce_sum3A [1] : vector<512x256xf32> to vector<512xf32>
    %broadcast_in_dim3A = vector.shape_cast %reduce_sum3A_47 : vector<512xf32> to vector<512x1xf32>
    %max3A_48 = arith.constant 1.000000e-24 : f32
    %max3A_49 = vector.broadcast %max3A_48 : f32 to vector<512x1xf32>
    %max3A_50 = arith.maximumf %broadcast_in_dim3A, %max3A_49 : vector<512x1xf32>
    %rsqrt3A_51 = math.rsqrt %max3A_50 : vector<512x1xf32>
    %mul3A_52 = vector.broadcast %rsqrt3A_51 : vector<512x1xf32> to vector<512x256xf32>
    %mul3A_53 = arith.mulf %add3A_45, %mul3A_52 : vector<512x256xf32>
    %swap3A = arith.constant 0 : index
    %swap3A_54 = arith.constant 0 : index
    %swap3A_55 = vector.load %arg15[%swap3A, %swap3A_54] : memref<512x256xf32, #tpu.memory_space<vmem>>, vector<512x256xf32>
    tpu.vector_store %arg15[%swap3A, %swap3A_54], %mul3A_53 {strides = array<i32>} : memref<512x256xf32, #tpu.memory_space<vmem>>, vector<512x256xf32>,
    %get3A_56 = arith.constant 0 : index
    %get3A_57 = arith.constant 0 : index
    %get3A_58 = vector.load %arg9[%get3A_56, %get3A_57] : memref<256x256xf32, #tpu.memory_space<vmem>>, vector<256x256xf32>
    %dot_general3A_59 = arith.constant dense<0.000000e+00> : vector<512x256xf32>
    %dot_general3A_60 = tpu.matmul %mul3A_53, %get3A_58, %dot_general3A_59 {dimension_numbers = #tpu.dot_dimension_numbers<[1], [0], [0], [1], [0, 0, 1, 1], [], []>, transpose_lhs_hint = false} : vector<512x256xf32>, vector<256x256xf32>, vector<512x256xf32> -> vector<512x256xf32>
    %get3A_61 = arith.constant 0 : index
    %get3A_62 = arith.constant 0 : index
    %get3A_63 = vector.load %arg10[%get3A_61, %get3A_62] : memref<1x256xf32, #tpu.memory_space<vmem>>, vector<1x256xf32>
    %add3A_64 = vector.broadcast %get3A_63 : vector<1x256xf32> to vector<512x256xf32>
    %add3A_65 = arith.addf %dot_general3A_60, %add3A_64 : vector<512x256xf32>
    %max3A_66 = arith.constant 0.000000e+00 : f32
    %max3A_67 = vector.broadcast %max3A_66 : f32 to vector<512x256xf32>
    %max3A_68 = arith.maximumf %add3A_65, %max3A_67 : vector<512x256xf32>
    %get3A_69 = arith.constant 0 : index
    %get3A_70 = arith.constant 0 : index
    %get3A_71 = vector.load %arg11[%get3A_69, %get3A_70] : memref<256x256xf32, #tpu.memory_space<vmem>>, vector<256x256xf32>
    %dot_general3A_72 = arith.constant dense<0.000000e+00> : vector<512x256xf32>
    %dot_general3A_73 = tpu.matmul %max3A_68, %get3A_71, %dot_general3A_72 {dimension_numbers = #tpu.dot_dimension_numbers<[1], [0], [0], [1], [0, 0, 1, 1], [], []>, transpose_lhs_hint = false} : vector<512x256xf32>, vector<256x256xf32>, vector<512x256xf32> -> vector<512x256xf32>
    %get3A_74 = arith.constant 0 : index
    %get3A_75 = arith.constant 0 : index
    %get3A_76 = vector.load %arg12[%get3A_74, %get3A_75] : memref<1x256xf32, #tpu.memory_space<vmem>>, vector<1x256xf32>
    %add3A_77 = vector.broadcast %get3A_76 : vector<1x256xf32> to vector<512x256xf32>
    %add3A_78 = arith.addf %dot_general3A_73, %add3A_77 : vector<512x256xf32>
    %max3A_79 = arith.constant 0.000000e+00 : f32
    %max3A_80 = vector.broadcast %max3A_79 : f32 to vector<512x256xf32>
    %max3A_81 = arith.maximumf %add3A_78, %max3A_80 : vector<512x256xf32>
    %get3A_82 = arith.constant 0 : index
    %get3A_83 = arith.constant 0 : index
    %get3A_84 = vector.load %arg13[%get3A_82, %get3A_83] : memref<256x256xf32, #tpu.memory_space<vmem>>, vector<256x256xf32>
    %dot_general3A_85 = arith.constant dense<0.000000e+00> : vector<512x256xf32>
    %dot_general3A_86 = tpu.matmul %max3A_81, %get3A_84, %dot_general3A_85 {dimension_numbers = #tpu.dot_dimension_numbers<[1], [0], [0], [1], [0, 0, 1, 1], [], []>, transpose_lhs_hint = false} : vector<512x256xf32>, vector<256x256xf32>, vector<512x256xf32> -> vector<512x256xf32>
    %get3A_87 = arith.constant 0 : index
    %get3A_88 = arith.constant 0 : index
    %get3A_89 = vector.load %arg14[%get3A_87, %get3A_88] : memref<1x256xf32, #tpu.memory_space<vmem>>, vector<1x256xf32>
    %add3A_90 = vector.broadcast %get3A_89 : vector<1x256xf32> to vector<512x256xf32>
    %add3A_91 = arith.addf %dot_general3A_86, %add3A_90 : vector<512x256xf32>
    %mul3A_92 = arith.mulf %add3A_91, %add3A_91 : vector<512x256xf32>
    %reduce_sum3A_93 = arith.constant dense<0.000000e+00> : vector<512xf32>
    %reduce_sum3A_94 = vector.multi_reduction <add>, %mul3A_92, %reduce_sum3A_93 [1] : vector<512x256xf32> to vector<512xf32>
    %broadcast_in_dim3A_95 = vector.shape_cast %reduce_sum3A_94 : vector<512xf32> to vector<512x1xf32>
    %max3A_96 = arith.constant 1.000000e-24 : f32
    %max3A_97 = vector.broadcast %max3A_96 : f32 to vector<512x1xf32>
    %max3A_98 = arith.maximumf %broadcast_in_dim3A_95, %max3A_97 : vector<512x1xf32>
    %rsqrt3A_99 = math.rsqrt %max3A_98 : vector<512x1xf32>
    %mul3A_100 = vector.broadcast %rsqrt3A_99 : vector<512x1xf32> to vector<512x256xf32>
    %mul3A_101 = arith.mulf %add3A_91, %mul3A_100 : vector<512x256xf32>
    %swap3A_102 = arith.constant 0 : index
    %swap3A_103 = arith.constant 0 : index
    %swap3A_104 = vector.load %arg16[%swap3A_102, %swap3A_103] : memref<512x256xf32, #tpu.memory_space<vmem>>, vector<512x256xf32>
    tpu.vector_store %arg16[%swap3A_102, %swap3A_103], %mul3A_101 {strides = array<i32>} : memref<512x256xf32, #tpu.memory_space<vmem>>, vector<512x256xf32>,
    return
  }
  func.func @transform_0(%arg0: i32) -> (i32, i32) {
    %c0_i32 = arith.constant 0 : i32
    %c0_i32_0 = arith.constant 0 : i32
    %c0_i32_1 = arith.constant 0 : i32
    return %c0_i32, %c0_i32_0 : i32, i32
  }
  func.func @transform_1(%arg0: i32) -> (i32, i32) {
    %c0_i32 = arith.constant 0 : i32
    %c0_i32_0 = arith.constant 0 : i32
    return %arg0, %c0_i32 : i32, i32
  }
  func.func @transform_2(%arg0: i32) -> (i32, i32) {
    %c0_i32 = arith.constant 0 : i32
    %c0_i32_0 = arith.constant 0 : i32
    %c0_i32_1 = arith.constant 0 : i32
    return %c0_i32, %c0_i32_0 : i32, i32
  }
  func.func @transform_3(%arg0: i32) -> (i32, i32) {
    %c0_i32 = arith.constant 0 : i32
    %c0_i32_0 = arith.constant 0 : i32
    %c0_i32_1 = arith.constant 0 : i32
    return %c0_i32, %c0_i32_0 : i32, i32
  }
  func.func @transform_4(%arg0: i32) -> (i32, i32) {
    %c0_i32 = arith.constant 0 : i32
    %c0_i32_0 = arith.constant 0 : i32
    %c0_i32_1 = arith.constant 0 : i32
    return %c0_i32, %c0_i32_0 : i32, i32
  }
  func.func @transform_5(%arg0: i32) -> (i32, i32) {
    %c0_i32 = arith.constant 0 : i32
    %c0_i32_0 = arith.constant 0 : i32
    %c0_i32_1 = arith.constant 0 : i32
    return %c0_i32, %c0_i32_0 : i32, i32
  }
  func.func @transform_6(%arg0: i32) -> (i32, i32) {
    %c0_i32 = arith.constant 0 : i32
    %c0_i32_0 = arith.constant 0 : i32
    %c0_i32_1 = arith.constant 0 : i32
    return %c0_i32, %c0_i32_0 : i32, i32
  }
  func.func @transform_7(%arg0: i32) -> (i32, i32) {
    %c0_i32 = arith.constant 0 : i32
    %c0_i32_0 = arith.constant 0 : i32
    %c0_i32_1 = arith.constant 0 : i32
    return %c0_i32, %c0_i32_0 : i32, i32
  }
  func.func @transform_8(%arg0: i32) -> (i32, i32) {
    %c0_i32 = arith.constant 0 : i32
    %c0_i32_0 = arith.constant 0 : i32
    %c0_i32_1 = arith.constant 0 : i32
    return %c0_i32, %c0_i32_0 : i32, i32
  }
  func.func @transform_9(%arg0: i32) -> (i32, i32) {
    %c0_i32 = arith.constant 0 : i32
    %c0_i32_0 = arith.constant 0 : i32
    %c0_i32_1 = arith.constant 0 : i32
    return %c0_i32, %c0_i32_0 : i32, i32
  }
  func.func @transform_10(%arg0: i32) -> (i32, i32) {
    %c0_i32 = arith.constant 0 : i32
    %c0_i32_0 = arith.constant 0 : i32
    %c0_i32_1 = arith.constant 0 : i32
    return %c0_i32, %c0_i32_0 : i32, i32
  }
  func.func @transform_11(%arg0: i32) -> (i32, i32) {
    %c0_i32 = arith.constant 0 : i32
    %c0_i32_0 = arith.constant 0 : i32
    %c0_i32_1 = arith.constant 0 : i32
    return %c0_i32, %c0_i32_0 : i32, i32
  }
  func.func @transform_12(%arg0: i32) -> (i32, i32) {
    %c0_i32 = arith.constant 0 : i32
    %c0_i32_0 = arith.constant 0 : i32
    %c0_i32_1 = arith.constant 0 : i32
    return %c0_i32, %c0_i32_0 : i32, i32
  }
  func.func @transform_13(%arg0: i32) -> (i32, i32) {
    %c0_i32 = arith.constant 0 : i32
    %c0_i32_0 = arith.constant 0 : i32
    %c0_i32_1 = arith.constant 0 : i32
    return %c0_i32, %c0_i32_0 : i32, i32
  }
  func.func @transform_14(%arg0: i32) -> (i32, i32) {
    %c0_i32 = arith.constant 0 : i32
    %c0_i32_0 = arith.constant 0 : i32
    return %arg0, %c0_i32 : i32, i32
  }
  func.func @transform_15(%arg0: i32) -> (i32, i32) {
    %c0_i32 = arith.constant 0 : i32
    %c0_i32_0 = arith.constant 0 : i32
    return %arg0, %c0_i32 : i32, i32
  }
}

module attributes {stable_mosaic.version = 14 : i64} {
  func.func @_loss_body(%arg0: i32, %arg1: memref<2560x256xf32, #tpu.memory_space<vmem>>, %arg2: memref<256x256xf32, #tpu.memory_space<vmem>>, %arg3: memref<1x1xf32, #tpu.memory_space<vmem>>) attributes {dimension_semantics = [#tpu.dimension_semantics<arbitrary>], iteration_bounds = array<i64: 40>, scalar_prefetch = 0 : i64, scratch_operands = 0 : i64, tpu.core_type = #tpu.core_type<tc>, window_params = [{transform_indices = @transform_0, window_bounds = array<i64: 2560, 256>}, {transform_indices = @transform_1, window_bounds = array<i64: 256, 256>}, {pipeline_mode = #tpu.pipeline_mode<synchronous>, transform_indices = @transform_2, window_bounds = array<i64: 1, 1>}]} {
    %get3A = arith.constant 0 : index
    %get3A_0 = arith.constant 0 : index
    %get3A_1 = vector.load %arg1[%get3A, %get3A_0] : memref<2560x256xf32, #tpu.memory_space<vmem>>, vector<2560x256xf32>
    %reshape3A = vector.shape_cast %get3A_1 : vector<2560x256xf32> to vector<256x10x256xf32>
    %get3A_2 = arith.constant 0 : index
    %get3A_3 = arith.constant 0 : index
    %get3A_4 = vector.load %arg2[%get3A_2, %get3A_3] : memref<256x256xf32, #tpu.memory_space<vmem>>, vector<256x256xf32>
    %broadcast_in_dim3A = vector.shape_cast %get3A_4 : vector<256x256xf32> to vector<256x1x256xf32>
    %mul3A = vector.broadcast %broadcast_in_dim3A : vector<256x1x256xf32> to vector<256x10x256xf32>
    %mul3A_5 = arith.mulf %reshape3A, %mul3A : vector<256x10x256xf32>
    %reduce_sum3A = arith.constant dense<0.000000e+00> : vector<256x10xf32>
    %reduce_sum3A_6 = vector.multi_reduction <add>, %mul3A_5, %reduce_sum3A [2] : vector<256x10x256xf32> to vector<256x10xf32>
    %mul3A_7 = arith.constant 2.000000e+00 : f32
    %mul3A_8 = vector.broadcast %mul3A_7 : f32 to vector<256x10xf32>
    %mul3A_9 = arith.mulf %reduce_sum3A_6, %mul3A_8 : vector<256x10xf32>
    %exp3A = math.exp %mul3A_9 : vector<256x10xf32>
    %slice3A = vector.extract_strided_slice %exp3A {offsets = [0, 0], sizes = [256, 5], strides = [1, 1]} : vector<256x10xf32> to vector<256x5xf32>
    %reduce_sum3A_10 = arith.constant dense<0.000000e+00> : vector<256xf32>
    %reduce_sum3A_11 = vector.multi_reduction <add>, %slice3A, %reduce_sum3A_10 [1] : vector<256x5xf32> to vector<256xf32>
    %slice3A_12 = vector.extract_strided_slice %exp3A {offsets = [0, 5], sizes = [256, 5], strides = [1, 1]} : vector<256x10xf32> to vector<256x5xf32>
    %reduce_sum3A_13 = arith.constant dense<0.000000e+00> : vector<256xf32>
    %reduce_sum3A_14 = vector.multi_reduction <add>, %slice3A_12, %reduce_sum3A_13 [1] : vector<256x5xf32> to vector<256xf32>
    %mul3A_15 = arith.constant 1.000000e-01 : f32
    %mul3A_16 = vector.broadcast %mul3A_15 : f32 to vector<256xf32>
    %mul3A_17 = arith.mulf %mul3A_16, %reduce_sum3A_14 : vector<256xf32>
    %add3A = arith.addf %reduce_sum3A_11, %mul3A_17 : vector<256xf32>
    %div3A = arith.divf %reduce_sum3A_11, %add3A : vector<256xf32>
    %log3A = math.log %div3A : vector<256xf32>
    %neg3A = arith.constant 0.000000e+00 : f32
    %neg3A_18 = vector.broadcast %neg3A : f32 to vector<256xf32>
    %neg3A_19 = arith.subf %neg3A_18, %log3A : vector<256xf32>
    %mul3A_20 = arith.constant 256 : i32
    %mul3A_21 = arith.muli %arg0, %mul3A_20 : i32
    %iota3A = tpu.iota {dimensions = array<i32: 1>} : vector<1x256xi32>
    %iota3A_22 = vector.shape_cast %iota3A : vector<1x256xi32> to vector<256xi32>
    %add3A_23 = vector.broadcast %mul3A_21 : i32 to vector<256xi32>
    %add3A_24 = arith.addi %add3A_23, %iota3A_22 : vector<256xi32>
    %lt3A = arith.constant 10000 : i32
    %lt3A_25 = vector.broadcast %lt3A : i32 to vector<256xi32>
    %lt3A_26 = arith.cmpi slt, %add3A_24, %lt3A_25 : vector<256xi32>
    %jit3A = arith.constant 0.000000e+00 : f32
    %broadcast_in_dim3A_27 = vector.broadcast %jit3A : f32 to vector<256xf32>
    %select_n3A = arith.select %lt3A_26, %neg3A_19, %broadcast_in_dim3A_27 : vector<256xi1>, vector<256xf32>
    %reduce_sum3A_28 = vector.shape_cast %select_n3A : vector<256xf32> to vector<1x256xf32>
    %reduce_sum3A_29 = arith.constant dense<0.000000e+00> : vector<1xf32>
    %reduce_sum3A_30 = vector.multi_reduction <add>, %reduce_sum3A_28, %reduce_sum3A_29 [1] : vector<1x256xf32> to vector<1xf32>
    %reduce_sum3A_31 = vector.shape_cast %reduce_sum3A_30 : vector<1xf32> to vector<1x1xf32>
    %reduce_sum3A_32 = vector.extract %reduce_sum3A_31[0, 0] : f32 from vector<1x1xf32>
    %mul3A_33 = arith.constant 9.99999974E-5 : f32
    %mul3A_34 = arith.mulf %reduce_sum3A_32, %mul3A_33 : f32
    %eq3A = arith.constant 0 : i32
    %eq3A_35 = arith.cmpi eq, %arg0, %eq3A : i32
    %convert_element_type3A = arith.extui %eq3A_35 : i1 to i32
    %cond3A = arith.constant 0 : i32
    %cond3A_36 = arith.cmpi ne, %convert_element_type3A, %cond3A : i32
    scf.if %cond3A_36 {
      %broadcast_in_dim3A_44 = arith.constant 0.000000e+00 : f32
      %broadcast_in_dim3A_45 = vector.broadcast %broadcast_in_dim3A_44 : f32 to vector<1x1xf32>
      %swap3A_46 = arith.constant 0 : index
      %swap3A_47 = arith.constant 0 : index
      %swap3A_48 = vector.load %arg3[%swap3A_46, %swap3A_47] : memref<1x1xf32, #tpu.memory_space<vmem>>, vector<1x1xf32>
      tpu.vector_store %arg3[%swap3A_46, %swap3A_47], %broadcast_in_dim3A_45 {strides = array<i32>} : memref<1x1xf32, #tpu.memory_space<vmem>>, vector<1x1xf32>,
    } else {
    }
    %get3A_37 = arith.constant 0 : index
    %get3A_38 = arith.constant 0 : index
    %get3A_39 = vector.load %arg3[%get3A_37, %get3A_38] : memref<1x1xf32, #tpu.memory_space<vmem>>, vector<1x1xf32>
    %reshape3A_40 = vector.broadcast %mul3A_34 : f32 to vector<1x1xf32>
    %add3A_41 = arith.addf %get3A_39, %reshape3A_40 : vector<1x1xf32>
    %swap3A = arith.constant 0 : index
    %swap3A_42 = arith.constant 0 : index
    %swap3A_43 = vector.load %arg3[%swap3A, %swap3A_42] : memref<1x1xf32, #tpu.memory_space<vmem>>, vector<1x1xf32>
    tpu.vector_store %arg3[%swap3A, %swap3A_42], %add3A_41 {strides = array<i32>} : memref<1x1xf32, #tpu.memory_space<vmem>>, vector<1x1xf32>,
    return
  }
  func.func @transform_0(%arg0: i32) -> (i32, i32) {
    %c0_i32 = arith.constant 0 : i32
    %c0_i32_0 = arith.constant 0 : i32
    return %arg0, %c0_i32 : i32, i32
  }
  func.func @transform_1(%arg0: i32) -> (i32, i32) {
    %c0_i32 = arith.constant 0 : i32
    %c0_i32_0 = arith.constant 0 : i32
    return %arg0, %c0_i32 : i32, i32
  }
  func.func @transform_2(%arg0: i32) -> (i32, i32) {
    %c0_i32 = arith.constant 0 : i32
    %c0_i32_0 = arith.constant 0 : i32
    %c0_i32_1 = arith.constant 0 : i32
    return %c0_i32, %c0_i32_0 : i32, i32
  }
}

</mosaic_0001>

<sc_bundles>
// kernel: kernel.12.cloned.1.call-start
scs
__scs_entry_jumppad:
0x0: {  	(pc) =	sbr.rel $0x88, $3  }
0x1: {  	(tag) =	ssettag $0x0;
	lr =	simm.s32 $0x1  }
0x2: {  	[smem:$0x3F8D] =	sst lr;
	_ =	strace $0xD0000000  }
0x3: {  	_ = 	snop  }
0x4: {  	_ = 	snop  }
0x5: {  	_ = 	snop  }
0x6: {  	_ = 	snop  }
0x7: {  	_ = 	snop  }
__scs_overlays_trampoline_lowered:
0x8: {  	[smem:$0x3F9C] =	sst s0  }
0x9: {  	[smem:$0x3F9D] =	sst s1  }
0xa: {  	[smem:$0x3F9E] =	sst s2  }
0xb: {  	[smem:$0x3F9F] =	sst s3  }
0xc: {  	[smem:$0x3FA0] =	sst s4  }
0xd: {  	[smem:$0x3FA1] =	sst s5  }
0xe: {  	[smem:$0x3FA2] =	sst s6  }
0xf: {  	[smem:$0x3FA3] =	sst s7  }
0x10: {  	[smem:$0x3FA4] =	sst s8  }
0x11: {  	[smem:$0x3FA5] =	sst s9;
	s0 =	simm.s32 @!p0 $0x0  }
0x12: {  	s1 =	sld [smem:$0x3F8B];
	s0 =	simm.s32 @p0 $0x1  }
0x13: {  	[smem:$0x3FA6] =	sst s0;
	s0 =	simm.s32 @!p1 $0x0  }
0x14: {  	s2 =	sld [smem:$0x3F8A];
	s0 =	simm.s32 @p1 $0x1  }
0x15: {  	[smem:$0x3FA7] =	sst s0;
	s0 =	simm.s32 @!p2 $0x0  }
0x16: {  	s3 =	sld [smem:$0x3FDB];
	s0 =	simm.s32 @p2 $0x1  }
0x17: {  	s4 =	simm.s32 $0x1BF5;
	[smem:$0x3FA9] =	sst s0  }
0x18: {  	s0 =	sld [smem:$0x3F8C];
	_ =	swait.ge [sflag:s4], $0x0  }
0x19: {  	s7 =	sld [smem:$0x3F8D]  }
0x1a: {  	s8 =	sadd.s32 $0xFFFFE003, lr  }
0x1b: {  	s9 =	sadd.s32 $0xFFFFFEF7, lr;
	s5 =	simm.s32 $0xFFFFFFFF;
	p2 =	slt.u32 s8, $0xFFFFF086  }
0x1c: {  	p1 =	slt.u32 s9, $0xF7A;
	s5 =	simm.s32 @!p2 $0x0  }
0x1d: {  	s5 =	simm.s32 @p1 $0x1;
	p0 =	seq.s32 s7, s2  }
0x1e: {  	s7 =	smul.u32 @!p0 $0xF7A, s2;
	p2 =	seq.s32 @!p0 s5, $0x0  }
0x1f: {  	s9 =	smul.u32 $0xF7A, s1;
	s8 =	simm.s32 @!p0 $0x1BF5;
	p2 =	por !p2, p0  }
0x20: {  	[sflag:s8] =	ssyncset.s32 @!p0 $0xFFFFF086;
	s6 =	sadd.s32 @!p0 s3, s7;
	s7 =	simm.s32 @!p0 $0x108  }
0x21: {  	s3 =	sadd.s32 s3, s9;
	s6 =	sadd.s32 @!p0 $0x88, s6;
	s7 =	simm.s32 @p2 $0x1082  }
0x22: {  	[simem:s7], [sflag:s8] =	dma.local @!p0 [hbm:s6], $0xF7A  }
0x23: {  	s9 =	sor.u32 $0xD0000000, s2;
	s6 =	simm.s32 $0x108;
	_ =	swait.ge @!p0 [sflag:s8], $0x0  }
0x24: {  	s3 =	sadd.s32 $0x88, s3;
	s6 =	simm.s32 @!p1 $0x1082;
	[sflag:s4] =	ssyncset.s32 $0xFFFFF086  }
0x25: {  	[simem:s6], [sflag:s4] =	dma.local [hbm:s3], $0xF7A  }
0x26: {  	[smem:$0x3F8D] =	sst s1;
	(tag) =	ssettag s2;
	_ =	strace s9  }
0x27: {  	s1 =	sld [smem:$0x3F9D]  }
0x28: {  	s2 =	sld [smem:$0x3F9E]  }
0x29: {  	s4 =	sld [smem:$0x3FA0]  }
0x2a: {  	p0 =	seq.s32 s5, $0x0;
	s5 =	sld [smem:$0x3FA1]  }
0x2b: {  	s6 =	sld [smem:$0x3FA2]  }
0x2c: {  	s7 =	sld [smem:$0x3FA3]  }
0x2d: {  	s3 =	simm.s32 $0x108;
	s8 =	sld [smem:$0x3FA4]  }
0x2e: {  	s3 =	simm.s32 @!p0 $0x1082;
	s9 =	sld [smem:$0x3FA5]  }
0x2f: {  	lr =	sadd.s32 s0, s3;
	s0 =	sld [smem:$0x3F9C]  }
0x30: {  	s3 =	sld [smem:$0x3F9F]  }
0x31: {  	[smem:$0x3FA8] =	sst s10  }
0x32: {  	s10 =	sld [smem:$0x3FA6];
	_ =	sdelay $0x3  }
0x33: {  	p0 =	seq.s32 s10, $0x1;
	s10 =	sld [smem:$0x3FA8];
	_ =	sdelay $0x3  }
0x34: {  	[smem:$0x3FA8] =	sst s10  }
0x35: {  	s10 =	sld [smem:$0x3FA7];
	_ =	sdelay $0x3  }
0x36: {  	p1 =	seq.s32 s10, $0x1;
	s10 =	sld [smem:$0x3FA8];
	_ =	sdelay $0x3  }
0x37: {  	[smem:$0x3FA8] =	sst s10  }
0x38: {  	s10 =	sld [smem:$0x3FA9]  }
0x39: {  	_ = 	snop;
	(pc) =	sbr.ind lr, $3  }
0x3a: {  	_ = 	snop  }
0x3b: {  	_ = 	snop  }
0x3c: {  	p2 =	seq.s32 s10, $0x1;
	s10 =	sld [smem:$0x3FA8]  }
0x3d: {  	_ =	shalt  }
0x3e: {  	_ =	shalt  }
0x3f: {  	_ =	shalt  }
0x40: {  	_ =	shalt  }
0x41: {  	_ =	shalt  }
0x42: {  	_ =	shalt  }
0x43: {  	_ =	shalt  }
0x44: {  	_ =	shalt  }
0x45: {  	_ =	shalt  }
0x46: {  	_ =	shalt  }
0x47: {  	_ =	shalt  }
0x48: {  	_ =	shalt  }
0x49: {  	_ =	shalt  }
0x4a: {  	_ =	shalt  }
0x4b: {  	_ =	shalt  }
0x4c: {  	_ =	shalt  }
0x4d: {  	_ =	shalt  }
0x4e: {  	_ =	shalt  }
0x4f: {  	_ =	shalt  }
0x50: {  	_ =	shalt  }
0x51: {  	_ =	shalt  }
0x52: {  	_ =	shalt  }
0x53: {  	_ =	shalt  }
0x54: {  	_ =	shalt  }
0x55: {  	_ =	shalt  }
0x56: {  	_ =	shalt  }
0x57: {  	_ =	shalt  }
0x58: {  	_ =	shalt  }
0x59: {  	_ =	shalt  }
0x5a: {  	_ =	shalt  }
0x5b: {  	_ =	shalt  }
0x5c: {  	_ =	shalt  }
0x5d: {  	_ =	shalt  }
0x5e: {  	_ =	shalt  }
0x5f: {  	_ =	shalt  }
0x60: {  	_ =	shalt  }
0x61: {  	_ =	shalt  }
0x62: {  	_ =	shalt  }
0x63: {  	_ =	shalt  }
0x64: {  	_ =	shalt  }
0x65: {  	_ =	shalt  }
0x66: {  	_ =	shalt  }
0x67: {  	_ =	shalt  }
0x68: {  	_ =	shalt  }
0x69: {  	_ =	shalt  }
0x6a: {  	_ =	shalt  }
0x6b: {  	_ =	shalt  }
0x6c: {  	_ =	shalt  }
0x6d: {  	_ =	shalt  }
0x6e: {  	_ =	shalt  }
0x6f: {  	_ =	shalt  }
0x70: {  	_ =	shalt  }
0x71: {  	_ =	shalt  }
0x72: {  	_ =	shalt  }
0x73: {  	_ =	shalt  }
0x74: {  	_ =	shalt  }
0x75: {  	_ =	shalt  }
0x76: {  	_ =	shalt  }
0x77: {  	_ =	shalt  }
0x78: {  	_ =	shalt  }
0x79: {  	_ =	shalt  }
0x7a: {  	_ =	shalt  }
0x7b: {  	_ =	shalt  }
0x7c: {  	_ =	shalt  }
0x7d: {  	_ =	shalt  }
0x7e: {  	_ =	shalt  }
0x7f: {  	_ =	shalt  }
0x80: {  	_ =	shalt  }
0x81: {  	_ =	shalt  }
0x82: {  	_ =	shalt  }
0x83: {  	_ =	shalt  }
0x84: {  	_ =	shalt  }
0x85: {  	_ =	shalt  }
0x86: {  	_ =	shalt  }
0x87: {  	_ =	shalt  }
.Lfunc_end0:
.L_simem_size_0:
called_computation_lowered:
.L_overlay_start_0:
0x88: {  	s2 =	sld [smem:$0x3FD9]  }
0x89: {  	s3 =	sld [smem:$0x3FFE];
	_ =	sdelay $0x1  }
0x8a: {  	s1 =	srdreg.scid  }
0x8b: {  	s0 =	sand.u32 $0x1, s1  }
0x8c: {  	s14 =	sshll.u32 s0, $0xA;
	s2 =	sadd.s32 s3, s2  }
0x8d: {  	s2 =	sadd.s32 s2, s14  }
0x8e: {  	[smem:$0x3FB4] =	sst s2  }
0x8f: {  	_ = 	snop  }
0x90: {  	s2 =	sld [smem:$0x3FD0];
	_ =	sdelay $0x2  }
0x91: {  	s15 =	simm.s32 $0xA;
	s4 =	simm.s32 $0x10  }
0x92: {  	[smem:s4], [sflag:s15] =	dma.local [hbm:s2], $0x1  }
0x93: {  	_ =	swait.eq [sflag:s15], $0x1  }
0x94: {  	[sflag:s15] =	ssyncset.done $0x0  }
0x95: {  	[sflag:s15] =	ssyncadd.s32 $0xFFFFFFFF  }
0x96: {  	s16 =	sld [smem:$0x11];
	(tm) =	ssettm $0x1  }
0x97: {  	s17 =	sld [smem:$0x3FFB];
	_ =	sdelay $0x3  }
0x98: {  	_ =	strace s17  }
0x99: {  	s3 =	sld [smem:$0x3FFC];
	_ =	sdelay $0x3  }
0x9a: {  	_ =	strace s3  }
0x9b: {  	s3 =	sld [smem:$0x3FFD];
	_ =	sdelay $0x3  }
0x9c: {  	_ =	strace s3  }
0x9d: {  	_ =	strace $0x8FFFFFFF  }
0x9e: {  	s18 =	sld [smem:$0x3FDB];
	_ =	sdelay $0x1  }
0x9f: {  	s19 =	simm.s32 $_scs_section_size  }
0xa0: {  	s5 =	simm.s32 $_size__tile_overlayer_lowered;
	s6 =	simm.s32 $_tile_overlayer_lowered  }
0xa1: {  	s22 =	simm.s32 $0x1BFF;
	s21 =	sshll.u32 s6, $0x1;
	s3 =	sadd.s32 s19, s18  }
0xa2: {  	s7 =	simm.s32 $0x0;
	s20 =	sshll.u32 s5, $0x1;
	s5 =	sadd.s32 s21, s3  }
0xa3: {  	[timem:s7], [sflag:s22] =	dma.local [hbm:s5], s20  }
0xa4: {  	_ =	swait.ge [sflag:s22], s20  }
0xa5: {  	s4 =	ssub.s32 $0x0, s20;
	[sflag:s22] =	ssyncset.done $0x0  }
0xa6: {  	[sflag:s22] =	ssyncadd.s32 s4;
	_ =	sdelay $0x1  }
0xa7: {  	s23 =	simm.s32 $0x1B8B  }
0xa8: {  	_ =	swait.ge [sflag:s23], $0x1  }
0xa9: {  	[sflag:s23] =	ssyncset.done $0x0  }
0xaa: {  	s25 =	simm.s32 $0x1B8E;
	s24 =	sld [smem:$0x3FFE];
	[sflag:s23] =	ssyncadd.s32 $0xFFFFFFFF  }
0xab: {  	s26 =	simm.s32 $execute0_lowered;
	[smem:$0x3FD2] =	sst s25  }
0xac: {  	s5 =	sshll.u32 s26, $0x1;
	_ =	strace $0x80000046;
	[dreg:$0x1] =	wrdreg $0xFFFFFFFF  }
0xad: {  	s28 =	simm.s32 $_size_execute0_lowered;
	s3 =	sadd.s32 s3, s5;
	[dreg:$0x0] =	wrdreg $0x0  }
0xae: {  	s5 =	sshll.u32 s28, $0x1;
	[dreg:$0x2] =	wrdreg s3  }
0xaf: {  	[dreg:$0x3] =	wrdreg s5  }
0xb0: {  	[dreg:$0x4] =	wrdreg $0xC0  }
0xb1: {  	_ =	task [dreg:s7], $0x5FFFF  }
0xb2: {  	[dreg:$0x1] =	wrdreg $0xFFFFFFFF  }
0xb3: {  	[dreg:$0x0] =	wrdreg $0x60  }
0xb4: {  	[dreg:$0x2] =	wrdreg s24  }
0xb5: {  	[dreg:$0x3] =	wrdreg s16  }
0xb6: {  	[dreg:$0x4] =	wrdreg $0x9  }
0xb7: {  	_ =	task.clear_ibuf [dreg:s7], $0x5FFFF;
	_ =	strace $0x90000046  }
0xb8: {  	s29 =	simm.s32 $0x9;
	_ =	strace $0x80000048  }
0xb9: {  	_ =	swait.ge [sflag:s29], $0x1  }
0xba: {  	[sflag:s29] =	ssyncadd.s32 $0xFFFFFFFF  }
0xbb: {  	_ =	strace $0x90000048  }
0xbc: {  	_ =	sfence  }
0xbd: {  	s30 =	sld [smem:$0x0];
	_ =	sdelay $0x2  }
0xbe: {  	s31 =	sshll.u32 s1, $0xD;
	s1 =	sshrl.u32 s1, $0x2  }
0xbf: {  	s3 =	sand.u32 $0x4000, s31;
	s1 =	sadd.s32 s1, s30  }
0xc0: {  	s0 =	sor.u32 s3, s0;
	s1 =	sshll.u32 s1, $0x11  }
0xc1: {  	s0 =	sor.u32 s1, s0  }
0xc2: {  	s0 =	sadd.s32 $0x8F2B, s0  }
0xc3: {  	[sflag:s0] =	ssyncadd.remote.s32 $0x1  }
0xc4: {  	_ =	sfence.sel $0xFFFF  }
0xc5: {  	[dreg:$0x0] =	wrdreg $0xFFFFFFFF;
	(pc) =	sbr.abs _section_cstart, $3  }
0xc6: {  	[dreg:$0x1] =	wrdreg $0xFFFFFFFF  }
0xc7: {  	_ =	task.clear_ibuf [dreg:s7], $0x2FFFF;
	_ =	strace $0x9FFFFFFF  }
0xc8: {  	(tm) =	ssettm $0x7FFFFFFF  }
0xc9: {  	_ =	shalt  }
tec
execute0_lowered:
.L_overlay_start_1:
0x0: {  	(tag) =	ssettag $0x1  }
0x1: {  	s4 =	rddreg [dreg:$0x0]  }
0x2: {  	s1 =	srdreg.scid;
	s0 =	stileid.u32  }
0x3: {  	s5 =	rddreg [dreg:$0x1];
	s2 =	simm.s32 $0x0;
	s10 =	simm.s32 $0x1  }
0x4: {  	s3 =	sand.u32 $0x1, s1;
	s6 =	sshll.u32 s0, $0x1;
	s1 =	rddreg [dreg:$0x2]  }
0x5: {  	s11 =	simm.s32 $0x0;
	[smem:$0x7FF] =	sst s2;
	s6 =	sor.u32 s3, s6  }
0x6: {  	_ =	strace $0x80000047;
	s8 =	ssub.s32 $0x2, s3;
	s7 =	smul.u32 $0x280, s6  }
0x7: {  	s3 =	sadd.s32 $0x14800, s4;
	s6 =	sshll.u32 s6, $0xB;
	s31 =	sshrl.u32 s8, $0x1  }
0x8: {  	s9 =	sadd.s32 s6, s4;
	s8 =	ssub.s32 s8, s31;
	s7 =	sadd.s32 s7, s4  }
0x9: {  	s5 =	sadd.s32 s5, s6;
	s8 =	smax.u32 s8, $0x1;
	s4 =	sadd.s32 $0xA800, s7  }
0xa: {  	v0 =	vimm.f32 $1.000000000e+00;
	s6 =	sadd.s32 $0x5800, s7;
	s7 =	sadd.s32 $0x15000, s9;
	s9 =	simm.s32 $0x1400  }
.LBB2_1:
0xb: {  	[tilespmem:s9], [sflag:$0x1] =	stream.linear.gather [hbm4b:s3+s2], $0x4000, $0x38;
	[tilespmem:$0x5400] =	vst v63  }
0xc: {  	_ =	swait.ge [sflag:s10], $0x4000  }
0xd: {  	[sflag:s10] =	ssyncset.done $0x0  }
0xe: {  	[sflag:s10] =	ssyncadd.s32 $0xFFFFC000  }
0xf: {  	[tilespmem:s2], [sflag:$0x1] =	stream.linear.gather [hbm4b:s4+s2], $0x1400, $0x38;
	[tilespmem:$0x5400] =	vst v63  }
0x10: {  	_ =	swait.ge [sflag:s10], $0x1400  }
0x11: {  	[sflag:s10] =	ssyncset.done $0x0  }
0x12: {  	s12 =	simm.s32 $0x0;
	[sflag:s10] =	ssyncadd.s32 $0xFFFFEC00  }
.LBB2_2:
0x13: {  	s13 =	sshra.s32 s12, $0x2  }
0x14: {  	v1 =	vld [tilespmem:s13+$0x0];
	_ =	sdelay $0x7  }
0x15: {  	[tilespmem:v1+s9+$0x0] =	vst.idx.add.f32.msk $0xffff, v0  }
0x16: {  	v1 =	vld [tilespmem:s13+$0x10];
	_ =	sdelay $0x7  }
0x17: {  	[tilespmem:v1+s9+$0x0] =	vst.idx.add.f32.msk $0xffff, v0  }
0x18: {  	v1 =	vld [tilespmem:s13+$0x20];
	_ =	sdelay $0x7  }
0x19: {  	[tilespmem:v1+s9+$0x0] =	vst.idx.add.f32.msk $0xffff, v0  }
0x1a: {  	v1 =	vld [tilespmem:s13+$0x30];
	_ =	sdelay $0x7  }
0x1b: {  	[tilespmem:v1+s9+$0x0] =	vst.idx.add.f32.msk $0xffff, v0  }
0x1c: {  	v1 =	vld [tilespmem:s13+$0x40];
	_ =	sdelay $0x7  }
0x1d: {  	[tilespmem:v1+s9+$0x0] =	vst.idx.add.f32.msk $0xffff, v0  }
0x1e: {  	v1 =	vld [tilespmem:s13+$0x50];
	_ =	sdelay $0x7  }
0x1f: {  	[tilespmem:v1+s9+$0x0] =	vst.idx.add.f32.msk $0xffff, v0  }
0x20: {  	v1 =	vld [tilespmem:s13+$0x60];
	_ =	sdelay $0x7  }
0x21: {  	[tilespmem:v1+s9+$0x0] =	vst.idx.add.f32.msk $0xffff, v0  }
0x22: {  	v1 =	vld [tilespmem:s13+$0x70];
	_ =	sdelay $0x2  }
0x23: {  	p0 =	sne.s32 s12, $0x4E00  }
.Ltmp0:
0x24: {  	_ = 	snop;
	(pc) =	sbr.rel @p0 .LBB2_2-.Ltmp0, $2  }
0x25: {  	_ =	sdelay $0x2  }
0x26: {  	s12 =	sadd.s32 $0x200, s12;
	[tilespmem:v1+s9+$0x0] =	vst.idx.add.f32.msk $0xffff, v0  }
0x27: {  	s12 =	simm.s32 $0x0  }
0x28: {  	[hbm4b:s5+s12] =	stream.linear.scatter [tilespmem:s9], [sflag:$0x1], $0x4000, $0x38;
	[tilespmem:$0x5400] =	vst v63  }
0x29: {  	_ =	swait.ge [sflag:s10], $0x4000  }
0x2a: {  	[sflag:s10] =	ssyncset.done $0x0  }
0x2b: {  	[sflag:s10] =	ssyncadd.s32 $0xFFFFC000  }
0x2c: {  	[tilespmem:s9], [sflag:$0x1] =	stream.linear.gather [hbm4b:s3+s12], $0x4000, $0x38;
	[tilespmem:$0x5400] =	vst v63  }
0x2d: {  	_ =	swait.ge [sflag:s10], $0x4000  }
0x2e: {  	[sflag:s10] =	ssyncset.done $0x0  }
0x2f: {  	[sflag:s10] =	ssyncadd.s32 $0xFFFFC000  }
0x30: {  	[tilespmem:s12], [sflag:$0x1] =	stream.linear.gather [hbm4b:s6+s12], $0x1400, $0x38;
	[tilespmem:$0x5400] =	vst v63  }
0x31: {  	_ =	swait.ge [sflag:s10], $0x1400  }
0x32: {  	[sflag:s10] =	ssyncset.done $0x0  }
0x33: {  	[sflag:s10] =	ssyncadd.s32 $0xFFFFEC00  }
.LBB2_4:
0x34: {  	s13 =	sshra.s32 s12, $0x2  }
0x35: {  	v1 =	vld [tilespmem:s13+$0x0];
	_ =	sdelay $0x7  }
0x36: {  	[tilespmem:v1+s9+$0x0] =	vst.idx.add.f32.msk $0xffff, v0  }
0x37: {  	v1 =	vld [tilespmem:s13+$0x10];
	_ =	sdelay $0x7  }
0x38: {  	[tilespmem:v1+s9+$0x0] =	vst.idx.add.f32.msk $0xffff, v0  }
0x39: {  	v1 =	vld [tilespmem:s13+$0x20];
	_ =	sdelay $0x7  }
0x3a: {  	[tilespmem:v1+s9+$0x0] =	vst.idx.add.f32.msk $0xffff, v0  }
0x3b: {  	v1 =	vld [tilespmem:s13+$0x30];
	_ =	sdelay $0x7  }
0x3c: {  	[tilespmem:v1+s9+$0x0] =	vst.idx.add.f32.msk $0xffff, v0  }
0x3d: {  	v1 =	vld [tilespmem:s13+$0x40];
	_ =	sdelay $0x7  }
0x3e: {  	[tilespmem:v1+s9+$0x0] =	vst.idx.add.f32.msk $0xffff, v0  }
0x3f: {  	v1 =	vld [tilespmem:s13+$0x50];
	_ =	sdelay $0x7  }
0x40: {  	[tilespmem:v1+s9+$0x0] =	vst.idx.add.f32.msk $0xffff, v0  }
0x41: {  	v1 =	vld [tilespmem:s13+$0x60];
	_ =	sdelay $0x7  }
0x42: {  	[tilespmem:v1+s9+$0x0] =	vst.idx.add.f32.msk $0xffff, v0  }
0x43: {  	v1 =	vld [tilespmem:s13+$0x70];
	_ =	sdelay $0x2  }
0x44: {  	p0 =	sne.s32 s12, $0x4E00  }
.Ltmp1:
0x45: {  	_ = 	snop;
	(pc) =	sbr.rel @p0 .LBB2_4-.Ltmp1, $2  }
0x46: {  	_ =	sdelay $0x2  }
0x47: {  	s12 =	sadd.s32 $0x200, s12;
	[tilespmem:v1+s9+$0x0] =	vst.idx.add.f32.msk $0xffff, v0  }
0x48: {  	s11 =	sadd.s32 $0x1, s11  }
0x49: {  	p0 =	sne.s32 s11, s8  }
.Ltmp2:
0x4a: {  	_ = 	snop;
	(pc) =	sbr.rel @p0 .LBB2_1-.Ltmp2, $4  }
0x4b: {  	[hbm4b:s7+s2] =	stream.linear.scatter [tilespmem:s9], [sflag:$0x1], $0x4000, $0x38;
	[tilespmem:$0x5400] =	vst v63  }
0x4c: {  	_ =	swait.ge [sflag:s10], $0x4000  }
0x4d: {  	[sflag:s10] =	ssyncset.done $0x0  }
0x4e: {  	[sflag:s10] =	ssyncadd.s32 $0xFFFFC000  }
0x4f: {  	_ =	sfence.sel $0x180000  }
0x50: {  	[bflag:$0x0] =	sbarrier.arrive $0xFFFF  }
0x51: {  	p0 =	sne.s32 s0, $0x0;
	_ =	strace $0x90000047  }
0x52: {  	s0 =	sadd.s32 @!p0 $0x100000, s1;
	[bflag:$0x2] =	sbarrier.arrive $0xFFFF  }
0x53: {  	[sflag:s0] =	ssyncadd.tile.s32 @!p0 $0x1;
	_ =	shalt  }
.Lfunc_end2:
_tile_overlayer_lowered:
.L_overlay_start_2:
0x54: {  	(tag) =	ssettag $0x2  }
0x55: {  	s0 =	rddreg [dreg:$0x0];
	s2 =	stileid.u32  }
0x56: {  	s1 =	rddreg [dreg:$0x1];
	p0 =	sne.s32 s2, $0x0  }
0x57: {  	s3 =	rddreg [dreg:$0x2];
	[bflag:$0x3] =	sbarrier.arrive $0xFFFF;
	s2 =	simm.s32 @!p0 $0x1C01  }
0x58: {  	[timem:s3], [sflag:s2] =	dma.local @!p0 [hbm:s0], s1  }
0x59: {  	s0 =	simm.s32 @!p0 $0x1  }
0x5a: {  	_ =	swait.ge @!p0 [sflag:s0], s1  }
0x5b: {  	s1 =	ssub.s32 @!p0 $0x0, s1;
	[sflag:s0] =	ssyncset.done @!p0 $0x0  }
0x5c: {  	[sflag:s0] =	ssyncadd.s32 @!p0 s1  }
0x5d: {  	[bflag:$0x3] =	sbarrier.arrive $0xFFFF  }
0x5e: {  	_ =	shalt  }

// kernel: kernel.15.cloned.1.call-start
scs
__scs_entry_jumppad:
0x0: {  	(pc) =	sbr.rel $0x88, $3  }
0x1: {  	(tag) =	ssettag $0x0;
	lr =	simm.s32 $0x1  }
0x2: {  	[smem:$0x3F8D] =	sst lr;
	_ =	strace $0xD0000000  }
0x3: {  	_ = 	snop  }
0x4: {  	_ = 	snop  }
0x5: {  	_ = 	snop  }
0x6: {  	_ = 	snop  }
0x7: {  	_ = 	snop  }
__scs_overlays_trampoline_lowered:
0x8: {  	[smem:$0x3F9C] =	sst s0  }
0x9: {  	[smem:$0x3F9D] =	sst s1  }
0xa: {  	[smem:$0x3F9E] =	sst s2  }
0xb: {  	[smem:$0x3F9F] =	sst s3  }
0xc: {  	[smem:$0x3FA0] =	sst s4  }
0xd: {  	[smem:$0x3FA1] =	sst s5  }
0xe: {  	[smem:$0x3FA2] =	sst s6  }
0xf: {  	[smem:$0x3FA3] =	sst s7  }
0x10: {  	[smem:$0x3FA4] =	sst s8  }
0x11: {  	[smem:$0x3FA5] =	sst s9;
	s0 =	simm.s32 @!p0 $0x0  }
0x12: {  	s1 =	sld [smem:$0x3F8B];
	s0 =	simm.s32 @p0 $0x1  }
0x13: {  	[smem:$0x3FA6] =	sst s0;
	s0 =	simm.s32 @!p1 $0x0  }
0x14: {  	s2 =	sld [smem:$0x3F8A];
	s0 =	simm.s32 @p1 $0x1  }
0x15: {  	[smem:$0x3FA7] =	sst s0;
	s0 =	simm.s32 @!p2 $0x0  }
0x16: {  	s3 =	sld [smem:$0x3FDB];
	s0 =	simm.s32 @p2 $0x1  }
0x17: {  	s4 =	simm.s32 $0x1BF5;
	[smem:$0x3FA9] =	sst s0  }
0x18: {  	s0 =	sld [smem:$0x3F8C];
	_ =	swait.ge [sflag:s4], $0x0  }
0x19: {  	s7 =	sld [smem:$0x3F8D]  }
0x1a: {  	s8 =	sadd.s32 $0xFFFFE003, lr  }
0x1b: {  	s9 =	sadd.s32 $0xFFFFFEF7, lr;
	s5 =	simm.s32 $0xFFFFFFFF;
	p2 =	slt.u32 s8, $0xFFFFF086  }
0x1c: {  	p1 =	slt.u32 s9, $0xF7A;
	s5 =	simm.s32 @!p2 $0x0  }
0x1d: {  	s5 =	simm.s32 @p1 $0x1;
	p0 =	seq.s32 s7, s2  }
0x1e: {  	s7 =	smul.u32 @!p0 $0xF7A, s2;
	p2 =	seq.s32 @!p0 s5, $0x0  }
0x1f: {  	s9 =	smul.u32 $0xF7A, s1;
	s8 =	simm.s32 @!p0 $0x1BF5;
	p2 =	por !p2, p0  }
0x20: {  	[sflag:s8] =	ssyncset.s32 @!p0 $0xFFFFF086;
	s6 =	sadd.s32 @!p0 s3, s7;
	s7 =	simm.s32 @!p0 $0x108  }
0x21: {  	s3 =	sadd.s32 s3, s9;
	s6 =	sadd.s32 @!p0 $0x88, s6;
	s7 =	simm.s32 @p2 $0x1082  }
0x22: {  	[simem:s7], [sflag:s8] =	dma.local @!p0 [hbm:s6], $0xF7A  }
0x23: {  	s9 =	sor.u32 $0xD0000000, s2;
	s6 =	simm.s32 $0x108;
	_ =	swait.ge @!p0 [sflag:s8], $0x0  }
0x24: {  	s3 =	sadd.s32 $0x88, s3;
	s6 =	simm.s32 @!p1 $0x1082;
	[sflag:s4] =	ssyncset.s32 $0xFFFFF086  }
0x25: {  	[simem:s6], [sflag:s4] =	dma.local [hbm:s3], $0xF7A  }
0x26: {  	[smem:$0x3F8D] =	sst s1;
	(tag) =	ssettag s2;
	_ =	strace s9  }
0x27: {  	s1 =	sld [smem:$0x3F9D]  }
0x28: {  	s2 =	sld [smem:$0x3F9E]  }
0x29: {  	s4 =	sld [smem:$0x3FA0]  }
0x2a: {  	p0 =	seq.s32 s5, $0x0;
	s5 =	sld [smem:$0x3FA1]  }
0x2b: {  	s6 =	sld [smem:$0x3FA2]  }
0x2c: {  	s7 =	sld [smem:$0x3FA3]  }
0x2d: {  	s3 =	simm.s32 $0x108;
	s8 =	sld [smem:$0x3FA4]  }
0x2e: {  	s3 =	simm.s32 @!p0 $0x1082;
	s9 =	sld [smem:$0x3FA5]  }
0x2f: {  	lr =	sadd.s32 s0, s3;
	s0 =	sld [smem:$0x3F9C]  }
0x30: {  	s3 =	sld [smem:$0x3F9F]  }
0x31: {  	[smem:$0x3FA8] =	sst s10  }
0x32: {  	s10 =	sld [smem:$0x3FA6];
	_ =	sdelay $0x3  }
0x33: {  	p0 =	seq.s32 s10, $0x1;
	s10 =	sld [smem:$0x3FA8];
	_ =	sdelay $0x3  }
0x34: {  	[smem:$0x3FA8] =	sst s10  }
0x35: {  	s10 =	sld [smem:$0x3FA7];
	_ =	sdelay $0x3  }
0x36: {  	p1 =	seq.s32 s10, $0x1;
	s10 =	sld [smem:$0x3FA8];
	_ =	sdelay $0x3  }
0x37: {  	[smem:$0x3FA8] =	sst s10  }
0x38: {  	s10 =	sld [smem:$0x3FA9]  }
0x39: {  	_ = 	snop;
	(pc) =	sbr.ind lr, $3  }
0x3a: {  	_ = 	snop  }
0x3b: {  	_ = 	snop  }
0x3c: {  	p2 =	seq.s32 s10, $0x1;
	s10 =	sld [smem:$0x3FA8]  }
0x3d: {  	_ =	shalt  }
0x3e: {  	_ =	shalt  }
0x3f: {  	_ =	shalt  }
0x40: {  	_ =	shalt  }
0x41: {  	_ =	shalt  }
0x42: {  	_ =	shalt  }
0x43: {  	_ =	shalt  }
0x44: {  	_ =	shalt  }
0x45: {  	_ =	shalt  }
0x46: {  	_ =	shalt  }
0x47: {  	_ =	shalt  }
0x48: {  	_ =	shalt  }
0x49: {  	_ =	shalt  }
0x4a: {  	_ =	shalt  }
0x4b: {  	_ =	shalt  }
0x4c: {  	_ =	shalt  }
0x4d: {  	_ =	shalt  }
0x4e: {  	_ =	shalt  }
0x4f: {  	_ =	shalt  }
0x50: {  	_ =	shalt  }
0x51: {  	_ =	shalt  }
0x52: {  	_ =	shalt  }
0x53: {  	_ =	shalt  }
0x54: {  	_ =	shalt  }
0x55: {  	_ =	shalt  }
0x56: {  	_ =	shalt  }
0x57: {  	_ =	shalt  }
0x58: {  	_ =	shalt  }
0x59: {  	_ =	shalt  }
0x5a: {  	_ =	shalt  }
0x5b: {  	_ =	shalt  }
0x5c: {  	_ =	shalt  }
0x5d: {  	_ =	shalt  }
0x5e: {  	_ =	shalt  }
0x5f: {  	_ =	shalt  }
0x60: {  	_ =	shalt  }
0x61: {  	_ =	shalt  }
0x62: {  	_ =	shalt  }
0x63: {  	_ =	shalt  }
0x64: {  	_ =	shalt  }
0x65: {  	_ =	shalt  }
0x66: {  	_ =	shalt  }
0x67: {  	_ =	shalt  }
0x68: {  	_ =	shalt  }
0x69: {  	_ =	shalt  }
0x6a: {  	_ =	shalt  }
0x6b: {  	_ =	shalt  }
0x6c: {  	_ =	shalt  }
0x6d: {  	_ =	shalt  }
0x6e: {  	_ =	shalt  }
0x6f: {  	_ =	shalt  }
0x70: {  	_ =	shalt  }
0x71: {  	_ =	shalt  }
0x72: {  	_ =	shalt  }
0x73: {  	_ =	shalt  }
0x74: {  	_ =	shalt  }
0x75: {  	_ =	shalt  }
0x76: {  	_ =	shalt  }
0x77: {  	_ =	shalt  }
0x78: {  	_ =	shalt  }
0x79: {  	_ =	shalt  }
0x7a: {  	_ =	shalt  }
0x7b: {  	_ =	shalt  }
0x7c: {  	_ =	shalt  }
0x7d: {  	_ =	shalt  }
0x7e: {  	_ =	shalt  }
0x7f: {  	_ =	shalt  }
0x80: {  	_ =	shalt  }
0x81: {  	_ =	shalt  }
0x82: {  	_ =	shalt  }
0x83: {  	_ =	shalt  }
0x84: {  	_ =	shalt  }
0x85: {  	_ =	shalt  }
0x86: {  	_ =	shalt  }
0x87: {  	_ =	shalt  }
.Lfunc_end0:
.L_simem_size_0:
called_computation.1_lowered:
.L_overlay_start_0:
0x88: {  	s2 =	sld [smem:$0x3FD9]  }
0x89: {  	s3 =	sld [smem:$0x3FFE];
	_ =	sdelay $0x1  }
0x8a: {  	s1 =	srdreg.scid  }
0x8b: {  	s0 =	sand.u32 $0x1, s1  }
0x8c: {  	s14 =	sshll.u32 s0, $0xA;
	s2 =	sadd.s32 s3, s2  }
0x8d: {  	s2 =	sadd.s32 s2, s14  }
0x8e: {  	[smem:$0x3FB4] =	sst s2  }
0x8f: {  	_ = 	snop  }
0x90: {  	s2 =	sld [smem:$0x3FD0];
	_ =	sdelay $0x2  }
0x91: {  	s15 =	simm.s32 $0xA;
	s4 =	simm.s32 $0x10  }
0x92: {  	[smem:s4], [sflag:s15] =	dma.local [hbm:s2], $0x1  }
0x93: {  	_ =	swait.eq [sflag:s15], $0x1  }
0x94: {  	[sflag:s15] =	ssyncset.done $0x0  }
0x95: {  	[sflag:s15] =	ssyncadd.s32 $0xFFFFFFFF  }
0x96: {  	s16 =	sld [smem:$0x11];
	(tm) =	ssettm $0x1  }
0x97: {  	s17 =	sld [smem:$0x3FFB];
	_ =	sdelay $0x3  }
0x98: {  	_ =	strace s17  }
0x99: {  	s3 =	sld [smem:$0x3FFC];
	_ =	sdelay $0x3  }
0x9a: {  	_ =	strace s3  }
0x9b: {  	s3 =	sld [smem:$0x3FFD];
	_ =	sdelay $0x3  }
0x9c: {  	_ =	strace s3  }
0x9d: {  	_ =	strace $0x8FFFFFFF  }
0x9e: {  	s18 =	sld [smem:$0x3FDB];
	_ =	sdelay $0x1  }
0x9f: {  	s19 =	simm.s32 $_scs_section_size  }
0xa0: {  	s5 =	simm.s32 $_size__tile_overlayer_lowered;
	s6 =	simm.s32 $_tile_overlayer_lowered  }
0xa1: {  	s22 =	simm.s32 $0x1BFF;
	s21 =	sshll.u32 s6, $0x1;
	s3 =	sadd.s32 s19, s18  }
0xa2: {  	s7 =	simm.s32 $0x0;
	s20 =	sshll.u32 s5, $0x1;
	s5 =	sadd.s32 s21, s3  }
0xa3: {  	[timem:s7], [sflag:s22] =	dma.local [hbm:s5], s20  }
0xa4: {  	_ =	swait.ge [sflag:s22], s20  }
0xa5: {  	s4 =	ssub.s32 $0x0, s20;
	[sflag:s22] =	ssyncset.done $0x0  }
0xa6: {  	[sflag:s22] =	ssyncadd.s32 s4;
	_ =	sdelay $0x1  }
0xa7: {  	s23 =	simm.s32 $0x1B8B  }
0xa8: {  	_ =	swait.ge [sflag:s23], $0x1  }
0xa9: {  	[sflag:s23] =	ssyncset.done $0x0  }
0xaa: {  	s25 =	simm.s32 $0x1B8E;
	s24 =	sld [smem:$0x3FFE];
	[sflag:s23] =	ssyncadd.s32 $0xFFFFFFFF  }
0xab: {  	s26 =	simm.s32 $execute0_lowered;
	[smem:$0x3FD2] =	sst s25  }
0xac: {  	s5 =	sshll.u32 s26, $0x1;
	_ =	strace $0x80000049;
	[dreg:$0x1] =	wrdreg $0xFFFFFFFF  }
0xad: {  	s28 =	simm.s32 $_size_execute0_lowered;
	s3 =	sadd.s32 s3, s5;
	[dreg:$0x0] =	wrdreg $0x0  }
0xae: {  	s5 =	sshll.u32 s28, $0x1;
	[dreg:$0x2] =	wrdreg s3  }
0xaf: {  	[dreg:$0x3] =	wrdreg s5  }
0xb0: {  	[dreg:$0x4] =	wrdreg $0xC0  }
0xb1: {  	_ =	task [dreg:s7], $0x5FFFF  }
0xb2: {  	[dreg:$0x1] =	wrdreg $0xFFFFFFFF  }
0xb3: {  	[dreg:$0x0] =	wrdreg $0x60  }
0xb4: {  	[dreg:$0x2] =	wrdreg s24  }
0xb5: {  	[dreg:$0x3] =	wrdreg s16  }
0xb6: {  	[dreg:$0x4] =	wrdreg $0xA8000  }
0xb7: {  	[dreg:$0x5] =	wrdreg $0x9  }
0xb8: {  	_ =	task.clear_ibuf [dreg:s7], $0x6FFFF;
	_ =	strace $0x90000049  }
0xb9: {  	s29 =	simm.s32 $0x9;
	_ =	strace $0x8000004B  }
0xba: {  	_ =	swait.ge [sflag:s29], $0x1  }
0xbb: {  	[sflag:s29] =	ssyncadd.s32 $0xFFFFFFFF  }
0xbc: {  	_ =	strace $0x9000004B  }
0xbd: {  	_ =	sfence  }
0xbe: {  	s30 =	sld [smem:$0x0];
	_ =	sdelay $0x2  }
0xbf: {  	s31 =	sshll.u32 s1, $0xD;
	s1 =	sshrl.u32 s1, $0x2  }
0xc0: {  	s3 =	sand.u32 $0x4000, s31;
	s1 =	sadd.s32 s1, s30  }
0xc1: {  	s0 =	sor.u32 s3, s0;
	s1 =	sshll.u32 s1, $0x11  }
0xc2: {  	s0 =	sor.u32 s1, s0  }
0xc3: {  	s0 =	sadd.s32 $0x8F2B, s0  }
0xc4: {  	[sflag:s0] =	ssyncadd.remote.s32 $0x1  }
0xc5: {  	_ =	sfence.sel $0xFFFF  }
0xc6: {  	[dreg:$0x0] =	wrdreg $0xFFFFFFFF;
	(pc) =	sbr.abs _section_cstart, $3  }
0xc7: {  	[dreg:$0x1] =	wrdreg $0xFFFFFFFF  }
0xc8: {  	_ =	task.clear_ibuf [dreg:s7], $0x2FFFF;
	_ =	strace $0x9FFFFFFF  }
0xc9: {  	(tm) =	ssettm $0x7FFFFFFF  }
tec
execute0_lowered:
.L_overlay_start_1:
0x0: {  	(tag) =	ssettag $0x1  }
0x1: {  	s5 =	rddreg [dreg:$0x0]  }
0x2: {  	s6 =	rddreg [dreg:$0x1]  }
0x3: {  	s0 =	srdreg.scid;
	s2 =	rddreg [dreg:$0x2]  }
0x4: {  	s1 =	rddreg [dreg:$0x3];
	s3 =	simm.s32 $0x0;
	s15 =	simm.s32 $0x1400  }
0x5: {  	s16 =	simm.s32 $0x80;
	s17 =	simm.s32 $0x2800;
	s7 =	sand.u32 $0x1, s0  }
0x6: {  	s18 =	simm.s32 $0x6800;
	s0 =	stileid.u32;
	s4 =	smul.u32 $0x500, s7  }
0x7: {  	s19 =	simm.s32 $0x1;
	s20 =	simm.s32 $0x2;
	s8 =	smul.u32 $0x50, s0  }
0x8: {  	s21 =	simm.s32 $0x1380;
	s22 =	simm.s32 $0x2700;
	s24 =	smul.u32 $0x2780, s0  }
0x9: {  	s23 =	simm.s32 $0x2780;
	[smem:$0x7FF] =	sst s3;
	s10 =	smul.u32 $0x27800, s7  }
0xa: {  	_ =	strace $0x8000004A;
	s25 =	smul.u32 $0x500, s0;
	s7 =	ssub.s32 $0x2, s7  }
0xb: {  	s12 =	smul.u32 $0x4F000, s0;
	s31 =	sshll.u32 s0, $0x6;
	s28 =	sshrl.u32 s7, $0x1  }
0xc: {  	s4 =	sadd.s32 s4, s8;
	s10 =	sadd.s32 s24, s10;
	s13 =	sadd.s32 s25, s5  }
0xd: {  	s29 =	ssub.s32 s7, s28;
	s30 =	sshrl.u32 s12, $0x2;
	s9 =	sshll.u32 s4, $0x4  }
0xe: {  	s4 =	sadd.s32 $0x2F000, s5;
	s26 =	sadd.s32 s10, s5;
	s14 =	sadd.s32 s30, s2  }
0xf: {  	s8 =	smax.u32 s29, $0x1;
	s10 =	sadd.s32 $0xF800, s13;
	s12 =	sadd.s32 $0xFA80, s13  }
0x10: {  	s11 =	sadd.s32 s9, s5;
	s5 =	sadd.s32 s6, s24;
	s6 =	sor.u32 $0x1C03, s31  }
0x11: {  	s7 =	sadd.s32 $0x7D400, s26;
	s13 =	sshrl.u32 s14, $0x3;
	s14 =	simm.s32 $0x3  }
0x12: {  	s24 =	simm.s32 $0x0;
	s9 =	sadd.s32 $0x25000, s11;
	s11 =	sadd.s32 $0x25280, s11  }
.LBB2_1:
0x13: {  	[spmem:s13], [sflag:s6] =	dma.local [hbm:s5], $0x2780  }
0x14: {  	_ =	swait.ge [sflag:s14], $0x2780  }
0x15: {  	[sflag:s14] =	ssyncset.done $0x0  }
0x16: {  	[sflag:s14] =	ssyncadd.s32 $0xFFFFD880  }
0x17: {  	[bflag:$0x0] =	sbarrier.arrive $0xFFFF  }
0x18: {  	[tilespmem:s3], [sflag:$0x3] =	stream.linear.gather [hbm4b:s9+s3], $0x1400, $0x38;
	[tilespmem:$0x1E400] =	vst v63  }
0x19: {  	_ =	swait.ge [sflag:s14], $0x1400  }
0x1a: {  	[sflag:s14] =	ssyncset.done $0x0  }
0x1b: {  	[sflag:s14] =	ssyncadd.s32 $0xFFFFEC00  }
0x1c: {  	[tilespmem:s15], [sflag:$0x3] =	stream.linear.gather [hbm4b:s10+s3], $0x1400, $0x38;
	[tilespmem:$0x1E400] =	vst v63  }
0x1d: {  	_ =	swait.ge [sflag:s14], $0x1400  }
0x1e: {  	[sflag:s14] =	ssyncset.done $0x0  }
0x1f: {  	[sflag:s14] =	ssyncadd.s32 $0xFFFFEC00  }
0x20: {  	[tilespmem:s17], [sflag:$0x1] =	stream.indirect.gather [hbm4b:s4+s16], $0x80, s3, s16, $0xb8;
	[tilespmem:$0x1E400] =	vst v63  }
0x21: {  	s25 =	simm.s32 $0x80  }
0x22: {  	[tilespmem:s18], [sflag:$0x2] =	stream.indirect.gather [hbm4b:s4+s16], $0x80, s25, s16, $0xb8;
	[tilespmem:$0x1E400] =	vst v63  }
0x23: {  	_ =	swait.ge [sflag:s19], $0x4000  }
0x24: {  	[sflag:s19] =	ssyncset.done $0x0  }
0x25: {  	s29 =	simm.s32 $0x1400;
	[sflag:s19] =	ssyncadd.s32 $0xFFFFC000  }
0x26: {  	[spmem:s2] =	stream.indirect.scatter.add.f32 [tilespmem:s17], [sflag:$0x3], $0x80, s29, s16, $0xb8;
	[tilespmem:$0x1E400] =	vst v63  }
0x27: {  	_ =	swait.ge [sflag:s14], $0x4000  }
0x28: {  	[sflag:s14] =	ssyncset.done $0x0  }
0x29: {  	s30 =	simm.s32 $0x100;
	[sflag:s14] =	ssyncadd.s32 $0xFFFFC000  }
0x2a: {  	[tilespmem:s17], [sflag:$0x1] =	stream.indirect.gather [hbm4b:s4+s16], $0x80, s30, s16, $0xb8;
	[tilespmem:$0x1E400] =	vst v63  }
0x2b: {  	_ =	swait.ge [sflag:s20], $0x4000  }
0x2c: {  	[sflag:s20] =	ssyncset.done $0x0  }
0x2d: {  	s31 =	simm.s32 $0x1480;
	[sflag:s20] =	ssyncadd.s32 $0xFFFFC000  }
0x2e: {  	[spmem:s2] =	stream.indirect.scatter.add.f32 [tilespmem:s18], [sflag:$0x3], $0x80, s31, s16, $0xb8;
	[tilespmem:$0x1E400] =	vst v63  }
0x2f: {  	_ =	swait.ge [sflag:s14], $0x4000  }
0x30: {  	s26 =	simm.s32 $0x800;
	s25 =	simm.s32 $0x100;
	[sflag:s14] =	ssyncset.done $0x0  }
.LBB2_2:
0x31: {  	s28 =	sadd.s32 $0x80, s25  }
0x32: {  	[sflag:s14] =	ssyncadd.s32 $0xFFFFC000;
	s29 =	smov.u32 s26;
	s30 =	sadd.s32 $0x400, s26  }
0x33: {  	[tilespmem:s18], [sflag:$0x2] =	stream.indirect.gather [hbm4b:s4+s16], $0x80, s28, s16, $0xb8;
	[tilespmem:$0x1E400] =	vst v63  }
0x34: {  	p0 =	sne.s32 s26, $0x4800;
	_ =	swait.ge [sflag:s19], $0x4000  }
0x35: {  	[sflag:s19] =	ssyncset.done $0x0  }
0x36: {  	s26 =	sadd.s32 $0x1400, s25;
	[sflag:s19] =	ssyncadd.s32 $0xFFFFC000  }
0x37: {  	[spmem:s2] =	stream.indirect.scatter.add.f32 [tilespmem:s17], [sflag:$0x3], $0x80, s26, s16, $0xb8;
	[tilespmem:$0x1E400] =	vst v63  }
0x38: {  	_ =	swait.ge [sflag:s14], $0x4000  }
0x39: {  	[sflag:s14] =	ssyncset.done $0x0  }
0x3a: {  	s26 =	sadd.s32 $0x100, s25;
	[sflag:s14] =	ssyncadd.s32 $0xFFFFC000  }
0x3b: {  	[tilespmem:s17], [sflag:$0x1] =	stream.indirect.gather [hbm4b:s4+s16], $0x80, s26, s16, $0xb8;
	[tilespmem:$0x1E400] =	vst v63  }
0x3c: {  	_ =	swait.ge [sflag:s20], $0x4000  }
.Ltmp0:
0x3d: {  	[sflag:s20] =	ssyncset.done $0x0;
	(pc) =	sbr.rel @p0 .LBB2_2-.Ltmp0, $4  }
0x3e: {  	s25 =	sadd.s32 $0x1480, s25;
	[sflag:s20] =	ssyncadd.s32 $0xFFFFC000  }
0x3f: {  	[spmem:s2] =	stream.indirect.scatter.add.f32 [tilespmem:s18], [sflag:$0x3], $0x80, s25, s16, $0xb8;
	[tilespmem:$0x1E400] =	vst v63  }
0x40: {  	_ =	swait.ge [sflag:s14], $0x4000  }
0x41: {  	s26 =	smov.u32 s30;
	s25 =	sshra.s32 s29, $0x2;
	[sflag:s14] =	ssyncset.done $0x0  }
0x42: {  	s26 =	sadd.s32 $0x80, s25;
	[sflag:s14] =	ssyncadd.s32 $0xFFFFC000  }
0x43: {  	[tilespmem:s18], [sflag:$0x2] =	stream.indirect.gather [hbm4b:s4+s16], $0x80, s26, s16, $0xb8;
	[tilespmem:$0x1E400] =	vst v63  }
0x44: {  	_ =	swait.ge [sflag:s19], $0x4000  }
0x45: {  	[sflag:s19] =	ssyncset.done $0x0  }
0x46: {  	s29 =	sadd.s32 $0x1400, s25;
	[sflag:s19] =	ssyncadd.s32 $0xFFFFC000  }
0x47: {  	[spmem:s2] =	stream.indirect.scatter.add.f32 [tilespmem:s17], [sflag:$0x3], $0x80, s29, s16, $0xb8;
	[tilespmem:$0x1E400] =	vst v63  }
0x48: {  	_ =	swait.ge [sflag:s14], $0x4000  }
0x49: {  	[sflag:s14] =	ssyncset.done $0x0  }
0x4a: {  	s30 =	sadd.s32 $0x100, s25;
	[sflag:s14] =	ssyncadd.s32 $0xFFFFC000  }
0x4b: {  	[tilespmem:s17], [sflag:$0x1] =	stream.indirect.gather [hbm4b:s4+s16], $0x80, s30, s16, $0xb8;
	[tilespmem:$0x1E400] =	vst v63  }
0x4c: {  	_ =	swait.ge [sflag:s20], $0x4000  }
0x4d: {  	[sflag:s20] =	ssyncset.done $0x0  }
0x4e: {  	s31 =	sadd.s32 $0x1480, s25;
	[sflag:s20] =	ssyncadd.s32 $0xFFFFC000  }
0x4f: {  	[spmem:s2] =	stream.indirect.scatter.add.f32 [tilespmem:s18], [sflag:$0x3], $0x80, s31, s16, $0xb8;
	[tilespmem:$0x1E400] =	vst v63  }
0x50: {  	_ =	swait.ge [sflag:s14], $0x4000  }
0x51: {  	[sflag:s14] =	ssyncset.done $0x0  }
0x52: {  	[sflag:s14] =	ssyncadd.s32 $0xFFFFC000  }
0x53: {  	[tilespmem:s18], [sflag:$0x2] =	stream.indirect.gather [hbm4b:s4+s16], $0x80, s21, s16, $0xb8;
	[tilespmem:$0x1E400] =	vst v63  }
0x54: {  	_ =	swait.ge [sflag:s19], $0x4000  }
0x55: {  	[sflag:s19] =	ssyncset.done $0x0  }
0x56: {  	[sflag:s19] =	ssyncadd.s32 $0xFFFFC000  }
0x57: {  	[spmem:s2] =	stream.indirect.scatter.add.f32 [tilespmem:s17], [sflag:$0x3], $0x80, s22, s16, $0xb8;
	[tilespmem:$0x1E400] =	vst v63  }
0x58: {  	_ =	swait.ge [sflag:s14], $0x4000  }
0x59: {  	[sflag:s14] =	ssyncset.done $0x0  }
0x5a: {  	[sflag:s14] =	ssyncadd.s32 $0xFFFFC000  }
0x5b: {  	_ =	swait.ge [sflag:s20], $0x4000  }
0x5c: {  	[sflag:s20] =	ssyncset.done $0x0  }
0x5d: {  	[sflag:s20] =	ssyncadd.s32 $0xFFFFC000  }
0x5e: {  	[spmem:s2] =	stream.indirect.scatter.add.f32 [tilespmem:s18], [sflag:$0x3], $0x80, s23, s16, $0xb8;
	[tilespmem:$0x1E400] =	vst v63  }
0x5f: {  	_ =	swait.ge [sflag:s14], $0x4000  }
0x60: {  	[sflag:s14] =	ssyncset.done $0x0  }
0x61: {  	s26 =	simm.s32 $0x0;
	[sflag:s14] =	ssyncadd.s32 $0xFFFFC000  }
0x62: {  	[tilespmem:s26], [sflag:$0x3] =	stream.linear.gather [hbm4b:s11+s26], $0x1400, $0x38;
	[tilespmem:$0x1E400] =	vst v63  }
0x63: {  	_ =	swait.ge [sflag:s14], $0x1400  }
0x64: {  	[sflag:s14] =	ssyncset.done $0x0  }
0x65: {  	[sflag:s14] =	ssyncadd.s32 $0xFFFFEC00  }
0x66: {  	[tilespmem:s15], [sflag:$0x3] =	stream.linear.gather [hbm4b:s12+s26], $0x1400, $0x38;
	[tilespmem:$0x1E400] =	vst v63  }
0x67: {  	_ =	swait.ge [sflag:s14], $0x1400  }
0x68: {  	[sflag:s14] =	ssyncset.done $0x0  }
0x69: {  	[sflag:s14] =	ssyncadd.s32 $0xFFFFEC00  }
0x6a: {  	[tilespmem:s17], [sflag:$0x1] =	stream.indirect.gather [hbm4b:s4+s16], $0x80, s26, s16, $0xb8;
	[tilespmem:$0x1E400] =	vst v63  }
0x6b: {  	s28 =	simm.s32 $0x80  }
0x6c: {  	[tilespmem:s18], [sflag:$0x2] =	stream.indirect.gather [hbm4b:s4+s16], $0x80, s28, s16, $0xb8;
	[tilespmem:$0x1E400] =	vst v63  }
0x6d: {  	_ =	swait.ge [sflag:s19], $0x4000  }
0x6e: {  	[sflag:s19] =	ssyncset.done $0x0  }
0x6f: {  	s29 =	simm.s32 $0x1400;
	[sflag:s19] =	ssyncadd.s32 $0xFFFFC000  }
0x70: {  	[spmem:s2] =	stream.indirect.scatter.add.f32 [tilespmem:s17], [sflag:$0x3], $0x80, s29, s16, $0xb8;
	[tilespmem:$0x1E400] =	vst v63  }
0x71: {  	_ =	swait.ge [sflag:s14], $0x4000  }
0x72: {  	[sflag:s14] =	ssyncset.done $0x0  }
0x73: {  	s30 =	simm.s32 $0x100;
	[sflag:s14] =	ssyncadd.s32 $0xFFFFC000  }
0x74: {  	[tilespmem:s17], [sflag:$0x1] =	stream.indirect.gather [hbm4b:s4+s16], $0x80, s30, s16, $0xb8;
	[tilespmem:$0x1E400] =	vst v63  }
0x75: {  	_ =	swait.ge [sflag:s20], $0x4000  }
0x76: {  	[sflag:s20] =	ssyncset.done $0x0  }
0x77: {  	s31 =	simm.s32 $0x1480;
	[sflag:s20] =	ssyncadd.s32 $0xFFFFC000  }
0x78: {  	[spmem:s2] =	stream.indirect.scatter.add.f32 [tilespmem:s18], [sflag:$0x3], $0x80, s31, s16, $0xb8;
	[tilespmem:$0x1E400] =	vst v63  }
0x79: {  	_ =	swait.ge [sflag:s14], $0x4000  }
0x7a: {  	s25 =	simm.s32 $0x100;
	s26 =	simm.s32 $0x800;
	[sflag:s14] =	ssyncset.done $0x0  }
.LBB2_4:
0x7b: {  	s28 =	sadd.s32 $0x80, s25  }
0x7c: {  	[sflag:s14] =	ssyncadd.s32 $0xFFFFC000;
	s29 =	smov.u32 s26;
	s30 =	sadd.s32 $0x400, s26  }
0x7d: {  	[tilespmem:s18], [sflag:$0x2] =	stream.indirect.gather [hbm4b:s4+s16], $0x80, s28, s16, $0xb8;
	[tilespmem:$0x1E400] =	vst v63  }
0x7e: {  	p0 =	sne.s32 s26, $0x4800;
	_ =	swait.ge [sflag:s19], $0x4000  }
0x7f: {  	[sflag:s19] =	ssyncset.done $0x0  }
0x80: {  	s26 =	sadd.s32 $0x1400, s25;
	[sflag:s19] =	ssyncadd.s32 $0xFFFFC000  }
0x81: {  	[spmem:s2] =	stream.indirect.scatter.add.f32 [tilespmem:s17], [sflag:$0x3], $0x80, s26, s16, $0xb8;
	[tilespmem:$0x1E400] =	vst v63  }
0x82: {  	_ =	swait.ge [sflag:s14], $0x4000  }
0x83: {  	[sflag:s14] =	ssyncset.done $0x0  }
0x84: {  	s26 =	sadd.s32 $0x100, s25;
	[sflag:s14] =	ssyncadd.s32 $0xFFFFC000  }
0x85: {  	[tilespmem:s17], [sflag:$0x1] =	stream.indirect.gather [hbm4b:s4+s16], $0x80, s26, s16, $0xb8;
	[tilespmem:$0x1E400] =	vst v63  }
0x86: {  	_ =	swait.ge [sflag:s20], $0x4000  }
.Ltmp1:
0x87: {  	[sflag:s20] =	ssyncset.done $0x0;
	(pc) =	sbr.rel @p0 .LBB2_4-.Ltmp1, $4  }
0x88: {  	s25 =	sadd.s32 $0x1480, s25;
	[sflag:s20] =	ssyncadd.s32 $0xFFFFC000  }
0x89: {  	[spmem:s2] =	stream.indirect.scatter.add.f32 [tilespmem:s18], [sflag:$0x3], $0x80, s25, s16, $0xb8;
	[tilespmem:$0x1E400] =	vst v63  }
0x8a: {  	_ =	swait.ge [sflag:s14], $0x4000  }
0x8b: {  	s26 =	smov.u32 s30;
	s25 =	sshra.s32 s29, $0x2;
	[sflag:s14] =	ssyncset.done $0x0  }
0x8c: {  	s26 =	sadd.s32 $0x80, s25;
	[sflag:s14] =	ssyncadd.s32 $0xFFFFC000  }
0x8d: {  	[tilespmem:s18], [sflag:$0x2] =	stream.indirect.gather [hbm4b:s4+s16], $0x80, s26, s16, $0xb8;
	[tilespmem:$0x1E400] =	vst v63  }
0x8e: {  	_ =	swait.ge [sflag:s19], $0x4000  }
0x8f: {  	[sflag:s19] =	ssyncset.done $0x0  }
0x90: {  	s29 =	sadd.s32 $0x1400, s25;
	[sflag:s19] =	ssyncadd.s32 $0xFFFFC000  }
0x91: {  	[spmem:s2] =	stream.indirect.scatter.add.f32 [tilespmem:s17], [sflag:$0x3], $0x80, s29, s16, $0xb8;
	[tilespmem:$0x1E400] =	vst v63  }
0x92: {  	_ =	swait.ge [sflag:s14], $0x4000  }
0x93: {  	[sflag:s14] =	ssyncset.done $0x0  }
0x94: {  	s30 =	sadd.s32 $0x100, s25;
	[sflag:s14] =	ssyncadd.s32 $0xFFFFC000  }
0x95: {  	[tilespmem:s17], [sflag:$0x1] =	stream.indirect.gather [hbm4b:s4+s16], $0x80, s30, s16, $0xb8;
	[tilespmem:$0x1E400] =	vst v63  }
0x96: {  	_ =	swait.ge [sflag:s20], $0x4000  }
0x97: {  	[sflag:s20] =	ssyncset.done $0x0  }
0x98: {  	s31 =	sadd.s32 $0x1480, s25;
	[sflag:s20] =	ssyncadd.s32 $0xFFFFC000  }
0x99: {  	[spmem:s2] =	stream.indirect.scatter.add.f32 [tilespmem:s18], [sflag:$0x3], $0x80, s31, s16, $0xb8;
	[tilespmem:$0x1E400] =	vst v63  }
0x9a: {  	_ =	swait.ge [sflag:s14], $0x4000  }
0x9b: {  	[sflag:s14] =	ssyncset.done $0x0  }
0x9c: {  	[sflag:s14] =	ssyncadd.s32 $0xFFFFC000  }
0x9d: {  	[tilespmem:s18], [sflag:$0x2] =	stream.indirect.gather [hbm4b:s4+s16], $0x80, s21, s16, $0xb8;
	[tilespmem:$0x1E400] =	vst v63  }
0x9e: {  	_ =	swait.ge [sflag:s19], $0x4000  }
0x9f: {  	[sflag:s19] =	ssyncset.done $0x0  }
0xa0: {  	[sflag:s19] =	ssyncadd.s32 $0xFFFFC000  }
0xa1: {  	[spmem:s2] =	stream.indirect.scatter.add.f32 [tilespmem:s17], [sflag:$0x3], $0x80, s22, s16, $0xb8;
	[tilespmem:$0x1E400] =	vst v63  }
0xa2: {  	_ =	swait.ge [sflag:s14], $0x4000  }
0xa3: {  	[sflag:s14] =	ssyncset.done $0x0  }
0xa4: {  	[sflag:s14] =	ssyncadd.s32 $0xFFFFC000  }
0xa5: {  	_ =	swait.ge [sflag:s20], $0x4000  }
0xa6: {  	[sflag:s20] =	ssyncset.done $0x0  }
0xa7: {  	[sflag:s20] =	ssyncadd.s32 $0xFFFFC000  }
0xa8: {  	[spmem:s2] =	stream.indirect.scatter.add.f32 [tilespmem:s18], [sflag:$0x3], $0x80, s23, s16, $0xb8;
	[tilespmem:$0x1E400] =	vst v63  }
0xa9: {  	_ =	swait.ge [sflag:s14], $0x4000  }
0xaa: {  	s24 =	sadd.s32 $0x1, s24;
	[sflag:s14] =	ssyncset.done $0x0  }
0xab: {  	p0 =	sne.s32 s24, s8;
	[sflag:s14] =	ssyncadd.s32 $0xFFFFC000  }
.Ltmp2:
0xac: {  	[bflag:$0x0] =	sbarrier.arrive $0xFFFF;
	(pc) =	sbr.rel @p0 .LBB2_1-.Ltmp2, $4  }
0xad: {  	[hbm:s7], [sflag:s6] =	dma.local [spmem:s13], $0x2780  }
0xae: {  	_ =	swait.ge [sflag:s14], $0x2780  }
0xaf: {  	[sflag:s14] =	ssyncset.done $0x0  }
0xb0: {  	[sflag:s14] =	ssyncadd.s32 $0xFFFFD880  }
0xb1: {  	_ =	sfence.sel $0x180000  }
0xb2: {  	[bflag:$0x0] =	sbarrier.arrive $0xFFFF  }
0xb3: {  	p0 =	sne.s32 s0, $0x0;
	_ =	strace $0x9000004A  }
0xb4: {  	s0 =	sadd.s32 @!p0 $0x100000, s1;
	[bflag:$0x2] =	sbarrier.arrive $0xFFFF  }
0xb5: {  	[sflag:s0] =	ssyncadd.tile.s32 @!p0 $0x1;
	_ =	shalt  }
.Lfunc_end2:
_tile_overlayer_lowered:
.L_overlay_start_2:
0xb6: {  	(tag) =	ssettag $0x2  }
0xb7: {  	s0 =	rddreg [dreg:$0x0];
	s2 =	stileid.u32  }
0xb8: {  	s1 =	rddreg [dreg:$0x1];
	p0 =	sne.s32 s2, $0x0  }
0xb9: {  	s3 =	rddreg [dreg:$0x2];
	[bflag:$0x3] =	sbarrier.arrive $0xFFFF;
	s2 =	simm.s32 @!p0 $0x1C03  }
0xba: {  	[timem:s3], [sflag:s2] =	dma.local @!p0 [hbm:s0], s1  }
0xbb: {  	s0 =	simm.s32 @!p0 $0x3  }
0xbc: {  	_ =	swait.ge @!p0 [sflag:s0], s1  }
0xbd: {  	s1 =	ssub.s32 @!p0 $0x0, s1;
	[sflag:s0] =	ssyncset.done @!p0 $0x0  }
0xbe: {  	[sflag:s0] =	ssyncadd.s32 @!p0 s1  }
0xbf: {  	[bflag:$0x3] =	sbarrier.arrive $0xFFFF  }
0xc0: {  	_ =	shalt  }

// kernel: kernel.18.cloned.1.call-start
scs
__scs_entry_jumppad:
0x0: {  	(pc) =	sbr.rel $0x88, $3  }
0x1: {  	(tag) =	ssettag $0x0;
	lr =	simm.s32 $0x1  }
0x2: {  	[smem:$0x3F8D] =	sst lr;
	_ =	strace $0xD0000000  }
0x3: {  	_ = 	snop  }
0x4: {  	_ = 	snop  }
0x5: {  	_ = 	snop  }
0x6: {  	_ = 	snop  }
0x7: {  	_ = 	snop  }
__scs_overlays_trampoline_lowered:
0x8: {  	[smem:$0x3F9C] =	sst s0  }
0x9: {  	[smem:$0x3F9D] =	sst s1  }
0xa: {  	[smem:$0x3F9E] =	sst s2  }
0xb: {  	[smem:$0x3F9F] =	sst s3  }
0xc: {  	[smem:$0x3FA0] =	sst s4  }
0xd: {  	[smem:$0x3FA1] =	sst s5  }
0xe: {  	[smem:$0x3FA2] =	sst s6  }
0xf: {  	[smem:$0x3FA3] =	sst s7  }
0x10: {  	[smem:$0x3FA4] =	sst s8  }
0x11: {  	[smem:$0x3FA5] =	sst s9;
	s0 =	simm.s32 @!p0 $0x0  }
0x12: {  	s1 =	sld [smem:$0x3F8B];
	s0 =	simm.s32 @p0 $0x1  }
0x13: {  	[smem:$0x3FA6] =	sst s0;
	s0 =	simm.s32 @!p1 $0x0  }
0x14: {  	s2 =	sld [smem:$0x3F8A];
	s0 =	simm.s32 @p1 $0x1  }
0x15: {  	[smem:$0x3FA7] =	sst s0;
	s0 =	simm.s32 @!p2 $0x0  }
0x16: {  	s3 =	sld [smem:$0x3FDB];
	s0 =	simm.s32 @p2 $0x1  }
0x17: {  	s4 =	simm.s32 $0x1BF5;
	[smem:$0x3FA9] =	sst s0  }
0x18: {  	s0 =	sld [smem:$0x3F8C];
	_ =	swait.ge [sflag:s4], $0x0  }
0x19: {  	s7 =	sld [smem:$0x3F8D]  }
0x1a: {  	s8 =	sadd.s32 $0xFFFFE003, lr  }
0x1b: {  	s9 =	sadd.s32 $0xFFFFFEF7, lr;
	s5 =	simm.s32 $0xFFFFFFFF;
	p2 =	slt.u32 s8, $0xFFFFF086  }
0x1c: {  	p1 =	slt.u32 s9, $0xF7A;
	s5 =	simm.s32 @!p2 $0x0  }
0x1d: {  	s5 =	simm.s32 @p1 $0x1;
	p0 =	seq.s32 s7, s2  }
0x1e: {  	s7 =	smul.u32 @!p0 $0xF7A, s2;
	p2 =	seq.s32 @!p0 s5, $0x0  }
0x1f: {  	s9 =	smul.u32 $0xF7A, s1;
	s8 =	simm.s32 @!p0 $0x1BF5;
	p2 =	por !p2, p0  }
0x20: {  	[sflag:s8] =	ssyncset.s32 @!p0 $0xFFFFF086;
	s6 =	sadd.s32 @!p0 s3, s7;
	s7 =	simm.s32 @!p0 $0x108  }
0x21: {  	s3 =	sadd.s32 s3, s9;
	s6 =	sadd.s32 @!p0 $0x88, s6;
	s7 =	simm.s32 @p2 $0x1082  }
0x22: {  	[simem:s7], [sflag:s8] =	dma.local @!p0 [hbm:s6], $0xF7A  }
0x23: {  	s9 =	sor.u32 $0xD0000000, s2;
	s6 =	simm.s32 $0x108;
	_ =	swait.ge @!p0 [sflag:s8], $0x0  }
0x24: {  	s3 =	sadd.s32 $0x88, s3;
	s6 =	simm.s32 @!p1 $0x1082;
	[sflag:s4] =	ssyncset.s32 $0xFFFFF086  }
0x25: {  	[simem:s6], [sflag:s4] =	dma.local [hbm:s3], $0xF7A  }
0x26: {  	[smem:$0x3F8D] =	sst s1;
	(tag) =	ssettag s2;
	_ =	strace s9  }
0x27: {  	s1 =	sld [smem:$0x3F9D]  }
0x28: {  	s2 =	sld [smem:$0x3F9E]  }
0x29: {  	s4 =	sld [smem:$0x3FA0]  }
0x2a: {  	p0 =	seq.s32 s5, $0x0;
	s5 =	sld [smem:$0x3FA1]  }
0x2b: {  	s6 =	sld [smem:$0x3FA2]  }
0x2c: {  	s7 =	sld [smem:$0x3FA3]  }
0x2d: {  	s3 =	simm.s32 $0x108;
	s8 =	sld [smem:$0x3FA4]  }
0x2e: {  	s3 =	simm.s32 @!p0 $0x1082;
	s9 =	sld [smem:$0x3FA5]  }
0x2f: {  	lr =	sadd.s32 s0, s3;
	s0 =	sld [smem:$0x3F9C]  }
0x30: {  	s3 =	sld [smem:$0x3F9F]  }
0x31: {  	[smem:$0x3FA8] =	sst s10  }
0x32: {  	s10 =	sld [smem:$0x3FA6];
	_ =	sdelay $0x3  }
0x33: {  	p0 =	seq.s32 s10, $0x1;
	s10 =	sld [smem:$0x3FA8];
	_ =	sdelay $0x3  }
0x34: {  	[smem:$0x3FA8] =	sst s10  }
0x35: {  	s10 =	sld [smem:$0x3FA7];
	_ =	sdelay $0x3  }
0x36: {  	p1 =	seq.s32 s10, $0x1;
	s10 =	sld [smem:$0x3FA8];
	_ =	sdelay $0x3  }
0x37: {  	[smem:$0x3FA8] =	sst s10  }
0x38: {  	s10 =	sld [smem:$0x3FA9]  }
0x39: {  	_ = 	snop;
	(pc) =	sbr.ind lr, $3  }
0x3a: {  	_ = 	snop  }
0x3b: {  	_ = 	snop  }
0x3c: {  	p2 =	seq.s32 s10, $0x1;
	s10 =	sld [smem:$0x3FA8]  }
0x3d: {  	_ =	shalt  }
0x3e: {  	_ =	shalt  }
0x3f: {  	_ =	shalt  }
0x40: {  	_ =	shalt  }
0x41: {  	_ =	shalt  }
0x42: {  	_ =	shalt  }
0x43: {  	_ =	shalt  }
0x44: {  	_ =	shalt  }
0x45: {  	_ =	shalt  }
0x46: {  	_ =	shalt  }
0x47: {  	_ =	shalt  }
0x48: {  	_ =	shalt  }
0x49: {  	_ =	shalt  }
0x4a: {  	_ =	shalt  }
0x4b: {  	_ =	shalt  }
0x4c: {  	_ =	shalt  }
0x4d: {  	_ =	shalt  }
0x4e: {  	_ =	shalt  }
0x4f: {  	_ =	shalt  }
0x50: {  	_ =	shalt  }
0x51: {  	_ =	shalt  }
0x52: {  	_ =	shalt  }
0x53: {  	_ =	shalt  }
0x54: {  	_ =	shalt  }
0x55: {  	_ =	shalt  }
0x56: {  	_ =	shalt  }
0x57: {  	_ =	shalt  }
0x58: {  	_ =	shalt  }
0x59: {  	_ =	shalt  }
0x5a: {  	_ =	shalt  }
0x5b: {  	_ =	shalt  }
0x5c: {  	_ =	shalt  }
0x5d: {  	_ =	shalt  }
0x5e: {  	_ =	shalt  }
0x5f: {  	_ =	shalt  }
0x60: {  	_ =	shalt  }
0x61: {  	_ =	shalt  }
0x62: {  	_ =	shalt  }
0x63: {  	_ =	shalt  }
0x64: {  	_ =	shalt  }
0x65: {  	_ =	shalt  }
0x66: {  	_ =	shalt  }
0x67: {  	_ =	shalt  }
0x68: {  	_ =	shalt  }
0x69: {  	_ =	shalt  }
0x6a: {  	_ =	shalt  }
0x6b: {  	_ =	shalt  }
0x6c: {  	_ =	shalt  }
0x6d: {  	_ =	shalt  }
0x6e: {  	_ =	shalt  }
0x6f: {  	_ =	shalt  }
0x70: {  	_ =	shalt  }
0x71: {  	_ =	shalt  }
0x72: {  	_ =	shalt  }
0x73: {  	_ =	shalt  }
0x74: {  	_ =	shalt  }
0x75: {  	_ =	shalt  }
0x76: {  	_ =	shalt  }
0x77: {  	_ =	shalt  }
0x78: {  	_ =	shalt  }
0x79: {  	_ =	shalt  }
0x7a: {  	_ =	shalt  }
0x7b: {  	_ =	shalt  }
0x7c: {  	_ =	shalt  }
0x7d: {  	_ =	shalt  }
0x7e: {  	_ =	shalt  }
0x7f: {  	_ =	shalt  }
0x80: {  	_ =	shalt  }
0x81: {  	_ =	shalt  }
0x82: {  	_ =	shalt  }
0x83: {  	_ =	shalt  }
0x84: {  	_ =	shalt  }
0x85: {  	_ =	shalt  }
0x86: {  	_ =	shalt  }
0x87: {  	_ =	shalt  }
.Lfunc_end0:
.L_simem_size_0:
called_computation.2_lowered:
.L_overlay_start_0:
0x88: {  	s2 =	sld [smem:$0x3FD9]  }
0x89: {  	s3 =	sld [smem:$0x3FFE];
	_ =	sdelay $0x1  }
0x8a: {  	s1 =	srdreg.scid  }
0x8b: {  	s0 =	sand.u32 $0x1, s1  }
0x8c: {  	s14 =	sshll.u32 s0, $0xA;
	s2 =	sadd.s32 s3, s2  }
0x8d: {  	s2 =	sadd.s32 s2, s14  }
0x8e: {  	[smem:$0x3FB4] =	sst s2  }
0x8f: {  	_ = 	snop  }
0x90: {  	s2 =	sld [smem:$0x3FD0];
	_ =	sdelay $0x2  }
0x91: {  	s15 =	simm.s32 $0xA;
	s4 =	simm.s32 $0x10  }
0x92: {  	[smem:s4], [sflag:s15] =	dma.local [hbm:s2], $0x1  }
0x93: {  	_ =	swait.eq [sflag:s15], $0x1  }
0x94: {  	[sflag:s15] =	ssyncset.done $0x0  }
0x95: {  	[sflag:s15] =	ssyncadd.s32 $0xFFFFFFFF  }
0x96: {  	s16 =	sld [smem:$0x11];
	(tm) =	ssettm $0x1  }
0x97: {  	s17 =	sld [smem:$0x3FFB];
	_ =	sdelay $0x3  }
0x98: {  	_ =	strace s17  }
0x99: {  	s3 =	sld [smem:$0x3FFC];
	_ =	sdelay $0x3  }
0x9a: {  	_ =	strace s3  }
0x9b: {  	s3 =	sld [smem:$0x3FFD];
	_ =	sdelay $0x3  }
0x9c: {  	_ =	strace s3  }
0x9d: {  	_ =	strace $0x8FFFFFFF  }
0x9e: {  	s18 =	sld [smem:$0x3FDB];
	_ =	sdelay $0x1  }
0x9f: {  	s19 =	simm.s32 $_scs_section_size  }
0xa0: {  	s5 =	simm.s32 $_size__tile_overlayer_lowered;
	s6 =	simm.s32 $_tile_overlayer_lowered  }
0xa1: {  	s22 =	simm.s32 $0x1BFF;
	s21 =	sshll.u32 s6, $0x1;
	s3 =	sadd.s32 s19, s18  }
0xa2: {  	s7 =	simm.s32 $0x0;
	s20 =	sshll.u32 s5, $0x1;
	s5 =	sadd.s32 s21, s3  }
0xa3: {  	[timem:s7], [sflag:s22] =	dma.local [hbm:s5], s20  }
0xa4: {  	_ =	swait.ge [sflag:s22], s20  }
0xa5: {  	s4 =	ssub.s32 $0x0, s20;
	[sflag:s22] =	ssyncset.done $0x0  }
0xa6: {  	[sflag:s22] =	ssyncadd.s32 s4;
	_ =	sdelay $0x1  }
0xa7: {  	s23 =	simm.s32 $0x1B8B  }
0xa8: {  	_ =	swait.ge [sflag:s23], $0x1  }
0xa9: {  	[sflag:s23] =	ssyncset.done $0x0  }
0xaa: {  	s25 =	simm.s32 $0x1B8E;
	s24 =	sld [smem:$0x3FFE];
	[sflag:s23] =	ssyncadd.s32 $0xFFFFFFFF  }
0xab: {  	s26 =	simm.s32 $execute0_lowered;
	[smem:$0x3FD2] =	sst s25  }
0xac: {  	s5 =	sshll.u32 s26, $0x1;
	_ =	strace $0x8000004C;
	[dreg:$0x1] =	wrdreg $0xFFFFFFFF  }
0xad: {  	s28 =	simm.s32 $_size_execute0_lowered;
	s3 =	sadd.s32 s3, s5;
	[dreg:$0x0] =	wrdreg $0x0  }
0xae: {  	s5 =	sshll.u32 s28, $0x1;
	[dreg:$0x2] =	wrdreg s3  }
0xaf: {  	[dreg:$0x3] =	wrdreg s5  }
0xb0: {  	[dreg:$0x4] =	wrdreg $0xC0  }
0xb1: {  	_ =	task [dreg:s7], $0x5FFFF  }
0xb2: {  	[dreg:$0x1] =	wrdreg $0xFFFFFFFF  }
0xb3: {  	[dreg:$0x0] =	wrdreg $0x60  }
0xb4: {  	[dreg:$0x2] =	wrdreg s24  }
0xb5: {  	[dreg:$0x3] =	wrdreg s16  }
0xb6: {  	[dreg:$0x4] =	wrdreg $0xA8000  }
0xb7: {  	[dreg:$0x5] =	wrdreg $0x9  }
0xb8: {  	_ =	task.clear_ibuf [dreg:s7], $0x6FFFF;
	_ =	strace $0x9000004C  }
0xb9: {  	s29 =	simm.s32 $0x9;
	_ =	strace $0x8000004E  }
0xba: {  	_ =	swait.ge [sflag:s29], $0x1  }
0xbb: {  	[sflag:s29] =	ssyncadd.s32 $0xFFFFFFFF  }
0xbc: {  	_ =	strace $0x9000004E  }
0xbd: {  	_ =	sfence  }
0xbe: {  	s30 =	sld [smem:$0x0];
	_ =	sdelay $0x2  }
0xbf: {  	s31 =	sshll.u32 s1, $0xD;
	s1 =	sshrl.u32 s1, $0x2  }
0xc0: {  	s3 =	sand.u32 $0x4000, s31;
	s1 =	sadd.s32 s1, s30  }
0xc1: {  	s0 =	sor.u32 s3, s0;
	s1 =	sshll.u32 s1, $0x11  }
0xc2: {  	s0 =	sor.u32 s1, s0  }
0xc3: {  	s0 =	sadd.s32 $0x8F2B, s0  }
0xc4: {  	[sflag:s0] =	ssyncadd.remote.s32 $0x1  }
0xc5: {  	_ =	sfence.sel $0xFFFF  }
0xc6: {  	[dreg:$0x0] =	wrdreg $0xFFFFFFFF;
	(pc) =	sbr.abs _section_cstart, $3  }
0xc7: {  	[dreg:$0x1] =	wrdreg $0xFFFFFFFF  }
0xc8: {  	_ =	task.clear_ibuf [dreg:s7], $0x2FFFF;
	_ =	strace $0x9FFFFFFF  }
0xc9: {  	(tm) =	ssettm $0x7FFFFFFF  }
tec
execute0_lowered:
.L_overlay_start_1:
0x0: {  	(tag) =	ssettag $0x1  }
0x1: {  	s5 =	rddreg [dreg:$0x0]  }
0x2: {  	s6 =	rddreg [dreg:$0x1]  }
0x3: {  	s0 =	srdreg.scid;
	s2 =	rddreg [dreg:$0x2]  }
0x4: {  	s1 =	rddreg [dreg:$0x3];
	s3 =	simm.s32 $0x0;
	s15 =	simm.s32 $0x1400  }
0x5: {  	s16 =	simm.s32 $0x80;
	s17 =	simm.s32 $0x2800;
	s7 =	sand.u32 $0x1, s0  }
0x6: {  	s18 =	simm.s32 $0x6800;
	s0 =	stileid.u32;
	s4 =	smul.u32 $0x500, s7  }
0x7: {  	s19 =	simm.s32 $0x1;
	s20 =	simm.s32 $0x2;
	s8 =	smul.u32 $0x50, s0  }
0x8: {  	s21 =	simm.s32 $0x1380;
	s22 =	simm.s32 $0x2700;
	s24 =	smul.u32 $0x2780, s0  }
0x9: {  	s23 =	simm.s32 $0x2780;
	[smem:$0x7FF] =	sst s3;
	s10 =	smul.u32 $0x27800, s7  }
0xa: {  	_ =	strace $0x8000004D;
	s25 =	smul.u32 $0x500, s0;
	s7 =	ssub.s32 $0x2, s7  }
0xb: {  	s12 =	smul.u32 $0x4F000, s0;
	s31 =	sshll.u32 s0, $0x6;
	s28 =	sshrl.u32 s7, $0x1  }
0xc: {  	s4 =	sadd.s32 s4, s8;
	s10 =	sadd.s32 s24, s10;
	s13 =	sadd.s32 s25, s5  }
0xd: {  	s29 =	ssub.s32 s7, s28;
	s30 =	sshrl.u32 s12, $0x2;
	s9 =	sshll.u32 s4, $0x4  }
0xe: {  	s4 =	sadd.s32 $0x2F000, s5;
	s26 =	sadd.s32 s10, s5;
	s14 =	sadd.s32 s30, s2  }
0xf: {  	s8 =	smax.u32 s29, $0x1;
	s10 =	sadd.s32 $0xF800, s13;
	s12 =	sadd.s32 $0xFA80, s13  }
0x10: {  	s11 =	sadd.s32 s9, s5;
	s5 =	sadd.s32 s6, s24;
	s6 =	sor.u32 $0x1C03, s31  }
0x11: {  	s7 =	sadd.s32 $0x7D400, s26;
	s13 =	sshrl.u32 s14, $0x3;
	s14 =	simm.s32 $0x3  }
0x12: {  	s24 =	simm.s32 $0x0;
	s9 =	sadd.s32 $0x25000, s11;
	s11 =	sadd.s32 $0x25280, s11  }
.LBB2_1:
0x13: {  	[spmem:s13], [sflag:s6] =	dma.local [hbm:s5], $0x2780  }
0x14: {  	_ =	swait.ge [sflag:s14], $0x2780  }
0x15: {  	[sflag:s14] =	ssyncset.done $0x0  }
0x16: {  	[sflag:s14] =	ssyncadd.s32 $0xFFFFD880  }
0x17: {  	[bflag:$0x0] =	sbarrier.arrive $0xFFFF  }
0x18: {  	[tilespmem:s3], [sflag:$0x3] =	stream.linear.gather [hbm4b:s9+s3], $0x1400, $0x38;
	[tilespmem:$0x1E400] =	vst v63  }
0x19: {  	_ =	swait.ge [sflag:s14], $0x1400  }
0x1a: {  	[sflag:s14] =	ssyncset.done $0x0  }
0x1b: {  	[sflag:s14] =	ssyncadd.s32 $0xFFFFEC00  }
0x1c: {  	[tilespmem:s15], [sflag:$0x3] =	stream.linear.gather [hbm4b:s10+s3], $0x1400, $0x38;
	[tilespmem:$0x1E400] =	vst v63  }
0x1d: {  	_ =	swait.ge [sflag:s14], $0x1400  }
0x1e: {  	[sflag:s14] =	ssyncset.done $0x0  }
0x1f: {  	[sflag:s14] =	ssyncadd.s32 $0xFFFFEC00  }
0x20: {  	[tilespmem:s17], [sflag:$0x1] =	stream.indirect.gather [hbm4b:s4+s16], $0x80, s3, s16, $0xb8;
	[tilespmem:$0x1E400] =	vst v63  }
0x21: {  	s25 =	simm.s32 $0x80  }
0x22: {  	[tilespmem:s18], [sflag:$0x2] =	stream.indirect.gather [hbm4b:s4+s16], $0x80, s25, s16, $0xb8;
	[tilespmem:$0x1E400] =	vst v63  }
0x23: {  	_ =	swait.ge [sflag:s19], $0x4000  }
0x24: {  	[sflag:s19] =	ssyncset.done $0x0  }
0x25: {  	s29 =	simm.s32 $0x1400;
	[sflag:s19] =	ssyncadd.s32 $0xFFFFC000  }
0x26: {  	[spmem:s2] =	stream.indirect.scatter.add.f32 [tilespmem:s17], [sflag:$0x3], $0x80, s29, s16, $0xb8;
	[tilespmem:$0x1E400] =	vst v63  }
0x27: {  	_ =	swait.ge [sflag:s14], $0x4000  }
0x28: {  	[sflag:s14] =	ssyncset.done $0x0  }
0x29: {  	s30 =	simm.s32 $0x100;
	[sflag:s14] =	ssyncadd.s32 $0xFFFFC000  }
0x2a: {  	[tilespmem:s17], [sflag:$0x1] =	stream.indirect.gather [hbm4b:s4+s16], $0x80, s30, s16, $0xb8;
	[tilespmem:$0x1E400] =	vst v63  }
0x2b: {  	_ =	swait.ge [sflag:s20], $0x4000  }
0x2c: {  	[sflag:s20] =	ssyncset.done $0x0  }
0x2d: {  	s31 =	simm.s32 $0x1480;
	[sflag:s20] =	ssyncadd.s32 $0xFFFFC000  }
0x2e: {  	[spmem:s2] =	stream.indirect.scatter.add.f32 [tilespmem:s18], [sflag:$0x3], $0x80, s31, s16, $0xb8;
	[tilespmem:$0x1E400] =	vst v63  }
0x2f: {  	_ =	swait.ge [sflag:s14], $0x4000  }
0x30: {  	s26 =	simm.s32 $0x800;
	s25 =	simm.s32 $0x100;
	[sflag:s14] =	ssyncset.done $0x0  }
.LBB2_2:
0x31: {  	s28 =	sadd.s32 $0x80, s25  }
0x32: {  	[sflag:s14] =	ssyncadd.s32 $0xFFFFC000;
	s29 =	smov.u32 s26;
	s30 =	sadd.s32 $0x400, s26  }
0x33: {  	[tilespmem:s18], [sflag:$0x2] =	stream.indirect.gather [hbm4b:s4+s16], $0x80, s28, s16, $0xb8;
	[tilespmem:$0x1E400] =	vst v63  }
0x34: {  	p0 =	sne.s32 s26, $0x4800;
	_ =	swait.ge [sflag:s19], $0x4000  }
0x35: {  	[sflag:s19] =	ssyncset.done $0x0  }
0x36: {  	s26 =	sadd.s32 $0x1400, s25;
	[sflag:s19] =	ssyncadd.s32 $0xFFFFC000  }
0x37: {  	[spmem:s2] =	stream.indirect.scatter.add.f32 [tilespmem:s17], [sflag:$0x3], $0x80, s26, s16, $0xb8;
	[tilespmem:$0x1E400] =	vst v63  }
0x38: {  	_ =	swait.ge [sflag:s14], $0x4000  }
0x39: {  	[sflag:s14] =	ssyncset.done $0x0  }
0x3a: {  	s26 =	sadd.s32 $0x100, s25;
	[sflag:s14] =	ssyncadd.s32 $0xFFFFC000  }
0x3b: {  	[tilespmem:s17], [sflag:$0x1] =	stream.indirect.gather [hbm4b:s4+s16], $0x80, s26, s16, $0xb8;
	[tilespmem:$0x1E400] =	vst v63  }
0x3c: {  	_ =	swait.ge [sflag:s20], $0x4000  }
.Ltmp0:
0x3d: {  	[sflag:s20] =	ssyncset.done $0x0;
	(pc) =	sbr.rel @p0 .LBB2_2-.Ltmp0, $4  }
0x3e: {  	s25 =	sadd.s32 $0x1480, s25;
	[sflag:s20] =	ssyncadd.s32 $0xFFFFC000  }
0x3f: {  	[spmem:s2] =	stream.indirect.scatter.add.f32 [tilespmem:s18], [sflag:$0x3], $0x80, s25, s16, $0xb8;
	[tilespmem:$0x1E400] =	vst v63  }
0x40: {  	_ =	swait.ge [sflag:s14], $0x4000  }
0x41: {  	s26 =	smov.u32 s30;
	s25 =	sshra.s32 s29, $0x2;
	[sflag:s14] =	ssyncset.done $0x0  }
0x42: {  	s26 =	sadd.s32 $0x80, s25;
	[sflag:s14] =	ssyncadd.s32 $0xFFFFC000  }
0x43: {  	[tilespmem:s18], [sflag:$0x2] =	stream.indirect.gather [hbm4b:s4+s16], $0x80, s26, s16, $0xb8;
	[tilespmem:$0x1E400] =	vst v63  }
0x44: {  	_ =	swait.ge [sflag:s19], $0x4000  }
0x45: {  	[sflag:s19] =	ssyncset.done $0x0  }
0x46: {  	s29 =	sadd.s32 $0x1400, s25;
	[sflag:s19] =	ssyncadd.s32 $0xFFFFC000  }
0x47: {  	[spmem:s2] =	stream.indirect.scatter.add.f32 [tilespmem:s17], [sflag:$0x3], $0x80, s29, s16, $0xb8;
	[tilespmem:$0x1E400] =	vst v63  }
0x48: {  	_ =	swait.ge [sflag:s14], $0x4000  }
0x49: {  	[sflag:s14] =	ssyncset.done $0x0  }
0x4a: {  	s30 =	sadd.s32 $0x100, s25;
	[sflag:s14] =	ssyncadd.s32 $0xFFFFC000  }
0x4b: {  	[tilespmem:s17], [sflag:$0x1] =	stream.indirect.gather [hbm4b:s4+s16], $0x80, s30, s16, $0xb8;
	[tilespmem:$0x1E400] =	vst v63  }
0x4c: {  	_ =	swait.ge [sflag:s20], $0x4000  }
0x4d: {  	[sflag:s20] =	ssyncset.done $0x0  }
0x4e: {  	s31 =	sadd.s32 $0x1480, s25;
	[sflag:s20] =	ssyncadd.s32 $0xFFFFC000  }
0x4f: {  	[spmem:s2] =	stream.indirect.scatter.add.f32 [tilespmem:s18], [sflag:$0x3], $0x80, s31, s16, $0xb8;
	[tilespmem:$0x1E400] =	vst v63  }
0x50: {  	_ =	swait.ge [sflag:s14], $0x4000  }
0x51: {  	[sflag:s14] =	ssyncset.done $0x0  }
0x52: {  	[sflag:s14] =	ssyncadd.s32 $0xFFFFC000  }
0x53: {  	[tilespmem:s18], [sflag:$0x2] =	stream.indirect.gather [hbm4b:s4+s16], $0x80, s21, s16, $0xb8;
	[tilespmem:$0x1E400] =	vst v63  }
0x54: {  	_ =	swait.ge [sflag:s19], $0x4000  }
0x55: {  	[sflag:s19] =	ssyncset.done $0x0  }
0x56: {  	[sflag:s19] =	ssyncadd.s32 $0xFFFFC000  }
0x57: {  	[spmem:s2] =	stream.indirect.scatter.add.f32 [tilespmem:s17], [sflag:$0x3], $0x80, s22, s16, $0xb8;
	[tilespmem:$0x1E400] =	vst v63  }
0x58: {  	_ =	swait.ge [sflag:s14], $0x4000  }
0x59: {  	[sflag:s14] =	ssyncset.done $0x0  }
0x5a: {  	[sflag:s14] =	ssyncadd.s32 $0xFFFFC000  }
0x5b: {  	_ =	swait.ge [sflag:s20], $0x4000  }
0x5c: {  	[sflag:s20] =	ssyncset.done $0x0  }
0x5d: {  	[sflag:s20] =	ssyncadd.s32 $0xFFFFC000  }
0x5e: {  	[spmem:s2] =	stream.indirect.scatter.add.f32 [tilespmem:s18], [sflag:$0x3], $0x80, s23, s16, $0xb8;
	[tilespmem:$0x1E400] =	vst v63  }
0x5f: {  	_ =	swait.ge [sflag:s14], $0x4000  }
0x60: {  	[sflag:s14] =	ssyncset.done $0x0  }
0x61: {  	s26 =	simm.s32 $0x0;
	[sflag:s14] =	ssyncadd.s32 $0xFFFFC000  }
0x62: {  	[tilespmem:s26], [sflag:$0x3] =	stream.linear.gather [hbm4b:s11+s26], $0x1400, $0x38;
	[tilespmem:$0x1E400] =	vst v63  }
0x63: {  	_ =	swait.ge [sflag:s14], $0x1400  }
0x64: {  	[sflag:s14] =	ssyncset.done $0x0  }
0x65: {  	[sflag:s14] =	ssyncadd.s32 $0xFFFFEC00  }
0x66: {  	[tilespmem:s15], [sflag:$0x3] =	stream.linear.gather [hbm4b:s12+s26], $0x1400, $0x38;
	[tilespmem:$0x1E400] =	vst v63  }
0x67: {  	_ =	swait.ge [sflag:s14], $0x1400  }
0x68: {  	[sflag:s14] =	ssyncset.done $0x0  }
0x69: {  	[sflag:s14] =	ssyncadd.s32 $0xFFFFEC00  }
0x6a: {  	[tilespmem:s17], [sflag:$0x1] =	stream.indirect.gather [hbm4b:s4+s16], $0x80, s26, s16, $0xb8;
	[tilespmem:$0x1E400] =	vst v63  }
0x6b: {  	s28 =	simm.s32 $0x80  }
0x6c: {  	[tilespmem:s18], [sflag:$0x2] =	stream.indirect.gather [hbm4b:s4+s16], $0x80, s28, s16, $0xb8;
	[tilespmem:$0x1E400] =	vst v63  }
0x6d: {  	_ =	swait.ge [sflag:s19], $0x4000  }
0x6e: {  	[sflag:s19] =	ssyncset.done $0x0  }
0x6f: {  	s29 =	simm.s32 $0x1400;
	[sflag:s19] =	ssyncadd.s32 $0xFFFFC000  }
0x70: {  	[spmem:s2] =	stream.indirect.scatter.add.f32 [tilespmem:s17], [sflag:$0x3], $0x80, s29, s16, $0xb8;
	[tilespmem:$0x1E400] =	vst v63  }
0x71: {  	_ =	swait.ge [sflag:s14], $0x4000  }
0x72: {  	[sflag:s14] =	ssyncset.done $0x0  }
0x73: {  	s30 =	simm.s32 $0x100;
	[sflag:s14] =	ssyncadd.s32 $0xFFFFC000  }
0x74: {  	[tilespmem:s17], [sflag:$0x1] =	stream.indirect.gather [hbm4b:s4+s16], $0x80, s30, s16, $0xb8;
	[tilespmem:$0x1E400] =	vst v63  }
0x75: {  	_ =	swait.ge [sflag:s20], $0x4000  }
0x76: {  	[sflag:s20] =	ssyncset.done $0x0  }
0x77: {  	s31 =	simm.s32 $0x1480;
	[sflag:s20] =	ssyncadd.s32 $0xFFFFC000  }
0x78: {  	[spmem:s2] =	stream.indirect.scatter.add.f32 [tilespmem:s18], [sflag:$0x3], $0x80, s31, s16, $0xb8;
	[tilespmem:$0x1E400] =	vst v63  }
0x79: {  	_ =	swait.ge [sflag:s14], $0x4000  }
0x7a: {  	s25 =	simm.s32 $0x100;
	s26 =	simm.s32 $0x800;
	[sflag:s14] =	ssyncset.done $0x0  }
.LBB2_4:
0x7b: {  	s28 =	sadd.s32 $0x80, s25  }
0x7c: {  	[sflag:s14] =	ssyncadd.s32 $0xFFFFC000;
	s29 =	smov.u32 s26;
	s30 =	sadd.s32 $0x400, s26  }
0x7d: {  	[tilespmem:s18], [sflag:$0x2] =	stream.indirect.gather [hbm4b:s4+s16], $0x80, s28, s16, $0xb8;
	[tilespmem:$0x1E400] =	vst v63  }
0x7e: {  	p0 =	sne.s32 s26, $0x4800;
	_ =	swait.ge [sflag:s19], $0x4000  }
0x7f: {  	[sflag:s19] =	ssyncset.done $0x0  }
0x80: {  	s26 =	sadd.s32 $0x1400, s25;
	[sflag:s19] =	ssyncadd.s32 $0xFFFFC000  }
0x81: {  	[spmem:s2] =	stream.indirect.scatter.add.f32 [tilespmem:s17], [sflag:$0x3], $0x80, s26, s16, $0xb8;
	[tilespmem:$0x1E400] =	vst v63  }
0x82: {  	_ =	swait.ge [sflag:s14], $0x4000  }
0x83: {  	[sflag:s14] =	ssyncset.done $0x0  }
0x84: {  	s26 =	sadd.s32 $0x100, s25;
	[sflag:s14] =	ssyncadd.s32 $0xFFFFC000  }
0x85: {  	[tilespmem:s17], [sflag:$0x1] =	stream.indirect.gather [hbm4b:s4+s16], $0x80, s26, s16, $0xb8;
	[tilespmem:$0x1E400] =	vst v63  }
0x86: {  	_ =	swait.ge [sflag:s20], $0x4000  }
.Ltmp1:
0x87: {  	[sflag:s20] =	ssyncset.done $0x0;
	(pc) =	sbr.rel @p0 .LBB2_4-.Ltmp1, $4  }
0x88: {  	s25 =	sadd.s32 $0x1480, s25;
	[sflag:s20] =	ssyncadd.s32 $0xFFFFC000  }
0x89: {  	[spmem:s2] =	stream.indirect.scatter.add.f32 [tilespmem:s18], [sflag:$0x3], $0x80, s25, s16, $0xb8;
	[tilespmem:$0x1E400] =	vst v63  }
0x8a: {  	_ =	swait.ge [sflag:s14], $0x4000  }
0x8b: {  	s26 =	smov.u32 s30;
	s25 =	sshra.s32 s29, $0x2;
	[sflag:s14] =	ssyncset.done $0x0  }
0x8c: {  	s26 =	sadd.s32 $0x80, s25;
	[sflag:s14] =	ssyncadd.s32 $0xFFFFC000  }
0x8d: {  	[tilespmem:s18], [sflag:$0x2] =	stream.indirect.gather [hbm4b:s4+s16], $0x80, s26, s16, $0xb8;
	[tilespmem:$0x1E400] =	vst v63  }
0x8e: {  	_ =	swait.ge [sflag:s19], $0x4000  }
0x8f: {  	[sflag:s19] =	ssyncset.done $0x0  }
0x90: {  	s29 =	sadd.s32 $0x1400, s25;
	[sflag:s19] =	ssyncadd.s32 $0xFFFFC000  }
0x91: {  	[spmem:s2] =	stream.indirect.scatter.add.f32 [tilespmem:s17], [sflag:$0x3], $0x80, s29, s16, $0xb8;
	[tilespmem:$0x1E400] =	vst v63  }
0x92: {  	_ =	swait.ge [sflag:s14], $0x4000  }
0x93: {  	[sflag:s14] =	ssyncset.done $0x0  }
0x94: {  	s30 =	sadd.s32 $0x100, s25;
	[sflag:s14] =	ssyncadd.s32 $0xFFFFC000  }
0x95: {  	[tilespmem:s17], [sflag:$0x1] =	stream.indirect.gather [hbm4b:s4+s16], $0x80, s30, s16, $0xb8;
	[tilespmem:$0x1E400] =	vst v63  }
0x96: {  	_ =	swait.ge [sflag:s20], $0x4000  }
0x97: {  	[sflag:s20] =	ssyncset.done $0x0  }
0x98: {  	s31 =	sadd.s32 $0x1480, s25;
	[sflag:s20] =	ssyncadd.s32 $0xFFFFC000  }
0x99: {  	[spmem:s2] =	stream.indirect.scatter.add.f32 [tilespmem:s18], [sflag:$0x3], $0x80, s31, s16, $0xb8;
	[tilespmem:$0x1E400] =	vst v63  }
0x9a: {  	_ =	swait.ge [sflag:s14], $0x4000  }
0x9b: {  	[sflag:s14] =	ssyncset.done $0x0  }
0x9c: {  	[sflag:s14] =	ssyncadd.s32 $0xFFFFC000  }
0x9d: {  	[tilespmem:s18], [sflag:$0x2] =	stream.indirect.gather [hbm4b:s4+s16], $0x80, s21, s16, $0xb8;
	[tilespmem:$0x1E400] =	vst v63  }
0x9e: {  	_ =	swait.ge [sflag:s19], $0x4000  }
0x9f: {  	[sflag:s19] =	ssyncset.done $0x0  }
0xa0: {  	[sflag:s19] =	ssyncadd.s32 $0xFFFFC000  }
0xa1: {  	[spmem:s2] =	stream.indirect.scatter.add.f32 [tilespmem:s17], [sflag:$0x3], $0x80, s22, s16, $0xb8;
	[tilespmem:$0x1E400] =	vst v63  }
0xa2: {  	_ =	swait.ge [sflag:s14], $0x4000  }
0xa3: {  	[sflag:s14] =	ssyncset.done $0x0  }
0xa4: {  	[sflag:s14] =	ssyncadd.s32 $0xFFFFC000  }
0xa5: {  	_ =	swait.ge [sflag:s20], $0x4000  }
0xa6: {  	[sflag:s20] =	ssyncset.done $0x0  }
0xa7: {  	[sflag:s20] =	ssyncadd.s32 $0xFFFFC000  }
0xa8: {  	[spmem:s2] =	stream.indirect.scatter.add.f32 [tilespmem:s18], [sflag:$0x3], $0x80, s23, s16, $0xb8;
	[tilespmem:$0x1E400] =	vst v63  }
0xa9: {  	_ =	swait.ge [sflag:s14], $0x4000  }
0xaa: {  	s24 =	sadd.s32 $0x1, s24;
	[sflag:s14] =	ssyncset.done $0x0  }
0xab: {  	p0 =	sne.s32 s24, s8;
	[sflag:s14] =	ssyncadd.s32 $0xFFFFC000  }
.Ltmp2:
0xac: {  	[bflag:$0x0] =	sbarrier.arrive $0xFFFF;
	(pc) =	sbr.rel @p0 .LBB2_1-.Ltmp2, $4  }
0xad: {  	[hbm:s7], [sflag:s6] =	dma.local [spmem:s13], $0x2780  }
0xae: {  	_ =	swait.ge [sflag:s14], $0x2780  }
0xaf: {  	[sflag:s14] =	ssyncset.done $0x0  }
0xb0: {  	[sflag:s14] =	ssyncadd.s32 $0xFFFFD880  }
0xb1: {  	_ =	sfence.sel $0x180000  }
0xb2: {  	[bflag:$0x0] =	sbarrier.arrive $0xFFFF  }
0xb3: {  	p0 =	sne.s32 s0, $0x0;
	_ =	strace $0x9000004D  }
0xb4: {  	s0 =	sadd.s32 @!p0 $0x100000, s1;
	[bflag:$0x2] =	sbarrier.arrive $0xFFFF  }
0xb5: {  	[sflag:s0] =	ssyncadd.tile.s32 @!p0 $0x1;
	_ =	shalt  }
.Lfunc_end2:
_tile_overlayer_lowered:
.L_overlay_start_2:
0xb6: {  	(tag) =	ssettag $0x2  }
0xb7: {  	s0 =	rddreg [dreg:$0x0];
	s2 =	stileid.u32  }
0xb8: {  	s1 =	rddreg [dreg:$0x1];
	p0 =	sne.s32 s2, $0x0  }
0xb9: {  	s3 =	rddreg [dreg:$0x2];
	[bflag:$0x3] =	sbarrier.arrive $0xFFFF;
	s2 =	simm.s32 @!p0 $0x1C03  }
0xba: {  	[timem:s3], [sflag:s2] =	dma.local @!p0 [hbm:s0], s1  }
0xbb: {  	s0 =	simm.s32 @!p0 $0x3  }
0xbc: {  	_ =	swait.ge @!p0 [sflag:s0], s1  }
0xbd: {  	s1 =	ssub.s32 @!p0 $0x0, s1;
	[sflag:s0] =	ssyncset.done @!p0 $0x0  }
0xbe: {  	[sflag:s0] =	ssyncadd.s32 @!p0 s1  }
0xbf: {  	[bflag:$0x3] =	sbarrier.arrive $0xFFFF  }
0xc0: {  	_ =	shalt  }

// kernel: kernel.21.cloned.1.call-start
scs
__scs_entry_jumppad:
0x0: {  	(pc) =	sbr.rel $0x88, $3  }
0x1: {  	(tag) =	ssettag $0x0;
	lr =	simm.s32 $0x1  }
0x2: {  	[smem:$0x3F8D] =	sst lr;
	_ =	strace $0xD0000000  }
0x3: {  	_ = 	snop  }
0x4: {  	_ = 	snop  }
0x5: {  	_ = 	snop  }
0x6: {  	_ = 	snop  }
0x7: {  	_ = 	snop  }
__scs_overlays_trampoline_lowered:
0x8: {  	[smem:$0x3F9C] =	sst s0  }
0x9: {  	[smem:$0x3F9D] =	sst s1  }
0xa: {  	[smem:$0x3F9E] =	sst s2  }
0xb: {  	[smem:$0x3F9F] =	sst s3  }
0xc: {  	[smem:$0x3FA0] =	sst s4  }
0xd: {  	[smem:$0x3FA1] =	sst s5  }
0xe: {  	[smem:$0x3FA2] =	sst s6  }
0xf: {  	[smem:$0x3FA3] =	sst s7  }
0x10: {  	[smem:$0x3FA4] =	sst s8  }
0x11: {  	[smem:$0x3FA5] =	sst s9;
	s0 =	simm.s32 @!p0 $0x0  }
0x12: {  	s1 =	sld [smem:$0x3F8B];
	s0 =	simm.s32 @p0 $0x1  }
0x13: {  	[smem:$0x3FA6] =	sst s0;
	s0 =	simm.s32 @!p1 $0x0  }
0x14: {  	s2 =	sld [smem:$0x3F8A];
	s0 =	simm.s32 @p1 $0x1  }
0x15: {  	[smem:$0x3FA7] =	sst s0;
	s0 =	simm.s32 @!p2 $0x0  }
0x16: {  	s3 =	sld [smem:$0x3FDB];
	s0 =	simm.s32 @p2 $0x1  }
0x17: {  	s4 =	simm.s32 $0x1BF5;
	[smem:$0x3FA9] =	sst s0  }
0x18: {  	s0 =	sld [smem:$0x3F8C];
	_ =	swait.ge [sflag:s4], $0x0  }
0x19: {  	s7 =	sld [smem:$0x3F8D]  }
0x1a: {  	s8 =	sadd.s32 $0xFFFFE003, lr  }
0x1b: {  	s9 =	sadd.s32 $0xFFFFFEF7, lr;
	s5 =	simm.s32 $0xFFFFFFFF;
	p2 =	slt.u32 s8, $0xFFFFF086  }
0x1c: {  	p1 =	slt.u32 s9, $0xF7A;
	s5 =	simm.s32 @!p2 $0x0  }
0x1d: {  	s5 =	simm.s32 @p1 $0x1;
	p0 =	seq.s32 s7, s2  }
0x1e: {  	s7 =	smul.u32 @!p0 $0xF7A, s2;
	p2 =	seq.s32 @!p0 s5, $0x0  }
0x1f: {  	s9 =	smul.u32 $0xF7A, s1;
	s8 =	simm.s32 @!p0 $0x1BF5;
	p2 =	por !p2, p0  }
0x20: {  	[sflag:s8] =	ssyncset.s32 @!p0 $0xFFFFF086;
	s6 =	sadd.s32 @!p0 s3, s7;
	s7 =	simm.s32 @!p0 $0x108  }
0x21: {  	s3 =	sadd.s32 s3, s9;
	s6 =	sadd.s32 @!p0 $0x88, s6;
	s7 =	simm.s32 @p2 $0x1082  }
0x22: {  	[simem:s7], [sflag:s8] =	dma.local @!p0 [hbm:s6], $0xF7A  }
0x23: {  	s9 =	sor.u32 $0xD0000000, s2;
	s6 =	simm.s32 $0x108;
	_ =	swait.ge @!p0 [sflag:s8], $0x0  }
0x24: {  	s3 =	sadd.s32 $0x88, s3;
	s6 =	simm.s32 @!p1 $0x1082;
	[sflag:s4] =	ssyncset.s32 $0xFFFFF086  }
0x25: {  	[simem:s6], [sflag:s4] =	dma.local [hbm:s3], $0xF7A  }
0x26: {  	[smem:$0x3F8D] =	sst s1;
	(tag) =	ssettag s2;
	_ =	strace s9  }
0x27: {  	s1 =	sld [smem:$0x3F9D]  }
0x28: {  	s2 =	sld [smem:$0x3F9E]  }
0x29: {  	s4 =	sld [smem:$0x3FA0]  }
0x2a: {  	p0 =	seq.s32 s5, $0x0;
	s5 =	sld [smem:$0x3FA1]  }
0x2b: {  	s6 =	sld [smem:$0x3FA2]  }
0x2c: {  	s7 =	sld [smem:$0x3FA3]  }
0x2d: {  	s3 =	simm.s32 $0x108;
	s8 =	sld [smem:$0x3FA4]  }
0x2e: {  	s3 =	simm.s32 @!p0 $0x1082;
	s9 =	sld [smem:$0x3FA5]  }
0x2f: {  	lr =	sadd.s32 s0, s3;
	s0 =	sld [smem:$0x3F9C]  }
0x30: {  	s3 =	sld [smem:$0x3F9F]  }
0x31: {  	[smem:$0x3FA8] =	sst s10  }
0x32: {  	s10 =	sld [smem:$0x3FA6];
	_ =	sdelay $0x3  }
0x33: {  	p0 =	seq.s32 s10, $0x1;
	s10 =	sld [smem:$0x3FA8];
	_ =	sdelay $0x3  }
0x34: {  	[smem:$0x3FA8] =	sst s10  }
0x35: {  	s10 =	sld [smem:$0x3FA7];
	_ =	sdelay $0x3  }
0x36: {  	p1 =	seq.s32 s10, $0x1;
	s10 =	sld [smem:$0x3FA8];
	_ =	sdelay $0x3  }
0x37: {  	[smem:$0x3FA8] =	sst s10  }
0x38: {  	s10 =	sld [smem:$0x3FA9]  }
0x39: {  	_ = 	snop;
	(pc) =	sbr.ind lr, $3  }
0x3a: {  	_ = 	snop  }
0x3b: {  	_ = 	snop  }
0x3c: {  	p2 =	seq.s32 s10, $0x1;
	s10 =	sld [smem:$0x3FA8]  }
0x3d: {  	_ =	shalt  }
0x3e: {  	_ =	shalt  }
0x3f: {  	_ =	shalt  }
0x40: {  	_ =	shalt  }
0x41: {  	_ =	shalt  }
0x42: {  	_ =	shalt  }
0x43: {  	_ =	shalt  }
0x44: {  	_ =	shalt  }
0x45: {  	_ =	shalt  }
0x46: {  	_ =	shalt  }
0x47: {  	_ =	shalt  }
0x48: {  	_ =	shalt  }
0x49: {  	_ =	shalt  }
0x4a: {  	_ =	shalt  }
0x4b: {  	_ =	shalt  }
0x4c: {  	_ =	shalt  }
0x4d: {  	_ =	shalt  }
0x4e: {  	_ =	shalt  }
0x4f: {  	_ =	shalt  }
0x50: {  	_ =	shalt  }
0x51: {  	_ =	shalt  }
0x52: {  	_ =	shalt  }
0x53: {  	_ =	shalt  }
0x54: {  	_ =	shalt  }
0x55: {  	_ =	shalt  }
0x56: {  	_ =	shalt  }
0x57: {  	_ =	shalt  }
0x58: {  	_ =	shalt  }
0x59: {  	_ =	shalt  }
0x5a: {  	_ =	shalt  }
0x5b: {  	_ =	shalt  }
0x5c: {  	_ =	shalt  }
0x5d: {  	_ =	shalt  }
0x5e: {  	_ =	shalt  }
0x5f: {  	_ =	shalt  }
0x60: {  	_ =	shalt  }
0x61: {  	_ =	shalt  }
0x62: {  	_ =	shalt  }
0x63: {  	_ =	shalt  }
0x64: {  	_ =	shalt  }
0x65: {  	_ =	shalt  }
0x66: {  	_ =	shalt  }
0x67: {  	_ =	shalt  }
0x68: {  	_ =	shalt  }
0x69: {  	_ =	shalt  }
0x6a: {  	_ =	shalt  }
0x6b: {  	_ =	shalt  }
0x6c: {  	_ =	shalt  }
0x6d: {  	_ =	shalt  }
0x6e: {  	_ =	shalt  }
0x6f: {  	_ =	shalt  }
0x70: {  	_ =	shalt  }
0x71: {  	_ =	shalt  }
0x72: {  	_ =	shalt  }
0x73: {  	_ =	shalt  }
0x74: {  	_ =	shalt  }
0x75: {  	_ =	shalt  }
0x76: {  	_ =	shalt  }
0x77: {  	_ =	shalt  }
0x78: {  	_ =	shalt  }
0x79: {  	_ =	shalt  }
0x7a: {  	_ =	shalt  }
0x7b: {  	_ =	shalt  }
0x7c: {  	_ =	shalt  }
0x7d: {  	_ =	shalt  }
0x7e: {  	_ =	shalt  }
0x7f: {  	_ =	shalt  }
0x80: {  	_ =	shalt  }
0x81: {  	_ =	shalt  }
0x82: {  	_ =	shalt  }
0x83: {  	_ =	shalt  }
0x84: {  	_ =	shalt  }
0x85: {  	_ =	shalt  }
0x86: {  	_ =	shalt  }
0x87: {  	_ =	shalt  }
.Lfunc_end0:
.L_simem_size_0:
called_computation.3_lowered:
.L_overlay_start_0:
0x88: {  	s2 =	sld [smem:$0x3FD9]  }
0x89: {  	s3 =	sld [smem:$0x3FFE];
	_ =	sdelay $0x1  }
0x8a: {  	s1 =	srdreg.scid  }
0x8b: {  	s0 =	sand.u32 $0x1, s1  }
0x8c: {  	s16 =	sshll.u32 s0, $0xA;
	s2 =	sadd.s32 s3, s2  }
0x8d: {  	s2 =	sadd.s32 s2, s16  }
0x8e: {  	[smem:$0x3FB4] =	sst s2  }
0x8f: {  	_ = 	snop  }
0x90: {  	(tm) =	ssettm $0x1  }
0x91: {  	s17 =	sld [smem:$0x3FFB];
	_ =	sdelay $0x3  }
0x92: {  	_ =	strace s17  }
0x93: {  	s2 =	sld [smem:$0x3FFC];
	_ =	sdelay $0x3  }
0x94: {  	_ =	strace s2  }
0x95: {  	s2 =	sld [smem:$0x3FFD];
	_ =	sdelay $0x3  }
0x96: {  	_ =	strace s2  }
0x97: {  	_ =	strace $0x8FFFFFFF  }
0x98: {  	s18 =	sld [smem:$0x3FDB];
	_ =	sdelay $0x1  }
0x99: {  	s19 =	simm.s32 $_scs_section_size  }
0x9a: {  	s4 =	simm.s32 $_size__tile_overlayer_lowered;
	s5 =	simm.s32 $_tile_overlayer_lowered  }
0x9b: {  	s22 =	simm.s32 $0x1BFF;
	s21 =	sshll.u32 s5, $0x1;
	s2 =	sadd.s32 s19, s18  }
0x9c: {  	s6 =	simm.s32 $0x0;
	s20 =	sshll.u32 s4, $0x1;
	s4 =	sadd.s32 s21, s2  }
0x9d: {  	[timem:s6], [sflag:s22] =	dma.local [hbm:s4], s20  }
0x9e: {  	_ =	swait.ge [sflag:s22], s20  }
0x9f: {  	s3 =	ssub.s32 $0x0, s20;
	[sflag:s22] =	ssyncset.done $0x0  }
0xa0: {  	[sflag:s22] =	ssyncadd.s32 s3;
	_ =	sdelay $0x1  }
0xa1: {  	s23 =	simm.s32 $0x1B8B  }
0xa2: {  	_ =	swait.ge [sflag:s23], $0x1  }
0xa3: {  	[sflag:s23] =	ssyncset.done $0x0  }
0xa4: {  	s25 =	simm.s32 $0x1B8E;
	s24 =	sld [smem:$0x3FFE];
	[sflag:s23] =	ssyncadd.s32 $0xFFFFFFFF  }
0xa5: {  	s26 =	simm.s32 $execute0_lowered;
	[smem:$0x3FD2] =	sst s25  }
0xa6: {  	s4 =	sshll.u32 s26, $0x1;
	_ =	strace $0x8000004F;
	[dreg:$0x1] =	wrdreg $0xFFFFFFFF  }
0xa7: {  	s28 =	simm.s32 $_size_execute0_lowered;
	s2 =	sadd.s32 s2, s4;
	[dreg:$0x0] =	wrdreg $0x0  }
0xa8: {  	s4 =	sshll.u32 s28, $0x1;
	[dreg:$0x2] =	wrdreg s2  }
0xa9: {  	[dreg:$0x3] =	wrdreg s4  }
0xaa: {  	[dreg:$0x4] =	wrdreg $0xC0  }
0xab: {  	_ =	task [dreg:s6], $0x5FFFF  }
0xac: {  	[dreg:$0x1] =	wrdreg $0xFFFFFFFF  }
0xad: {  	[dreg:$0x0] =	wrdreg $0x60  }
0xae: {  	[dreg:$0x2] =	wrdreg s24  }
0xaf: {  	[dreg:$0x3] =	wrdreg $0x9  }
0xb0: {  	_ =	task.clear_ibuf [dreg:s6], $0x4FFFF;
	_ =	strace $0x9000004F  }
0xb1: {  	s29 =	simm.s32 $0x9;
	_ =	strace $0x80000051  }
0xb2: {  	_ =	swait.ge [sflag:s29], $0x1  }
0xb3: {  	[sflag:s29] =	ssyncadd.s32 $0xFFFFFFFF  }
0xb4: {  	_ =	strace $0x90000051  }
0xb5: {  	_ =	sfence  }
0xb6: {  	s30 =	sld [smem:$0x0];
	_ =	sdelay $0x2  }
0xb7: {  	s31 =	sshll.u32 s1, $0xD;
	s1 =	sshrl.u32 s1, $0x2  }
0xb8: {  	s3 =	sand.u32 $0x4000, s31;
	s1 =	sadd.s32 s1, s30  }
0xb9: {  	s0 =	sor.u32 s3, s0;
	s1 =	sshll.u32 s1, $0x11  }
0xba: {  	s0 =	sor.u32 s1, s0  }
0xbb: {  	s0 =	sadd.s32 $0x8F2B, s0  }
0xbc: {  	[sflag:s0] =	ssyncadd.remote.s32 $0x1  }
0xbd: {  	_ =	sfence.sel $0xFFFF  }
0xbe: {  	[dreg:$0x0] =	wrdreg $0xFFFFFFFF;
	(pc) =	sbr.abs _section_cstart, $3  }
0xbf: {  	[dreg:$0x1] =	wrdreg $0xFFFFFFFF  }
0xc0: {  	_ =	task.clear_ibuf [dreg:s6], $0x2FFFF;
	_ =	strace $0x9FFFFFFF  }
0xc1: {  	(tm) =	ssettm $0x7FFFFFFF  }
tec
execute0_lowered:
.L_overlay_start_1:
0x0: {  	(tag) =	ssettag $0x1  }
0x1: {  	s0 =	rddreg [dreg:$0x0];
	s2 =	simm.s32 $0x0;
	s7 =	stileid.u32  }
0x2: {  	s4 =	srdreg.scid;
	s14 =	simm.s32 $0xC80;
	s31 =	simm.s32 $0x8C80  }
0x3: {  	s9 =	simm.s32 $0x11480;
	s10 =	simm.s32 $0x11C80;
	s13 =	simm.s32 $0x12C80  }
0x4: {  	s12 =	simm.s32 $0x13480;
	s11 =	simm.s32 $0x13C80;
	s15 =	simm.s32 $0x16480  }
0x5: {  	s16 =	simm.s32 $0x16C80;
	s17 =	simm.s32 $0x17480;
	s18 =	simm.s32 $0x17C80  }
0x6: {  	s19 =	simm.s32 $0x18480;
	s20 =	simm.s32 $0x1;
	s21 =	simm.s32 $0x2  }
0x7: {  	s22 =	simm.s32 $0x3;
	s29 =	simm.s32 $0x0;
	s1 =	smul.u32 $0xC80, s7  }
0x8: {  	[smem:$0x7FF] =	sst s2;
	s3 =	sadd.s32 $0x8C00, s0;
	s6 =	smul.u32 $0xC8000, s7  }
0x9: {  	s4 =	sand.u32 $0x1, s4;
	s8 =	sadd.s32 $0x56E00, s0;
	s7 =	smul.u32 $0x19000, s7  }
0xa: {  	_ =	strace $0x80000050;
	s5 =	ssub.s32 $0x2, s4;
	p0 =	seq.s32 s4, $0x1  }
0xb: {  	[dreg:$0x2] =	wrdreg s8;
	s4 =	simm.s32 $0x12480;
	s1 =	sshrl.u32 s1, $0x3  }
0xc: {  	s23 =	sshrl.u32 s5, $0x1;
	s25 =	sadd.s32 $0xC0000, s6;
	s8 =	sadd.s32 s7, s8  }
0xd: {  	s26 =	sadd.s32 $0xD40000, s6;
	s6 =	simm.s32 $0x10C80;
	[dreg:$0x4] =	wrdreg s25  }
0xe: {  	s7 =	simm.s32 $0x15C80;
	[dreg:$0x6] =	wrdreg s26;
	s28 =	sadd.s32 $0x16000, s8  }
0xf: {  	s1 =	sadd.s32 s1, s0;
	s30 =	sadd.s32 $0x1A6000, s8;
	[dreg:$0x8] =	wrdreg s28  }
.Ltmp0:
0x10: {  	s24 =	sadd.s32 $0x5A00, s1;
	[dreg:$0x9] =	wrdreg s30;
	(pc) =	sbr.rel .LBB2_1-.Ltmp0, $4  }
0x11: {  	s0 =	ssub.s32 s5, s23;
	s1 =	sadd.s32 $0x7300, s1;
	[dreg:$0x3] =	wrdreg s24  }
0x12: {  	v2 =	vlaneseq.u32;
	s5 =	simm.s32 $0x15480;
	s0 =	smax.u32 s0, $0x1;
	[dreg:$0x5] =	wrdreg s1  }
0x13: {  	vm0 =	vmmov $0xffff;
	v1 =	vshrl.u32 v2, $0x3;
	s23 =	simm.s32 $0x6;
	s25 =	simm.s32 $0x5;
	[dreg:$0x7] =	wrdreg s0  }
0x14: {  	v0 =	vand.u32 $0x7, v2;
	v2 =	vor.u32 $0x8, v2;
	v1 =	vmul.u32 $0x8, v1;
	s0 =	simm.s32 $0x14480;
	s1 =	simm.s32 $0x14C80;
	s24 =	simm.s32 $0x4  }
.LBB2_14:
0x15: {  	s26 =	rddreg [dreg:$0x6]  }
0x16: {  	s29 =	rddreg [dreg:$0xa]  }
.LBB2_15:
0x17: {  	_ =	swait.ge [sflag:s24], $0x8000  }
0x18: {  	[sflag:s24] =	ssyncset.done $0x0  }
0x19: {  	[sflag:s24] =	ssyncadd.s32 $0xFFFF8000  }
0x1a: {  	v3 =	vld [tilespmem:$0xC00];
	_ =	sdelay $0x4  }
0x1b: {  	v4 =	vshll.u32 v3, $0x1  }
0x1c: {  	v3 =	vand.u32 $0x7, v3;
	v4 =	vand.u32 $0xFFFFFFF0, v4  }
0x1d: {  	v3 =	vor.u32 v3, v4  }
0x1e: {  	v4 =	vperm.xlane v3, v0;
	_ =	sdelay $0x1  }
0x1f: {  	v3 =	vperm.xlane v3, v2;
	v4 =	vadd.s32 v1, v4;
	_ =	sdelay $0x1  }
0x20: {  	v3 =	vadd.s32 v1, v3;
	_ =	sdelay $0x2  }
0x21: {  	[tilespmem:s14], [sflag:$0x1] =	stream.indirect_vreg.gather [hbm4b:s3+s2], $0x80, v4, vm0, $0xb8;
	[tilespmem:$0x18C80] =	vst v63  }
0x22: {  	s28 =	simm.s32 $0x1480  }
0x23: {  	[tilespmem:s28], [sflag:$0x1] =	stream.indirect_vreg.gather [hbm4b:s3+s2], $0x80, v3, vm0, $0xb8;
	[tilespmem:$0x18C80] =	vst v63  }
0x24: {  	v3 =	vld [tilespmem:$0xC10];
	_ =	sdelay $0x4  }
0x25: {  	v57 =	vshll.u32 v3, $0x1  }
0x26: {  	v3 =	vand.u32 $0x7, v3;
	v4 =	vand.u32 $0xFFFFFFF0, v57  }
0x27: {  	v3 =	vor.u32 v3, v4  }
0x28: {  	v4 =	vperm.xlane v3, v0;
	_ =	sdelay $0x1  }
0x29: {  	v3 =	vperm.xlane v3, v2;
	v4 =	vadd.s32 v1, v4;
	_ =	sdelay $0x1  }
0x2a: {  	v3 =	vadd.s32 v1, v3;
	_ =	sdelay $0x1  }
0x2b: {  	s30 =	simm.s32 $0x1C80  }
0x2c: {  	[tilespmem:s30], [sflag:$0x1] =	stream.indirect_vreg.gather [hbm4b:s3+s2], $0x80, v4, vm0, $0xb8;
	[tilespmem:$0x18C80] =	vst v63  }
0x2d: {  	s30 =	simm.s32 $0x2480  }
0x2e: {  	[tilespmem:s30], [sflag:$0x1] =	stream.indirect_vreg.gather [hbm4b:s3+s2], $0x80, v3, vm0, $0xb8;
	[tilespmem:$0x18C80] =	vst v63  }
0x2f: {  	v3 =	vld [tilespmem:$0xC20];
	_ =	sdelay $0x4  }
0x30: {  	v58 =	vshll.u32 v3, $0x1  }
0x31: {  	v3 =	vand.u32 $0x7, v3;
	v4 =	vand.u32 $0xFFFFFFF0, v58  }
0x32: {  	v3 =	vor.u32 v3, v4  }
0x33: {  	v4 =	vperm.xlane v3, v0;
	_ =	sdelay $0x1  }
0x34: {  	v3 =	vperm.xlane v3, v2;
	v4 =	vadd.s32 v1, v4;
	_ =	sdelay $0x1  }
0x35: {  	v3 =	vadd.s32 v1, v3;
	_ =	sdelay $0x1  }
0x36: {  	s30 =	simm.s32 $0x2C80  }
0x37: {  	[tilespmem:s30], [sflag:$0x1] =	stream.indirect_vreg.gather [hbm4b:s3+s2], $0x80, v4, vm0, $0xb8;
	[tilespmem:$0x18C80] =	vst v63  }
0x38: {  	s30 =	simm.s32 $0x3480  }
0x39: {  	[tilespmem:s30], [sflag:$0x1] =	stream.indirect_vreg.gather [hbm4b:s3+s2], $0x80, v3, vm0, $0xb8;
	[tilespmem:$0x18C80] =	vst v63  }
0x3a: {  	v3 =	vld [tilespmem:$0xC30];
	_ =	sdelay $0x4  }
0x3b: {  	v59 =	vshll.u32 v3, $0x1  }
0x3c: {  	v3 =	vand.u32 $0x7, v3;
	v4 =	vand.u32 $0xFFFFFFF0, v59  }
0x3d: {  	v3 =	vor.u32 v3, v4  }
0x3e: {  	v4 =	vperm.xlane v3, v0;
	_ =	sdelay $0x1  }
0x3f: {  	v3 =	vperm.xlane v3, v2;
	v4 =	vadd.s32 v1, v4;
	_ =	sdelay $0x1  }
0x40: {  	v3 =	vadd.s32 v1, v3;
	_ =	sdelay $0x1  }
0x41: {  	s30 =	simm.s32 $0x3C80  }
0x42: {  	[tilespmem:s30], [sflag:$0x1] =	stream.indirect_vreg.gather [hbm4b:s3+s2], $0x80, v4, vm0, $0xb8;
	[tilespmem:$0x18C80] =	vst v63  }
0x43: {  	s30 =	simm.s32 $0x4480  }
0x44: {  	[tilespmem:s30], [sflag:$0x1] =	stream.indirect_vreg.gather [hbm4b:s3+s2], $0x80, v3, vm0, $0xb8;
	[tilespmem:$0x18C80] =	vst v63  }
0x45: {  	v3 =	vld [tilespmem:$0xC40];
	_ =	sdelay $0x4  }
0x46: {  	v60 =	vshll.u32 v3, $0x1  }
0x47: {  	v3 =	vand.u32 $0x7, v3;
	v4 =	vand.u32 $0xFFFFFFF0, v60  }
0x48: {  	v3 =	vor.u32 v3, v4  }
0x49: {  	v4 =	vperm.xlane v3, v0;
	_ =	sdelay $0x1  }
0x4a: {  	v3 =	vperm.xlane v3, v2;
	v4 =	vadd.s32 v1, v4;
	_ =	sdelay $0x1  }
0x4b: {  	v3 =	vadd.s32 v1, v3;
	_ =	sdelay $0x1  }
0x4c: {  	s30 =	simm.s32 $0x4C80  }
0x4d: {  	[tilespmem:s30], [sflag:$0x1] =	stream.indirect_vreg.gather [hbm4b:s3+s2], $0x80, v4, vm0, $0xb8;
	[tilespmem:$0x18C80] =	vst v63  }
0x4e: {  	s30 =	simm.s32 $0x5480  }
0x4f: {  	[tilespmem:s30], [sflag:$0x1] =	stream.indirect_vreg.gather [hbm4b:s3+s2], $0x80, v3, vm0, $0xb8;
	[tilespmem:$0x18C80] =	vst v63  }
0x50: {  	v3 =	vld [tilespmem:$0xC50];
	_ =	sdelay $0x4  }
0x51: {  	v61 =	vshll.u32 v3, $0x1  }
0x52: {  	v3 =	vand.u32 $0x7, v3;
	v4 =	vand.u32 $0xFFFFFFF0, v61  }
0x53: {  	v3 =	vor.u32 v3, v4  }
0x54: {  	v4 =	vperm.xlane v3, v0;
	_ =	sdelay $0x1  }
0x55: {  	v3 =	vperm.xlane v3, v2;
	v4 =	vadd.s32 v1, v4;
	_ =	sdelay $0x1  }
0x56: {  	v3 =	vadd.s32 v1, v3;
	_ =	sdelay $0x1  }
0x57: {  	s30 =	simm.s32 $0x5C80  }
0x58: {  	[tilespmem:s30], [sflag:$0x1] =	stream.indirect_vreg.gather [hbm4b:s3+s2], $0x80, v4, vm0, $0xb8;
	[tilespmem:$0x18C80] =	vst v63  }
0x59: {  	s30 =	simm.s32 $0x6480  }
0x5a: {  	[tilespmem:s30], [sflag:$0x1] =	stream.indirect_vreg.gather [hbm4b:s3+s2], $0x80, v3, vm0, $0xb8;
	[tilespmem:$0x18C80] =	vst v63  }
0x5b: {  	v3 =	vld [tilespmem:$0xC60];
	_ =	sdelay $0x4  }
0x5c: {  	v62 =	vshll.u32 v3, $0x1  }
0x5d: {  	v3 =	vand.u32 $0x7, v3;
	v4 =	vand.u32 $0xFFFFFFF0, v62  }
0x5e: {  	v3 =	vor.u32 v3, v4  }
0x5f: {  	v4 =	vperm.xlane v3, v0;
	_ =	sdelay $0x1  }
0x60: {  	v3 =	vperm.xlane v3, v2;
	v4 =	vadd.s32 v1, v4;
	_ =	sdelay $0x1  }
0x61: {  	v3 =	vadd.s32 v1, v3;
	_ =	sdelay $0x1  }
0x62: {  	s30 =	simm.s32 $0x6C80  }
0x63: {  	[tilespmem:s30], [sflag:$0x1] =	stream.indirect_vreg.gather [hbm4b:s3+s2], $0x80, v4, vm0, $0xb8;
	[tilespmem:$0x18C80] =	vst v63  }
0x64: {  	s30 =	simm.s32 $0x7480  }
0x65: {  	[tilespmem:s30], [sflag:$0x1] =	stream.indirect_vreg.gather [hbm4b:s3+s2], $0x80, v3, vm0, $0xb8;
	[tilespmem:$0x18C80] =	vst v63  }
0x66: {  	v3 =	vld [tilespmem:$0xC70];
	_ =	sdelay $0x4  }
0x67: {  	v63 =	vshll.u32 v3, $0x1  }
0x68: {  	v3 =	vand.u32 $0x7, v3;
	v4 =	vand.u32 $0xFFFFFFF0, v63  }
0x69: {  	v3 =	vor.u32 v3, v4  }
0x6a: {  	v4 =	vperm.xlane v3, v0;
	_ =	sdelay $0x1  }
0x6b: {  	v3 =	vperm.xlane v3, v2;
	v4 =	vadd.s32 v1, v4;
	_ =	sdelay $0x1  }
0x6c: {  	v3 =	vadd.s32 v1, v3;
	_ =	sdelay $0x1  }
0x6d: {  	s30 =	simm.s32 $0x7C80  }
0x6e: {  	[tilespmem:s30], [sflag:$0x1] =	stream.indirect_vreg.gather [hbm4b:s3+s2], $0x80, v4, vm0, $0xb8;
	[tilespmem:$0x18C80] =	vst v63  }
0x6f: {  	s30 =	simm.s32 $0x8480  }
0x70: {  	[tilespmem:s30], [sflag:$0x1] =	stream.indirect_vreg.gather [hbm4b:s3+s2], $0x80, v3, vm0, $0xb8;
	[tilespmem:$0x18C80] =	vst v63  }
0x71: {  	_ =	swait.ge [sflag:s20], $0x8000  }
0x72: {  	s26 =	sshrl.u32 s26, $0x3;
	[sflag:s20] =	ssyncset.done $0x0;
	s30 =	rddreg [dreg:$0x2]  }
0x73: {  	s26 =	sadd.s32 s30, s26;
	[sflag:s20] =	ssyncadd.s32 $0xFFFF8000  }
0x74: {  	[hbm4b:s26+s2] =	stream.linear.scatter [tilespmem:s14], [sflag:$0x4], $0x8000, $0x38;
	[tilespmem:$0x18C80] =	vst v63  }
0x75: {  	_ =	swait.ge [sflag:s24], $0x8000  }
0x76: {  	[sflag:s24] =	ssyncset.done $0x0  }
0x77: {  	[sflag:s24] =	ssyncadd.s32 $0xFFFF8000  }
0x78: {  	_ =	swait.ge [sflag:s25], $0x8000  }
0x79: {  	[sflag:s25] =	ssyncset.done $0x0  }
0x7a: {  	[sflag:s25] =	ssyncadd.s32 $0xFFFF8000  }
0x7b: {  	_ =	swait.ge [sflag:s23], $0x8000  }
0x7c: {  	s29 =	sadd.s32 $0x1, s29;
	s30 =	rddreg [dreg:$0x7]  }
0x7d: {  	p1 =	sne.s32 s29, s30  }
.Ltmp1:
0x7e: {  	_ = 	snop;
	(pc) =	sbr.rel @!p1 .LBB2_16-.Ltmp1, $3  }
0x7f: {  	_ =	sdelay $0x1  }
0x80: {  	[sflag:s23] =	ssyncset.done $0x0  }
0x81: {  	[sflag:s23] =	ssyncadd.s32 $0xFFFF8000  }
.LBB2_1:
.Ltmp2:
0x82: {  	(pc) =	sbr.rel @!p0 .LBB2_2-.Ltmp2, $2  }
0x83: {  	_ =	sdelay $0x2  }
0x84: {  	[dreg:$0xa] =	wrdreg s29  }
0x85: {  	s26 =	rddreg [dreg:$0x5];
	s30 =	simm.s32 $0x7  }
0x86: {  	[tilespmem:s2], [sflag:$0x7] =	stream.linear.gather [hbm4b:s26+s2], $0xC80, $0x38;
	[tilespmem:$0x18C80] =	vst v63  }
0x87: {  	_ =	swait.ge [sflag:s30], $0xC80  }
0x88: {  	[sflag:s30] =	ssyncset.done $0x0  }
0x89: {  	[sflag:s30] =	ssyncadd.s32 $0xFFFFF380  }
0x8a: {  	v3 =	vld [tilespmem:$0x0];
	_ =	sdelay $0x4  }
0x8b: {  	v4 =	vshll.u32 v3, $0x1  }
0x8c: {  	v3 =	vand.u32 $0x7, v3;
	v4 =	vand.u32 $0xFFFFFFF0, v4  }
0x8d: {  	v3 =	vor.u32 v3, v4  }
0x8e: {  	v4 =	vperm.xlane v3, v0;
	_ =	sdelay $0x1  }
0x8f: {  	v3 =	vperm.xlane v3, v2;
	v4 =	vadd.s32 v1, v4;
	_ =	sdelay $0x1  }
0x90: {  	v3 =	vadd.s32 v1, v3;
	_ =	sdelay $0x2  }
0x91: {  	[tilespmem:s14], [sflag:$0x1] =	stream.indirect_vreg.gather [hbm4b:s3+s2], $0x80, v4, vm0, $0xb8;
	[tilespmem:$0x18C80] =	vst v63  }
0x92: {  	s29 =	simm.s32 $0x1480  }
0x93: {  	[tilespmem:s29], [sflag:$0x1] =	stream.indirect_vreg.gather [hbm4b:s3+s2], $0x80, v3, vm0, $0xb8;
	[tilespmem:$0x18C80] =	vst v63  }
0x94: {  	v3 =	vld [tilespmem:$0x10];
	_ =	sdelay $0x4  }
0x95: {  	v41 =	vshll.u32 v3, $0x1  }
0x96: {  	v3 =	vand.u32 $0x7, v3;
	v4 =	vand.u32 $0xFFFFFFF0, v41  }
0x97: {  	v3 =	vor.u32 v3, v4  }
0x98: {  	v4 =	vperm.xlane v3, v0;
	_ =	sdelay $0x1  }
0x99: {  	v3 =	vperm.xlane v3, v2;
	v4 =	vadd.s32 v1, v4;
	_ =	sdelay $0x1  }
0x9a: {  	v3 =	vadd.s32 v1, v3;
	_ =	sdelay $0x1  }
0x9b: {  	s30 =	simm.s32 $0x1C80  }
0x9c: {  	[tilespmem:s30], [sflag:$0x1] =	stream.indirect_vreg.gather [hbm4b:s3+s2], $0x80, v4, vm0, $0xb8;
	[tilespmem:$0x18C80] =	vst v63  }
0x9d: {  	s29 =	simm.s32 $0x2480  }
0x9e: {  	[tilespmem:s29], [sflag:$0x1] =	stream.indirect_vreg.gather [hbm4b:s3+s2], $0x80, v3, vm0, $0xb8;
	[tilespmem:$0x18C80] =	vst v63  }
0x9f: {  	v3 =	vld [tilespmem:$0x20];
	_ =	sdelay $0x4  }
0xa0: {  	v42 =	vshll.u32 v3, $0x1  }
0xa1: {  	v3 =	vand.u32 $0x7, v3;
	v4 =	vand.u32 $0xFFFFFFF0, v42  }
0xa2: {  	v3 =	vor.u32 v3, v4  }
0xa3: {  	v4 =	vperm.xlane v3, v0;
	_ =	sdelay $0x1  }
0xa4: {  	v3 =	vperm.xlane v3, v2;
	v4 =	vadd.s32 v1, v4;
	_ =	sdelay $0x1  }
0xa5: {  	v3 =	vadd.s32 v1, v3;
	_ =	sdelay $0x1  }
0xa6: {  	s30 =	simm.s32 $0x2C80  }
0xa7: {  	[tilespmem:s30], [sflag:$0x1] =	stream.indirect_vreg.gather [hbm4b:s3+s2], $0x80, v4, vm0, $0xb8;
	[tilespmem:$0x18C80] =	vst v63  }
0xa8: {  	s29 =	simm.s32 $0x3480  }
0xa9: {  	[tilespmem:s29], [sflag:$0x1] =	stream.indirect_vreg.gather [hbm4b:s3+s2], $0x80, v3, vm0, $0xb8;
	[tilespmem:$0x18C80] =	vst v63  }
0xaa: {  	v3 =	vld [tilespmem:$0x30];
	_ =	sdelay $0x4  }
0xab: {  	v43 =	vshll.u32 v3, $0x1  }
0xac: {  	v3 =	vand.u32 $0x7, v3;
	v4 =	vand.u32 $0xFFFFFFF0, v43  }
0xad: {  	v3 =	vor.u32 v3, v4  }
0xae: {  	v4 =	vperm.xlane v3, v0;
	_ =	sdelay $0x1  }
0xaf: {  	v3 =	vperm.xlane v3, v2;
	v4 =	vadd.s32 v1, v4;
	_ =	sdelay $0x1  }
0xb0: {  	v3 =	vadd.s32 v1, v3;
	_ =	sdelay $0x1  }
0xb1: {  	s30 =	simm.s32 $0x3C80  }
0xb2: {  	[tilespmem:s30], [sflag:$0x1] =	stream.indirect_vreg.gather [hbm4b:s3+s2], $0x80, v4, vm0, $0xb8;
	[tilespmem:$0x18C80] =	vst v63  }
0xb3: {  	s29 =	simm.s32 $0x4480  }
0xb4: {  	[tilespmem:s29], [sflag:$0x1] =	stream.indirect_vreg.gather [hbm4b:s3+s2], $0x80, v3, vm0, $0xb8;
	[tilespmem:$0x18C80] =	vst v63  }
0xb5: {  	v3 =	vld [tilespmem:$0x40];
	_ =	sdelay $0x4  }
0xb6: {  	v44 =	vshll.u32 v3, $0x1  }
0xb7: {  	v3 =	vand.u32 $0x7, v3;
	v4 =	vand.u32 $0xFFFFFFF0, v44  }
0xb8: {  	v3 =	vor.u32 v3, v4  }
0xb9: {  	v4 =	vperm.xlane v3, v0;
	_ =	sdelay $0x1  }
0xba: {  	v3 =	vperm.xlane v3, v2;
	v4 =	vadd.s32 v1, v4;
	_ =	sdelay $0x1  }
0xbb: {  	v3 =	vadd.s32 v1, v3;
	_ =	sdelay $0x1  }
0xbc: {  	s30 =	simm.s32 $0x4C80  }
0xbd: {  	[tilespmem:s30], [sflag:$0x1] =	stream.indirect_vreg.gather [hbm4b:s3+s2], $0x80, v4, vm0, $0xb8;
	[tilespmem:$0x18C80] =	vst v63  }
0xbe: {  	s29 =	simm.s32 $0x5480  }
0xbf: {  	[tilespmem:s29], [sflag:$0x1] =	stream.indirect_vreg.gather [hbm4b:s3+s2], $0x80, v3, vm0, $0xb8;
	[tilespmem:$0x18C80] =	vst v63  }
0xc0: {  	v3 =	vld [tilespmem:$0x50];
	_ =	sdelay $0x4  }
0xc1: {  	v45 =	vshll.u32 v3, $0x1  }
0xc2: {  	v3 =	vand.u32 $0x7, v3;
	v4 =	vand.u32 $0xFFFFFFF0, v45  }
0xc3: {  	v3 =	vor.u32 v3, v4  }
0xc4: {  	v4 =	vperm.xlane v3, v0;
	_ =	sdelay $0x1  }
0xc5: {  	v3 =	vperm.xlane v3, v2;
	v4 =	vadd.s32 v1, v4;
	_ =	sdelay $0x1  }
0xc6: {  	v3 =	vadd.s32 v1, v3;
	_ =	sdelay $0x1  }
0xc7: {  	s30 =	simm.s32 $0x5C80  }
0xc8: {  	[tilespmem:s30], [sflag:$0x1] =	stream.indirect_vreg.gather [hbm4b:s3+s2], $0x80, v4, vm0, $0xb8;
	[tilespmem:$0x18C80] =	vst v63  }
0xc9: {  	s29 =	simm.s32 $0x6480  }
0xca: {  	[tilespmem:s29], [sflag:$0x1] =	stream.indirect_vreg.gather [hbm4b:s3+s2], $0x80, v3, vm0, $0xb8;
	[tilespmem:$0x18C80] =	vst v63  }
0xcb: {  	v3 =	vld [tilespmem:$0x60];
	_ =	sdelay $0x4  }
0xcc: {  	v46 =	vshll.u32 v3, $0x1  }
0xcd: {  	v3 =	vand.u32 $0x7, v3;
	v4 =	vand.u32 $0xFFFFFFF0, v46  }
0xce: {  	v3 =	vor.u32 v3, v4  }
0xcf: {  	v4 =	vperm.xlane v3, v0;
	_ =	sdelay $0x1  }
0xd0: {  	v3 =	vperm.xlane v3, v2;
	v4 =	vadd.s32 v1, v4;
	_ =	sdelay $0x1  }
0xd1: {  	v3 =	vadd.s32 v1, v3;
	_ =	sdelay $0x1  }
0xd2: {  	s30 =	simm.s32 $0x6C80  }
0xd3: {  	[tilespmem:s30], [sflag:$0x1] =	stream.indirect_vreg.gather [hbm4b:s3+s2], $0x80, v4, vm0, $0xb8;
	[tilespmem:$0x18C80] =	vst v63  }
0xd4: {  	s29 =	simm.s32 $0x7480  }
0xd5: {  	[tilespmem:s29], [sflag:$0x1] =	stream.indirect_vreg.gather [hbm4b:s3+s2], $0x80, v3, vm0, $0xb8;
	[tilespmem:$0x18C80] =	vst v63  }
0xd6: {  	v3 =	vld [tilespmem:$0x70];
	_ =	sdelay $0x4  }
0xd7: {  	v47 =	vshll.u32 v3, $0x1  }
0xd8: {  	v3 =	vand.u32 $0x7, v3;
	v4 =	vand.u32 $0xFFFFFFF0, v47  }
0xd9: {  	v3 =	vor.u32 v3, v4  }
0xda: {  	v4 =	vperm.xlane v3, v0;
	_ =	sdelay $0x1  }
0xdb: {  	v3 =	vperm.xlane v3, v2;
	v4 =	vadd.s32 v1, v4;
	_ =	sdelay $0x1  }
0xdc: {  	v3 =	vadd.s32 v1, v3;
	_ =	sdelay $0x1  }
0xdd: {  	s30 =	simm.s32 $0x7C80  }
0xde: {  	[tilespmem:s30], [sflag:$0x1] =	stream.indirect_vreg.gather [hbm4b:s3+s2], $0x80, v4, vm0, $0xb8;
	[tilespmem:$0x18C80] =	vst v63  }
0xdf: {  	s29 =	simm.s32 $0x8480  }
0xe0: {  	[tilespmem:s29], [sflag:$0x1] =	stream.indirect_vreg.gather [hbm4b:s3+s2], $0x80, v3, vm0, $0xb8;
	[tilespmem:$0x18C80] =	vst v63  }
0xe1: {  	v3 =	vld [tilespmem:$0x80];
	_ =	sdelay $0x4  }
0xe2: {  	v48 =	vshll.u32 v3, $0x1  }
0xe3: {  	v3 =	vand.u32 $0x7, v3;
	v4 =	vand.u32 $0xFFFFFFF0, v48  }
0xe4: {  	v3 =	vor.u32 v3, v4  }
0xe5: {  	v4 =	vperm.xlane v3, v0;
	_ =	sdelay $0x1  }
0xe6: {  	v3 =	vperm.xlane v3, v2;
	v4 =	vadd.s32 v1, v4;
	_ =	sdelay $0x1  }
0xe7: {  	v3 =	vadd.s32 v1, v3;
	_ =	sdelay $0x2  }
0xe8: {  	[tilespmem:s31], [sflag:$0x2] =	stream.indirect_vreg.gather [hbm4b:s3+s2], $0x80, v4, vm0, $0xb8;
	[tilespmem:$0x18C80] =	vst v63  }
0xe9: {  	s30 =	simm.s32 $0x9480  }
0xea: {  	[tilespmem:s30], [sflag:$0x2] =	stream.indirect_vreg.gather [hbm4b:s3+s2], $0x80, v3, vm0, $0xb8;
	[tilespmem:$0x18C80] =	vst v63  }
0xeb: {  	v3 =	vld [tilespmem:$0x90];
	_ =	sdelay $0x4  }
0xec: {  	v49 =	vshll.u32 v3, $0x1  }
0xed: {  	v3 =	vand.u32 $0x7, v3;
	v4 =	vand.u32 $0xFFFFFFF0, v49  }
0xee: {  	v3 =	vor.u32 v3, v4  }
0xef: {  	v4 =	vperm.xlane v3, v0;
	_ =	sdelay $0x1  }
0xf0: {  	v3 =	vperm.xlane v3, v2;
	v4 =	vadd.s32 v1, v4;
	_ =	sdelay $0x1  }
0xf1: {  	v3 =	vadd.s32 v1, v3;
	_ =	sdelay $0x1  }
0xf2: {  	s29 =	simm.s32 $0x9C80  }
0xf3: {  	[tilespmem:s29], [sflag:$0x2] =	stream.indirect_vreg.gather [hbm4b:s3+s2], $0x80, v4, vm0, $0xb8;
	[tilespmem:$0x18C80] =	vst v63  }
0xf4: {  	s30 =	simm.s32 $0xA480  }
0xf5: {  	[tilespmem:s30], [sflag:$0x2] =	stream.indirect_vreg.gather [hbm4b:s3+s2], $0x80, v3, vm0, $0xb8;
	[tilespmem:$0x18C80] =	vst v63  }
0xf6: {  	v3 =	vld [tilespmem:$0xA0];
	_ =	sdelay $0x4  }
0xf7: {  	v50 =	vshll.u32 v3, $0x1  }
0xf8: {  	v3 =	vand.u32 $0x7, v3;
	v4 =	vand.u32 $0xFFFFFFF0, v50  }
0xf9: {  	v3 =	vor.u32 v3, v4  }
0xfa: {  	v4 =	vperm.xlane v3, v0;
	_ =	sdelay $0x1  }
0xfb: {  	v3 =	vperm.xlane v3, v2;
	v4 =	vadd.s32 v1, v4;
	_ =	sdelay $0x1  }
0xfc: {  	v3 =	vadd.s32 v1, v3;
	_ =	sdelay $0x1  }
0xfd: {  	s29 =	simm.s32 $0xAC80  }
0xfe: {  	[tilespmem:s29], [sflag:$0x2] =	stream.indirect_vreg.gather [hbm4b:s3+s2], $0x80, v4, vm0, $0xb8;
	[tilespmem:$0x18C80] =	vst v63  }
0xff: {  	s30 =	simm.s32 $0xB480  }
0x100: {  	[tilespmem:s30], [sflag:$0x2] =	stream.indirect_vreg.gather [hbm4b:s3+s2], $0x80, v3, vm0, $0xb8;
	[tilespmem:$0x18C80] =	vst v63  }
0x101: {  	v3 =	vld [tilespmem:$0xB0];
	_ =	sdelay $0x4  }
0x102: {  	v51 =	vshll.u32 v3, $0x1  }
0x103: {  	v3 =	vand.u32 $0x7, v3;
	v4 =	vand.u32 $0xFFFFFFF0, v51  }
0x104: {  	v3 =	vor.u32 v3, v4  }
0x105: {  	v4 =	vperm.xlane v3, v0;
	_ =	sdelay $0x1  }
0x106: {  	v3 =	vperm.xlane v3, v2;
	v4 =	vadd.s32 v1, v4;
	_ =	sdelay $0x1  }
0x107: {  	v3 =	vadd.s32 v1, v3;
	_ =	sdelay $0x1  }
0x108: {  	s29 =	simm.s32 $0xBC80  }
0x109: {  	[tilespmem:s29], [sflag:$0x2] =	stream.indirect_vreg.gather [hbm4b:s3+s2], $0x80, v4, vm0, $0xb8;
	[tilespmem:$0x18C80] =	vst v63  }
0x10a: {  	s30 =	simm.s32 $0xC480  }
0x10b: {  	[tilespmem:s30], [sflag:$0x2] =	stream.indirect_vreg.gather [hbm4b:s3+s2], $0x80, v3, vm0, $0xb8;
	[tilespmem:$0x18C80] =	vst v63  }
0x10c: {  	v3 =	vld [tilespmem:$0xC0];
	_ =	sdelay $0x4  }
0x10d: {  	v52 =	vshll.u32 v3, $0x1  }
0x10e: {  	v3 =	vand.u32 $0x7, v3;
	v4 =	vand.u32 $0xFFFFFFF0, v52  }
0x10f: {  	v3 =	vor.u32 v3, v4  }
0x110: {  	v4 =	vperm.xlane v3, v0;
	_ =	sdelay $0x1  }
0x111: {  	v3 =	vperm.xlane v3, v2;
	v4 =	vadd.s32 v1, v4;
	_ =	sdelay $0x1  }
0x112: {  	v3 =	vadd.s32 v1, v3;
	_ =	sdelay $0x1  }
0x113: {  	s29 =	simm.s32 $0xCC80  }
0x114: {  	[tilespmem:s29], [sflag:$0x2] =	stream.indirect_vreg.gather [hbm4b:s3+s2], $0x80, v4, vm0, $0xb8;
	[tilespmem:$0x18C80] =	vst v63  }
0x115: {  	s30 =	simm.s32 $0xD480  }
0x116: {  	[tilespmem:s30], [sflag:$0x2] =	stream.indirect_vreg.gather [hbm4b:s3+s2], $0x80, v3, vm0, $0xb8;
	[tilespmem:$0x18C80] =	vst v63  }
0x117: {  	v3 =	vld [tilespmem:$0xD0];
	_ =	sdelay $0x4  }
0x118: {  	v53 =	vshll.u32 v3, $0x1  }
0x119: {  	v3 =	vand.u32 $0x7, v3;
	v4 =	vand.u32 $0xFFFFFFF0, v53  }
0x11a: {  	v3 =	vor.u32 v3, v4  }
0x11b: {  	v4 =	vperm.xlane v3, v0;
	_ =	sdelay $0x1  }
0x11c: {  	v3 =	vperm.xlane v3, v2;
	v4 =	vadd.s32 v1, v4;
	_ =	sdelay $0x1  }
0x11d: {  	v3 =	vadd.s32 v1, v3;
	_ =	sdelay $0x1  }
0x11e: {  	s29 =	simm.s32 $0xDC80  }
0x11f: {  	[tilespmem:s29], [sflag:$0x2] =	stream.indirect_vreg.gather [hbm4b:s3+s2], $0x80, v4, vm0, $0xb8;
	[tilespmem:$0x18C80] =	vst v63  }
0x120: {  	s30 =	simm.s32 $0xE480  }
0x121: {  	[tilespmem:s30], [sflag:$0x2] =	stream.indirect_vreg.gather [hbm4b:s3+s2], $0x80, v3, vm0, $0xb8;
	[tilespmem:$0x18C80] =	vst v63  }
0x122: {  	v3 =	vld [tilespmem:$0xE0];
	_ =	sdelay $0x4  }
0x123: {  	v54 =	vshll.u32 v3, $0x1  }
0x124: {  	v3 =	vand.u32 $0x7, v3;
	v4 =	vand.u32 $0xFFFFFFF0, v54  }
0x125: {  	v3 =	vor.u32 v3, v4  }
0x126: {  	v4 =	vperm.xlane v3, v0;
	_ =	sdelay $0x1  }
0x127: {  	v3 =	vperm.xlane v3, v2;
	v4 =	vadd.s32 v1, v4;
	_ =	sdelay $0x1  }
0x128: {  	v3 =	vadd.s32 v1, v3;
	_ =	sdelay $0x1  }
0x129: {  	s29 =	simm.s32 $0xEC80  }
0x12a: {  	[tilespmem:s29], [sflag:$0x2] =	stream.indirect_vreg.gather [hbm4b:s3+s2], $0x80, v4, vm0, $0xb8;
	[tilespmem:$0x18C80] =	vst v63  }
0x12b: {  	s30 =	simm.s32 $0xF480  }
0x12c: {  	[tilespmem:s30], [sflag:$0x2] =	stream.indirect_vreg.gather [hbm4b:s3+s2], $0x80, v3, vm0, $0xb8;
	[tilespmem:$0x18C80] =	vst v63  }
0x12d: {  	v3 =	vld [tilespmem:$0xF0];
	_ =	sdelay $0x4  }
0x12e: {  	v55 =	vshll.u32 v3, $0x1  }
0x12f: {  	v3 =	vand.u32 $0x7, v3;
	v4 =	vand.u32 $0xFFFFFFF0, v55  }
0x130: {  	v3 =	vor.u32 v3, v4  }
0x131: {  	v4 =	vperm.xlane v3, v0;
	_ =	sdelay $0x1  }
0x132: {  	v3 =	vperm.xlane v3, v2;
	v4 =	vadd.s32 v1, v4;
	_ =	sdelay $0x1  }
0x133: {  	v3 =	vadd.s32 v1, v3;
	_ =	sdelay $0x1  }
0x134: {  	s29 =	simm.s32 $0xFC80  }
0x135: {  	[tilespmem:s29], [sflag:$0x2] =	stream.indirect_vreg.gather [hbm4b:s3+s2], $0x80, v4, vm0, $0xb8;
	[tilespmem:$0x18C80] =	vst v63  }
0x136: {  	s30 =	simm.s32 $0x10480  }
0x137: {  	[tilespmem:s30], [sflag:$0x2] =	stream.indirect_vreg.gather [hbm4b:s3+s2], $0x80, v3, vm0, $0xb8;
	[tilespmem:$0x18C80] =	vst v63  }
0x138: {  	v3 =	vld [tilespmem:$0x100];
	_ =	sdelay $0x4  }
0x139: {  	v56 =	vshll.u32 v3, $0x1  }
0x13a: {  	v3 =	vand.u32 $0x7, v3;
	v4 =	vand.u32 $0xFFFFFFF0, v56  }
0x13b: {  	v3 =	vor.u32 v3, v4  }
0x13c: {  	v4 =	vperm.xlane v3, v0;
	_ =	sdelay $0x1  }
0x13d: {  	v3 =	vperm.xlane v3, v2;
	v4 =	vadd.s32 v1, v4;
	_ =	sdelay $0x1  }
0x13e: {  	v3 =	vadd.s32 v1, v3;
	_ =	sdelay $0x2  }
0x13f: {  	[tilespmem:s6], [sflag:$0x3] =	stream.indirect_vreg.gather [hbm4b:s3+s2], $0x80, v4, vm0, $0xb8;
	[tilespmem:$0x18C80] =	vst v63  }
0x140: {  	_ = 	snop  }
0x141: {  	[tilespmem:s9], [sflag:$0x3] =	stream.indirect_vreg.gather [hbm4b:s3+s2], $0x80, v3, vm0, $0xb8;
	[tilespmem:$0x18C80] =	vst v63  }
0x142: {  	v3 =	vld [tilespmem:$0x110];
	_ =	sdelay $0x4  }
0x143: {  	v57 =	vshll.u32 v3, $0x1  }
0x144: {  	v3 =	vand.u32 $0x7, v3;
	v4 =	vand.u32 $0xFFFFFFF0, v57  }
0x145: {  	v3 =	vor.u32 v3, v4  }
0x146: {  	v4 =	vperm.xlane v3, v0;
	_ =	sdelay $0x1  }
0x147: {  	v3 =	vperm.xlane v3, v2;
	v4 =	vadd.s32 v1, v4;
	_ =	sdelay $0x1  }
0x148: {  	v3 =	vadd.s32 v1, v3;
	_ =	sdelay $0x2  }
0x149: {  	[tilespmem:s10], [sflag:$0x3] =	stream.indirect_vreg.gather [hbm4b:s3+s2], $0x80, v4, vm0, $0xb8;
	[tilespmem:$0x18C80] =	vst v63  }
0x14a: {  	_ = 	snop  }
0x14b: {  	[tilespmem:s4], [sflag:$0x3] =	stream.indirect_vreg.gather [hbm4b:s3+s2], $0x80, v3, vm0, $0xb8;
	[tilespmem:$0x18C80] =	vst v63  }
0x14c: {  	v3 =	vld [tilespmem:$0x120];
	_ =	sdelay $0x4  }
0x14d: {  	v58 =	vshll.u32 v3, $0x1  }
0x14e: {  	v3 =	vand.u32 $0x7, v3;
	v4 =	vand.u32 $0xFFFFFFF0, v58  }
0x14f: {  	v3 =	vor.u32 v3, v4  }
0x150: {  	v4 =	vperm.xlane v3, v0;
	_ =	sdelay $0x1  }
0x151: {  	v3 =	vperm.xlane v3, v2;
	v4 =	vadd.s32 v1, v4;
	_ =	sdelay $0x1  }
0x152: {  	v3 =	vadd.s32 v1, v3;
	_ =	sdelay $0x2  }
0x153: {  	[tilespmem:s13], [sflag:$0x3] =	stream.indirect_vreg.gather [hbm4b:s3+s2], $0x80, v4, vm0, $0xb8;
	[tilespmem:$0x18C80] =	vst v63  }
0x154: {  	_ = 	snop  }
0x155: {  	[tilespmem:s12], [sflag:$0x3] =	stream.indirect_vreg.gather [hbm4b:s3+s2], $0x80, v3, vm0, $0xb8;
	[tilespmem:$0x18C80] =	vst v63  }
0x156: {  	v3 =	vld [tilespmem:$0x130];
	_ =	sdelay $0x4  }
0x157: {  	v59 =	vshll.u32 v3, $0x1  }
0x158: {  	v3 =	vand.u32 $0x7, v3;
	v4 =	vand.u32 $0xFFFFFFF0, v59  }
0x159: {  	v3 =	vor.u32 v3, v4  }
0x15a: {  	v4 =	vperm.xlane v3, v0;
	_ =	sdelay $0x1  }
0x15b: {  	v3 =	vperm.xlane v3, v2;
	v4 =	vadd.s32 v1, v4;
	_ =	sdelay $0x1  }
0x15c: {  	v3 =	vadd.s32 v1, v3;
	_ =	sdelay $0x2  }
0x15d: {  	[tilespmem:s11], [sflag:$0x3] =	stream.indirect_vreg.gather [hbm4b:s3+s2], $0x80, v4, vm0, $0xb8;
	[tilespmem:$0x18C80] =	vst v63  }
0x15e: {  	_ = 	snop  }
0x15f: {  	[tilespmem:s0], [sflag:$0x3] =	stream.indirect_vreg.gather [hbm4b:s3+s2], $0x80, v3, vm0, $0xb8;
	[tilespmem:$0x18C80] =	vst v63  }
0x160: {  	v3 =	vld [tilespmem:$0x140];
	_ =	sdelay $0x4  }
0x161: {  	v60 =	vshll.u32 v3, $0x1  }
0x162: {  	v3 =	vand.u32 $0x7, v3;
	v4 =	vand.u32 $0xFFFFFFF0, v60  }
0x163: {  	v3 =	vor.u32 v3, v4  }
0x164: {  	v4 =	vperm.xlane v3, v0;
	_ =	sdelay $0x1  }
0x165: {  	v3 =	vperm.xlane v3, v2;
	v4 =	vadd.s32 v1, v4;
	_ =	sdelay $0x1  }
0x166: {  	v3 =	vadd.s32 v1, v3;
	_ =	sdelay $0x2  }
0x167: {  	[tilespmem:s1], [sflag:$0x3] =	stream.indirect_vreg.gather [hbm4b:s3+s2], $0x80, v4, vm0, $0xb8;
	[tilespmem:$0x18C80] =	vst v63  }
0x168: {  	_ = 	snop  }
0x169: {  	[tilespmem:s5], [sflag:$0x3] =	stream.indirect_vreg.gather [hbm4b:s3+s2], $0x80, v3, vm0, $0xb8;
	[tilespmem:$0x18C80] =	vst v63  }
0x16a: {  	v3 =	vld [tilespmem:$0x150];
	_ =	sdelay $0x4  }
0x16b: {  	v61 =	vshll.u32 v3, $0x1  }
0x16c: {  	v3 =	vand.u32 $0x7, v3;
	v4 =	vand.u32 $0xFFFFFFF0, v61  }
0x16d: {  	v3 =	vor.u32 v3, v4  }
0x16e: {  	v4 =	vperm.xlane v3, v0;
	_ =	sdelay $0x1  }
0x16f: {  	v3 =	vperm.xlane v3, v2;
	v4 =	vadd.s32 v1, v4;
	_ =	sdelay $0x1  }
0x170: {  	v3 =	vadd.s32 v1, v3;
	_ =	sdelay $0x2  }
0x171: {  	[tilespmem:s7], [sflag:$0x3] =	stream.indirect_vreg.gather [hbm4b:s3+s2], $0x80, v4, vm0, $0xb8;
	[tilespmem:$0x18C80] =	vst v63  }
0x172: {  	_ = 	snop  }
0x173: {  	[tilespmem:s15], [sflag:$0x3] =	stream.indirect_vreg.gather [hbm4b:s3+s2], $0x80, v3, vm0, $0xb8;
	[tilespmem:$0x18C80] =	vst v63  }
0x174: {  	v3 =	vld [tilespmem:$0x160];
	_ =	sdelay $0x4  }
0x175: {  	v62 =	vshll.u32 v3, $0x1  }
0x176: {  	v3 =	vand.u32 $0x7, v3;
	v4 =	vand.u32 $0xFFFFFFF0, v62  }
0x177: {  	v3 =	vor.u32 v3, v4  }
0x178: {  	v4 =	vperm.xlane v3, v0;
	_ =	sdelay $0x1  }
0x179: {  	v3 =	vperm.xlane v3, v2;
	v4 =	vadd.s32 v1, v4;
	_ =	sdelay $0x1  }
0x17a: {  	v3 =	vadd.s32 v1, v3;
	_ =	sdelay $0x2  }
0x17b: {  	[tilespmem:s16], [sflag:$0x3] =	stream.indirect_vreg.gather [hbm4b:s3+s2], $0x80, v4, vm0, $0xb8;
	[tilespmem:$0x18C80] =	vst v63  }
0x17c: {  	_ = 	snop  }
0x17d: {  	[tilespmem:s17], [sflag:$0x3] =	stream.indirect_vreg.gather [hbm4b:s3+s2], $0x80, v3, vm0, $0xb8;
	[tilespmem:$0x18C80] =	vst v63  }
0x17e: {  	v3 =	vld [tilespmem:$0x170];
	_ =	sdelay $0x4  }
0x17f: {  	v63 =	vshll.u32 v3, $0x1  }
0x180: {  	v3 =	vand.u32 $0x7, v3;
	v4 =	vand.u32 $0xFFFFFFF0, v63  }
0x181: {  	v3 =	vor.u32 v3, v4  }
0x182: {  	v4 =	vperm.xlane v3, v0;
	_ =	sdelay $0x1  }
0x183: {  	v3 =	vperm.xlane v3, v2;
	v4 =	vadd.s32 v1, v4;
	_ =	sdelay $0x1  }
0x184: {  	v3 =	vadd.s32 v1, v3;
	_ =	sdelay $0x2  }
0x185: {  	[tilespmem:s18], [sflag:$0x3] =	stream.indirect_vreg.gather [hbm4b:s3+s2], $0x80, v4, vm0, $0xb8;
	[tilespmem:$0x18C80] =	vst v63  }
0x186: {  	s28 =	simm.s32 $0x2F0;
	s26 =	simm.s32 $0xFFFEB000  }
0x187: {  	[tilespmem:s19], [sflag:$0x3] =	stream.indirect_vreg.gather [hbm4b:s3+s2], $0x80, v3, vm0, $0xb8;
	[tilespmem:$0x18C80] =	vst v63  }
.LBB2_10:
0x188: {  	p1 =	seq.s32 s26, $0x0  }
.Ltmp3:
0x189: {  	_ = 	snop;
	(pc) =	sbr.rel @p1 .LBB2_12-.Ltmp3, $4  }
0x18a: {  	_ =	swait.ge [sflag:s20], $0x8000  }
0x18b: {  	s29 =	sadd.s32 s26, s8;
	[sflag:s20] =	ssyncset.done $0x0  }
0x18c: {  	s30 =	sadd.s32 $0x1A5000, s29;
	[sflag:s20] =	ssyncadd.s32 $0xFFFF8000  }
0x18d: {  	[hbm4b:s30+s2] =	stream.linear.scatter [tilespmem:s14], [sflag:$0x4], $0x8000, $0x38;
	[tilespmem:$0x18C80] =	vst v63  }
0x18e: {  	_ =	swait.ge [sflag:s24], $0x8000  }
0x18f: {  	[sflag:s24] =	ssyncset.done $0x0  }
0x190: {  	[sflag:s24] =	ssyncadd.s32 $0xFFFF8000  }
0x191: {  	v3 =	vld [tilespmem:s28+$0xFFFFFE90];
	_ =	sdelay $0x4  }
0x192: {  	v4 =	vshll.u32 v3, $0x1  }
0x193: {  	v3 =	vand.u32 $0x7, v3;
	v4 =	vand.u32 $0xFFFFFFF0, v4  }
0x194: {  	v3 =	vor.u32 v3, v4  }
0x195: {  	v4 =	vperm.xlane v3, v0;
	_ =	sdelay $0x1  }
0x196: {  	v3 =	vperm.xlane v3, v2;
	v4 =	vadd.s32 v1, v4;
	_ =	sdelay $0x1  }
0x197: {  	v3 =	vadd.s32 v1, v3;
	_ =	sdelay $0x2  }
0x198: {  	[tilespmem:s14], [sflag:$0x1] =	stream.indirect_vreg.gather [hbm4b:s3+s2], $0x80, v4, vm0, $0xb8;
	[tilespmem:$0x18C80] =	vst v63  }
0x199: {  	s30 =	simm.s32 $0x1480  }
0x19a: {  	[tilespmem:s30], [sflag:$0x1] =	stream.indirect_vreg.gather [hbm4b:s3+s2], $0x80, v3, vm0, $0xb8;
	[tilespmem:$0x18C80] =	vst v63  }
0x19b: {  	v3 =	vld [tilespmem:s28+$0xFFFFFEA0];
	_ =	sdelay $0x4  }
0x19c: {  	v49 =	vshll.u32 v3, $0x1  }
0x19d: {  	v3 =	vand.u32 $0x7, v3;
	v4 =	vand.u32 $0xFFFFFFF0, v49  }
0x19e: {  	v3 =	vor.u32 v3, v4  }
0x19f: {  	v4 =	vperm.xlane v3, v0;
	_ =	sdelay $0x1  }
0x1a0: {  	v3 =	vperm.xlane v3, v2;
	v4 =	vadd.s32 v1, v4;
	_ =	sdelay $0x1  }
0x1a1: {  	v3 =	vadd.s32 v1, v3;
	_ =	sdelay $0x1  }
0x1a2: {  	s30 =	simm.s32 $0x1C80  }
0x1a3: {  	[tilespmem:s30], [sflag:$0x1] =	stream.indirect_vreg.gather [hbm4b:s3+s2], $0x80, v4, vm0, $0xb8;
	[tilespmem:$0x18C80] =	vst v63  }
0x1a4: {  	s30 =	simm.s32 $0x2480  }
0x1a5: {  	[tilespmem:s30], [sflag:$0x1] =	stream.indirect_vreg.gather [hbm4b:s3+s2], $0x80, v3, vm0, $0xb8;
	[tilespmem:$0x18C80] =	vst v63  }
0x1a6: {  	v3 =	vld [tilespmem:s28+$0xFFFFFEB0];
	_ =	sdelay $0x4  }
0x1a7: {  	v50 =	vshll.u32 v3, $0x1  }
0x1a8: {  	v3 =	vand.u32 $0x7, v3;
	v4 =	vand.u32 $0xFFFFFFF0, v50  }
0x1a9: {  	v3 =	vor.u32 v3, v4  }
0x1aa: {  	v4 =	vperm.xlane v3, v0;
	_ =	sdelay $0x1  }
0x1ab: {  	v3 =	vperm.xlane v3, v2;
	v4 =	vadd.s32 v1, v4;
	_ =	sdelay $0x1  }
0x1ac: {  	v3 =	vadd.s32 v1, v3;
	_ =	sdelay $0x1  }
0x1ad: {  	s30 =	simm.s32 $0x2C80  }
0x1ae: {  	[tilespmem:s30], [sflag:$0x1] =	stream.indirect_vreg.gather [hbm4b:s3+s2], $0x80, v4, vm0, $0xb8;
	[tilespmem:$0x18C80] =	vst v63  }
0x1af: {  	s30 =	simm.s32 $0x3480  }
0x1b0: {  	[tilespmem:s30], [sflag:$0x1] =	stream.indirect_vreg.gather [hbm4b:s3+s2], $0x80, v3, vm0, $0xb8;
	[tilespmem:$0x18C80] =	vst v63  }
0x1b1: {  	v3 =	vld [tilespmem:s28+$0xFFFFFEC0];
	_ =	sdelay $0x4  }
0x1b2: {  	v51 =	vshll.u32 v3, $0x1  }
0x1b3: {  	v3 =	vand.u32 $0x7, v3;
	v4 =	vand.u32 $0xFFFFFFF0, v51  }
0x1b4: {  	v3 =	vor.u32 v3, v4  }
0x1b5: {  	v4 =	vperm.xlane v3, v0;
	_ =	sdelay $0x1  }
0x1b6: {  	v3 =	vperm.xlane v3, v2;
	v4 =	vadd.s32 v1, v4;
	_ =	sdelay $0x1  }
0x1b7: {  	v3 =	vadd.s32 v1, v3;
	_ =	sdelay $0x1  }
0x1b8: {  	s30 =	simm.s32 $0x3C80  }
0x1b9: {  	[tilespmem:s30], [sflag:$0x1] =	stream.indirect_vreg.gather [hbm4b:s3+s2], $0x80, v4, vm0, $0xb8;
	[tilespmem:$0x18C80] =	vst v63  }
0x1ba: {  	s30 =	simm.s32 $0x4480  }
0x1bb: {  	[tilespmem:s30], [sflag:$0x1] =	stream.indirect_vreg.gather [hbm4b:s3+s2], $0x80, v3, vm0, $0xb8;
	[tilespmem:$0x18C80] =	vst v63  }
0x1bc: {  	v3 =	vld [tilespmem:s28+$0xFFFFFED0];
	_ =	sdelay $0x4  }
0x1bd: {  	v52 =	vshll.u32 v3, $0x1  }
0x1be: {  	v3 =	vand.u32 $0x7, v3;
	v4 =	vand.u32 $0xFFFFFFF0, v52  }
0x1bf: {  	v3 =	vor.u32 v3, v4  }
0x1c0: {  	v4 =	vperm.xlane v3, v0;
	_ =	sdelay $0x1  }
0x1c1: {  	v3 =	vperm.xlane v3, v2;
	v4 =	vadd.s32 v1, v4;
	_ =	sdelay $0x1  }
0x1c2: {  	v3 =	vadd.s32 v1, v3;
	_ =	sdelay $0x1  }
0x1c3: {  	s30 =	simm.s32 $0x4C80  }
0x1c4: {  	[tilespmem:s30], [sflag:$0x1] =	stream.indirect_vreg.gather [hbm4b:s3+s2], $0x80, v4, vm0, $0xb8;
	[tilespmem:$0x18C80] =	vst v63  }
0x1c5: {  	s30 =	simm.s32 $0x5480  }
0x1c6: {  	[tilespmem:s30], [sflag:$0x1] =	stream.indirect_vreg.gather [hbm4b:s3+s2], $0x80, v3, vm0, $0xb8;
	[tilespmem:$0x18C80] =	vst v63  }
0x1c7: {  	v3 =	vld [tilespmem:s28+$0xFFFFFEE0];
	_ =	sdelay $0x4  }
0x1c8: {  	v53 =	vshll.u32 v3, $0x1  }
0x1c9: {  	v3 =	vand.u32 $0x7, v3;
	v4 =	vand.u32 $0xFFFFFFF0, v53  }
0x1ca: {  	v3 =	vor.u32 v3, v4  }
0x1cb: {  	v4 =	vperm.xlane v3, v0;
	_ =	sdelay $0x1  }
0x1cc: {  	v3 =	vperm.xlane v3, v2;
	v4 =	vadd.s32 v1, v4;
	_ =	sdelay $0x1  }
0x1cd: {  	v3 =	vadd.s32 v1, v3;
	_ =	sdelay $0x1  }
0x1ce: {  	s30 =	simm.s32 $0x5C80  }
0x1cf: {  	[tilespmem:s30], [sflag:$0x1] =	stream.indirect_vreg.gather [hbm4b:s3+s2], $0x80, v4, vm0, $0xb8;
	[tilespmem:$0x18C80] =	vst v63  }
0x1d0: {  	s30 =	simm.s32 $0x6480  }
0x1d1: {  	[tilespmem:s30], [sflag:$0x1] =	stream.indirect_vreg.gather [hbm4b:s3+s2], $0x80, v3, vm0, $0xb8;
	[tilespmem:$0x18C80] =	vst v63  }
0x1d2: {  	v3 =	vld [tilespmem:s28+$0xFFFFFEF0];
	_ =	sdelay $0x4  }
0x1d3: {  	v54 =	vshll.u32 v3, $0x1  }
0x1d4: {  	v3 =	vand.u32 $0x7, v3;
	v4 =	vand.u32 $0xFFFFFFF0, v54  }
0x1d5: {  	v3 =	vor.u32 v3, v4  }
0x1d6: {  	v4 =	vperm.xlane v3, v0;
	_ =	sdelay $0x1  }
0x1d7: {  	v3 =	vperm.xlane v3, v2;
	v4 =	vadd.s32 v1, v4;
	_ =	sdelay $0x1  }
0x1d8: {  	v3 =	vadd.s32 v1, v3;
	_ =	sdelay $0x1  }
0x1d9: {  	s30 =	simm.s32 $0x6C80  }
0x1da: {  	[tilespmem:s30], [sflag:$0x1] =	stream.indirect_vreg.gather [hbm4b:s3+s2], $0x80, v4, vm0, $0xb8;
	[tilespmem:$0x18C80] =	vst v63  }
0x1db: {  	s30 =	simm.s32 $0x7480  }
0x1dc: {  	[tilespmem:s30], [sflag:$0x1] =	stream.indirect_vreg.gather [hbm4b:s3+s2], $0x80, v3, vm0, $0xb8;
	[tilespmem:$0x18C80] =	vst v63  }
0x1dd: {  	v3 =	vld [tilespmem:s28+$0xFFFFFF00];
	_ =	sdelay $0x4  }
0x1de: {  	v55 =	vshll.u32 v3, $0x1  }
0x1df: {  	v3 =	vand.u32 $0x7, v3;
	v4 =	vand.u32 $0xFFFFFFF0, v55  }
0x1e0: {  	v3 =	vor.u32 v3, v4  }
0x1e1: {  	v4 =	vperm.xlane v3, v0;
	_ =	sdelay $0x1  }
0x1e2: {  	v3 =	vperm.xlane v3, v2;
	v4 =	vadd.s32 v1, v4;
	_ =	sdelay $0x1  }
0x1e3: {  	v3 =	vadd.s32 v1, v3;
	_ =	sdelay $0x1  }
0x1e4: {  	s30 =	simm.s32 $0x7C80  }
0x1e5: {  	[tilespmem:s30], [sflag:$0x1] =	stream.indirect_vreg.gather [hbm4b:s3+s2], $0x80, v4, vm0, $0xb8;
	[tilespmem:$0x18C80] =	vst v63  }
0x1e6: {  	s30 =	simm.s32 $0x8480  }
0x1e7: {  	[tilespmem:s30], [sflag:$0x1] =	stream.indirect_vreg.gather [hbm4b:s3+s2], $0x80, v3, vm0, $0xb8;
	[tilespmem:$0x18C80] =	vst v63  }
0x1e8: {  	_ =	swait.ge [sflag:s21], $0x8000  }
0x1e9: {  	[sflag:s21] =	ssyncset.done $0x0  }
0x1ea: {  	s30 =	sadd.s32 $0x1A6000, s29;
	[sflag:s21] =	ssyncadd.s32 $0xFFFF8000  }
0x1eb: {  	[hbm4b:s30+s2] =	stream.linear.scatter [tilespmem:s31], [sflag:$0x5], $0x8000, $0x38;
	[tilespmem:$0x18C80] =	vst v63  }
0x1ec: {  	_ =	swait.ge [sflag:s25], $0x8000  }
0x1ed: {  	[sflag:s25] =	ssyncset.done $0x0  }
0x1ee: {  	[sflag:s25] =	ssyncadd.s32 $0xFFFF8000  }
0x1ef: {  	v3 =	vld [tilespmem:s28+$0xFFFFFF10];
	_ =	sdelay $0x4  }
0x1f0: {  	v56 =	vshll.u32 v3, $0x1  }
0x1f1: {  	v3 =	vand.u32 $0x7, v3;
	v4 =	vand.u32 $0xFFFFFFF0, v56  }
0x1f2: {  	v3 =	vor.u32 v3, v4  }
0x1f3: {  	v4 =	vperm.xlane v3, v0;
	_ =	sdelay $0x1  }
0x1f4: {  	v3 =	vperm.xlane v3, v2;
	v4 =	vadd.s32 v1, v4;
	_ =	sdelay $0x1  }
0x1f5: {  	v3 =	vadd.s32 v1, v3;
	_ =	sdelay $0x2  }
0x1f6: {  	[tilespmem:s31], [sflag:$0x2] =	stream.indirect_vreg.gather [hbm4b:s3+s2], $0x80, v4, vm0, $0xb8;
	[tilespmem:$0x18C80] =	vst v63  }
0x1f7: {  	s30 =	simm.s32 $0x9480  }
0x1f8: {  	[tilespmem:s30], [sflag:$0x2] =	stream.indirect_vreg.gather [hbm4b:s3+s2], $0x80, v3, vm0, $0xb8;
	[tilespmem:$0x18C80] =	vst v63  }
0x1f9: {  	v3 =	vld [tilespmem:s28+$0xFFFFFF20];
	_ =	sdelay $0x4  }
0x1fa: {  	v57 =	vshll.u32 v3, $0x1  }
0x1fb: {  	v3 =	vand.u32 $0x7, v3;
	v4 =	vand.u32 $0xFFFFFFF0, v57  }
0x1fc: {  	v3 =	vor.u32 v3, v4  }
0x1fd: {  	v4 =	vperm.xlane v3, v0;
	_ =	sdelay $0x1  }
0x1fe: {  	v3 =	vperm.xlane v3, v2;
	v4 =	vadd.s32 v1, v4;
	_ =	sdelay $0x1  }
0x1ff: {  	v3 =	vadd.s32 v1, v3;
	_ =	sdelay $0x1  }
0x200: {  	s30 =	simm.s32 $0x9C80  }
0x201: {  	[tilespmem:s30], [sflag:$0x2] =	stream.indirect_vreg.gather [hbm4b:s3+s2], $0x80, v4, vm0, $0xb8;
	[tilespmem:$0x18C80] =	vst v63  }
0x202: {  	s30 =	simm.s32 $0xA480  }
0x203: {  	[tilespmem:s30], [sflag:$0x2] =	stream.indirect_vreg.gather [hbm4b:s3+s2], $0x80, v3, vm0, $0xb8;
	[tilespmem:$0x18C80] =	vst v63  }
0x204: {  	v3 =	vld [tilespmem:s28+$0xFFFFFF30];
	_ =	sdelay $0x4  }
0x205: {  	v58 =	vshll.u32 v3, $0x1  }
0x206: {  	v3 =	vand.u32 $0x7, v3;
	v4 =	vand.u32 $0xFFFFFFF0, v58  }
0x207: {  	v3 =	vor.u32 v3, v4  }
0x208: {  	v4 =	vperm.xlane v3, v0;
	_ =	sdelay $0x1  }
0x209: {  	v3 =	vperm.xlane v3, v2;
	v4 =	vadd.s32 v1, v4;
	_ =	sdelay $0x1  }
0x20a: {  	v3 =	vadd.s32 v1, v3;
	_ =	sdelay $0x1  }
0x20b: {  	s30 =	simm.s32 $0xAC80  }
0x20c: {  	[tilespmem:s30], [sflag:$0x2] =	stream.indirect_vreg.gather [hbm4b:s3+s2], $0x80, v4, vm0, $0xb8;
	[tilespmem:$0x18C80] =	vst v63  }
0x20d: {  	s30 =	simm.s32 $0xB480  }
0x20e: {  	[tilespmem:s30], [sflag:$0x2] =	stream.indirect_vreg.gather [hbm4b:s3+s2], $0x80, v3, vm0, $0xb8;
	[tilespmem:$0x18C80] =	vst v63  }
0x20f: {  	v3 =	vld [tilespmem:s28+$0xFFFFFF40];
	_ =	sdelay $0x4  }
0x210: {  	v59 =	vshll.u32 v3, $0x1  }
0x211: {  	v3 =	vand.u32 $0x7, v3;
	v4 =	vand.u32 $0xFFFFFFF0, v59  }
0x212: {  	v3 =	vor.u32 v3, v4  }
0x213: {  	v4 =	vperm.xlane v3, v0;
	_ =	sdelay $0x1  }
0x214: {  	v3 =	vperm.xlane v3, v2;
	v4 =	vadd.s32 v1, v4;
	_ =	sdelay $0x1  }
0x215: {  	v3 =	vadd.s32 v1, v3;
	_ =	sdelay $0x1  }
0x216: {  	s30 =	simm.s32 $0xBC80  }
0x217: {  	[tilespmem:s30], [sflag:$0x2] =	stream.indirect_vreg.gather [hbm4b:s3+s2], $0x80, v4, vm0, $0xb8;
	[tilespmem:$0x18C80] =	vst v63  }
0x218: {  	s30 =	simm.s32 $0xC480  }
0x219: {  	[tilespmem:s30], [sflag:$0x2] =	stream.indirect_vreg.gather [hbm4b:s3+s2], $0x80, v3, vm0, $0xb8;
	[tilespmem:$0x18C80] =	vst v63  }
0x21a: {  	v3 =	vld [tilespmem:s28+$0xFFFFFF50];
	_ =	sdelay $0x4  }
0x21b: {  	v60 =	vshll.u32 v3, $0x1  }
0x21c: {  	v3 =	vand.u32 $0x7, v3;
	v4 =	vand.u32 $0xFFFFFFF0, v60  }
0x21d: {  	v3 =	vor.u32 v3, v4  }
0x21e: {  	v4 =	vperm.xlane v3, v0;
	_ =	sdelay $0x1  }
0x21f: {  	v3 =	vperm.xlane v3, v2;
	v4 =	vadd.s32 v1, v4;
	_ =	sdelay $0x1  }
0x220: {  	v3 =	vadd.s32 v1, v3;
	_ =	sdelay $0x1  }
0x221: {  	s30 =	simm.s32 $0xCC80  }
0x222: {  	[tilespmem:s30], [sflag:$0x2] =	stream.indirect_vreg.gather [hbm4b:s3+s2], $0x80, v4, vm0, $0xb8;
	[tilespmem:$0x18C80] =	vst v63  }
0x223: {  	s30 =	simm.s32 $0xD480  }
0x224: {  	[tilespmem:s30], [sflag:$0x2] =	stream.indirect_vreg.gather [hbm4b:s3+s2], $0x80, v3, vm0, $0xb8;
	[tilespmem:$0x18C80] =	vst v63  }
0x225: {  	v3 =	vld [tilespmem:s28+$0xFFFFFF60];
	_ =	sdelay $0x4  }
0x226: {  	v61 =	vshll.u32 v3, $0x1  }
0x227: {  	v3 =	vand.u32 $0x7, v3;
	v4 =	vand.u32 $0xFFFFFFF0, v61  }
0x228: {  	v3 =	vor.u32 v3, v4  }
0x229: {  	v4 =	vperm.xlane v3, v0;
	_ =	sdelay $0x1  }
0x22a: {  	v3 =	vperm.xlane v3, v2;
	v4 =	vadd.s32 v1, v4;
	_ =	sdelay $0x1  }
0x22b: {  	v3 =	vadd.s32 v1, v3;
	_ =	sdelay $0x1  }
0x22c: {  	s30 =	simm.s32 $0xDC80  }
0x22d: {  	[tilespmem:s30], [sflag:$0x2] =	stream.indirect_vreg.gather [hbm4b:s3+s2], $0x80, v4, vm0, $0xb8;
	[tilespmem:$0x18C80] =	vst v63  }
0x22e: {  	s30 =	simm.s32 $0xE480  }
0x22f: {  	[tilespmem:s30], [sflag:$0x2] =	stream.indirect_vreg.gather [hbm4b:s3+s2], $0x80, v3, vm0, $0xb8;
	[tilespmem:$0x18C80] =	vst v63  }
0x230: {  	v3 =	vld [tilespmem:s28+$0xFFFFFF70];
	_ =	sdelay $0x4  }
0x231: {  	v62 =	vshll.u32 v3, $0x1  }
0x232: {  	v3 =	vand.u32 $0x7, v3;
	v4 =	vand.u32 $0xFFFFFFF0, v62  }
0x233: {  	v3 =	vor.u32 v3, v4  }
0x234: {  	v4 =	vperm.xlane v3, v0;
	_ =	sdelay $0x1  }
0x235: {  	v3 =	vperm.xlane v3, v2;
	v4 =	vadd.s32 v1, v4;
	_ =	sdelay $0x1  }
0x236: {  	v3 =	vadd.s32 v1, v3;
	_ =	sdelay $0x1  }
0x237: {  	s30 =	simm.s32 $0xEC80  }
0x238: {  	[tilespmem:s30], [sflag:$0x2] =	stream.indirect_vreg.gather [hbm4b:s3+s2], $0x80, v4, vm0, $0xb8;
	[tilespmem:$0x18C80] =	vst v63  }
0x239: {  	s30 =	simm.s32 $0xF480  }
0x23a: {  	[tilespmem:s30], [sflag:$0x2] =	stream.indirect_vreg.gather [hbm4b:s3+s2], $0x80, v3, vm0, $0xb8;
	[tilespmem:$0x18C80] =	vst v63  }
0x23b: {  	v3 =	vld [tilespmem:s28+$0xFFFFFF80];
	_ =	sdelay $0x4  }
0x23c: {  	v63 =	vshll.u32 v3, $0x1  }
0x23d: {  	v3 =	vand.u32 $0x7, v3;
	v4 =	vand.u32 $0xFFFFFFF0, v63  }
0x23e: {  	v3 =	vor.u32 v3, v4  }
0x23f: {  	v4 =	vperm.xlane v3, v0;
	_ =	sdelay $0x1  }
0x240: {  	v3 =	vperm.xlane v3, v2;
	v4 =	vadd.s32 v1, v4;
	_ =	sdelay $0x1  }
0x241: {  	v3 =	vadd.s32 v1, v3  }
.Ltmp4:
0x242: {  	_ = 	snop;
	(pc) =	sbr.rel .LBB2_13-.Ltmp4, $4  }
0x243: {  	s30 =	simm.s32 $0xFC80  }
0x244: {  	[tilespmem:s30], [sflag:$0x2] =	stream.indirect_vreg.gather [hbm4b:s3+s2], $0x80, v4, vm0, $0xb8;
	[tilespmem:$0x18C80] =	vst v63  }
0x245: {  	s30 =	simm.s32 $0x10480  }
0x246: {  	[tilespmem:s30], [sflag:$0x2] =	stream.indirect_vreg.gather [hbm4b:s3+s2], $0x80, v3, vm0, $0xb8;
	[tilespmem:$0x18C80] =	vst v63  }
.LBB2_12:
0x247: {  	_ =	swait.ge [sflag:s21], $0x8000  }
0x248: {  	[sflag:s21] =	ssyncset.done $0x0  }
0x249: {  	s30 =	rddreg [dreg:$0x9];
	[sflag:s21] =	ssyncadd.s32 $0xFFFF8000  }
0x24a: {  	[hbm4b:s30+s2] =	stream.linear.scatter [tilespmem:s31], [sflag:$0x5], $0x8000, $0x38;
	[tilespmem:$0x18C80] =	vst v63  }
.LBB2_13:
.Ltmp5:
0x24b: {  	(pc) =	sbr.rel @p1 .LBB2_14-.Ltmp5, $4  }
0x24c: {  	_ =	swait.ge [sflag:s22], $0x8000  }
0x24d: {  	[sflag:s22] =	ssyncset.done $0x0  }
0x24e: {  	s29 =	sadd.s32 $0x1A7000, s29;
	[sflag:s22] =	ssyncadd.s32 $0xFFFF8000  }
0x24f: {  	[hbm4b:s29+s2] =	stream.linear.scatter [tilespmem:s6], [sflag:$0x6], $0x8000, $0x38;
	[tilespmem:$0x18C80] =	vst v63  }
0x250: {  	_ =	swait.ge [sflag:s23], $0x8000  }
0x251: {  	[sflag:s23] =	ssyncset.done $0x0  }
0x252: {  	[sflag:s23] =	ssyncadd.s32 $0xFFFF8000  }
0x253: {  	v3 =	vld [tilespmem:s28+$0xFFFFFF90];
	_ =	sdelay $0x4  }
0x254: {  	v4 =	vshll.u32 v3, $0x1  }
0x255: {  	v3 =	vand.u32 $0x7, v3;
	v4 =	vand.u32 $0xFFFFFFF0, v4  }
0x256: {  	v3 =	vor.u32 v3, v4  }
0x257: {  	v4 =	vperm.xlane v3, v0;
	_ =	sdelay $0x1  }
0x258: {  	v3 =	vperm.xlane v3, v2;
	v4 =	vadd.s32 v1, v4;
	_ =	sdelay $0x1  }
0x259: {  	v3 =	vadd.s32 v1, v3;
	_ =	sdelay $0x2  }
0x25a: {  	[tilespmem:s6], [sflag:$0x3] =	stream.indirect_vreg.gather [hbm4b:s3+s2], $0x80, v4, vm0, $0xb8;
	[tilespmem:$0x18C80] =	vst v63  }
0x25b: {  	_ = 	snop  }
0x25c: {  	[tilespmem:s9], [sflag:$0x3] =	stream.indirect_vreg.gather [hbm4b:s3+s2], $0x80, v3, vm0, $0xb8;
	[tilespmem:$0x18C80] =	vst v63  }
0x25d: {  	v3 =	vld [tilespmem:s28+$0xFFFFFFA0];
	_ =	sdelay $0x4  }
0x25e: {  	v57 =	vshll.u32 v3, $0x1  }
0x25f: {  	v3 =	vand.u32 $0x7, v3;
	v4 =	vand.u32 $0xFFFFFFF0, v57  }
0x260: {  	v3 =	vor.u32 v3, v4  }
0x261: {  	v4 =	vperm.xlane v3, v0;
	_ =	sdelay $0x1  }
0x262: {  	v3 =	vperm.xlane v3, v2;
	v4 =	vadd.s32 v1, v4;
	_ =	sdelay $0x1  }
0x263: {  	v3 =	vadd.s32 v1, v3;
	_ =	sdelay $0x2  }
0x264: {  	[tilespmem:s10], [sflag:$0x3] =	stream.indirect_vreg.gather [hbm4b:s3+s2], $0x80, v4, vm0, $0xb8;
	[tilespmem:$0x18C80] =	vst v63  }
0x265: {  	_ = 	snop  }
0x266: {  	[tilespmem:s4], [sflag:$0x3] =	stream.indirect_vreg.gather [hbm4b:s3+s2], $0x80, v3, vm0, $0xb8;
	[tilespmem:$0x18C80] =	vst v63  }
0x267: {  	v3 =	vld [tilespmem:s28+$0xFFFFFFB0];
	_ =	sdelay $0x4  }
0x268: {  	v58 =	vshll.u32 v3, $0x1  }
0x269: {  	v3 =	vand.u32 $0x7, v3;
	v4 =	vand.u32 $0xFFFFFFF0, v58  }
0x26a: {  	v3 =	vor.u32 v3, v4  }
0x26b: {  	v4 =	vperm.xlane v3, v0;
	_ =	sdelay $0x1  }
0x26c: {  	v3 =	vperm.xlane v3, v2;
	v4 =	vadd.s32 v1, v4;
	_ =	sdelay $0x1  }
0x26d: {  	v3 =	vadd.s32 v1, v3;
	_ =	sdelay $0x2  }
0x26e: {  	[tilespmem:s13], [sflag:$0x3] =	stream.indirect_vreg.gather [hbm4b:s3+s2], $0x80, v4, vm0, $0xb8;
	[tilespmem:$0x18C80] =	vst v63  }
0x26f: {  	_ = 	snop  }
0x270: {  	[tilespmem:s12], [sflag:$0x3] =	stream.indirect_vreg.gather [hbm4b:s3+s2], $0x80, v3, vm0, $0xb8;
	[tilespmem:$0x18C80] =	vst v63  }
0x271: {  	v3 =	vld [tilespmem:s28+$0xFFFFFFC0];
	_ =	sdelay $0x4  }
0x272: {  	v59 =	vshll.u32 v3, $0x1  }
0x273: {  	v3 =	vand.u32 $0x7, v3;
	v4 =	vand.u32 $0xFFFFFFF0, v59  }
0x274: {  	v3 =	vor.u32 v3, v4  }
0x275: {  	v4 =	vperm.xlane v3, v0;
	_ =	sdelay $0x1  }
0x276: {  	v3 =	vperm.xlane v3, v2;
	v4 =	vadd.s32 v1, v4;
	_ =	sdelay $0x1  }
0x277: {  	v3 =	vadd.s32 v1, v3;
	_ =	sdelay $0x2  }
0x278: {  	[tilespmem:s11], [sflag:$0x3] =	stream.indirect_vreg.gather [hbm4b:s3+s2], $0x80, v4, vm0, $0xb8;
	[tilespmem:$0x18C80] =	vst v63  }
0x279: {  	_ = 	snop  }
0x27a: {  	[tilespmem:s0], [sflag:$0x3] =	stream.indirect_vreg.gather [hbm4b:s3+s2], $0x80, v3, vm0, $0xb8;
	[tilespmem:$0x18C80] =	vst v63  }
0x27b: {  	v3 =	vld [tilespmem:s28+$0xFFFFFFD0];
	_ =	sdelay $0x4  }
0x27c: {  	v60 =	vshll.u32 v3, $0x1  }
0x27d: {  	v3 =	vand.u32 $0x7, v3;
	v4 =	vand.u32 $0xFFFFFFF0, v60  }
0x27e: {  	v3 =	vor.u32 v3, v4  }
0x27f: {  	v4 =	vperm.xlane v3, v0;
	_ =	sdelay $0x1  }
0x280: {  	v3 =	vperm.xlane v3, v2;
	v4 =	vadd.s32 v1, v4;
	_ =	sdelay $0x1  }
0x281: {  	v3 =	vadd.s32 v1, v3;
	_ =	sdelay $0x2  }
0x282: {  	[tilespmem:s1], [sflag:$0x3] =	stream.indirect_vreg.gather [hbm4b:s3+s2], $0x80, v4, vm0, $0xb8;
	[tilespmem:$0x18C80] =	vst v63  }
0x283: {  	_ = 	snop  }
0x284: {  	[tilespmem:s5], [sflag:$0x3] =	stream.indirect_vreg.gather [hbm4b:s3+s2], $0x80, v3, vm0, $0xb8;
	[tilespmem:$0x18C80] =	vst v63  }
0x285: {  	v3 =	vld [tilespmem:s28+$0xFFFFFFE0];
	_ =	sdelay $0x4  }
0x286: {  	v61 =	vshll.u32 v3, $0x1  }
0x287: {  	v3 =	vand.u32 $0x7, v3;
	v4 =	vand.u32 $0xFFFFFFF0, v61  }
0x288: {  	v3 =	vor.u32 v3, v4  }
0x289: {  	v4 =	vperm.xlane v3, v0;
	_ =	sdelay $0x1  }
0x28a: {  	v3 =	vperm.xlane v3, v2;
	v4 =	vadd.s32 v1, v4;
	_ =	sdelay $0x1  }
0x28b: {  	v3 =	vadd.s32 v1, v3;
	_ =	sdelay $0x2  }
0x28c: {  	[tilespmem:s7], [sflag:$0x3] =	stream.indirect_vreg.gather [hbm4b:s3+s2], $0x80, v4, vm0, $0xb8;
	[tilespmem:$0x18C80] =	vst v63  }
0x28d: {  	_ = 	snop  }
0x28e: {  	[tilespmem:s15], [sflag:$0x3] =	stream.indirect_vreg.gather [hbm4b:s3+s2], $0x80, v3, vm0, $0xb8;
	[tilespmem:$0x18C80] =	vst v63  }
0x28f: {  	v3 =	vld [tilespmem:s28+$0xFFFFFFF0];
	_ =	sdelay $0x4  }
0x290: {  	v62 =	vshll.u32 v3, $0x1  }
0x291: {  	v3 =	vand.u32 $0x7, v3;
	v4 =	vand.u32 $0xFFFFFFF0, v62  }
0x292: {  	v3 =	vor.u32 v3, v4  }
0x293: {  	v4 =	vperm.xlane v3, v0;
	_ =	sdelay $0x1  }
0x294: {  	v3 =	vperm.xlane v3, v2;
	v4 =	vadd.s32 v1, v4;
	_ =	sdelay $0x1  }
0x295: {  	v3 =	vadd.s32 v1, v3;
	_ =	sdelay $0x2  }
0x296: {  	[tilespmem:s16], [sflag:$0x3] =	stream.indirect_vreg.gather [hbm4b:s3+s2], $0x80, v4, vm0, $0xb8;
	[tilespmem:$0x18C80] =	vst v63  }
0x297: {  	_ = 	snop  }
0x298: {  	[tilespmem:s17], [sflag:$0x3] =	stream.indirect_vreg.gather [hbm4b:s3+s2], $0x80, v3, vm0, $0xb8;
	[tilespmem:$0x18C80] =	vst v63  }
0x299: {  	v3 =	vld [tilespmem:s28+$0x0];
	_ =	sdelay $0x4  }
0x29a: {  	v63 =	vshll.u32 v3, $0x1  }
0x29b: {  	v3 =	vand.u32 $0x7, v3;
	v4 =	vand.u32 $0xFFFFFFF0, v63  }
0x29c: {  	v3 =	vor.u32 v3, v4  }
0x29d: {  	v4 =	vperm.xlane v3, v0;
	_ =	sdelay $0x1  }
0x29e: {  	v3 =	vperm.xlane v3, v2;
	v4 =	vadd.s32 v1, v4;
	_ =	sdelay $0x1  }
0x29f: {  	v3 =	vadd.s32 v1, v3  }
.Ltmp6:
0x2a0: {  	_ = 	snop;
	(pc) =	sbr.rel .LBB2_10-.Ltmp6, $4  }
0x2a1: {  	_ = 	snop  }
0x2a2: {  	[tilespmem:s18], [sflag:$0x3] =	stream.indirect_vreg.gather [hbm4b:s3+s2], $0x80, v4, vm0, $0xb8;
	[tilespmem:$0x18C80] =	vst v63  }
0x2a3: {  	s26 =	sadd.s32 $0x3000, s26;
	s28 =	sadd.s32 $0x180, s28  }
0x2a4: {  	[tilespmem:s19], [sflag:$0x3] =	stream.indirect_vreg.gather [hbm4b:s3+s2], $0x80, v3, vm0, $0xb8;
	[tilespmem:$0x18C80] =	vst v63  }
.LBB2_2:
0x2a5: {  	s26 =	simm.s32 $0x0;
	s28 =	rddreg [dreg:$0x3]  }
0x2a6: {  	[tilespmem:s26], [sflag:$0x7] =	stream.linear.gather [hbm4b:s28+s26], $0xC80, $0x38;
	[tilespmem:$0x18C80] =	vst v63  }
0x2a7: {  	s28 =	simm.s32 $0x7  }
0x2a8: {  	_ =	swait.ge [sflag:s28], $0xC80  }
0x2a9: {  	[sflag:s28] =	ssyncset.done $0x0  }
0x2aa: {  	[sflag:s28] =	ssyncadd.s32 $0xFFFFF380  }
0x2ab: {  	v3 =	vld [tilespmem:$0x0];
	_ =	sdelay $0x4  }
0x2ac: {  	v4 =	vshll.u32 v3, $0x1  }
0x2ad: {  	v3 =	vand.u32 $0x7, v3;
	v4 =	vand.u32 $0xFFFFFFF0, v4  }
0x2ae: {  	v3 =	vor.u32 v3, v4  }
0x2af: {  	v4 =	vperm.xlane v3, v0;
	_ =	sdelay $0x1  }
0x2b0: {  	v3 =	vperm.xlane v3, v2;
	v4 =	vadd.s32 v1, v4;
	_ =	sdelay $0x1  }
0x2b1: {  	v3 =	vadd.s32 v1, v3;
	_ =	sdelay $0x2  }
0x2b2: {  	[tilespmem:s14], [sflag:$0x1] =	stream.indirect_vreg.gather [hbm4b:s3+s26], $0x80, v4, vm0, $0xb8;
	[tilespmem:$0x18C80] =	vst v63  }
0x2b3: {  	s28 =	simm.s32 $0x1480  }
0x2b4: {  	[tilespmem:s28], [sflag:$0x1] =	stream.indirect_vreg.gather [hbm4b:s3+s26], $0x80, v3, vm0, $0xb8;
	[tilespmem:$0x18C80] =	vst v63  }
0x2b5: {  	v3 =	vld [tilespmem:$0x10];
	_ =	sdelay $0x4  }
0x2b6: {  	v41 =	vshll.u32 v3, $0x1  }
0x2b7: {  	v3 =	vand.u32 $0x7, v3;
	v4 =	vand.u32 $0xFFFFFFF0, v41  }
0x2b8: {  	v3 =	vor.u32 v3, v4  }
0x2b9: {  	v4 =	vperm.xlane v3, v0;
	_ =	sdelay $0x1  }
0x2ba: {  	v3 =	vperm.xlane v3, v2;
	v4 =	vadd.s32 v1, v4;
	_ =	sdelay $0x1  }
0x2bb: {  	v3 =	vadd.s32 v1, v3;
	_ =	sdelay $0x1  }
0x2bc: {  	s28 =	simm.s32 $0x1C80  }
0x2bd: {  	[tilespmem:s28], [sflag:$0x1] =	stream.indirect_vreg.gather [hbm4b:s3+s26], $0x80, v4, vm0, $0xb8;
	[tilespmem:$0x18C80] =	vst v63  }
0x2be: {  	s28 =	simm.s32 $0x2480  }
0x2bf: {  	[tilespmem:s28], [sflag:$0x1] =	stream.indirect_vreg.gather [hbm4b:s3+s26], $0x80, v3, vm0, $0xb8;
	[tilespmem:$0x18C80] =	vst v63  }
0x2c0: {  	v3 =	vld [tilespmem:$0x20];
	_ =	sdelay $0x4  }
0x2c1: {  	v42 =	vshll.u32 v3, $0x1  }
0x2c2: {  	v3 =	vand.u32 $0x7, v3;
	v4 =	vand.u32 $0xFFFFFFF0, v42  }
0x2c3: {  	v3 =	vor.u32 v3, v4  }
0x2c4: {  	v4 =	vperm.xlane v3, v0;
	_ =	sdelay $0x1  }
0x2c5: {  	v3 =	vperm.xlane v3, v2;
	v4 =	vadd.s32 v1, v4;
	_ =	sdelay $0x1  }
0x2c6: {  	v3 =	vadd.s32 v1, v3;
	_ =	sdelay $0x1  }
0x2c7: {  	s28 =	simm.s32 $0x2C80  }
0x2c8: {  	[tilespmem:s28], [sflag:$0x1] =	stream.indirect_vreg.gather [hbm4b:s3+s26], $0x80, v4, vm0, $0xb8;
	[tilespmem:$0x18C80] =	vst v63  }
0x2c9: {  	s28 =	simm.s32 $0x3480  }
0x2ca: {  	[tilespmem:s28], [sflag:$0x1] =	stream.indirect_vreg.gather [hbm4b:s3+s26], $0x80, v3, vm0, $0xb8;
	[tilespmem:$0x18C80] =	vst v63  }
0x2cb: {  	v3 =	vld [tilespmem:$0x30];
	_ =	sdelay $0x4  }
0x2cc: {  	v43 =	vshll.u32 v3, $0x1  }
0x2cd: {  	v3 =	vand.u32 $0x7, v3;
	v4 =	vand.u32 $0xFFFFFFF0, v43  }
0x2ce: {  	v3 =	vor.u32 v3, v4  }
0x2cf: {  	v4 =	vperm.xlane v3, v0;
	_ =	sdelay $0x1  }
0x2d0: {  	v3 =	vperm.xlane v3, v2;
	v4 =	vadd.s32 v1, v4;
	_ =	sdelay $0x1  }
0x2d1: {  	v3 =	vadd.s32 v1, v3;
	_ =	sdelay $0x1  }
0x2d2: {  	s28 =	simm.s32 $0x3C80  }
0x2d3: {  	[tilespmem:s28], [sflag:$0x1] =	stream.indirect_vreg.gather [hbm4b:s3+s26], $0x80, v4, vm0, $0xb8;
	[tilespmem:$0x18C80] =	vst v63  }
0x2d4: {  	s28 =	simm.s32 $0x4480  }
0x2d5: {  	[tilespmem:s28], [sflag:$0x1] =	stream.indirect_vreg.gather [hbm4b:s3+s26], $0x80, v3, vm0, $0xb8;
	[tilespmem:$0x18C80] =	vst v63  }
0x2d6: {  	v3 =	vld [tilespmem:$0x40];
	_ =	sdelay $0x4  }
0x2d7: {  	v44 =	vshll.u32 v3, $0x1  }
0x2d8: {  	v3 =	vand.u32 $0x7, v3;
	v4 =	vand.u32 $0xFFFFFFF0, v44  }
0x2d9: {  	v3 =	vor.u32 v3, v4  }
0x2da: {  	v4 =	vperm.xlane v3, v0;
	_ =	sdelay $0x1  }
0x2db: {  	v3 =	vperm.xlane v3, v2;
	v4 =	vadd.s32 v1, v4;
	_ =	sdelay $0x1  }
0x2dc: {  	v3 =	vadd.s32 v1, v3;
	_ =	sdelay $0x1  }
0x2dd: {  	s28 =	simm.s32 $0x4C80  }
0x2de: {  	[tilespmem:s28], [sflag:$0x1] =	stream.indirect_vreg.gather [hbm4b:s3+s26], $0x80, v4, vm0, $0xb8;
	[tilespmem:$0x18C80] =	vst v63  }
0x2df: {  	s28 =	simm.s32 $0x5480  }
0x2e0: {  	[tilespmem:s28], [sflag:$0x1] =	stream.indirect_vreg.gather [hbm4b:s3+s26], $0x80, v3, vm0, $0xb8;
	[tilespmem:$0x18C80] =	vst v63  }
0x2e1: {  	v3 =	vld [tilespmem:$0x50];
	_ =	sdelay $0x4  }
0x2e2: {  	v45 =	vshll.u32 v3, $0x1  }
0x2e3: {  	v3 =	vand.u32 $0x7, v3;
	v4 =	vand.u32 $0xFFFFFFF0, v45  }
0x2e4: {  	v3 =	vor.u32 v3, v4  }
0x2e5: {  	v4 =	vperm.xlane v3, v0;
	_ =	sdelay $0x1  }
0x2e6: {  	v3 =	vperm.xlane v3, v2;
	v4 =	vadd.s32 v1, v4;
	_ =	sdelay $0x1  }
0x2e7: {  	v3 =	vadd.s32 v1, v3;
	_ =	sdelay $0x1  }
0x2e8: {  	s28 =	simm.s32 $0x5C80  }
0x2e9: {  	[tilespmem:s28], [sflag:$0x1] =	stream.indirect_vreg.gather [hbm4b:s3+s26], $0x80, v4, vm0, $0xb8;
	[tilespmem:$0x18C80] =	vst v63  }
0x2ea: {  	s28 =	simm.s32 $0x6480  }
0x2eb: {  	[tilespmem:s28], [sflag:$0x1] =	stream.indirect_vreg.gather [hbm4b:s3+s26], $0x80, v3, vm0, $0xb8;
	[tilespmem:$0x18C80] =	vst v63  }
0x2ec: {  	v3 =	vld [tilespmem:$0x60];
	_ =	sdelay $0x4  }
0x2ed: {  	v46 =	vshll.u32 v3, $0x1  }
0x2ee: {  	v3 =	vand.u32 $0x7, v3;
	v4 =	vand.u32 $0xFFFFFFF0, v46  }
0x2ef: {  	v3 =	vor.u32 v3, v4  }
0x2f0: {  	v4 =	vperm.xlane v3, v0;
	_ =	sdelay $0x1  }
0x2f1: {  	v3 =	vperm.xlane v3, v2;
	v4 =	vadd.s32 v1, v4;
	_ =	sdelay $0x1  }
0x2f2: {  	v3 =	vadd.s32 v1, v3;
	_ =	sdelay $0x1  }
0x2f3: {  	s28 =	simm.s32 $0x6C80  }
0x2f4: {  	[tilespmem:s28], [sflag:$0x1] =	stream.indirect_vreg.gather [hbm4b:s3+s26], $0x80, v4, vm0, $0xb8;
	[tilespmem:$0x18C80] =	vst v63  }
0x2f5: {  	s28 =	simm.s32 $0x7480  }
0x2f6: {  	[tilespmem:s28], [sflag:$0x1] =	stream.indirect_vreg.gather [hbm4b:s3+s26], $0x80, v3, vm0, $0xb8;
	[tilespmem:$0x18C80] =	vst v63  }
0x2f7: {  	v3 =	vld [tilespmem:$0x70];
	_ =	sdelay $0x4  }
0x2f8: {  	v47 =	vshll.u32 v3, $0x1  }
0x2f9: {  	v3 =	vand.u32 $0x7, v3;
	v4 =	vand.u32 $0xFFFFFFF0, v47  }
0x2fa: {  	v3 =	vor.u32 v3, v4  }
0x2fb: {  	v4 =	vperm.xlane v3, v0;
	_ =	sdelay $0x1  }
0x2fc: {  	v3 =	vperm.xlane v3, v2;
	v4 =	vadd.s32 v1, v4;
	_ =	sdelay $0x1  }
0x2fd: {  	v3 =	vadd.s32 v1, v3;
	_ =	sdelay $0x1  }
0x2fe: {  	s28 =	simm.s32 $0x7C80  }
0x2ff: {  	[tilespmem:s28], [sflag:$0x1] =	stream.indirect_vreg.gather [hbm4b:s3+s26], $0x80, v4, vm0, $0xb8;
	[tilespmem:$0x18C80] =	vst v63  }
0x300: {  	s28 =	simm.s32 $0x8480  }
0x301: {  	[tilespmem:s28], [sflag:$0x1] =	stream.indirect_vreg.gather [hbm4b:s3+s26], $0x80, v3, vm0, $0xb8;
	[tilespmem:$0x18C80] =	vst v63  }
0x302: {  	v3 =	vld [tilespmem:$0x80];
	_ =	sdelay $0x4  }
0x303: {  	v48 =	vshll.u32 v3, $0x1  }
0x304: {  	v3 =	vand.u32 $0x7, v3;
	v4 =	vand.u32 $0xFFFFFFF0, v48  }
0x305: {  	v3 =	vor.u32 v3, v4  }
0x306: {  	v4 =	vperm.xlane v3, v0;
	_ =	sdelay $0x1  }
0x307: {  	v3 =	vperm.xlane v3, v2;
	v4 =	vadd.s32 v1, v4;
	_ =	sdelay $0x1  }
0x308: {  	v3 =	vadd.s32 v1, v3;
	_ =	sdelay $0x2  }
0x309: {  	[tilespmem:s31], [sflag:$0x2] =	stream.indirect_vreg.gather [hbm4b:s3+s26], $0x80, v4, vm0, $0xb8;
	[tilespmem:$0x18C80] =	vst v63  }
0x30a: {  	s28 =	simm.s32 $0x9480  }
0x30b: {  	[tilespmem:s28], [sflag:$0x2] =	stream.indirect_vreg.gather [hbm4b:s3+s26], $0x80, v3, vm0, $0xb8;
	[tilespmem:$0x18C80] =	vst v63  }
0x30c: {  	v3 =	vld [tilespmem:$0x90];
	_ =	sdelay $0x4  }
0x30d: {  	v49 =	vshll.u32 v3, $0x1  }
0x30e: {  	v3 =	vand.u32 $0x7, v3;
	v4 =	vand.u32 $0xFFFFFFF0, v49  }
0x30f: {  	v3 =	vor.u32 v3, v4  }
0x310: {  	v4 =	vperm.xlane v3, v0;
	_ =	sdelay $0x1  }
0x311: {  	v3 =	vperm.xlane v3, v2;
	v4 =	vadd.s32 v1, v4;
	_ =	sdelay $0x1  }
0x312: {  	v3 =	vadd.s32 v1, v3;
	_ =	sdelay $0x1  }
0x313: {  	s28 =	simm.s32 $0x9C80  }
0x314: {  	[tilespmem:s28], [sflag:$0x2] =	stream.indirect_vreg.gather [hbm4b:s3+s26], $0x80, v4, vm0, $0xb8;
	[tilespmem:$0x18C80] =	vst v63  }
0x315: {  	s28 =	simm.s32 $0xA480  }
0x316: {  	[tilespmem:s28], [sflag:$0x2] =	stream.indirect_vreg.gather [hbm4b:s3+s26], $0x80, v3, vm0, $0xb8;
	[tilespmem:$0x18C80] =	vst v63  }
0x317: {  	v3 =	vld [tilespmem:$0xA0];
	_ =	sdelay $0x4  }
0x318: {  	v50 =	vshll.u32 v3, $0x1  }
0x319: {  	v3 =	vand.u32 $0x7, v3;
	v4 =	vand.u32 $0xFFFFFFF0, v50  }
0x31a: {  	v3 =	vor.u32 v3, v4  }
0x31b: {  	v4 =	vperm.xlane v3, v0;
	_ =	sdelay $0x1  }
0x31c: {  	v3 =	vperm.xlane v3, v2;
	v4 =	vadd.s32 v1, v4;
	_ =	sdelay $0x1  }
0x31d: {  	v3 =	vadd.s32 v1, v3;
	_ =	sdelay $0x1  }
0x31e: {  	s28 =	simm.s32 $0xAC80  }
0x31f: {  	[tilespmem:s28], [sflag:$0x2] =	stream.indirect_vreg.gather [hbm4b:s3+s26], $0x80, v4, vm0, $0xb8;
	[tilespmem:$0x18C80] =	vst v63  }
0x320: {  	s28 =	simm.s32 $0xB480  }
0x321: {  	[tilespmem:s28], [sflag:$0x2] =	stream.indirect_vreg.gather [hbm4b:s3+s26], $0x80, v3, vm0, $0xb8;
	[tilespmem:$0x18C80] =	vst v63  }
0x322: {  	v3 =	vld [tilespmem:$0xB0];
	_ =	sdelay $0x4  }
0x323: {  	v51 =	vshll.u32 v3, $0x1  }
0x324: {  	v3 =	vand.u32 $0x7, v3;
	v4 =	vand.u32 $0xFFFFFFF0, v51  }
0x325: {  	v3 =	vor.u32 v3, v4  }
0x326: {  	v4 =	vperm.xlane v3, v0;
	_ =	sdelay $0x1  }
0x327: {  	v3 =	vperm.xlane v3, v2;
	v4 =	vadd.s32 v1, v4;
	_ =	sdelay $0x1  }
0x328: {  	v3 =	vadd.s32 v1, v3;
	_ =	sdelay $0x1  }
0x329: {  	s28 =	simm.s32 $0xBC80  }
0x32a: {  	[tilespmem:s28], [sflag:$0x2] =	stream.indirect_vreg.gather [hbm4b:s3+s26], $0x80, v4, vm0, $0xb8;
	[tilespmem:$0x18C80] =	vst v63  }
0x32b: {  	s28 =	simm.s32 $0xC480  }
0x32c: {  	[tilespmem:s28], [sflag:$0x2] =	stream.indirect_vreg.gather [hbm4b:s3+s26], $0x80, v3, vm0, $0xb8;
	[tilespmem:$0x18C80] =	vst v63  }
0x32d: {  	v3 =	vld [tilespmem:$0xC0];
	_ =	sdelay $0x4  }
0x32e: {  	v52 =	vshll.u32 v3, $0x1  }
0x32f: {  	v3 =	vand.u32 $0x7, v3;
	v4 =	vand.u32 $0xFFFFFFF0, v52  }
0x330: {  	v3 =	vor.u32 v3, v4  }
0x331: {  	v4 =	vperm.xlane v3, v0;
	_ =	sdelay $0x1  }
0x332: {  	v3 =	vperm.xlane v3, v2;
	v4 =	vadd.s32 v1, v4;
	_ =	sdelay $0x1  }
0x333: {  	v3 =	vadd.s32 v1, v3;
	_ =	sdelay $0x1  }
0x334: {  	s28 =	simm.s32 $0xCC80  }
0x335: {  	[tilespmem:s28], [sflag:$0x2] =	stream.indirect_vreg.gather [hbm4b:s3+s26], $0x80, v4, vm0, $0xb8;
	[tilespmem:$0x18C80] =	vst v63  }
0x336: {  	s28 =	simm.s32 $0xD480  }
0x337: {  	[tilespmem:s28], [sflag:$0x2] =	stream.indirect_vreg.gather [hbm4b:s3+s26], $0x80, v3, vm0, $0xb8;
	[tilespmem:$0x18C80] =	vst v63  }
0x338: {  	v3 =	vld [tilespmem:$0xD0];
	_ =	sdelay $0x4  }
0x339: {  	v53 =	vshll.u32 v3, $0x1  }
0x33a: {  	v3 =	vand.u32 $0x7, v3;
	v4 =	vand.u32 $0xFFFFFFF0, v53  }
0x33b: {  	v3 =	vor.u32 v3, v4  }
0x33c: {  	v4 =	vperm.xlane v3, v0;
	_ =	sdelay $0x1  }
0x33d: {  	v3 =	vperm.xlane v3, v2;
	v4 =	vadd.s32 v1, v4;
	_ =	sdelay $0x1  }
0x33e: {  	v3 =	vadd.s32 v1, v3;
	_ =	sdelay $0x1  }
0x33f: {  	s28 =	simm.s32 $0xDC80  }
0x340: {  	[tilespmem:s28], [sflag:$0x2] =	stream.indirect_vreg.gather [hbm4b:s3+s26], $0x80, v4, vm0, $0xb8;
	[tilespmem:$0x18C80] =	vst v63  }
0x341: {  	s28 =	simm.s32 $0xE480  }
0x342: {  	[tilespmem:s28], [sflag:$0x2] =	stream.indirect_vreg.gather [hbm4b:s3+s26], $0x80, v3, vm0, $0xb8;
	[tilespmem:$0x18C80] =	vst v63  }
0x343: {  	v3 =	vld [tilespmem:$0xE0];
	_ =	sdelay $0x4  }
0x344: {  	v54 =	vshll.u32 v3, $0x1  }
0x345: {  	v3 =	vand.u32 $0x7, v3;
	v4 =	vand.u32 $0xFFFFFFF0, v54  }
0x346: {  	v3 =	vor.u32 v3, v4  }
0x347: {  	v4 =	vperm.xlane v3, v0;
	_ =	sdelay $0x1  }
0x348: {  	v3 =	vperm.xlane v3, v2;
	v4 =	vadd.s32 v1, v4;
	_ =	sdelay $0x1  }
0x349: {  	v3 =	vadd.s32 v1, v3;
	_ =	sdelay $0x1  }
0x34a: {  	s28 =	simm.s32 $0xEC80  }
0x34b: {  	[tilespmem:s28], [sflag:$0x2] =	stream.indirect_vreg.gather [hbm4b:s3+s26], $0x80, v4, vm0, $0xb8;
	[tilespmem:$0x18C80] =	vst v63  }
0x34c: {  	s28 =	simm.s32 $0xF480  }
0x34d: {  	[tilespmem:s28], [sflag:$0x2] =	stream.indirect_vreg.gather [hbm4b:s3+s26], $0x80, v3, vm0, $0xb8;
	[tilespmem:$0x18C80] =	vst v63  }
0x34e: {  	v3 =	vld [tilespmem:$0xF0];
	_ =	sdelay $0x4  }
0x34f: {  	v55 =	vshll.u32 v3, $0x1  }
0x350: {  	v3 =	vand.u32 $0x7, v3;
	v4 =	vand.u32 $0xFFFFFFF0, v55  }
0x351: {  	v3 =	vor.u32 v3, v4  }
0x352: {  	v4 =	vperm.xlane v3, v0;
	_ =	sdelay $0x1  }
0x353: {  	v3 =	vperm.xlane v3, v2;
	v4 =	vadd.s32 v1, v4;
	_ =	sdelay $0x1  }
0x354: {  	v3 =	vadd.s32 v1, v3;
	_ =	sdelay $0x1  }
0x355: {  	s28 =	simm.s32 $0xFC80  }
0x356: {  	[tilespmem:s28], [sflag:$0x2] =	stream.indirect_vreg.gather [hbm4b:s3+s26], $0x80, v4, vm0, $0xb8;
	[tilespmem:$0x18C80] =	vst v63  }
0x357: {  	s28 =	simm.s32 $0x10480  }
0x358: {  	[tilespmem:s28], [sflag:$0x2] =	stream.indirect_vreg.gather [hbm4b:s3+s26], $0x80, v3, vm0, $0xb8;
	[tilespmem:$0x18C80] =	vst v63  }
0x359: {  	v3 =	vld [tilespmem:$0x100];
	_ =	sdelay $0x4  }
0x35a: {  	v56 =	vshll.u32 v3, $0x1  }
0x35b: {  	v3 =	vand.u32 $0x7, v3;
	v4 =	vand.u32 $0xFFFFFFF0, v56  }
0x35c: {  	v3 =	vor.u32 v3, v4  }
0x35d: {  	v4 =	vperm.xlane v3, v0;
	_ =	sdelay $0x1  }
0x35e: {  	v3 =	vperm.xlane v3, v2;
	v4 =	vadd.s32 v1, v4;
	_ =	sdelay $0x1  }
0x35f: {  	v3 =	vadd.s32 v1, v3;
	_ =	sdelay $0x2  }
0x360: {  	[tilespmem:s6], [sflag:$0x3] =	stream.indirect_vreg.gather [hbm4b:s3+s26], $0x80, v4, vm0, $0xb8;
	[tilespmem:$0x18C80] =	vst v63  }
0x361: {  	_ = 	snop  }
0x362: {  	[tilespmem:s9], [sflag:$0x3] =	stream.indirect_vreg.gather [hbm4b:s3+s26], $0x80, v3, vm0, $0xb8;
	[tilespmem:$0x18C80] =	vst v63  }
0x363: {  	v3 =	vld [tilespmem:$0x110];
	_ =	sdelay $0x4  }
0x364: {  	v57 =	vshll.u32 v3, $0x1  }
0x365: {  	v3 =	vand.u32 $0x7, v3;
	v4 =	vand.u32 $0xFFFFFFF0, v57  }
0x366: {  	v3 =	vor.u32 v3, v4  }
0x367: {  	v4 =	vperm.xlane v3, v0;
	_ =	sdelay $0x1  }
0x368: {  	v3 =	vperm.xlane v3, v2;
	v4 =	vadd.s32 v1, v4;
	_ =	sdelay $0x1  }
0x369: {  	v3 =	vadd.s32 v1, v3;
	_ =	sdelay $0x2  }
0x36a: {  	[tilespmem:s10], [sflag:$0x3] =	stream.indirect_vreg.gather [hbm4b:s3+s26], $0x80, v4, vm0, $0xb8;
	[tilespmem:$0x18C80] =	vst v63  }
0x36b: {  	_ = 	snop  }
0x36c: {  	[tilespmem:s4], [sflag:$0x3] =	stream.indirect_vreg.gather [hbm4b:s3+s26], $0x80, v3, vm0, $0xb8;
	[tilespmem:$0x18C80] =	vst v63  }
0x36d: {  	v3 =	vld [tilespmem:$0x120];
	_ =	sdelay $0x4  }
0x36e: {  	v58 =	vshll.u32 v3, $0x1  }
0x36f: {  	v3 =	vand.u32 $0x7, v3;
	v4 =	vand.u32 $0xFFFFFFF0, v58  }
0x370: {  	v3 =	vor.u32 v3, v4  }
0x371: {  	v4 =	vperm.xlane v3, v0;
	_ =	sdelay $0x1  }
0x372: {  	v3 =	vperm.xlane v3, v2;
	v4 =	vadd.s32 v1, v4;
	_ =	sdelay $0x1  }
0x373: {  	v3 =	vadd.s32 v1, v3;
	_ =	sdelay $0x2  }
0x374: {  	[tilespmem:s13], [sflag:$0x3] =	stream.indirect_vreg.gather [hbm4b:s3+s26], $0x80, v4, vm0, $0xb8;
	[tilespmem:$0x18C80] =	vst v63  }
0x375: {  	_ = 	snop  }
0x376: {  	[tilespmem:s12], [sflag:$0x3] =	stream.indirect_vreg.gather [hbm4b:s3+s26], $0x80, v3, vm0, $0xb8;
	[tilespmem:$0x18C80] =	vst v63  }
0x377: {  	v3 =	vld [tilespmem:$0x130];
	_ =	sdelay $0x4  }
0x378: {  	v59 =	vshll.u32 v3, $0x1  }
0x379: {  	v3 =	vand.u32 $0x7, v3;
	v4 =	vand.u32 $0xFFFFFFF0, v59  }
0x37a: {  	v3 =	vor.u32 v3, v4  }
0x37b: {  	v4 =	vperm.xlane v3, v0;
	_ =	sdelay $0x1  }
0x37c: {  	v3 =	vperm.xlane v3, v2;
	v4 =	vadd.s32 v1, v4;
	_ =	sdelay $0x1  }
0x37d: {  	v3 =	vadd.s32 v1, v3;
	_ =	sdelay $0x2  }
0x37e: {  	[tilespmem:s11], [sflag:$0x3] =	stream.indirect_vreg.gather [hbm4b:s3+s26], $0x80, v4, vm0, $0xb8;
	[tilespmem:$0x18C80] =	vst v63  }
0x37f: {  	_ = 	snop  }
0x380: {  	[tilespmem:s0], [sflag:$0x3] =	stream.indirect_vreg.gather [hbm4b:s3+s26], $0x80, v3, vm0, $0xb8;
	[tilespmem:$0x18C80] =	vst v63  }
0x381: {  	v3 =	vld [tilespmem:$0x140];
	_ =	sdelay $0x4  }
0x382: {  	v60 =	vshll.u32 v3, $0x1  }
0x383: {  	v3 =	vand.u32 $0x7, v3;
	v4 =	vand.u32 $0xFFFFFFF0, v60  }
0x384: {  	v3 =	vor.u32 v3, v4  }
0x385: {  	v4 =	vperm.xlane v3, v0;
	_ =	sdelay $0x1  }
0x386: {  	v3 =	vperm.xlane v3, v2;
	v4 =	vadd.s32 v1, v4;
	_ =	sdelay $0x1  }
0x387: {  	v3 =	vadd.s32 v1, v3;
	_ =	sdelay $0x2  }
0x388: {  	[tilespmem:s1], [sflag:$0x3] =	stream.indirect_vreg.gather [hbm4b:s3+s26], $0x80, v4, vm0, $0xb8;
	[tilespmem:$0x18C80] =	vst v63  }
0x389: {  	_ = 	snop  }
0x38a: {  	[tilespmem:s5], [sflag:$0x3] =	stream.indirect_vreg.gather [hbm4b:s3+s26], $0x80, v3, vm0, $0xb8;
	[tilespmem:$0x18C80] =	vst v63  }
0x38b: {  	v3 =	vld [tilespmem:$0x150];
	_ =	sdelay $0x4  }
0x38c: {  	v61 =	vshll.u32 v3, $0x1  }
0x38d: {  	v3 =	vand.u32 $0x7, v3;
	v4 =	vand.u32 $0xFFFFFFF0, v61  }
0x38e: {  	v3 =	vor.u32 v3, v4  }
0x38f: {  	v4 =	vperm.xlane v3, v0;
	_ =	sdelay $0x1  }
0x390: {  	v3 =	vperm.xlane v3, v2;
	v4 =	vadd.s32 v1, v4;
	_ =	sdelay $0x1  }
0x391: {  	v3 =	vadd.s32 v1, v3;
	_ =	sdelay $0x2  }
0x392: {  	[tilespmem:s7], [sflag:$0x3] =	stream.indirect_vreg.gather [hbm4b:s3+s26], $0x80, v4, vm0, $0xb8;
	[tilespmem:$0x18C80] =	vst v63  }
0x393: {  	_ = 	snop  }
0x394: {  	[tilespmem:s15], [sflag:$0x3] =	stream.indirect_vreg.gather [hbm4b:s3+s26], $0x80, v3, vm0, $0xb8;
	[tilespmem:$0x18C80] =	vst v63  }
0x395: {  	v3 =	vld [tilespmem:$0x160];
	_ =	sdelay $0x4  }
0x396: {  	v62 =	vshll.u32 v3, $0x1  }
0x397: {  	v3 =	vand.u32 $0x7, v3;
	v4 =	vand.u32 $0xFFFFFFF0, v62  }
0x398: {  	v3 =	vor.u32 v3, v4  }
0x399: {  	v4 =	vperm.xlane v3, v0;
	_ =	sdelay $0x1  }
0x39a: {  	v3 =	vperm.xlane v3, v2;
	v4 =	vadd.s32 v1, v4;
	_ =	sdelay $0x1  }
0x39b: {  	v3 =	vadd.s32 v1, v3;
	_ =	sdelay $0x2  }
0x39c: {  	[tilespmem:s16], [sflag:$0x3] =	stream.indirect_vreg.gather [hbm4b:s3+s26], $0x80, v4, vm0, $0xb8;
	[tilespmem:$0x18C80] =	vst v63  }
0x39d: {  	_ = 	snop  }
0x39e: {  	[tilespmem:s17], [sflag:$0x3] =	stream.indirect_vreg.gather [hbm4b:s3+s26], $0x80, v3, vm0, $0xb8;
	[tilespmem:$0x18C80] =	vst v63  }
0x39f: {  	v3 =	vld [tilespmem:$0x170];
	_ =	sdelay $0x4  }
0x3a0: {  	v63 =	vshll.u32 v3, $0x1  }
0x3a1: {  	v3 =	vand.u32 $0x7, v3;
	v4 =	vand.u32 $0xFFFFFFF0, v63  }
0x3a2: {  	v3 =	vor.u32 v3, v4  }
0x3a3: {  	v4 =	vperm.xlane v3, v0;
	_ =	sdelay $0x1  }
0x3a4: {  	v3 =	vperm.xlane v3, v2;
	v4 =	vadd.s32 v1, v4;
	_ =	sdelay $0x1  }
0x3a5: {  	v3 =	vadd.s32 v1, v3;
	_ =	sdelay $0x2  }
0x3a6: {  	[tilespmem:s18], [sflag:$0x3] =	stream.indirect_vreg.gather [hbm4b:s3+s26], $0x80, v4, vm0, $0xb8;
	[tilespmem:$0x18C80] =	vst v63  }
0x3a7: {  	s28 =	simm.s32 $0x2F0  }
0x3a8: {  	[tilespmem:s19], [sflag:$0x3] =	stream.indirect_vreg.gather [hbm4b:s3+s26], $0x80, v3, vm0, $0xb8;
	[tilespmem:$0x18C80] =	vst v63  }
.LBB2_3:
0x3a9: {  	p1 =	seq.s32 s26, $0x15000  }
.Ltmp7:
0x3aa: {  	_ = 	snop;
	(pc) =	sbr.rel @!p1 .LBB2_4-.Ltmp7, $4  }
0x3ab: {  	_ =	swait.ge [sflag:s20], $0x8000  }
0x3ac: {  	[sflag:s20] =	ssyncset.done $0x0  }
0x3ad: {  	s29 =	sadd.s32 s26, s8;
	[sflag:s20] =	ssyncadd.s32 $0xFFFF8000  }
0x3ae: {  	[hbm4b:s29+s2] =	stream.linear.scatter [tilespmem:s14], [sflag:$0x4], $0x8000, $0x38;
	[tilespmem:$0x18C80] =	vst v63  }
.Ltmp8:
0x3af: {  	(pc) =	sbr.rel .LBB2_6-.Ltmp8, $4  }
0x3b0: {  	_ =	swait.ge [sflag:s21], $0x8000  }
0x3b1: {  	[sflag:s21] =	ssyncset.done $0x0  }
0x3b2: {  	s30 =	rddreg [dreg:$0x8];
	[sflag:s21] =	ssyncadd.s32 $0xFFFF8000  }
0x3b3: {  	[hbm4b:s30+s2] =	stream.linear.scatter [tilespmem:s31], [sflag:$0x5], $0x8000, $0x38;
	[tilespmem:$0x18C80] =	vst v63  }
.LBB2_4:
0x3b4: {  	_ =	swait.ge [sflag:s24], $0x8000  }
0x3b5: {  	[sflag:s24] =	ssyncset.done $0x0  }
0x3b6: {  	[sflag:s24] =	ssyncadd.s32 $0xFFFF8000  }
0x3b7: {  	v3 =	vld [tilespmem:s28+$0xFFFFFE90];
	_ =	sdelay $0x4  }
0x3b8: {  	v4 =	vshll.u32 v3, $0x1  }
0x3b9: {  	v3 =	vand.u32 $0x7, v3;
	v4 =	vand.u32 $0xFFFFFFF0, v4  }
0x3ba: {  	v3 =	vor.u32 v3, v4  }
0x3bb: {  	v4 =	vperm.xlane v3, v0;
	_ =	sdelay $0x1  }
0x3bc: {  	v3 =	vperm.xlane v3, v2;
	v4 =	vadd.s32 v1, v4;
	_ =	sdelay $0x1  }
0x3bd: {  	v3 =	vadd.s32 v1, v3;
	_ =	sdelay $0x2  }
0x3be: {  	[tilespmem:s14], [sflag:$0x1] =	stream.indirect_vreg.gather [hbm4b:s3+s2], $0x80, v4, vm0, $0xb8;
	[tilespmem:$0x18C80] =	vst v63  }
0x3bf: {  	s30 =	simm.s32 $0x1480  }
0x3c0: {  	[tilespmem:s30], [sflag:$0x1] =	stream.indirect_vreg.gather [hbm4b:s3+s2], $0x80, v3, vm0, $0xb8;
	[tilespmem:$0x18C80] =	vst v63  }
0x3c1: {  	v3 =	vld [tilespmem:s28+$0xFFFFFEA0];
	_ =	sdelay $0x4  }
0x3c2: {  	v49 =	vshll.u32 v3, $0x1  }
0x3c3: {  	v3 =	vand.u32 $0x7, v3;
	v4 =	vand.u32 $0xFFFFFFF0, v49  }
0x3c4: {  	v3 =	vor.u32 v3, v4  }
0x3c5: {  	v4 =	vperm.xlane v3, v0;
	_ =	sdelay $0x1  }
0x3c6: {  	v3 =	vperm.xlane v3, v2;
	v4 =	vadd.s32 v1, v4;
	_ =	sdelay $0x1  }
0x3c7: {  	v3 =	vadd.s32 v1, v3;
	_ =	sdelay $0x1  }
0x3c8: {  	s30 =	simm.s32 $0x1C80  }
0x3c9: {  	[tilespmem:s30], [sflag:$0x1] =	stream.indirect_vreg.gather [hbm4b:s3+s2], $0x80, v4, vm0, $0xb8;
	[tilespmem:$0x18C80] =	vst v63  }
0x3ca: {  	s30 =	simm.s32 $0x2480  }
0x3cb: {  	[tilespmem:s30], [sflag:$0x1] =	stream.indirect_vreg.gather [hbm4b:s3+s2], $0x80, v3, vm0, $0xb8;
	[tilespmem:$0x18C80] =	vst v63  }
0x3cc: {  	v3 =	vld [tilespmem:s28+$0xFFFFFEB0];
	_ =	sdelay $0x4  }
0x3cd: {  	v50 =	vshll.u32 v3, $0x1  }
0x3ce: {  	v3 =	vand.u32 $0x7, v3;
	v4 =	vand.u32 $0xFFFFFFF0, v50  }
0x3cf: {  	v3 =	vor.u32 v3, v4  }
0x3d0: {  	v4 =	vperm.xlane v3, v0;
	_ =	sdelay $0x1  }
0x3d1: {  	v3 =	vperm.xlane v3, v2;
	v4 =	vadd.s32 v1, v4;
	_ =	sdelay $0x1  }
0x3d2: {  	v3 =	vadd.s32 v1, v3;
	_ =	sdelay $0x1  }
0x3d3: {  	s30 =	simm.s32 $0x2C80  }
0x3d4: {  	[tilespmem:s30], [sflag:$0x1] =	stream.indirect_vreg.gather [hbm4b:s3+s2], $0x80, v4, vm0, $0xb8;
	[tilespmem:$0x18C80] =	vst v63  }
0x3d5: {  	s30 =	simm.s32 $0x3480  }
0x3d6: {  	[tilespmem:s30], [sflag:$0x1] =	stream.indirect_vreg.gather [hbm4b:s3+s2], $0x80, v3, vm0, $0xb8;
	[tilespmem:$0x18C80] =	vst v63  }
0x3d7: {  	v3 =	vld [tilespmem:s28+$0xFFFFFEC0];
	_ =	sdelay $0x4  }
0x3d8: {  	v51 =	vshll.u32 v3, $0x1  }
0x3d9: {  	v3 =	vand.u32 $0x7, v3;
	v4 =	vand.u32 $0xFFFFFFF0, v51  }
0x3da: {  	v3 =	vor.u32 v3, v4  }
0x3db: {  	v4 =	vperm.xlane v3, v0;
	_ =	sdelay $0x1  }
0x3dc: {  	v3 =	vperm.xlane v3, v2;
	v4 =	vadd.s32 v1, v4;
	_ =	sdelay $0x1  }
0x3dd: {  	v3 =	vadd.s32 v1, v3;
	_ =	sdelay $0x1  }
0x3de: {  	s30 =	simm.s32 $0x3C80  }
0x3df: {  	[tilespmem:s30], [sflag:$0x1] =	stream.indirect_vreg.gather [hbm4b:s3+s2], $0x80, v4, vm0, $0xb8;
	[tilespmem:$0x18C80] =	vst v63  }
0x3e0: {  	s30 =	simm.s32 $0x4480  }
0x3e1: {  	[tilespmem:s30], [sflag:$0x1] =	stream.indirect_vreg.gather [hbm4b:s3+s2], $0x80, v3, vm0, $0xb8;
	[tilespmem:$0x18C80] =	vst v63  }
0x3e2: {  	v3 =	vld [tilespmem:s28+$0xFFFFFED0];
	_ =	sdelay $0x4  }
0x3e3: {  	v52 =	vshll.u32 v3, $0x1  }
0x3e4: {  	v3 =	vand.u32 $0x7, v3;
	v4 =	vand.u32 $0xFFFFFFF0, v52  }
0x3e5: {  	v3 =	vor.u32 v3, v4  }
0x3e6: {  	v4 =	vperm.xlane v3, v0;
	_ =	sdelay $0x1  }
0x3e7: {  	v3 =	vperm.xlane v3, v2;
	v4 =	vadd.s32 v1, v4;
	_ =	sdelay $0x1  }
0x3e8: {  	v3 =	vadd.s32 v1, v3;
	_ =	sdelay $0x1  }
0x3e9: {  	s30 =	simm.s32 $0x4C80  }
0x3ea: {  	[tilespmem:s30], [sflag:$0x1] =	stream.indirect_vreg.gather [hbm4b:s3+s2], $0x80, v4, vm0, $0xb8;
	[tilespmem:$0x18C80] =	vst v63  }
0x3eb: {  	s30 =	simm.s32 $0x5480  }
0x3ec: {  	[tilespmem:s30], [sflag:$0x1] =	stream.indirect_vreg.gather [hbm4b:s3+s2], $0x80, v3, vm0, $0xb8;
	[tilespmem:$0x18C80] =	vst v63  }
0x3ed: {  	v3 =	vld [tilespmem:s28+$0xFFFFFEE0];
	_ =	sdelay $0x4  }
0x3ee: {  	v53 =	vshll.u32 v3, $0x1  }
0x3ef: {  	v3 =	vand.u32 $0x7, v3;
	v4 =	vand.u32 $0xFFFFFFF0, v53  }
0x3f0: {  	v3 =	vor.u32 v3, v4  }
0x3f1: {  	v4 =	vperm.xlane v3, v0;
	_ =	sdelay $0x1  }
0x3f2: {  	v3 =	vperm.xlane v3, v2;
	v4 =	vadd.s32 v1, v4;
	_ =	sdelay $0x1  }
0x3f3: {  	v3 =	vadd.s32 v1, v3;
	_ =	sdelay $0x1  }
0x3f4: {  	s30 =	simm.s32 $0x5C80  }
0x3f5: {  	[tilespmem:s30], [sflag:$0x1] =	stream.indirect_vreg.gather [hbm4b:s3+s2], $0x80, v4, vm0, $0xb8;
	[tilespmem:$0x18C80] =	vst v63  }
0x3f6: {  	s30 =	simm.s32 $0x6480  }
0x3f7: {  	[tilespmem:s30], [sflag:$0x1] =	stream.indirect_vreg.gather [hbm4b:s3+s2], $0x80, v3, vm0, $0xb8;
	[tilespmem:$0x18C80] =	vst v63  }
0x3f8: {  	v3 =	vld [tilespmem:s28+$0xFFFFFEF0];
	_ =	sdelay $0x4  }
0x3f9: {  	v54 =	vshll.u32 v3, $0x1  }
0x3fa: {  	v3 =	vand.u32 $0x7, v3;
	v4 =	vand.u32 $0xFFFFFFF0, v54  }
0x3fb: {  	v3 =	vor.u32 v3, v4  }
0x3fc: {  	v4 =	vperm.xlane v3, v0;
	_ =	sdelay $0x1  }
0x3fd: {  	v3 =	vperm.xlane v3, v2;
	v4 =	vadd.s32 v1, v4;
	_ =	sdelay $0x1  }
0x3fe: {  	v3 =	vadd.s32 v1, v3;
	_ =	sdelay $0x1  }
0x3ff: {  	s30 =	simm.s32 $0x6C80  }
0x400: {  	[tilespmem:s30], [sflag:$0x1] =	stream.indirect_vreg.gather [hbm4b:s3+s2], $0x80, v4, vm0, $0xb8;
	[tilespmem:$0x18C80] =	vst v63  }
0x401: {  	s30 =	simm.s32 $0x7480  }
0x402: {  	[tilespmem:s30], [sflag:$0x1] =	stream.indirect_vreg.gather [hbm4b:s3+s2], $0x80, v3, vm0, $0xb8;
	[tilespmem:$0x18C80] =	vst v63  }
0x403: {  	v3 =	vld [tilespmem:s28+$0xFFFFFF00];
	_ =	sdelay $0x4  }
0x404: {  	v55 =	vshll.u32 v3, $0x1  }
0x405: {  	v3 =	vand.u32 $0x7, v3;
	v4 =	vand.u32 $0xFFFFFFF0, v55  }
0x406: {  	v3 =	vor.u32 v3, v4  }
0x407: {  	v4 =	vperm.xlane v3, v0;
	_ =	sdelay $0x1  }
0x408: {  	v3 =	vperm.xlane v3, v2;
	v4 =	vadd.s32 v1, v4;
	_ =	sdelay $0x1  }
0x409: {  	v3 =	vadd.s32 v1, v3;
	_ =	sdelay $0x1  }
0x40a: {  	s30 =	simm.s32 $0x7C80  }
0x40b: {  	[tilespmem:s30], [sflag:$0x1] =	stream.indirect_vreg.gather [hbm4b:s3+s2], $0x80, v4, vm0, $0xb8;
	[tilespmem:$0x18C80] =	vst v63  }
0x40c: {  	s30 =	simm.s32 $0x8480  }
0x40d: {  	[tilespmem:s30], [sflag:$0x1] =	stream.indirect_vreg.gather [hbm4b:s3+s2], $0x80, v3, vm0, $0xb8;
	[tilespmem:$0x18C80] =	vst v63  }
0x40e: {  	_ =	swait.ge [sflag:s21], $0x8000  }
0x40f: {  	[sflag:s21] =	ssyncset.done $0x0  }
0x410: {  	s30 =	sadd.s32 $0x1000, s29;
	[sflag:s21] =	ssyncadd.s32 $0xFFFF8000  }
0x411: {  	[hbm4b:s30+s2] =	stream.linear.scatter [tilespmem:s31], [sflag:$0x5], $0x8000, $0x38;
	[tilespmem:$0x18C80] =	vst v63  }
0x412: {  	_ =	swait.ge [sflag:s25], $0x8000  }
0x413: {  	[sflag:s25] =	ssyncset.done $0x0  }
0x414: {  	[sflag:s25] =	ssyncadd.s32 $0xFFFF8000  }
0x415: {  	v3 =	vld [tilespmem:s28+$0xFFFFFF10];
	_ =	sdelay $0x4  }
0x416: {  	v56 =	vshll.u32 v3, $0x1  }
0x417: {  	v3 =	vand.u32 $0x7, v3;
	v4 =	vand.u32 $0xFFFFFFF0, v56  }
0x418: {  	v3 =	vor.u32 v3, v4  }
0x419: {  	v4 =	vperm.xlane v3, v0;
	_ =	sdelay $0x1  }
0x41a: {  	v3 =	vperm.xlane v3, v2;
	v4 =	vadd.s32 v1, v4;
	_ =	sdelay $0x1  }
0x41b: {  	v3 =	vadd.s32 v1, v3;
	_ =	sdelay $0x2  }
0x41c: {  	[tilespmem:s31], [sflag:$0x2] =	stream.indirect_vreg.gather [hbm4b:s3+s2], $0x80, v4, vm0, $0xb8;
	[tilespmem:$0x18C80] =	vst v63  }
0x41d: {  	s30 =	simm.s32 $0x9480  }
0x41e: {  	[tilespmem:s30], [sflag:$0x2] =	stream.indirect_vreg.gather [hbm4b:s3+s2], $0x80, v3, vm0, $0xb8;
	[tilespmem:$0x18C80] =	vst v63  }
0x41f: {  	v3 =	vld [tilespmem:s28+$0xFFFFFF20];
	_ =	sdelay $0x4  }
0x420: {  	v57 =	vshll.u32 v3, $0x1  }
0x421: {  	v3 =	vand.u32 $0x7, v3;
	v4 =	vand.u32 $0xFFFFFFF0, v57  }
0x422: {  	v3 =	vor.u32 v3, v4  }
0x423: {  	v4 =	vperm.xlane v3, v0;
	_ =	sdelay $0x1  }
0x424: {  	v3 =	vperm.xlane v3, v2;
	v4 =	vadd.s32 v1, v4;
	_ =	sdelay $0x1  }
0x425: {  	v3 =	vadd.s32 v1, v3;
	_ =	sdelay $0x1  }
0x426: {  	s30 =	simm.s32 $0x9C80  }
0x427: {  	[tilespmem:s30], [sflag:$0x2] =	stream.indirect_vreg.gather [hbm4b:s3+s2], $0x80, v4, vm0, $0xb8;
	[tilespmem:$0x18C80] =	vst v63  }
0x428: {  	s30 =	simm.s32 $0xA480  }
0x429: {  	[tilespmem:s30], [sflag:$0x2] =	stream.indirect_vreg.gather [hbm4b:s3+s2], $0x80, v3, vm0, $0xb8;
	[tilespmem:$0x18C80] =	vst v63  }
0x42a: {  	v3 =	vld [tilespmem:s28+$0xFFFFFF30];
	_ =	sdelay $0x4  }
0x42b: {  	v58 =	vshll.u32 v3, $0x1  }
0x42c: {  	v3 =	vand.u32 $0x7, v3;
	v4 =	vand.u32 $0xFFFFFFF0, v58  }
0x42d: {  	v3 =	vor.u32 v3, v4  }
0x42e: {  	v4 =	vperm.xlane v3, v0;
	_ =	sdelay $0x1  }
0x42f: {  	v3 =	vperm.xlane v3, v2;
	v4 =	vadd.s32 v1, v4;
	_ =	sdelay $0x1  }
0x430: {  	v3 =	vadd.s32 v1, v3;
	_ =	sdelay $0x1  }
0x431: {  	s30 =	simm.s32 $0xAC80  }
0x432: {  	[tilespmem:s30], [sflag:$0x2] =	stream.indirect_vreg.gather [hbm4b:s3+s2], $0x80, v4, vm0, $0xb8;
	[tilespmem:$0x18C80] =	vst v63  }
0x433: {  	s30 =	simm.s32 $0xB480  }
0x434: {  	[tilespmem:s30], [sflag:$0x2] =	stream.indirect_vreg.gather [hbm4b:s3+s2], $0x80, v3, vm0, $0xb8;
	[tilespmem:$0x18C80] =	vst v63  }
0x435: {  	v3 =	vld [tilespmem:s28+$0xFFFFFF40];
	_ =	sdelay $0x4  }
0x436: {  	v59 =	vshll.u32 v3, $0x1  }
0x437: {  	v3 =	vand.u32 $0x7, v3;
	v4 =	vand.u32 $0xFFFFFFF0, v59  }
0x438: {  	v3 =	vor.u32 v3, v4  }
0x439: {  	v4 =	vperm.xlane v3, v0;
	_ =	sdelay $0x1  }
0x43a: {  	v3 =	vperm.xlane v3, v2;
	v4 =	vadd.s32 v1, v4;
	_ =	sdelay $0x1  }
0x43b: {  	v3 =	vadd.s32 v1, v3;
	_ =	sdelay $0x1  }
0x43c: {  	s30 =	simm.s32 $0xBC80  }
0x43d: {  	[tilespmem:s30], [sflag:$0x2] =	stream.indirect_vreg.gather [hbm4b:s3+s2], $0x80, v4, vm0, $0xb8;
	[tilespmem:$0x18C80] =	vst v63  }
0x43e: {  	s30 =	simm.s32 $0xC480  }
0x43f: {  	[tilespmem:s30], [sflag:$0x2] =	stream.indirect_vreg.gather [hbm4b:s3+s2], $0x80, v3, vm0, $0xb8;
	[tilespmem:$0x18C80] =	vst v63  }
0x440: {  	v3 =	vld [tilespmem:s28+$0xFFFFFF50];
	_ =	sdelay $0x4  }
0x441: {  	v60 =	vshll.u32 v3, $0x1  }
0x442: {  	v3 =	vand.u32 $0x7, v3;
	v4 =	vand.u32 $0xFFFFFFF0, v60  }
0x443: {  	v3 =	vor.u32 v3, v4  }
0x444: {  	v4 =	vperm.xlane v3, v0;
	_ =	sdelay $0x1  }
0x445: {  	v3 =	vperm.xlane v3, v2;
	v4 =	vadd.s32 v1, v4;
	_ =	sdelay $0x1  }
0x446: {  	v3 =	vadd.s32 v1, v3;
	_ =	sdelay $0x1  }
0x447: {  	s30 =	simm.s32 $0xCC80  }
0x448: {  	[tilespmem:s30], [sflag:$0x2] =	stream.indirect_vreg.gather [hbm4b:s3+s2], $0x80, v4, vm0, $0xb8;
	[tilespmem:$0x18C80] =	vst v63  }
0x449: {  	s30 =	simm.s32 $0xD480  }
0x44a: {  	[tilespmem:s30], [sflag:$0x2] =	stream.indirect_vreg.gather [hbm4b:s3+s2], $0x80, v3, vm0, $0xb8;
	[tilespmem:$0x18C80] =	vst v63  }
0x44b: {  	v3 =	vld [tilespmem:s28+$0xFFFFFF60];
	_ =	sdelay $0x4  }
0x44c: {  	v61 =	vshll.u32 v3, $0x1  }
0x44d: {  	v3 =	vand.u32 $0x7, v3;
	v4 =	vand.u32 $0xFFFFFFF0, v61  }
0x44e: {  	v3 =	vor.u32 v3, v4  }
0x44f: {  	v4 =	vperm.xlane v3, v0;
	_ =	sdelay $0x1  }
0x450: {  	v3 =	vperm.xlane v3, v2;
	v4 =	vadd.s32 v1, v4;
	_ =	sdelay $0x1  }
0x451: {  	v3 =	vadd.s32 v1, v3;
	_ =	sdelay $0x1  }
0x452: {  	s30 =	simm.s32 $0xDC80  }
0x453: {  	[tilespmem:s30], [sflag:$0x2] =	stream.indirect_vreg.gather [hbm4b:s3+s2], $0x80, v4, vm0, $0xb8;
	[tilespmem:$0x18C80] =	vst v63  }
0x454: {  	s30 =	simm.s32 $0xE480  }
0x455: {  	[tilespmem:s30], [sflag:$0x2] =	stream.indirect_vreg.gather [hbm4b:s3+s2], $0x80, v3, vm0, $0xb8;
	[tilespmem:$0x18C80] =	vst v63  }
0x456: {  	v3 =	vld [tilespmem:s28+$0xFFFFFF70];
	_ =	sdelay $0x4  }
0x457: {  	v62 =	vshll.u32 v3, $0x1  }
0x458: {  	v3 =	vand.u32 $0x7, v3;
	v4 =	vand.u32 $0xFFFFFFF0, v62  }
0x459: {  	v3 =	vor.u32 v3, v4  }
0x45a: {  	v4 =	vperm.xlane v3, v0;
	_ =	sdelay $0x1  }
0x45b: {  	v3 =	vperm.xlane v3, v2;
	v4 =	vadd.s32 v1, v4;
	_ =	sdelay $0x1  }
0x45c: {  	v3 =	vadd.s32 v1, v3;
	_ =	sdelay $0x1  }
0x45d: {  	s30 =	simm.s32 $0xEC80  }
0x45e: {  	[tilespmem:s30], [sflag:$0x2] =	stream.indirect_vreg.gather [hbm4b:s3+s2], $0x80, v4, vm0, $0xb8;
	[tilespmem:$0x18C80] =	vst v63  }
0x45f: {  	s30 =	simm.s32 $0xF480  }
0x460: {  	[tilespmem:s30], [sflag:$0x2] =	stream.indirect_vreg.gather [hbm4b:s3+s2], $0x80, v3, vm0, $0xb8;
	[tilespmem:$0x18C80] =	vst v63  }
0x461: {  	v3 =	vld [tilespmem:s28+$0xFFFFFF80];
	_ =	sdelay $0x4  }
0x462: {  	v63 =	vshll.u32 v3, $0x1  }
0x463: {  	v3 =	vand.u32 $0x7, v3;
	v4 =	vand.u32 $0xFFFFFFF0, v63  }
0x464: {  	v3 =	vor.u32 v3, v4  }
0x465: {  	v4 =	vperm.xlane v3, v0;
	_ =	sdelay $0x1  }
0x466: {  	v3 =	vperm.xlane v3, v2;
	v4 =	vadd.s32 v1, v4;
	_ =	sdelay $0x1  }
0x467: {  	v3 =	vadd.s32 v1, v3;
	_ =	sdelay $0x1  }
0x468: {  	s30 =	simm.s32 $0xFC80  }
0x469: {  	[tilespmem:s30], [sflag:$0x2] =	stream.indirect_vreg.gather [hbm4b:s3+s2], $0x80, v4, vm0, $0xb8;
	[tilespmem:$0x18C80] =	vst v63  }
0x46a: {  	s30 =	simm.s32 $0x10480  }
0x46b: {  	[tilespmem:s30], [sflag:$0x2] =	stream.indirect_vreg.gather [hbm4b:s3+s2], $0x80, v3, vm0, $0xb8;
	[tilespmem:$0x18C80] =	vst v63  }
.LBB2_6:
.Ltmp9:
0x46c: {  	(pc) =	sbr.rel @p1 .LBB2_7-.Ltmp9, $4  }
0x46d: {  	_ =	swait.ge [sflag:s22], $0x8000  }
0x46e: {  	[sflag:s22] =	ssyncset.done $0x0  }
0x46f: {  	s29 =	sadd.s32 $0x2000, s29;
	[sflag:s22] =	ssyncadd.s32 $0xFFFF8000  }
0x470: {  	[hbm4b:s29+s2] =	stream.linear.scatter [tilespmem:s6], [sflag:$0x6], $0x8000, $0x38;
	[tilespmem:$0x18C80] =	vst v63  }
0x471: {  	_ =	swait.ge [sflag:s23], $0x8000  }
0x472: {  	[sflag:s23] =	ssyncset.done $0x0  }
0x473: {  	[sflag:s23] =	ssyncadd.s32 $0xFFFF8000  }
0x474: {  	v3 =	vld [tilespmem:s28+$0xFFFFFF90];
	_ =	sdelay $0x4  }
0x475: {  	v4 =	vshll.u32 v3, $0x1  }
0x476: {  	v3 =	vand.u32 $0x7, v3;
	v4 =	vand.u32 $0xFFFFFFF0, v4  }
0x477: {  	v3 =	vor.u32 v3, v4  }
0x478: {  	v4 =	vperm.xlane v3, v0;
	_ =	sdelay $0x1  }
0x479: {  	v3 =	vperm.xlane v3, v2;
	v4 =	vadd.s32 v1, v4;
	_ =	sdelay $0x1  }
0x47a: {  	v3 =	vadd.s32 v1, v3;
	_ =	sdelay $0x2  }
0x47b: {  	[tilespmem:s6], [sflag:$0x3] =	stream.indirect_vreg.gather [hbm4b:s3+s2], $0x80, v4, vm0, $0xb8;
	[tilespmem:$0x18C80] =	vst v63  }
0x47c: {  	_ = 	snop  }
0x47d: {  	[tilespmem:s9], [sflag:$0x3] =	stream.indirect_vreg.gather [hbm4b:s3+s2], $0x80, v3, vm0, $0xb8;
	[tilespmem:$0x18C80] =	vst v63  }
0x47e: {  	v3 =	vld [tilespmem:s28+$0xFFFFFFA0];
	_ =	sdelay $0x4  }
0x47f: {  	v57 =	vshll.u32 v3, $0x1  }
0x480: {  	v3 =	vand.u32 $0x7, v3;
	v4 =	vand.u32 $0xFFFFFFF0, v57  }
0x481: {  	v3 =	vor.u32 v3, v4  }
0x482: {  	v4 =	vperm.xlane v3, v0;
	_ =	sdelay $0x1  }
0x483: {  	v3 =	vperm.xlane v3, v2;
	v4 =	vadd.s32 v1, v4;
	_ =	sdelay $0x1  }
0x484: {  	v3 =	vadd.s32 v1, v3;
	_ =	sdelay $0x2  }
0x485: {  	[tilespmem:s10], [sflag:$0x3] =	stream.indirect_vreg.gather [hbm4b:s3+s2], $0x80, v4, vm0, $0xb8;
	[tilespmem:$0x18C80] =	vst v63  }
0x486: {  	_ = 	snop  }
0x487: {  	[tilespmem:s4], [sflag:$0x3] =	stream.indirect_vreg.gather [hbm4b:s3+s2], $0x80, v3, vm0, $0xb8;
	[tilespmem:$0x18C80] =	vst v63  }
0x488: {  	v3 =	vld [tilespmem:s28+$0xFFFFFFB0];
	_ =	sdelay $0x4  }
0x489: {  	v58 =	vshll.u32 v3, $0x1  }
0x48a: {  	v3 =	vand.u32 $0x7, v3;
	v4 =	vand.u32 $0xFFFFFFF0, v58  }
0x48b: {  	v3 =	vor.u32 v3, v4  }
0x48c: {  	v4 =	vperm.xlane v3, v0;
	_ =	sdelay $0x1  }
0x48d: {  	v3 =	vperm.xlane v3, v2;
	v4 =	vadd.s32 v1, v4;
	_ =	sdelay $0x1  }
0x48e: {  	v3 =	vadd.s32 v1, v3;
	_ =	sdelay $0x2  }
0x48f: {  	[tilespmem:s13], [sflag:$0x3] =	stream.indirect_vreg.gather [hbm4b:s3+s2], $0x80, v4, vm0, $0xb8;
	[tilespmem:$0x18C80] =	vst v63  }
0x490: {  	_ = 	snop  }
0x491: {  	[tilespmem:s12], [sflag:$0x3] =	stream.indirect_vreg.gather [hbm4b:s3+s2], $0x80, v3, vm0, $0xb8;
	[tilespmem:$0x18C80] =	vst v63  }
0x492: {  	v3 =	vld [tilespmem:s28+$0xFFFFFFC0];
	_ =	sdelay $0x4  }
0x493: {  	v59 =	vshll.u32 v3, $0x1  }
0x494: {  	v3 =	vand.u32 $0x7, v3;
	v4 =	vand.u32 $0xFFFFFFF0, v59  }
0x495: {  	v3 =	vor.u32 v3, v4  }
0x496: {  	v4 =	vperm.xlane v3, v0;
	_ =	sdelay $0x1  }
0x497: {  	v3 =	vperm.xlane v3, v2;
	v4 =	vadd.s32 v1, v4;
	_ =	sdelay $0x1  }
0x498: {  	v3 =	vadd.s32 v1, v3;
	_ =	sdelay $0x2  }
0x499: {  	[tilespmem:s11], [sflag:$0x3] =	stream.indirect_vreg.gather [hbm4b:s3+s2], $0x80, v4, vm0, $0xb8;
	[tilespmem:$0x18C80] =	vst v63  }
0x49a: {  	_ = 	snop  }
0x49b: {  	[tilespmem:s0], [sflag:$0x3] =	stream.indirect_vreg.gather [hbm4b:s3+s2], $0x80, v3, vm0, $0xb8;
	[tilespmem:$0x18C80] =	vst v63  }
0x49c: {  	v3 =	vld [tilespmem:s28+$0xFFFFFFD0];
	_ =	sdelay $0x4  }
0x49d: {  	v60 =	vshll.u32 v3, $0x1  }
0x49e: {  	v3 =	vand.u32 $0x7, v3;
	v4 =	vand.u32 $0xFFFFFFF0, v60  }
0x49f: {  	v3 =	vor.u32 v3, v4  }
0x4a0: {  	v4 =	vperm.xlane v3, v0;
	_ =	sdelay $0x1  }
0x4a1: {  	v3 =	vperm.xlane v3, v2;
	v4 =	vadd.s32 v1, v4;
	_ =	sdelay $0x1  }
0x4a2: {  	v3 =	vadd.s32 v1, v3;
	_ =	sdelay $0x2  }
0x4a3: {  	[tilespmem:s1], [sflag:$0x3] =	stream.indirect_vreg.gather [hbm4b:s3+s2], $0x80, v4, vm0, $0xb8;
	[tilespmem:$0x18C80] =	vst v63  }
0x4a4: {  	_ = 	snop  }
0x4a5: {  	[tilespmem:s5], [sflag:$0x3] =	stream.indirect_vreg.gather [hbm4b:s3+s2], $0x80, v3, vm0, $0xb8;
	[tilespmem:$0x18C80] =	vst v63  }
0x4a6: {  	v3 =	vld [tilespmem:s28+$0xFFFFFFE0];
	_ =	sdelay $0x4  }
0x4a7: {  	v61 =	vshll.u32 v3, $0x1  }
0x4a8: {  	v3 =	vand.u32 $0x7, v3;
	v4 =	vand.u32 $0xFFFFFFF0, v61  }
0x4a9: {  	v3 =	vor.u32 v3, v4  }
0x4aa: {  	v4 =	vperm.xlane v3, v0;
	_ =	sdelay $0x1  }
0x4ab: {  	v3 =	vperm.xlane v3, v2;
	v4 =	vadd.s32 v1, v4;
	_ =	sdelay $0x1  }
0x4ac: {  	v3 =	vadd.s32 v1, v3;
	_ =	sdelay $0x2  }
0x4ad: {  	[tilespmem:s7], [sflag:$0x3] =	stream.indirect_vreg.gather [hbm4b:s3+s2], $0x80, v4, vm0, $0xb8;
	[tilespmem:$0x18C80] =	vst v63  }
0x4ae: {  	_ = 	snop  }
0x4af: {  	[tilespmem:s15], [sflag:$0x3] =	stream.indirect_vreg.gather [hbm4b:s3+s2], $0x80, v3, vm0, $0xb8;
	[tilespmem:$0x18C80] =	vst v63  }
0x4b0: {  	v3 =	vld [tilespmem:s28+$0xFFFFFFF0];
	_ =	sdelay $0x4  }
0x4b1: {  	v62 =	vshll.u32 v3, $0x1  }
0x4b2: {  	v3 =	vand.u32 $0x7, v3;
	v4 =	vand.u32 $0xFFFFFFF0, v62  }
0x4b3: {  	v3 =	vor.u32 v3, v4  }
0x4b4: {  	v4 =	vperm.xlane v3, v0;
	_ =	sdelay $0x1  }
0x4b5: {  	v3 =	vperm.xlane v3, v2;
	v4 =	vadd.s32 v1, v4;
	_ =	sdelay $0x1  }
0x4b6: {  	v3 =	vadd.s32 v1, v3;
	_ =	sdelay $0x2  }
0x4b7: {  	[tilespmem:s16], [sflag:$0x3] =	stream.indirect_vreg.gather [hbm4b:s3+s2], $0x80, v4, vm0, $0xb8;
	[tilespmem:$0x18C80] =	vst v63  }
0x4b8: {  	_ = 	snop  }
0x4b9: {  	[tilespmem:s17], [sflag:$0x3] =	stream.indirect_vreg.gather [hbm4b:s3+s2], $0x80, v3, vm0, $0xb8;
	[tilespmem:$0x18C80] =	vst v63  }
0x4ba: {  	v3 =	vld [tilespmem:s28+$0x0];
	_ =	sdelay $0x4  }
0x4bb: {  	v63 =	vshll.u32 v3, $0x1  }
0x4bc: {  	v3 =	vand.u32 $0x7, v3;
	v4 =	vand.u32 $0xFFFFFFF0, v63  }
0x4bd: {  	v3 =	vor.u32 v3, v4  }
0x4be: {  	v4 =	vperm.xlane v3, v0;
	_ =	sdelay $0x1  }
0x4bf: {  	v3 =	vperm.xlane v3, v2;
	v4 =	vadd.s32 v1, v4;
	_ =	sdelay $0x1  }
0x4c0: {  	v3 =	vadd.s32 v1, v3  }
.Ltmp10:
0x4c1: {  	_ = 	snop;
	(pc) =	sbr.rel .LBB2_3-.Ltmp10, $4  }
0x4c2: {  	_ = 	snop  }
0x4c3: {  	[tilespmem:s18], [sflag:$0x3] =	stream.indirect_vreg.gather [hbm4b:s3+s2], $0x80, v4, vm0, $0xb8;
	[tilespmem:$0x18C80] =	vst v63  }
0x4c4: {  	s26 =	sadd.s32 $0x3000, s26;
	s28 =	sadd.s32 $0x180, s28  }
0x4c5: {  	[tilespmem:s19], [sflag:$0x3] =	stream.indirect_vreg.gather [hbm4b:s3+s2], $0x80, v3, vm0, $0xb8;
	[tilespmem:$0x18C80] =	vst v63  }
.LBB2_7:
.Ltmp11:
0x4c6: {  	(pc) =	sbr.rel .LBB2_15-.Ltmp11, $3  }
0x4c7: {  	_ =	sdelay $0x1  }
0x4c8: {  	s26 =	rddreg [dreg:$0x4]  }
0x4c9: {  	s29 =	rddreg [dreg:$0xa]  }
.LBB2_16:
0x4ca: {  	_ =	sfence.sel $0x180000  }
0x4cb: {  	[bflag:$0x0] =	sbarrier.arrive $0xFFFF  }
0x4cc: {  	_ =	strace $0x90000050  }
0x4cd: {  	s0 =	stileid.u32;
	[bflag:$0x2] =	sbarrier.arrive $0xFFFF  }
0x4ce: {  	p0 =	sne.s32 s0, $0x0;
	s0 =	rddreg [dreg:$0x1]  }
0x4cf: {  	s0 =	sadd.s32 @!p0 $0x100000, s0  }
0x4d0: {  	[sflag:s0] =	ssyncadd.tile.s32 @!p0 $0x1;
	_ =	shalt  }
.Lfunc_end2:
_tile_overlayer_lowered:
.L_overlay_start_2:
0x4d1: {  	(tag) =	ssettag $0x2  }
0x4d2: {  	s0 =	rddreg [dreg:$0x0];
	s2 =	stileid.u32  }
0x4d3: {  	s1 =	rddreg [dreg:$0x1];
	p0 =	sne.s32 s2, $0x0  }
0x4d4: {  	s3 =	rddreg [dreg:$0x2];
	[bflag:$0x3] =	sbarrier.arrive $0xFFFF;
	s2 =	simm.s32 @!p0 $0x1C07  }
0x4d5: {  	[timem:s3], [sflag:s2] =	dma.local @!p0 [hbm:s0], s1  }
0x4d6: {  	s0 =	simm.s32 @!p0 $0x7  }
0x4d7: {  	_ =	swait.ge @!p0 [sflag:s0], s1  }
0x4d8: {  	s1 =	ssub.s32 @!p0 $0x0, s1;
	[sflag:s0] =	ssyncset.done @!p0 $0x0  }
0x4d9: {  	[sflag:s0] =	ssyncadd.s32 @!p0 s1  }
0x4da: {  	[bflag:$0x3] =	sbarrier.arrive $0xFFFF  }
0x4db: {  	_ =	shalt  }

</sc_bundles>
